<compile_context>
chip_gen: v7x
topology: tpu7x:2x2x1
jax: 0.10.2.dev20260603
libtpu: 0.0.44.dev20260713+nightly
codegen_flags: <defaults>
</compile_context>

<pallas_src>
import functools

import jax
import jax.numpy as jnp
from jax import lax
from jax.experimental import pallas as pl
from jax.experimental.pallas import tpu as pltpu
from jax.experimental.pallas import tpu_sc as plsc

N = 16777216
B = 1048576

NC = 2
NS = 16
NW = NC * NS
BPW = B // NW
QTR = BPW // 4
NROW = NW * 4
CHUNK = 128
L = 16
GPC = CHUNK // L
S = 4
NCH0 = QTR // CHUNK


def _dsu_body(father_hbm, mask_hbm, out_hbm,
              idx_a, pos_a, g_a, res_a, idx_b, pos_b, g_b, res_b,
              idx_c, g_c, idx_d, g_d, *sems):
    wid = lax.axis_index("s") * NC + lax.axis_index("c")
    sems_of = {
        "a": sems[0:S], "b": sems[S:2 * S],
        "c": sems[2 * S:3 * S], "d": sems[3 * S:4 * S],
    }

    def subrange(n, s):
        nch = (n + CHUNK - 1) // CHUNK
        q = (nch + S - 1) // S
        cs = jnp.minimum(s * q, nch)
        ce = jnp.minimum((s + 1) * q, nch)
        return cs, ce

    def fire(idx_r, g_ref, sem4, n):
        for s in range(S):
            cs, ce = subrange(n, s)

            def go(j, c):
                pltpu.make_async_copy(
                    father_hbm.at[idx_r.at[pl.ds(j * CHUNK, CHUNK)]],
                    g_ref.at[pl.ds(j * CHUNK, CHUNK)],
                    sem4[s],
                ).start()
                return c

            lax.fori_loop(cs, ce, go, 0)

    def drain(idx_r, g_ref, sem, cs, ce):
        def go(j, c):
            pltpu.make_async_copy(
                father_hbm.at[idx_r.at[pl.ds(j * CHUNK, CHUNK)]],
                g_ref.at[pl.ds(j * CHUNK, CHUNK)],
                sem,
            ).wait()
            return c

        lax.fori_loop(cs, ce, go, 0)

    def drain_proc0(idx_r, pos_r, g_ref, res_ref, sem4):
        w = jnp.int32(0)
        for s in range(S):
            cs, ce = s * (NCH0 // S), (s + 1) * (NCH0 // S)
            drain(idx_r, g_ref, sem4[s], cs, ce)

            def proc(i, w):
                off = i * L
                g16 = g_ref[pl.ds(off, L)]
                i16 = idx_r[pl.ds(off, L)]
                res_ref[pl.ds(off, L)] = g16
                act = g16 != i16
                cnt = plsc.all_reduce_population_count(act)[0]
                p16 = lax.iota(jnp.int32, L) + off
                plsc.store_compressed(idx_r.at[pl.ds(w, L)], g16, mask=act)
                plsc.store_compressed(pos_r.at[pl.ds(w, L)], p16, mask=act)
                return w + cnt

            w = lax.fori_loop(cs * GPC, ce * GPC, proc, w)
        return w

    def fire1(idx_r, g_ref, sem, n):
        nch = (n + CHUNK - 1) // CHUNK

        def go(j, c):
            pltpu.make_async_copy(
                father_hbm.at[idx_r.at[pl.ds(j * CHUNK, CHUNK)]],
                g_ref.at[pl.ds(j * CHUNK, CHUNK)],
                sem,
            ).start()
            return c

        lax.fori_loop(0, nch, go, 0)

    def drain_proc(idx_r, pos_r, g_ref, res_ref, sem, n):
        nfull = n // L
        has_tail = (n % L != 0).astype(jnp.int32)
        nch = (n + CHUNK - 1) // CHUNK
        drain(idx_r, g_ref, sem, jnp.int32(0), nch)

        def proc(i, w):
            off = i * L
            g16 = g_ref[pl.ds(off, L)]
            i16 = idx_r[pl.ds(off, L)]
            p16 = pos_r[pl.ds(off, L)]
            eq = g16 == i16
            act = ~eq
            plsc.store_scatter(res_ref, [p16], g16, mask=eq)
            cnt = plsc.all_reduce_population_count(act)[0]
            plsc.store_compressed(idx_r.at[pl.ds(w, L)], g16, mask=act)
            plsc.store_compressed(pos_r.at[pl.ds(w, L)], p16, mask=act)
            return w + cnt

        w = lax.fori_loop(0, nfull, proc, jnp.int32(0))

        def tail(_, w):
            off = nfull * L
            g16 = g_ref[pl.ds(off, L)]
            i16 = idx_r[pl.ds(off, L)]
            p16 = pos_r[pl.ds(off, L)]
            valid = (lax.iota(jnp.int32, L) + off) < n
            eq = g16 == i16
            done = eq & valid
            act = (~eq) & valid
            plsc.store_scatter(res_ref, [p16], g16, mask=done)
            cnt = plsc.all_reduce_population_count(act)[0]
            plsc.store_compressed(idx_r.at[pl.ds(w, L)], g16, mask=act)
            plsc.store_compressed(pos_r.at[pl.ds(w, L)], p16, mask=act)
            return w + cnt

        return lax.fori_loop(0, has_tail, tail, w)

    def run_pair(idx_1, pos_1, g_1, res_1, k1,
                 idx_2, pos_2, g_2, res_2, k2, row_1, row_2,
                 prefired):
        if not prefired:
            pltpu.sync_copy(mask_hbm.at[row_1], idx_1)
            pltpu.sync_copy(mask_hbm.at[row_2], idx_2)
            fire(idx_1, g_1, sems_of[k1], jnp.int32(QTR))
            fire(idx_2, g_2, sems_of[k2], jnp.int32(QTR))

        n1 = drain_proc0(idx_1, pos_1, g_1, res_1, sems_of[k1])
        fire1(idx_1, g_1, sems_of[k1][0], n1)
        n2 = drain_proc0(idx_2, pos_2, g_2, res_2, sems_of[k2])
        fire1(idx_2, g_2, sems_of[k2][0], n2)

        def both(carry):
            c1, c2 = carry
            n1n = drain_proc(idx_1, pos_1, g_1, res_1, sems_of[k1][0], c1)
            fire1(idx_1, g_1, sems_of[k1][0], n1n)
            n2n = drain_proc(idx_2, pos_2, g_2, res_2, sems_of[k2][0], c2)
            fire1(idx_2, g_2, sems_of[k2][0], n2n)
            return n1n, n2n

        lax.while_loop(
            lambda c: (c[0] > 0) | (c[1] > 0),
            both,
            (n1, n2),
        )
        pltpu.sync_copy(res_1, out_hbm.at[row_1])
        pltpu.sync_copy(res_2, out_hbm.at[row_2])

    base = wid * 4
    pltpu.sync_copy(mask_hbm.at[base + 2], idx_c)
    pltpu.sync_copy(mask_hbm.at[base + 3], idx_d)
    fire(idx_c, g_c, sems_of["c"], jnp.int32(QTR))
    fire(idx_d, g_d, sems_of["d"], jnp.int32(QTR))

    run_pair(idx_a, pos_a, g_a, res_a, "a",
             idx_b, pos_b, g_b, res_b, "b", base, base + 1, False)
    run_pair(idx_c, pos_a, g_c, res_a, "c",
             idx_d, pos_b, g_d, res_b, "d", base + 2, base + 3, True)


@functools.cache
def _make_call():
    return functools.partial(
        pl.kernel,
        out_type=jax.ShapeDtypeStruct((NROW, QTR), jnp.int32),
        mesh=plsc.VectorSubcoreMesh(core_axis_name="c", subcore_axis_name="s"),
        scratch_types=(
            [pltpu.VMEM((QTR,), jnp.int32)] * 12
            + [pltpu.SemaphoreType.DMA] * (4 * S)
        ),
        compiler_params=pltpu.CompilerParams(needs_layout_passes=False),
    )(_dsu_body)


def kernel(father, mask):
    out = _make_call()(father, mask.reshape(NROW, QTR))
    return out.reshape(B)

# --- scband reference (transcript-rebuilt; emitter-appended) ---
"""Pipeline reference for scband-disjoint-set-83210696393434 (READ-ONLY COPY).

The authoritative reference and input builder live on the scoring server;
editing this copy changes nothing except your own understanding.
"""

import jax, jax.numpy as jnp
import numpy as np

N = 16777216
B = 1048576

def setup_inputs(seed: int = 0) -> dict:
    key = jax.random.key(seed)
    k1, k2 = jax.random.split(key)
    raw = jax.random.randint(k1, (N,), 0, N, dtype=jnp.int32)
    # Ensure parent pointers form a forest (father[i] <= i) so pointer jumping
    # converges, mirroring a DisjointSet state after a sequence of union() calls
    # (union always makes the larger index point to the smaller one).
    father = jnp.minimum(raw, jnp.arange(N, dtype=jnp.int32))
    mask = jax.random.randint(k2, (B,), 0, N, dtype=jnp.int32)
    return {"father": father, "mask": mask}

def _densify(father):
    # father = father[father] repeated until fixpoint (path compression by
    # pointer doubling), exactly as in DisjointSet.densify().
    last = father
    father = father[father]

    def _cond(carry):
        last, father = carry
        return jnp.any(jnp.not_equal(last, father))

    def _body(carry):
        _, father = carry
        return (father, father[father])

    _, father = jax.lax.while_loop(_cond, _body, (last, father))
    return father

def reference(father, mask):
    f = _densify(father)
    # get_father_with_mask: gather the root of each queried element.
    return jnp.take(f, mask, axis=0)

if __name__ == "__main__":
    import jax
    _d = setup_inputs()
    print(jax.jit(kernel)(*tuple(_d.values())))

</pallas_src>

<mosaic_0001>
#map = affine_map<(d0, d1) -> (0)>
#map1 = affine_map<(d0, d1) -> (0, 0)>
module attributes {stable_mosaic.version = 14 : i64} {
  func.func @_dsu_body(%arg0: i32, %arg1: i32, %arg2: memref<16777216xi32, #tpu.memory_space<hbm>>, %arg3: memref<128x8192xi32, #tpu.memory_space<hbm>>, %arg4: memref<128x8192xi32, #tpu.memory_space<hbm>>, %arg5: memref<8192xi32, #tpu.memory_space<vmem>>, %arg6: memref<8192xi32, #tpu.memory_space<vmem>>, %arg7: memref<8192xi32, #tpu.memory_space<vmem>>, %arg8: memref<8192xi32, #tpu.memory_space<vmem>>, %arg9: memref<8192xi32, #tpu.memory_space<vmem>>, %arg10: memref<8192xi32, #tpu.memory_space<vmem>>, %arg11: memref<8192xi32, #tpu.memory_space<vmem>>, %arg12: memref<8192xi32, #tpu.memory_space<vmem>>, %arg13: memref<8192xi32, #tpu.memory_space<vmem>>, %arg14: memref<8192xi32, #tpu.memory_space<vmem>>, %arg15: memref<8192xi32, #tpu.memory_space<vmem>>, %arg16: memref<8192xi32, #tpu.memory_space<vmem>>, %arg17: memref<!tpu.dma_semaphore, #tpu.memory_space<semaphore_mem>>, %arg18: memref<!tpu.dma_semaphore, #tpu.memory_space<semaphore_mem>>, %arg19: memref<!tpu.dma_semaphore, #tpu.memory_space<semaphore_mem>>, %arg20: memref<!tpu.dma_semaphore, #tpu.memory_space<semaphore_mem>>, %arg21: memref<!tpu.dma_semaphore, #tpu.memory_space<semaphore_mem>>, %arg22: memref<!tpu.dma_semaphore, #tpu.memory_space<semaphore_mem>>, %arg23: memref<!tpu.dma_semaphore, #tpu.memory_space<semaphore_mem>>, %arg24: memref<!tpu.dma_semaphore, #tpu.memory_space<semaphore_mem>>, %arg25: memref<!tpu.dma_semaphore, #tpu.memory_space<semaphore_mem>>, %arg26: memref<!tpu.dma_semaphore, #tpu.memory_space<semaphore_mem>>, %arg27: memref<!tpu.dma_semaphore, #tpu.memory_space<semaphore_mem>>, %arg28: memref<!tpu.dma_semaphore, #tpu.memory_space<semaphore_mem>>, %arg29: memref<!tpu.dma_semaphore, #tpu.memory_space<semaphore_mem>>, %arg30: memref<!tpu.dma_semaphore, #tpu.memory_space<semaphore_mem>>, %arg31: memref<!tpu.dma_semaphore, #tpu.memory_space<semaphore_mem>>, %arg32: memref<!tpu.dma_semaphore, #tpu.memory_space<semaphore_mem>>) attributes {dimension_semantics = [#tpu.dimension_semantics<core_parallel>, #tpu.dimension_semantics<subcore_parallel>], iteration_bounds = array<i64: 2, 16>, scalar_prefetch = 0 : i64, scratch_operands = 28 : i64, tpu.core_type = #tpu.core_type<sc_vector_subcore>, window_params = [{transform_indices = #map}, {transform_indices = #map1}, {transform_indices = #map1}]} {
    %mul3A = arith.constant 2 : i32
    %mul3A_0 = arith.muli %arg1, %mul3A : i32
    %add3A = arith.addi %mul3A_0, %arg0 : i32
    %mul3A_1 = arith.constant 4 : i32
    %mul3A_2 = arith.muli %add3A, %mul3A_1 : i32
    %add3A_3 = arith.constant 2 : i32
    %add3A_4 = arith.addi %mul3A_2, %add3A_3 : i32
    "tpu.region"() ({
      %run_scoped3A = tpu.sem_alloc : memref<!tpu.dma_semaphore, #tpu.memory_space<semaphore_mem>>
      %dma_start3A = arith.constant 0 : i32
      %dma_start3A_1504 = tpu.memref_slice %arg3[%add3A_4, %dma_start3A] : memref<128x8192xi32, #tpu.memory_space<hbm>> -> memref<1x8192xi32, #tpu.memory_space<hbm>>
      %dma_start3A_1505 = tpu.memref_squeeze %dma_start3A_1504 : memref<1x8192xi32, #tpu.memory_space<hbm>> -> memref<8192xi32, #tpu.memory_space<hbm>>
      %dma_start3A_1506 = arith.constant 0 : i32
      %dma_start3A_1507 = tpu.memref_slice %arg3[%add3A_4, %dma_start3A_1506] : memref<128x8192xi32, #tpu.memory_space<hbm>> -> memref<1x8192xi32, #tpu.memory_space<hbm>>
      %dma_start3A_1508 = tpu.memref_squeeze %dma_start3A_1507 : memref<1x8192xi32, #tpu.memory_space<hbm>> -> memref<8192xi32, #tpu.memory_space<hbm>>
      tpu.enqueue_dma source(%dma_start3A_1508 : memref<8192xi32, #tpu.memory_space<hbm>>) target(%arg13 : memref<8192xi32, #tpu.memory_space<vmem>>) target_semaphore(%run_scoped3A : memref<!tpu.dma_semaphore, #tpu.memory_space<semaphore_mem>>)
      %dma_wait3A = arith.constant 0 : i32
      %dma_wait3A_1509 = tpu.memref_slice %arg3[%add3A_4, %dma_wait3A] : memref<128x8192xi32, #tpu.memory_space<hbm>> -> memref<1x8192xi32, #tpu.memory_space<hbm>>
      %dma_wait3A_1510 = tpu.memref_squeeze %dma_wait3A_1509 : memref<1x8192xi32, #tpu.memory_space<hbm>> -> memref<8192xi32, #tpu.memory_space<hbm>>
      %dma_wait3A_1511 = arith.constant 0 : i32
      %dma_wait3A_1512 = tpu.memref_slice %arg3[%add3A_4, %dma_wait3A_1511] : memref<128x8192xi32, #tpu.memory_space<hbm>> -> memref<1x8192xi32, #tpu.memory_space<hbm>>
      %dma_wait3A_1513 = tpu.memref_squeeze %dma_wait3A_1512 : memref<1x8192xi32, #tpu.memory_space<hbm>> -> memref<8192xi32, #tpu.memory_space<hbm>>
      tpu.wait_dma2 semaphore(%run_scoped3A : memref<!tpu.dma_semaphore, #tpu.memory_space<semaphore_mem>>) src(%dma_wait3A_1513 : memref<8192xi32, #tpu.memory_space<hbm>>) dst(%arg13 : memref<8192xi32, #tpu.memory_space<vmem>>)
      tpu.yield
    }) : () -> ()
    %add3A_5 = arith.constant 3 : i32
    %add3A_6 = arith.addi %mul3A_2, %add3A_5 : i32
    "tpu.region"() ({
      %run_scoped3A = tpu.sem_alloc : memref<!tpu.dma_semaphore, #tpu.memory_space<semaphore_mem>>
      %dma_start3A = arith.constant 0 : i32
      %dma_start3A_1504 = tpu.memref_slice %arg3[%add3A_6, %dma_start3A] : memref<128x8192xi32, #tpu.memory_space<hbm>> -> memref<1x8192xi32, #tpu.memory_space<hbm>>
      %dma_start3A_1505 = tpu.memref_squeeze %dma_start3A_1504 : memref<1x8192xi32, #tpu.memory_space<hbm>> -> memref<8192xi32, #tpu.memory_space<hbm>>
      %dma_start3A_1506 = arith.constant 0 : i32
      %dma_start3A_1507 = tpu.memref_slice %arg3[%add3A_6, %dma_start3A_1506] : memref<128x8192xi32, #tpu.memory_space<hbm>> -> memref<1x8192xi32, #tpu.memory_space<hbm>>
      %dma_start3A_1508 = tpu.memref_squeeze %dma_start3A_1507 : memref<1x8192xi32, #tpu.memory_space<hbm>> -> memref<8192xi32, #tpu.memory_space<hbm>>
      tpu.enqueue_dma source(%dma_start3A_1508 : memref<8192xi32, #tpu.memory_space<hbm>>) target(%arg15 : memref<8192xi32, #tpu.memory_space<vmem>>) target_semaphore(%run_scoped3A : memref<!tpu.dma_semaphore, #tpu.memory_space<semaphore_mem>>)
      %dma_wait3A = arith.constant 0 : i32
      %dma_wait3A_1509 = tpu.memref_slice %arg3[%add3A_6, %dma_wait3A] : memref<128x8192xi32, #tpu.memory_space<hbm>> -> memref<1x8192xi32, #tpu.memory_space<hbm>>
      %dma_wait3A_1510 = tpu.memref_squeeze %dma_wait3A_1509 : memref<1x8192xi32, #tpu.memory_space<hbm>> -> memref<8192xi32, #tpu.memory_space<hbm>>
      %dma_wait3A_1511 = arith.constant 0 : i32
      %dma_wait3A_1512 = tpu.memref_slice %arg3[%add3A_6, %dma_wait3A_1511] : memref<128x8192xi32, #tpu.memory_space<hbm>> -> memref<1x8192xi32, #tpu.memory_space<hbm>>
      %dma_wait3A_1513 = tpu.memref_squeeze %dma_wait3A_1512 : memref<1x8192xi32, #tpu.memory_space<hbm>> -> memref<8192xi32, #tpu.memory_space<hbm>>
      tpu.wait_dma2 semaphore(%run_scoped3A : memref<!tpu.dma_semaphore, #tpu.memory_space<semaphore_mem>>) src(%dma_wait3A_1513 : memref<8192xi32, #tpu.memory_space<hbm>>) dst(%arg15 : memref<8192xi32, #tpu.memory_space<vmem>>)
      tpu.yield
    }) : () -> ()
    %add3A_7 = arith.constant 8192 : i32
    %add3A_8 = arith.constant 128 : i32
    %add3A_9 = arith.addi %add3A_7, %add3A_8 : i32
    %sub3A = arith.constant 1 : i32
    %sub3A_10 = arith.subi %add3A_9, %sub3A : i32
    %jit3A = arith.constant 128 : i32
    %div3A = arith.divsi %sub3A_10, %jit3A : i32
    %sign3A = arith.constant 0 : i32
    %sign3A_11 = arith.cmpi sgt, %sub3A_10, %sign3A : i32
    %sign3A_12 = arith.extui %sign3A_11 : i1 to i32
    %sign3A_13 = arith.constant 0 : i32
    %sign3A_14 = arith.cmpi slt, %sub3A_10, %sign3A_13 : i32
    %sign3A_15 = arith.extui %sign3A_14 : i1 to i32
    %sign3A_16 = arith.subi %sign3A_12, %sign3A_15 : i32
    %sign3A_17 = arith.constant 0 : i32
    %sign3A_18 = arith.cmpi sgt, %jit3A, %sign3A_17 : i32
    %sign3A_19 = arith.extui %sign3A_18 : i1 to i32
    %sign3A_20 = arith.constant 0 : i32
    %sign3A_21 = arith.cmpi slt, %jit3A, %sign3A_20 : i32
    %sign3A_22 = arith.extui %sign3A_21 : i1 to i32
    %sign3A_23 = arith.subi %sign3A_19, %sign3A_22 : i32
    %ne3A = arith.cmpi ne, %sign3A_16, %sign3A_23 : i32
    %rem3A = arith.remsi %sub3A_10, %jit3A : i32
    %ne3A_24 = arith.constant 0 : i32
    %ne3A_25 = arith.cmpi ne, %rem3A, %ne3A_24 : i32
    %and3A = arith.andi %ne3A, %ne3A_25 : i1
    %sub3A_26 = arith.constant 1 : i32
    %sub3A_27 = arith.subi %div3A, %sub3A_26 : i32
    %select_n3A = arith.select %and3A, %sub3A_27, %div3A : i32
    %add3A_28 = arith.constant 4 : i32
    %add3A_29 = arith.addi %select_n3A, %add3A_28 : i32
    %sub3A_30 = arith.constant 1 : i32
    %sub3A_31 = arith.subi %add3A_29, %sub3A_30 : i32
    %jit3A_32 = arith.constant 4 : i32
    %div3A_33 = arith.divsi %sub3A_31, %jit3A_32 : i32
    %sign3A_34 = arith.constant 0 : i32
    %sign3A_35 = arith.cmpi sgt, %sub3A_31, %sign3A_34 : i32
    %sign3A_36 = arith.extui %sign3A_35 : i1 to i32
    %sign3A_37 = arith.constant 0 : i32
    %sign3A_38 = arith.cmpi slt, %sub3A_31, %sign3A_37 : i32
    %sign3A_39 = arith.extui %sign3A_38 : i1 to i32
    %sign3A_40 = arith.subi %sign3A_36, %sign3A_39 : i32
    %sign3A_41 = arith.constant 0 : i32
    %sign3A_42 = arith.cmpi sgt, %jit3A_32, %sign3A_41 : i32
    %sign3A_43 = arith.extui %sign3A_42 : i1 to i32
    %sign3A_44 = arith.constant 0 : i32
    %sign3A_45 = arith.cmpi slt, %jit3A_32, %sign3A_44 : i32
    %sign3A_46 = arith.extui %sign3A_45 : i1 to i32
    %sign3A_47 = arith.subi %sign3A_43, %sign3A_46 : i32
    %ne3A_48 = arith.cmpi ne, %sign3A_40, %sign3A_47 : i32
    %rem3A_49 = arith.remsi %sub3A_31, %jit3A_32 : i32
    %ne3A_50 = arith.constant 0 : i32
    %ne3A_51 = arith.cmpi ne, %rem3A_49, %ne3A_50 : i32
    %and3A_52 = arith.andi %ne3A_48, %ne3A_51 : i1
    %sub3A_53 = arith.constant 1 : i32
    %sub3A_54 = arith.subi %div3A_33, %sub3A_53 : i32
    %select_n3A_55 = arith.select %and3A_52, %sub3A_54, %div3A_33 : i32
    %mul3A_56 = arith.constant 0 : i32
    %mul3A_57 = arith.muli %mul3A_56, %select_n3A_55 : i32
    %min3A = arith.minsi %mul3A_57, %select_n3A : i32
    %mul3A_58 = arith.constant 1 : i32
    %mul3A_59 = arith.muli %mul3A_58, %select_n3A_55 : i32
    %min3A_60 = arith.minsi %mul3A_59, %select_n3A : i32
    %while3A = arith.constant 0 : i32
    %while3A_61 = arith.subi %min3A_60, %min3A : i32
    %while3A_62 = arith.addi %min3A, %while3A_61 : i32
    %while3A_63 = arith.constant 1 : i32
    %while3A_64 = arith.divsi %while3A_61, %while3A_63 : i32
    %while3A_65 = arith.muli %while3A_64, %while3A_63 : i32
    %while3A_66 = arith.addi %min3A, %while3A_65 : i32
    %while3A_67 = arith.constant 1 : i32
    scf.for %while3A_1504 = %min3A to %while3A_66 step %while3A_67  : i32 {
      %mul3A_1505 = arith.constant 128 : i32
      %mul3A_1506 = arith.muli %while3A_1504, %mul3A_1505 : i32
      %mul3A_1507 = arith.constant 128 : i32
      %mul3A_1508 = arith.muli %while3A_1504, %mul3A_1507 : i32
      %dma_start3A = tpu.memref_slice %arg14[%mul3A_1508] : memref<8192xi32, #tpu.memory_space<vmem>> -> memref<128xi32, #tpu.memory_space<vmem>>
      %dma_start3A_1509 = tpu.memref_slice %arg13[%mul3A_1506] : memref<8192xi32, #tpu.memory_space<vmem>> -> memref<128xi32, #tpu.memory_space<vmem>>
      %dma_start3A_1510 = arith.constant 0 : i32
      %dma_start3A_1511 = tpu.memref_slice %arg2[%dma_start3A_1510] : memref<16777216xi32, #tpu.memory_space<hbm>> -> memref<16777216xi32, #tpu.memory_space<hbm>>
      tpu.enqueue_indirect_dma source(%dma_start3A_1511 : memref<16777216xi32, #tpu.memory_space<hbm>>) target(%dma_start3A : memref<128xi32, #tpu.memory_space<vmem>>) offsets(%dma_start3A_1509 : memref<128xi32, #tpu.memory_space<vmem>>) semaphore(%arg25 : memref<!tpu.dma_semaphore, #tpu.memory_space<semaphore_mem>>)
    }
    %while3A_68 = arith.constant 1 : i32
    scf.for %while3A_1504 = %while3A_66 to %while3A_62 step %while3A_68  : i32 {
      %mul3A_1505 = arith.constant 128 : i32
      %mul3A_1506 = arith.muli %while3A_1504, %mul3A_1505 : i32
      %mul3A_1507 = arith.constant 128 : i32
      %mul3A_1508 = arith.muli %while3A_1504, %mul3A_1507 : i32
      %dma_start3A = tpu.memref_slice %arg14[%mul3A_1508] : memref<8192xi32, #tpu.memory_space<vmem>> -> memref<128xi32, #tpu.memory_space<vmem>>
      %dma_start3A_1509 = tpu.memref_slice %arg13[%mul3A_1506] : memref<8192xi32, #tpu.memory_space<vmem>> -> memref<128xi32, #tpu.memory_space<vmem>>
      %dma_start3A_1510 = arith.constant 0 : i32
      %dma_start3A_1511 = tpu.memref_slice %arg2[%dma_start3A_1510] : memref<16777216xi32, #tpu.memory_space<hbm>> -> memref<16777216xi32, #tpu.memory_space<hbm>>
      tpu.enqueue_indirect_dma source(%dma_start3A_1511 : memref<16777216xi32, #tpu.memory_space<hbm>>) target(%dma_start3A : memref<128xi32, #tpu.memory_space<vmem>>) offsets(%dma_start3A_1509 : memref<128xi32, #tpu.memory_space<vmem>>) semaphore(%arg25 : memref<!tpu.dma_semaphore, #tpu.memory_space<semaphore_mem>>)
    }
    %add3A_69 = arith.constant 8192 : i32
    %add3A_70 = arith.constant 128 : i32
    %add3A_71 = arith.addi %add3A_69, %add3A_70 : i32
    %sub3A_72 = arith.constant 1 : i32
    %sub3A_73 = arith.subi %add3A_71, %sub3A_72 : i32
    %jit3A_74 = arith.constant 128 : i32
    %div3A_75 = arith.divsi %sub3A_73, %jit3A_74 : i32
    %sign3A_76 = arith.constant 0 : i32
    %sign3A_77 = arith.cmpi sgt, %sub3A_73, %sign3A_76 : i32
    %sign3A_78 = arith.extui %sign3A_77 : i1 to i32
    %sign3A_79 = arith.constant 0 : i32
    %sign3A_80 = arith.cmpi slt, %sub3A_73, %sign3A_79 : i32
    %sign3A_81 = arith.extui %sign3A_80 : i1 to i32
    %sign3A_82 = arith.subi %sign3A_78, %sign3A_81 : i32
    %sign3A_83 = arith.constant 0 : i32
    %sign3A_84 = arith.cmpi sgt, %jit3A_74, %sign3A_83 : i32
    %sign3A_85 = arith.extui %sign3A_84 : i1 to i32
    %sign3A_86 = arith.constant 0 : i32
    %sign3A_87 = arith.cmpi slt, %jit3A_74, %sign3A_86 : i32
    %sign3A_88 = arith.extui %sign3A_87 : i1 to i32
    %sign3A_89 = arith.subi %sign3A_85, %sign3A_88 : i32
    %ne3A_90 = arith.cmpi ne, %sign3A_82, %sign3A_89 : i32
    %rem3A_91 = arith.remsi %sub3A_73, %jit3A_74 : i32
    %ne3A_92 = arith.constant 0 : i32
    %ne3A_93 = arith.cmpi ne, %rem3A_91, %ne3A_92 : i32
    %and3A_94 = arith.andi %ne3A_90, %ne3A_93 : i1
    %sub3A_95 = arith.constant 1 : i32
    %sub3A_96 = arith.subi %div3A_75, %sub3A_95 : i32
    %select_n3A_97 = arith.select %and3A_94, %sub3A_96, %div3A_75 : i32
    %add3A_98 = arith.constant 4 : i32
    %add3A_99 = arith.addi %select_n3A_97, %add3A_98 : i32
    %sub3A_100 = arith.constant 1 : i32
    %sub3A_101 = arith.subi %add3A_99, %sub3A_100 : i32
    %jit3A_102 = arith.constant 4 : i32
    %div3A_103 = arith.divsi %sub3A_101, %jit3A_102 : i32
    %sign3A_104 = arith.constant 0 : i32
    %sign3A_105 = arith.cmpi sgt, %sub3A_101, %sign3A_104 : i32
    %sign3A_106 = arith.extui %sign3A_105 : i1 to i32
    %sign3A_107 = arith.constant 0 : i32
    %sign3A_108 = arith.cmpi slt, %sub3A_101, %sign3A_107 : i32
    %sign3A_109 = arith.extui %sign3A_108 : i1 to i32
    %sign3A_110 = arith.subi %sign3A_106, %sign3A_109 : i32
    %sign3A_111 = arith.constant 0 : i32
    %sign3A_112 = arith.cmpi sgt, %jit3A_102, %sign3A_111 : i32
    %sign3A_113 = arith.extui %sign3A_112 : i1 to i32
    %sign3A_114 = arith.constant 0 : i32
    %sign3A_115 = arith.cmpi slt, %jit3A_102, %sign3A_114 : i32
    %sign3A_116 = arith.extui %sign3A_115 : i1 to i32
    %sign3A_117 = arith.subi %sign3A_113, %sign3A_116 : i32
    %ne3A_118 = arith.cmpi ne, %sign3A_110, %sign3A_117 : i32
    %rem3A_119 = arith.remsi %sub3A_101, %jit3A_102 : i32
    %ne3A_120 = arith.constant 0 : i32
    %ne3A_121 = arith.cmpi ne, %rem3A_119, %ne3A_120 : i32
    %and3A_122 = arith.andi %ne3A_118, %ne3A_121 : i1
    %sub3A_123 = arith.constant 1 : i32
    %sub3A_124 = arith.subi %div3A_103, %sub3A_123 : i32
    %select_n3A_125 = arith.select %and3A_122, %sub3A_124, %div3A_103 : i32
    %mul3A_126 = arith.constant 1 : i32
    %mul3A_127 = arith.muli %mul3A_126, %select_n3A_125 : i32
    %min3A_128 = arith.minsi %mul3A_127, %select_n3A_97 : i32
    %mul3A_129 = arith.constant 2 : i32
    %mul3A_130 = arith.muli %mul3A_129, %select_n3A_125 : i32
    %min3A_131 = arith.minsi %mul3A_130, %select_n3A_97 : i32
    %while3A_132 = arith.constant 0 : i32
    %while3A_133 = arith.subi %min3A_131, %min3A_128 : i32
    %while3A_134 = arith.addi %min3A_128, %while3A_133 : i32
    %while3A_135 = arith.constant 1 : i32
    %while3A_136 = arith.divsi %while3A_133, %while3A_135 : i32
    %while3A_137 = arith.muli %while3A_136, %while3A_135 : i32
    %while3A_138 = arith.addi %min3A_128, %while3A_137 : i32
    %while3A_139 = arith.constant 1 : i32
    scf.for %while3A_1504 = %min3A_128 to %while3A_138 step %while3A_139  : i32 {
      %mul3A_1505 = arith.constant 128 : i32
      %mul3A_1506 = arith.muli %while3A_1504, %mul3A_1505 : i32
      %mul3A_1507 = arith.constant 128 : i32
      %mul3A_1508 = arith.muli %while3A_1504, %mul3A_1507 : i32
      %dma_start3A = tpu.memref_slice %arg14[%mul3A_1508] : memref<8192xi32, #tpu.memory_space<vmem>> -> memref<128xi32, #tpu.memory_space<vmem>>
      %dma_start3A_1509 = tpu.memref_slice %arg13[%mul3A_1506] : memref<8192xi32, #tpu.memory_space<vmem>> -> memref<128xi32, #tpu.memory_space<vmem>>
      %dma_start3A_1510 = arith.constant 0 : i32
      %dma_start3A_1511 = tpu.memref_slice %arg2[%dma_start3A_1510] : memref<16777216xi32, #tpu.memory_space<hbm>> -> memref<16777216xi32, #tpu.memory_space<hbm>>
      tpu.enqueue_indirect_dma source(%dma_start3A_1511 : memref<16777216xi32, #tpu.memory_space<hbm>>) target(%dma_start3A : memref<128xi32, #tpu.memory_space<vmem>>) offsets(%dma_start3A_1509 : memref<128xi32, #tpu.memory_space<vmem>>) semaphore(%arg26 : memref<!tpu.dma_semaphore, #tpu.memory_space<semaphore_mem>>)
    }
    %while3A_140 = arith.constant 1 : i32
    scf.for %while3A_1504 = %while3A_138 to %while3A_134 step %while3A_140  : i32 {
      %mul3A_1505 = arith.constant 128 : i32
      %mul3A_1506 = arith.muli %while3A_1504, %mul3A_1505 : i32
      %mul3A_1507 = arith.constant 128 : i32
      %mul3A_1508 = arith.muli %while3A_1504, %mul3A_1507 : i32
      %dma_start3A = tpu.memref_slice %arg14[%mul3A_1508] : memref<8192xi32, #tpu.memory_space<vmem>> -> memref<128xi32, #tpu.memory_space<vmem>>
      %dma_start3A_1509 = tpu.memref_slice %arg13[%mul3A_1506] : memref<8192xi32, #tpu.memory_space<vmem>> -> memref<128xi32, #tpu.memory_space<vmem>>
      %dma_start3A_1510 = arith.constant 0 : i32
      %dma_start3A_1511 = tpu.memref_slice %arg2[%dma_start3A_1510] : memref<16777216xi32, #tpu.memory_space<hbm>> -> memref<16777216xi32, #tpu.memory_space<hbm>>
      tpu.enqueue_indirect_dma source(%dma_start3A_1511 : memref<16777216xi32, #tpu.memory_space<hbm>>) target(%dma_start3A : memref<128xi32, #tpu.memory_space<vmem>>) offsets(%dma_start3A_1509 : memref<128xi32, #tpu.memory_space<vmem>>) semaphore(%arg26 : memref<!tpu.dma_semaphore, #tpu.memory_space<semaphore_mem>>)
    }
    %add3A_141 = arith.constant 8192 : i32
    %add3A_142 = arith.constant 128 : i32
    %add3A_143 = arith.addi %add3A_141, %add3A_142 : i32
    %sub3A_144 = arith.constant 1 : i32
    %sub3A_145 = arith.subi %add3A_143, %sub3A_144 : i32
    %jit3A_146 = arith.constant 128 : i32
    %div3A_147 = arith.divsi %sub3A_145, %jit3A_146 : i32
    %sign3A_148 = arith.constant 0 : i32
    %sign3A_149 = arith.cmpi sgt, %sub3A_145, %sign3A_148 : i32
    %sign3A_150 = arith.extui %sign3A_149 : i1 to i32
    %sign3A_151 = arith.constant 0 : i32
    %sign3A_152 = arith.cmpi slt, %sub3A_145, %sign3A_151 : i32
    %sign3A_153 = arith.extui %sign3A_152 : i1 to i32
    %sign3A_154 = arith.subi %sign3A_150, %sign3A_153 : i32
    %sign3A_155 = arith.constant 0 : i32
    %sign3A_156 = arith.cmpi sgt, %jit3A_146, %sign3A_155 : i32
    %sign3A_157 = arith.extui %sign3A_156 : i1 to i32
    %sign3A_158 = arith.constant 0 : i32
    %sign3A_159 = arith.cmpi slt, %jit3A_146, %sign3A_158 : i32
    %sign3A_160 = arith.extui %sign3A_159 : i1 to i32
    %sign3A_161 = arith.subi %sign3A_157, %sign3A_160 : i32
    %ne3A_162 = arith.cmpi ne, %sign3A_154, %sign3A_161 : i32
    %rem3A_163 = arith.remsi %sub3A_145, %jit3A_146 : i32
    %ne3A_164 = arith.constant 0 : i32
    %ne3A_165 = arith.cmpi ne, %rem3A_163, %ne3A_164 : i32
    %and3A_166 = arith.andi %ne3A_162, %ne3A_165 : i1
    %sub3A_167 = arith.constant 1 : i32
    %sub3A_168 = arith.subi %div3A_147, %sub3A_167 : i32
    %select_n3A_169 = arith.select %and3A_166, %sub3A_168, %div3A_147 : i32
    %add3A_170 = arith.constant 4 : i32
    %add3A_171 = arith.addi %select_n3A_169, %add3A_170 : i32
    %sub3A_172 = arith.constant 1 : i32
    %sub3A_173 = arith.subi %add3A_171, %sub3A_172 : i32
    %jit3A_174 = arith.constant 4 : i32
    %div3A_175 = arith.divsi %sub3A_173, %jit3A_174 : i32
    %sign3A_176 = arith.constant 0 : i32
    %sign3A_177 = arith.cmpi sgt, %sub3A_173, %sign3A_176 : i32
    %sign3A_178 = arith.extui %sign3A_177 : i1 to i32
    %sign3A_179 = arith.constant 0 : i32
    %sign3A_180 = arith.cmpi slt, %sub3A_173, %sign3A_179 : i32
    %sign3A_181 = arith.extui %sign3A_180 : i1 to i32
    %sign3A_182 = arith.subi %sign3A_178, %sign3A_181 : i32
    %sign3A_183 = arith.constant 0 : i32
    %sign3A_184 = arith.cmpi sgt, %jit3A_174, %sign3A_183 : i32
    %sign3A_185 = arith.extui %sign3A_184 : i1 to i32
    %sign3A_186 = arith.constant 0 : i32
    %sign3A_187 = arith.cmpi slt, %jit3A_174, %sign3A_186 : i32
    %sign3A_188 = arith.extui %sign3A_187 : i1 to i32
    %sign3A_189 = arith.subi %sign3A_185, %sign3A_188 : i32
    %ne3A_190 = arith.cmpi ne, %sign3A_182, %sign3A_189 : i32
    %rem3A_191 = arith.remsi %sub3A_173, %jit3A_174 : i32
    %ne3A_192 = arith.constant 0 : i32
    %ne3A_193 = arith.cmpi ne, %rem3A_191, %ne3A_192 : i32
    %and3A_194 = arith.andi %ne3A_190, %ne3A_193 : i1
    %sub3A_195 = arith.constant 1 : i32
    %sub3A_196 = arith.subi %div3A_175, %sub3A_195 : i32
    %select_n3A_197 = arith.select %and3A_194, %sub3A_196, %div3A_175 : i32
    %mul3A_198 = arith.constant 2 : i32
    %mul3A_199 = arith.muli %mul3A_198, %select_n3A_197 : i32
    %min3A_200 = arith.minsi %mul3A_199, %select_n3A_169 : i32
    %mul3A_201 = arith.constant 3 : i32
    %mul3A_202 = arith.muli %mul3A_201, %select_n3A_197 : i32
    %min3A_203 = arith.minsi %mul3A_202, %select_n3A_169 : i32
    %while3A_204 = arith.constant 0 : i32
    %while3A_205 = arith.subi %min3A_203, %min3A_200 : i32
    %while3A_206 = arith.addi %min3A_200, %while3A_205 : i32
    %while3A_207 = arith.constant 1 : i32
    %while3A_208 = arith.divsi %while3A_205, %while3A_207 : i32
    %while3A_209 = arith.muli %while3A_208, %while3A_207 : i32
    %while3A_210 = arith.addi %min3A_200, %while3A_209 : i32
    %while3A_211 = arith.constant 1 : i32
    scf.for %while3A_1504 = %min3A_200 to %while3A_210 step %while3A_211  : i32 {
      %mul3A_1505 = arith.constant 128 : i32
      %mul3A_1506 = arith.muli %while3A_1504, %mul3A_1505 : i32
      %mul3A_1507 = arith.constant 128 : i32
      %mul3A_1508 = arith.muli %while3A_1504, %mul3A_1507 : i32
      %dma_start3A = tpu.memref_slice %arg14[%mul3A_1508] : memref<8192xi32, #tpu.memory_space<vmem>> -> memref<128xi32, #tpu.memory_space<vmem>>
      %dma_start3A_1509 = tpu.memref_slice %arg13[%mul3A_1506] : memref<8192xi32, #tpu.memory_space<vmem>> -> memref<128xi32, #tpu.memory_space<vmem>>
      %dma_start3A_1510 = arith.constant 0 : i32
      %dma_start3A_1511 = tpu.memref_slice %arg2[%dma_start3A_1510] : memref<16777216xi32, #tpu.memory_space<hbm>> -> memref<16777216xi32, #tpu.memory_space<hbm>>
      tpu.enqueue_indirect_dma source(%dma_start3A_1511 : memref<16777216xi32, #tpu.memory_space<hbm>>) target(%dma_start3A : memref<128xi32, #tpu.memory_space<vmem>>) offsets(%dma_start3A_1509 : memref<128xi32, #tpu.memory_space<vmem>>) semaphore(%arg27 : memref<!tpu.dma_semaphore, #tpu.memory_space<semaphore_mem>>)
    }
    %while3A_212 = arith.constant 1 : i32
    scf.for %while3A_1504 = %while3A_210 to %while3A_206 step %while3A_212  : i32 {
      %mul3A_1505 = arith.constant 128 : i32
      %mul3A_1506 = arith.muli %while3A_1504, %mul3A_1505 : i32
      %mul3A_1507 = arith.constant 128 : i32
      %mul3A_1508 = arith.muli %while3A_1504, %mul3A_1507 : i32
      %dma_start3A = tpu.memref_slice %arg14[%mul3A_1508] : memref<8192xi32, #tpu.memory_space<vmem>> -> memref<128xi32, #tpu.memory_space<vmem>>
      %dma_start3A_1509 = tpu.memref_slice %arg13[%mul3A_1506] : memref<8192xi32, #tpu.memory_space<vmem>> -> memref<128xi32, #tpu.memory_space<vmem>>
      %dma_start3A_1510 = arith.constant 0 : i32
      %dma_start3A_1511 = tpu.memref_slice %arg2[%dma_start3A_1510] : memref<16777216xi32, #tpu.memory_space<hbm>> -> memref<16777216xi32, #tpu.memory_space<hbm>>
      tpu.enqueue_indirect_dma source(%dma_start3A_1511 : memref<16777216xi32, #tpu.memory_space<hbm>>) target(%dma_start3A : memref<128xi32, #tpu.memory_space<vmem>>) offsets(%dma_start3A_1509 : memref<128xi32, #tpu.memory_space<vmem>>) semaphore(%arg27 : memref<!tpu.dma_semaphore, #tpu.memory_space<semaphore_mem>>)
    }
    %add3A_213 = arith.constant 8192 : i32
    %add3A_214 = arith.constant 128 : i32
    %add3A_215 = arith.addi %add3A_213, %add3A_214 : i32
    %sub3A_216 = arith.constant 1 : i32
    %sub3A_217 = arith.subi %add3A_215, %sub3A_216 : i32
    %jit3A_218 = arith.constant 128 : i32
    %div3A_219 = arith.divsi %sub3A_217, %jit3A_218 : i32
    %sign3A_220 = arith.constant 0 : i32
    %sign3A_221 = arith.cmpi sgt, %sub3A_217, %sign3A_220 : i32
    %sign3A_222 = arith.extui %sign3A_221 : i1 to i32
    %sign3A_223 = arith.constant 0 : i32
    %sign3A_224 = arith.cmpi slt, %sub3A_217, %sign3A_223 : i32
    %sign3A_225 = arith.extui %sign3A_224 : i1 to i32
    %sign3A_226 = arith.subi %sign3A_222, %sign3A_225 : i32
    %sign3A_227 = arith.constant 0 : i32
    %sign3A_228 = arith.cmpi sgt, %jit3A_218, %sign3A_227 : i32
    %sign3A_229 = arith.extui %sign3A_228 : i1 to i32
    %sign3A_230 = arith.constant 0 : i32
    %sign3A_231 = arith.cmpi slt, %jit3A_218, %sign3A_230 : i32
    %sign3A_232 = arith.extui %sign3A_231 : i1 to i32
    %sign3A_233 = arith.subi %sign3A_229, %sign3A_232 : i32
    %ne3A_234 = arith.cmpi ne, %sign3A_226, %sign3A_233 : i32
    %rem3A_235 = arith.remsi %sub3A_217, %jit3A_218 : i32
    %ne3A_236 = arith.constant 0 : i32
    %ne3A_237 = arith.cmpi ne, %rem3A_235, %ne3A_236 : i32
    %and3A_238 = arith.andi %ne3A_234, %ne3A_237 : i1
    %sub3A_239 = arith.constant 1 : i32
    %sub3A_240 = arith.subi %div3A_219, %sub3A_239 : i32
    %select_n3A_241 = arith.select %and3A_238, %sub3A_240, %div3A_219 : i32
    %add3A_242 = arith.constant 4 : i32
    %add3A_243 = arith.addi %select_n3A_241, %add3A_242 : i32
    %sub3A_244 = arith.constant 1 : i32
    %sub3A_245 = arith.subi %add3A_243, %sub3A_244 : i32
    %jit3A_246 = arith.constant 4 : i32
    %div3A_247 = arith.divsi %sub3A_245, %jit3A_246 : i32
    %sign3A_248 = arith.constant 0 : i32
    %sign3A_249 = arith.cmpi sgt, %sub3A_245, %sign3A_248 : i32
    %sign3A_250 = arith.extui %sign3A_249 : i1 to i32
    %sign3A_251 = arith.constant 0 : i32
    %sign3A_252 = arith.cmpi slt, %sub3A_245, %sign3A_251 : i32
    %sign3A_253 = arith.extui %sign3A_252 : i1 to i32
    %sign3A_254 = arith.subi %sign3A_250, %sign3A_253 : i32
    %sign3A_255 = arith.constant 0 : i32
    %sign3A_256 = arith.cmpi sgt, %jit3A_246, %sign3A_255 : i32
    %sign3A_257 = arith.extui %sign3A_256 : i1 to i32
    %sign3A_258 = arith.constant 0 : i32
    %sign3A_259 = arith.cmpi slt, %jit3A_246, %sign3A_258 : i32
    %sign3A_260 = arith.extui %sign3A_259 : i1 to i32
    %sign3A_261 = arith.subi %sign3A_257, %sign3A_260 : i32
    %ne3A_262 = arith.cmpi ne, %sign3A_254, %sign3A_261 : i32
    %rem3A_263 = arith.remsi %sub3A_245, %jit3A_246 : i32
    %ne3A_264 = arith.constant 0 : i32
    %ne3A_265 = arith.cmpi ne, %rem3A_263, %ne3A_264 : i32
    %and3A_266 = arith.andi %ne3A_262, %ne3A_265 : i1
    %sub3A_267 = arith.constant 1 : i32
    %sub3A_268 = arith.subi %div3A_247, %sub3A_267 : i32
    %select_n3A_269 = arith.select %and3A_266, %sub3A_268, %div3A_247 : i32
    %mul3A_270 = arith.constant 3 : i32
    %mul3A_271 = arith.muli %mul3A_270, %select_n3A_269 : i32
    %min3A_272 = arith.minsi %mul3A_271, %select_n3A_241 : i32
    %mul3A_273 = arith.constant 4 : i32
    %mul3A_274 = arith.muli %mul3A_273, %select_n3A_269 : i32
    %min3A_275 = arith.minsi %mul3A_274, %select_n3A_241 : i32
    %while3A_276 = arith.constant 0 : i32
    %while3A_277 = arith.subi %min3A_275, %min3A_272 : i32
    %while3A_278 = arith.addi %min3A_272, %while3A_277 : i32
    %while3A_279 = arith.constant 1 : i32
    %while3A_280 = arith.divsi %while3A_277, %while3A_279 : i32
    %while3A_281 = arith.muli %while3A_280, %while3A_279 : i32
    %while3A_282 = arith.addi %min3A_272, %while3A_281 : i32
    %while3A_283 = arith.constant 1 : i32
    scf.for %while3A_1504 = %min3A_272 to %while3A_282 step %while3A_283  : i32 {
      %mul3A_1505 = arith.constant 128 : i32
      %mul3A_1506 = arith.muli %while3A_1504, %mul3A_1505 : i32
      %mul3A_1507 = arith.constant 128 : i32
      %mul3A_1508 = arith.muli %while3A_1504, %mul3A_1507 : i32
      %dma_start3A = tpu.memref_slice %arg14[%mul3A_1508] : memref<8192xi32, #tpu.memory_space<vmem>> -> memref<128xi32, #tpu.memory_space<vmem>>
      %dma_start3A_1509 = tpu.memref_slice %arg13[%mul3A_1506] : memref<8192xi32, #tpu.memory_space<vmem>> -> memref<128xi32, #tpu.memory_space<vmem>>
      %dma_start3A_1510 = arith.constant 0 : i32
      %dma_start3A_1511 = tpu.memref_slice %arg2[%dma_start3A_1510] : memref<16777216xi32, #tpu.memory_space<hbm>> -> memref<16777216xi32, #tpu.memory_space<hbm>>
      tpu.enqueue_indirect_dma source(%dma_start3A_1511 : memref<16777216xi32, #tpu.memory_space<hbm>>) target(%dma_start3A : memref<128xi32, #tpu.memory_space<vmem>>) offsets(%dma_start3A_1509 : memref<128xi32, #tpu.memory_space<vmem>>) semaphore(%arg28 : memref<!tpu.dma_semaphore, #tpu.memory_space<semaphore_mem>>)
    }
    %while3A_284 = arith.constant 1 : i32
    scf.for %while3A_1504 = %while3A_282 to %while3A_278 step %while3A_284  : i32 {
      %mul3A_1505 = arith.constant 128 : i32
      %mul3A_1506 = arith.muli %while3A_1504, %mul3A_1505 : i32
      %mul3A_1507 = arith.constant 128 : i32
      %mul3A_1508 = arith.muli %while3A_1504, %mul3A_1507 : i32
      %dma_start3A = tpu.memref_slice %arg14[%mul3A_1508] : memref<8192xi32, #tpu.memory_space<vmem>> -> memref<128xi32, #tpu.memory_space<vmem>>
      %dma_start3A_1509 = tpu.memref_slice %arg13[%mul3A_1506] : memref<8192xi32, #tpu.memory_space<vmem>> -> memref<128xi32, #tpu.memory_space<vmem>>
      %dma_start3A_1510 = arith.constant 0 : i32
      %dma_start3A_1511 = tpu.memref_slice %arg2[%dma_start3A_1510] : memref<16777216xi32, #tpu.memory_space<hbm>> -> memref<16777216xi32, #tpu.memory_space<hbm>>
      tpu.enqueue_indirect_dma source(%dma_start3A_1511 : memref<16777216xi32, #tpu.memory_space<hbm>>) target(%dma_start3A : memref<128xi32, #tpu.memory_space<vmem>>) offsets(%dma_start3A_1509 : memref<128xi32, #tpu.memory_space<vmem>>) semaphore(%arg28 : memref<!tpu.dma_semaphore, #tpu.memory_space<semaphore_mem>>)
    }
    %add3A_285 = arith.constant 8192 : i32
    %add3A_286 = arith.constant 128 : i32
    %add3A_287 = arith.addi %add3A_285, %add3A_286 : i32
    %sub3A_288 = arith.constant 1 : i32
    %sub3A_289 = arith.subi %add3A_287, %sub3A_288 : i32
    %jit3A_290 = arith.constant 128 : i32
    %div3A_291 = arith.divsi %sub3A_289, %jit3A_290 : i32
    %sign3A_292 = arith.constant 0 : i32
    %sign3A_293 = arith.cmpi sgt, %sub3A_289, %sign3A_292 : i32
    %sign3A_294 = arith.extui %sign3A_293 : i1 to i32
    %sign3A_295 = arith.constant 0 : i32
    %sign3A_296 = arith.cmpi slt, %sub3A_289, %sign3A_295 : i32
    %sign3A_297 = arith.extui %sign3A_296 : i1 to i32
    %sign3A_298 = arith.subi %sign3A_294, %sign3A_297 : i32
    %sign3A_299 = arith.constant 0 : i32
    %sign3A_300 = arith.cmpi sgt, %jit3A_290, %sign3A_299 : i32
    %sign3A_301 = arith.extui %sign3A_300 : i1 to i32
    %sign3A_302 = arith.constant 0 : i32
    %sign3A_303 = arith.cmpi slt, %jit3A_290, %sign3A_302 : i32
    %sign3A_304 = arith.extui %sign3A_303 : i1 to i32
    %sign3A_305 = arith.subi %sign3A_301, %sign3A_304 : i32
    %ne3A_306 = arith.cmpi ne, %sign3A_298, %sign3A_305 : i32
    %rem3A_307 = arith.remsi %sub3A_289, %jit3A_290 : i32
    %ne3A_308 = arith.constant 0 : i32
    %ne3A_309 = arith.cmpi ne, %rem3A_307, %ne3A_308 : i32
    %and3A_310 = arith.andi %ne3A_306, %ne3A_309 : i1
    %sub3A_311 = arith.constant 1 : i32
    %sub3A_312 = arith.subi %div3A_291, %sub3A_311 : i32
    %select_n3A_313 = arith.select %and3A_310, %sub3A_312, %div3A_291 : i32
    %add3A_314 = arith.constant 4 : i32
    %add3A_315 = arith.addi %select_n3A_313, %add3A_314 : i32
    %sub3A_316 = arith.constant 1 : i32
    %sub3A_317 = arith.subi %add3A_315, %sub3A_316 : i32
    %jit3A_318 = arith.constant 4 : i32
    %div3A_319 = arith.divsi %sub3A_317, %jit3A_318 : i32
    %sign3A_320 = arith.constant 0 : i32
    %sign3A_321 = arith.cmpi sgt, %sub3A_317, %sign3A_320 : i32
    %sign3A_322 = arith.extui %sign3A_321 : i1 to i32
    %sign3A_323 = arith.constant 0 : i32
    %sign3A_324 = arith.cmpi slt, %sub3A_317, %sign3A_323 : i32
    %sign3A_325 = arith.extui %sign3A_324 : i1 to i32
    %sign3A_326 = arith.subi %sign3A_322, %sign3A_325 : i32
    %sign3A_327 = arith.constant 0 : i32
    %sign3A_328 = arith.cmpi sgt, %jit3A_318, %sign3A_327 : i32
    %sign3A_329 = arith.extui %sign3A_328 : i1 to i32
    %sign3A_330 = arith.constant 0 : i32
    %sign3A_331 = arith.cmpi slt, %jit3A_318, %sign3A_330 : i32
    %sign3A_332 = arith.extui %sign3A_331 : i1 to i32
    %sign3A_333 = arith.subi %sign3A_329, %sign3A_332 : i32
    %ne3A_334 = arith.cmpi ne, %sign3A_326, %sign3A_333 : i32
    %rem3A_335 = arith.remsi %sub3A_317, %jit3A_318 : i32
    %ne3A_336 = arith.constant 0 : i32
    %ne3A_337 = arith.cmpi ne, %rem3A_335, %ne3A_336 : i32
    %and3A_338 = arith.andi %ne3A_334, %ne3A_337 : i1
    %sub3A_339 = arith.constant 1 : i32
    %sub3A_340 = arith.subi %div3A_319, %sub3A_339 : i32
    %select_n3A_341 = arith.select %and3A_338, %sub3A_340, %div3A_319 : i32
    %mul3A_342 = arith.constant 0 : i32
    %mul3A_343 = arith.muli %mul3A_342, %select_n3A_341 : i32
    %min3A_344 = arith.minsi %mul3A_343, %select_n3A_313 : i32
    %mul3A_345 = arith.constant 1 : i32
    %mul3A_346 = arith.muli %mul3A_345, %select_n3A_341 : i32
    %min3A_347 = arith.minsi %mul3A_346, %select_n3A_313 : i32
    %while3A_348 = arith.constant 0 : i32
    %while3A_349 = arith.subi %min3A_347, %min3A_344 : i32
    %while3A_350 = arith.addi %min3A_344, %while3A_349 : i32
    %while3A_351 = arith.constant 1 : i32
    %while3A_352 = arith.divsi %while3A_349, %while3A_351 : i32
    %while3A_353 = arith.muli %while3A_352, %while3A_351 : i32
    %while3A_354 = arith.addi %min3A_344, %while3A_353 : i32
    %while3A_355 = arith.constant 1 : i32
    scf.for %while3A_1504 = %min3A_344 to %while3A_354 step %while3A_355  : i32 {
      %mul3A_1505 = arith.constant 128 : i32
      %mul3A_1506 = arith.muli %while3A_1504, %mul3A_1505 : i32
      %mul3A_1507 = arith.constant 128 : i32
      %mul3A_1508 = arith.muli %while3A_1504, %mul3A_1507 : i32
      %dma_start3A = tpu.memref_slice %arg16[%mul3A_1508] : memref<8192xi32, #tpu.memory_space<vmem>> -> memref<128xi32, #tpu.memory_space<vmem>>
      %dma_start3A_1509 = tpu.memref_slice %arg15[%mul3A_1506] : memref<8192xi32, #tpu.memory_space<vmem>> -> memref<128xi32, #tpu.memory_space<vmem>>
      %dma_start3A_1510 = arith.constant 0 : i32
      %dma_start3A_1511 = tpu.memref_slice %arg2[%dma_start3A_1510] : memref<16777216xi32, #tpu.memory_space<hbm>> -> memref<16777216xi32, #tpu.memory_space<hbm>>
      tpu.enqueue_indirect_dma source(%dma_start3A_1511 : memref<16777216xi32, #tpu.memory_space<hbm>>) target(%dma_start3A : memref<128xi32, #tpu.memory_space<vmem>>) offsets(%dma_start3A_1509 : memref<128xi32, #tpu.memory_space<vmem>>) semaphore(%arg29 : memref<!tpu.dma_semaphore, #tpu.memory_space<semaphore_mem>>)
    }
    %while3A_356 = arith.constant 1 : i32
    scf.for %while3A_1504 = %while3A_354 to %while3A_350 step %while3A_356  : i32 {
      %mul3A_1505 = arith.constant 128 : i32
      %mul3A_1506 = arith.muli %while3A_1504, %mul3A_1505 : i32
      %mul3A_1507 = arith.constant 128 : i32
      %mul3A_1508 = arith.muli %while3A_1504, %mul3A_1507 : i32
      %dma_start3A = tpu.memref_slice %arg16[%mul3A_1508] : memref<8192xi32, #tpu.memory_space<vmem>> -> memref<128xi32, #tpu.memory_space<vmem>>
      %dma_start3A_1509 = tpu.memref_slice %arg15[%mul3A_1506] : memref<8192xi32, #tpu.memory_space<vmem>> -> memref<128xi32, #tpu.memory_space<vmem>>
      %dma_start3A_1510 = arith.constant 0 : i32
      %dma_start3A_1511 = tpu.memref_slice %arg2[%dma_start3A_1510] : memref<16777216xi32, #tpu.memory_space<hbm>> -> memref<16777216xi32, #tpu.memory_space<hbm>>
      tpu.enqueue_indirect_dma source(%dma_start3A_1511 : memref<16777216xi32, #tpu.memory_space<hbm>>) target(%dma_start3A : memref<128xi32, #tpu.memory_space<vmem>>) offsets(%dma_start3A_1509 : memref<128xi32, #tpu.memory_space<vmem>>) semaphore(%arg29 : memref<!tpu.dma_semaphore, #tpu.memory_space<semaphore_mem>>)
    }
    %add3A_357 = arith.constant 8192 : i32
    %add3A_358 = arith.constant 128 : i32
    %add3A_359 = arith.addi %add3A_357, %add3A_358 : i32
    %sub3A_360 = arith.constant 1 : i32
    %sub3A_361 = arith.subi %add3A_359, %sub3A_360 : i32
    %jit3A_362 = arith.constant 128 : i32
    %div3A_363 = arith.divsi %sub3A_361, %jit3A_362 : i32
    %sign3A_364 = arith.constant 0 : i32
    %sign3A_365 = arith.cmpi sgt, %sub3A_361, %sign3A_364 : i32
    %sign3A_366 = arith.extui %sign3A_365 : i1 to i32
    %sign3A_367 = arith.constant 0 : i32
    %sign3A_368 = arith.cmpi slt, %sub3A_361, %sign3A_367 : i32
    %sign3A_369 = arith.extui %sign3A_368 : i1 to i32
    %sign3A_370 = arith.subi %sign3A_366, %sign3A_369 : i32
    %sign3A_371 = arith.constant 0 : i32
    %sign3A_372 = arith.cmpi sgt, %jit3A_362, %sign3A_371 : i32
    %sign3A_373 = arith.extui %sign3A_372 : i1 to i32
    %sign3A_374 = arith.constant 0 : i32
    %sign3A_375 = arith.cmpi slt, %jit3A_362, %sign3A_374 : i32
    %sign3A_376 = arith.extui %sign3A_375 : i1 to i32
    %sign3A_377 = arith.subi %sign3A_373, %sign3A_376 : i32
    %ne3A_378 = arith.cmpi ne, %sign3A_370, %sign3A_377 : i32
    %rem3A_379 = arith.remsi %sub3A_361, %jit3A_362 : i32
    %ne3A_380 = arith.constant 0 : i32
    %ne3A_381 = arith.cmpi ne, %rem3A_379, %ne3A_380 : i32
    %and3A_382 = arith.andi %ne3A_378, %ne3A_381 : i1
    %sub3A_383 = arith.constant 1 : i32
    %sub3A_384 = arith.subi %div3A_363, %sub3A_383 : i32
    %select_n3A_385 = arith.select %and3A_382, %sub3A_384, %div3A_363 : i32
    %add3A_386 = arith.constant 4 : i32
    %add3A_387 = arith.addi %select_n3A_385, %add3A_386 : i32
    %sub3A_388 = arith.constant 1 : i32
    %sub3A_389 = arith.subi %add3A_387, %sub3A_388 : i32
    %jit3A_390 = arith.constant 4 : i32
    %div3A_391 = arith.divsi %sub3A_389, %jit3A_390 : i32
    %sign3A_392 = arith.constant 0 : i32
    %sign3A_393 = arith.cmpi sgt, %sub3A_389, %sign3A_392 : i32
    %sign3A_394 = arith.extui %sign3A_393 : i1 to i32
    %sign3A_395 = arith.constant 0 : i32
    %sign3A_396 = arith.cmpi slt, %sub3A_389, %sign3A_395 : i32
    %sign3A_397 = arith.extui %sign3A_396 : i1 to i32
    %sign3A_398 = arith.subi %sign3A_394, %sign3A_397 : i32
    %sign3A_399 = arith.constant 0 : i32
    %sign3A_400 = arith.cmpi sgt, %jit3A_390, %sign3A_399 : i32
    %sign3A_401 = arith.extui %sign3A_400 : i1 to i32
    %sign3A_402 = arith.constant 0 : i32
    %sign3A_403 = arith.cmpi slt, %jit3A_390, %sign3A_402 : i32
    %sign3A_404 = arith.extui %sign3A_403 : i1 to i32
    %sign3A_405 = arith.subi %sign3A_401, %sign3A_404 : i32
    %ne3A_406 = arith.cmpi ne, %sign3A_398, %sign3A_405 : i32
    %rem3A_407 = arith.remsi %sub3A_389, %jit3A_390 : i32
    %ne3A_408 = arith.constant 0 : i32
    %ne3A_409 = arith.cmpi ne, %rem3A_407, %ne3A_408 : i32
    %and3A_410 = arith.andi %ne3A_406, %ne3A_409 : i1
    %sub3A_411 = arith.constant 1 : i32
    %sub3A_412 = arith.subi %div3A_391, %sub3A_411 : i32
    %select_n3A_413 = arith.select %and3A_410, %sub3A_412, %div3A_391 : i32
    %mul3A_414 = arith.constant 1 : i32
    %mul3A_415 = arith.muli %mul3A_414, %select_n3A_413 : i32
    %min3A_416 = arith.minsi %mul3A_415, %select_n3A_385 : i32
    %mul3A_417 = arith.constant 2 : i32
    %mul3A_418 = arith.muli %mul3A_417, %select_n3A_413 : i32
    %min3A_419 = arith.minsi %mul3A_418, %select_n3A_385 : i32
    %while3A_420 = arith.constant 0 : i32
    %while3A_421 = arith.subi %min3A_419, %min3A_416 : i32
    %while3A_422 = arith.addi %min3A_416, %while3A_421 : i32
    %while3A_423 = arith.constant 1 : i32
    %while3A_424 = arith.divsi %while3A_421, %while3A_423 : i32
    %while3A_425 = arith.muli %while3A_424, %while3A_423 : i32
    %while3A_426 = arith.addi %min3A_416, %while3A_425 : i32
    %while3A_427 = arith.constant 1 : i32
    scf.for %while3A_1504 = %min3A_416 to %while3A_426 step %while3A_427  : i32 {
      %mul3A_1505 = arith.constant 128 : i32
      %mul3A_1506 = arith.muli %while3A_1504, %mul3A_1505 : i32
      %mul3A_1507 = arith.constant 128 : i32
      %mul3A_1508 = arith.muli %while3A_1504, %mul3A_1507 : i32
      %dma_start3A = tpu.memref_slice %arg16[%mul3A_1508] : memref<8192xi32, #tpu.memory_space<vmem>> -> memref<128xi32, #tpu.memory_space<vmem>>
      %dma_start3A_1509 = tpu.memref_slice %arg15[%mul3A_1506] : memref<8192xi32, #tpu.memory_space<vmem>> -> memref<128xi32, #tpu.memory_space<vmem>>
      %dma_start3A_1510 = arith.constant 0 : i32
      %dma_start3A_1511 = tpu.memref_slice %arg2[%dma_start3A_1510] : memref<16777216xi32, #tpu.memory_space<hbm>> -> memref<16777216xi32, #tpu.memory_space<hbm>>
      tpu.enqueue_indirect_dma source(%dma_start3A_1511 : memref<16777216xi32, #tpu.memory_space<hbm>>) target(%dma_start3A : memref<128xi32, #tpu.memory_space<vmem>>) offsets(%dma_start3A_1509 : memref<128xi32, #tpu.memory_space<vmem>>) semaphore(%arg30 : memref<!tpu.dma_semaphore, #tpu.memory_space<semaphore_mem>>)
    }
    %while3A_428 = arith.constant 1 : i32
    scf.for %while3A_1504 = %while3A_426 to %while3A_422 step %while3A_428  : i32 {
      %mul3A_1505 = arith.constant 128 : i32
      %mul3A_1506 = arith.muli %while3A_1504, %mul3A_1505 : i32
      %mul3A_1507 = arith.constant 128 : i32
      %mul3A_1508 = arith.muli %while3A_1504, %mul3A_1507 : i32
      %dma_start3A = tpu.memref_slice %arg16[%mul3A_1508] : memref<8192xi32, #tpu.memory_space<vmem>> -> memref<128xi32, #tpu.memory_space<vmem>>
      %dma_start3A_1509 = tpu.memref_slice %arg15[%mul3A_1506] : memref<8192xi32, #tpu.memory_space<vmem>> -> memref<128xi32, #tpu.memory_space<vmem>>
      %dma_start3A_1510 = arith.constant 0 : i32
      %dma_start3A_1511 = tpu.memref_slice %arg2[%dma_start3A_1510] : memref<16777216xi32, #tpu.memory_space<hbm>> -> memref<16777216xi32, #tpu.memory_space<hbm>>
      tpu.enqueue_indirect_dma source(%dma_start3A_1511 : memref<16777216xi32, #tpu.memory_space<hbm>>) target(%dma_start3A : memref<128xi32, #tpu.memory_space<vmem>>) offsets(%dma_start3A_1509 : memref<128xi32, #tpu.memory_space<vmem>>) semaphore(%arg30 : memref<!tpu.dma_semaphore, #tpu.memory_space<semaphore_mem>>)
    }
    %add3A_429 = arith.constant 8192 : i32
    %add3A_430 = arith.constant 128 : i32
    %add3A_431 = arith.addi %add3A_429, %add3A_430 : i32
    %sub3A_432 = arith.constant 1 : i32
    %sub3A_433 = arith.subi %add3A_431, %sub3A_432 : i32
    %jit3A_434 = arith.constant 128 : i32
    %div3A_435 = arith.divsi %sub3A_433, %jit3A_434 : i32
    %sign3A_436 = arith.constant 0 : i32
    %sign3A_437 = arith.cmpi sgt, %sub3A_433, %sign3A_436 : i32
    %sign3A_438 = arith.extui %sign3A_437 : i1 to i32
    %sign3A_439 = arith.constant 0 : i32
    %sign3A_440 = arith.cmpi slt, %sub3A_433, %sign3A_439 : i32
    %sign3A_441 = arith.extui %sign3A_440 : i1 to i32
    %sign3A_442 = arith.subi %sign3A_438, %sign3A_441 : i32
    %sign3A_443 = arith.constant 0 : i32
    %sign3A_444 = arith.cmpi sgt, %jit3A_434, %sign3A_443 : i32
    %sign3A_445 = arith.extui %sign3A_444 : i1 to i32
    %sign3A_446 = arith.constant 0 : i32
    %sign3A_447 = arith.cmpi slt, %jit3A_434, %sign3A_446 : i32
    %sign3A_448 = arith.extui %sign3A_447 : i1 to i32
    %sign3A_449 = arith.subi %sign3A_445, %sign3A_448 : i32
    %ne3A_450 = arith.cmpi ne, %sign3A_442, %sign3A_449 : i32
    %rem3A_451 = arith.remsi %sub3A_433, %jit3A_434 : i32
    %ne3A_452 = arith.constant 0 : i32
    %ne3A_453 = arith.cmpi ne, %rem3A_451, %ne3A_452 : i32
    %and3A_454 = arith.andi %ne3A_450, %ne3A_453 : i1
    %sub3A_455 = arith.constant 1 : i32
    %sub3A_456 = arith.subi %div3A_435, %sub3A_455 : i32
    %select_n3A_457 = arith.select %and3A_454, %sub3A_456, %div3A_435 : i32
    %add3A_458 = arith.constant 4 : i32
    %add3A_459 = arith.addi %select_n3A_457, %add3A_458 : i32
    %sub3A_460 = arith.constant 1 : i32
    %sub3A_461 = arith.subi %add3A_459, %sub3A_460 : i32
    %jit3A_462 = arith.constant 4 : i32
    %div3A_463 = arith.divsi %sub3A_461, %jit3A_462 : i32
    %sign3A_464 = arith.constant 0 : i32
    %sign3A_465 = arith.cmpi sgt, %sub3A_461, %sign3A_464 : i32
    %sign3A_466 = arith.extui %sign3A_465 : i1 to i32
    %sign3A_467 = arith.constant 0 : i32
    %sign3A_468 = arith.cmpi slt, %sub3A_461, %sign3A_467 : i32
    %sign3A_469 = arith.extui %sign3A_468 : i1 to i32
    %sign3A_470 = arith.subi %sign3A_466, %sign3A_469 : i32
    %sign3A_471 = arith.constant 0 : i32
    %sign3A_472 = arith.cmpi sgt, %jit3A_462, %sign3A_471 : i32
    %sign3A_473 = arith.extui %sign3A_472 : i1 to i32
    %sign3A_474 = arith.constant 0 : i32
    %sign3A_475 = arith.cmpi slt, %jit3A_462, %sign3A_474 : i32
    %sign3A_476 = arith.extui %sign3A_475 : i1 to i32
    %sign3A_477 = arith.subi %sign3A_473, %sign3A_476 : i32
    %ne3A_478 = arith.cmpi ne, %sign3A_470, %sign3A_477 : i32
    %rem3A_479 = arith.remsi %sub3A_461, %jit3A_462 : i32
    %ne3A_480 = arith.constant 0 : i32
    %ne3A_481 = arith.cmpi ne, %rem3A_479, %ne3A_480 : i32
    %and3A_482 = arith.andi %ne3A_478, %ne3A_481 : i1
    %sub3A_483 = arith.constant 1 : i32
    %sub3A_484 = arith.subi %div3A_463, %sub3A_483 : i32
    %select_n3A_485 = arith.select %and3A_482, %sub3A_484, %div3A_463 : i32
    %mul3A_486 = arith.constant 2 : i32
    %mul3A_487 = arith.muli %mul3A_486, %select_n3A_485 : i32
    %min3A_488 = arith.minsi %mul3A_487, %select_n3A_457 : i32
    %mul3A_489 = arith.constant 3 : i32
    %mul3A_490 = arith.muli %mul3A_489, %select_n3A_485 : i32
    %min3A_491 = arith.minsi %mul3A_490, %select_n3A_457 : i32
    %while3A_492 = arith.constant 0 : i32
    %while3A_493 = arith.subi %min3A_491, %min3A_488 : i32
    %while3A_494 = arith.addi %min3A_488, %while3A_493 : i32
    %while3A_495 = arith.constant 1 : i32
    %while3A_496 = arith.divsi %while3A_493, %while3A_495 : i32
    %while3A_497 = arith.muli %while3A_496, %while3A_495 : i32
    %while3A_498 = arith.addi %min3A_488, %while3A_497 : i32
    %while3A_499 = arith.constant 1 : i32
    scf.for %while3A_1504 = %min3A_488 to %while3A_498 step %while3A_499  : i32 {
      %mul3A_1505 = arith.constant 128 : i32
      %mul3A_1506 = arith.muli %while3A_1504, %mul3A_1505 : i32
      %mul3A_1507 = arith.constant 128 : i32
      %mul3A_1508 = arith.muli %while3A_1504, %mul3A_1507 : i32
      %dma_start3A = tpu.memref_slice %arg16[%mul3A_1508] : memref<8192xi32, #tpu.memory_space<vmem>> -> memref<128xi32, #tpu.memory_space<vmem>>
      %dma_start3A_1509 = tpu.memref_slice %arg15[%mul3A_1506] : memref<8192xi32, #tpu.memory_space<vmem>> -> memref<128xi32, #tpu.memory_space<vmem>>
      %dma_start3A_1510 = arith.constant 0 : i32
      %dma_start3A_1511 = tpu.memref_slice %arg2[%dma_start3A_1510] : memref<16777216xi32, #tpu.memory_space<hbm>> -> memref<16777216xi32, #tpu.memory_space<hbm>>
      tpu.enqueue_indirect_dma source(%dma_start3A_1511 : memref<16777216xi32, #tpu.memory_space<hbm>>) target(%dma_start3A : memref<128xi32, #tpu.memory_space<vmem>>) offsets(%dma_start3A_1509 : memref<128xi32, #tpu.memory_space<vmem>>) semaphore(%arg31 : memref<!tpu.dma_semaphore, #tpu.memory_space<semaphore_mem>>)
    }
    %while3A_500 = arith.constant 1 : i32
    scf.for %while3A_1504 = %while3A_498 to %while3A_494 step %while3A_500  : i32 {
      %mul3A_1505 = arith.constant 128 : i32
      %mul3A_1506 = arith.muli %while3A_1504, %mul3A_1505 : i32
      %mul3A_1507 = arith.constant 128 : i32
      %mul3A_1508 = arith.muli %while3A_1504, %mul3A_1507 : i32
      %dma_start3A = tpu.memref_slice %arg16[%mul3A_1508] : memref<8192xi32, #tpu.memory_space<vmem>> -> memref<128xi32, #tpu.memory_space<vmem>>
      %dma_start3A_1509 = tpu.memref_slice %arg15[%mul3A_1506] : memref<8192xi32, #tpu.memory_space<vmem>> -> memref<128xi32, #tpu.memory_space<vmem>>
      %dma_start3A_1510 = arith.constant 0 : i32
      %dma_start3A_1511 = tpu.memref_slice %arg2[%dma_start3A_1510] : memref<16777216xi32, #tpu.memory_space<hbm>> -> memref<16777216xi32, #tpu.memory_space<hbm>>
      tpu.enqueue_indirect_dma source(%dma_start3A_1511 : memref<16777216xi32, #tpu.memory_space<hbm>>) target(%dma_start3A : memref<128xi32, #tpu.memory_space<vmem>>) offsets(%dma_start3A_1509 : memref<128xi32, #tpu.memory_space<vmem>>) semaphore(%arg31 : memref<!tpu.dma_semaphore, #tpu.memory_space<semaphore_mem>>)
    }
    %add3A_501 = arith.constant 8192 : i32
    %add3A_502 = arith.constant 128 : i32
    %add3A_503 = arith.addi %add3A_501, %add3A_502 : i32
    %sub3A_504 = arith.constant 1 : i32
    %sub3A_505 = arith.subi %add3A_503, %sub3A_504 : i32
    %jit3A_506 = arith.constant 128 : i32
    %div3A_507 = arith.divsi %sub3A_505, %jit3A_506 : i32
    %sign3A_508 = arith.constant 0 : i32
    %sign3A_509 = arith.cmpi sgt, %sub3A_505, %sign3A_508 : i32
    %sign3A_510 = arith.extui %sign3A_509 : i1 to i32
    %sign3A_511 = arith.constant 0 : i32
    %sign3A_512 = arith.cmpi slt, %sub3A_505, %sign3A_511 : i32
    %sign3A_513 = arith.extui %sign3A_512 : i1 to i32
    %sign3A_514 = arith.subi %sign3A_510, %sign3A_513 : i32
    %sign3A_515 = arith.constant 0 : i32
    %sign3A_516 = arith.cmpi sgt, %jit3A_506, %sign3A_515 : i32
    %sign3A_517 = arith.extui %sign3A_516 : i1 to i32
    %sign3A_518 = arith.constant 0 : i32
    %sign3A_519 = arith.cmpi slt, %jit3A_506, %sign3A_518 : i32
    %sign3A_520 = arith.extui %sign3A_519 : i1 to i32
    %sign3A_521 = arith.subi %sign3A_517, %sign3A_520 : i32
    %ne3A_522 = arith.cmpi ne, %sign3A_514, %sign3A_521 : i32
    %rem3A_523 = arith.remsi %sub3A_505, %jit3A_506 : i32
    %ne3A_524 = arith.constant 0 : i32
    %ne3A_525 = arith.cmpi ne, %rem3A_523, %ne3A_524 : i32
    %and3A_526 = arith.andi %ne3A_522, %ne3A_525 : i1
    %sub3A_527 = arith.constant 1 : i32
    %sub3A_528 = arith.subi %div3A_507, %sub3A_527 : i32
    %select_n3A_529 = arith.select %and3A_526, %sub3A_528, %div3A_507 : i32
    %add3A_530 = arith.constant 4 : i32
    %add3A_531 = arith.addi %select_n3A_529, %add3A_530 : i32
    %sub3A_532 = arith.constant 1 : i32
    %sub3A_533 = arith.subi %add3A_531, %sub3A_532 : i32
    %jit3A_534 = arith.constant 4 : i32
    %div3A_535 = arith.divsi %sub3A_533, %jit3A_534 : i32
    %sign3A_536 = arith.constant 0 : i32
    %sign3A_537 = arith.cmpi sgt, %sub3A_533, %sign3A_536 : i32
    %sign3A_538 = arith.extui %sign3A_537 : i1 to i32
    %sign3A_539 = arith.constant 0 : i32
    %sign3A_540 = arith.cmpi slt, %sub3A_533, %sign3A_539 : i32
    %sign3A_541 = arith.extui %sign3A_540 : i1 to i32
    %sign3A_542 = arith.subi %sign3A_538, %sign3A_541 : i32
    %sign3A_543 = arith.constant 0 : i32
    %sign3A_544 = arith.cmpi sgt, %jit3A_534, %sign3A_543 : i32
    %sign3A_545 = arith.extui %sign3A_544 : i1 to i32
    %sign3A_546 = arith.constant 0 : i32
    %sign3A_547 = arith.cmpi slt, %jit3A_534, %sign3A_546 : i32
    %sign3A_548 = arith.extui %sign3A_547 : i1 to i32
    %sign3A_549 = arith.subi %sign3A_545, %sign3A_548 : i32
    %ne3A_550 = arith.cmpi ne, %sign3A_542, %sign3A_549 : i32
    %rem3A_551 = arith.remsi %sub3A_533, %jit3A_534 : i32
    %ne3A_552 = arith.constant 0 : i32
    %ne3A_553 = arith.cmpi ne, %rem3A_551, %ne3A_552 : i32
    %and3A_554 = arith.andi %ne3A_550, %ne3A_553 : i1
    %sub3A_555 = arith.constant 1 : i32
    %sub3A_556 = arith.subi %div3A_535, %sub3A_555 : i32
    %select_n3A_557 = arith.select %and3A_554, %sub3A_556, %div3A_535 : i32
    %mul3A_558 = arith.constant 3 : i32
    %mul3A_559 = arith.muli %mul3A_558, %select_n3A_557 : i32
    %min3A_560 = arith.minsi %mul3A_559, %select_n3A_529 : i32
    %mul3A_561 = arith.constant 4 : i32
    %mul3A_562 = arith.muli %mul3A_561, %select_n3A_557 : i32
    %min3A_563 = arith.minsi %mul3A_562, %select_n3A_529 : i32
    %while3A_564 = arith.constant 0 : i32
    %while3A_565 = arith.subi %min3A_563, %min3A_560 : i32
    %while3A_566 = arith.addi %min3A_560, %while3A_565 : i32
    %while3A_567 = arith.constant 1 : i32
    %while3A_568 = arith.divsi %while3A_565, %while3A_567 : i32
    %while3A_569 = arith.muli %while3A_568, %while3A_567 : i32
    %while3A_570 = arith.addi %min3A_560, %while3A_569 : i32
    %while3A_571 = arith.constant 1 : i32
    scf.for %while3A_1504 = %min3A_560 to %while3A_570 step %while3A_571  : i32 {
      %mul3A_1505 = arith.constant 128 : i32
      %mul3A_1506 = arith.muli %while3A_1504, %mul3A_1505 : i32
      %mul3A_1507 = arith.constant 128 : i32
      %mul3A_1508 = arith.muli %while3A_1504, %mul3A_1507 : i32
      %dma_start3A = tpu.memref_slice %arg16[%mul3A_1508] : memref<8192xi32, #tpu.memory_space<vmem>> -> memref<128xi32, #tpu.memory_space<vmem>>
      %dma_start3A_1509 = tpu.memref_slice %arg15[%mul3A_1506] : memref<8192xi32, #tpu.memory_space<vmem>> -> memref<128xi32, #tpu.memory_space<vmem>>
      %dma_start3A_1510 = arith.constant 0 : i32
      %dma_start3A_1511 = tpu.memref_slice %arg2[%dma_start3A_1510] : memref<16777216xi32, #tpu.memory_space<hbm>> -> memref<16777216xi32, #tpu.memory_space<hbm>>
      tpu.enqueue_indirect_dma source(%dma_start3A_1511 : memref<16777216xi32, #tpu.memory_space<hbm>>) target(%dma_start3A : memref<128xi32, #tpu.memory_space<vmem>>) offsets(%dma_start3A_1509 : memref<128xi32, #tpu.memory_space<vmem>>) semaphore(%arg32 : memref<!tpu.dma_semaphore, #tpu.memory_space<semaphore_mem>>)
    }
    %while3A_572 = arith.constant 1 : i32
    scf.for %while3A_1504 = %while3A_570 to %while3A_566 step %while3A_572  : i32 {
      %mul3A_1505 = arith.constant 128 : i32
      %mul3A_1506 = arith.muli %while3A_1504, %mul3A_1505 : i32
      %mul3A_1507 = arith.constant 128 : i32
      %mul3A_1508 = arith.muli %while3A_1504, %mul3A_1507 : i32
      %dma_start3A = tpu.memref_slice %arg16[%mul3A_1508] : memref<8192xi32, #tpu.memory_space<vmem>> -> memref<128xi32, #tpu.memory_space<vmem>>
      %dma_start3A_1509 = tpu.memref_slice %arg15[%mul3A_1506] : memref<8192xi32, #tpu.memory_space<vmem>> -> memref<128xi32, #tpu.memory_space<vmem>>
      %dma_start3A_1510 = arith.constant 0 : i32
      %dma_start3A_1511 = tpu.memref_slice %arg2[%dma_start3A_1510] : memref<16777216xi32, #tpu.memory_space<hbm>> -> memref<16777216xi32, #tpu.memory_space<hbm>>
      tpu.enqueue_indirect_dma source(%dma_start3A_1511 : memref<16777216xi32, #tpu.memory_space<hbm>>) target(%dma_start3A : memref<128xi32, #tpu.memory_space<vmem>>) offsets(%dma_start3A_1509 : memref<128xi32, #tpu.memory_space<vmem>>) semaphore(%arg32 : memref<!tpu.dma_semaphore, #tpu.memory_space<semaphore_mem>>)
    }
    %add3A_573 = arith.constant 1 : i32
    %add3A_574 = arith.addi %mul3A_2, %add3A_573 : i32
    "tpu.region"() ({
      %run_scoped3A = tpu.sem_alloc : memref<!tpu.dma_semaphore, #tpu.memory_space<semaphore_mem>>
      %dma_start3A = arith.constant 0 : i32
      %dma_start3A_1504 = tpu.memref_slice %arg3[%mul3A_2, %dma_start3A] : memref<128x8192xi32, #tpu.memory_space<hbm>> -> memref<1x8192xi32, #tpu.memory_space<hbm>>
      %dma_start3A_1505 = tpu.memref_squeeze %dma_start3A_1504 : memref<1x8192xi32, #tpu.memory_space<hbm>> -> memref<8192xi32, #tpu.memory_space<hbm>>
      %dma_start3A_1506 = arith.constant 0 : i32
      %dma_start3A_1507 = tpu.memref_slice %arg3[%mul3A_2, %dma_start3A_1506] : memref<128x8192xi32, #tpu.memory_space<hbm>> -> memref<1x8192xi32, #tpu.memory_space<hbm>>
      %dma_start3A_1508 = tpu.memref_squeeze %dma_start3A_1507 : memref<1x8192xi32, #tpu.memory_space<hbm>> -> memref<8192xi32, #tpu.memory_space<hbm>>
      tpu.enqueue_dma source(%dma_start3A_1508 : memref<8192xi32, #tpu.memory_space<hbm>>) target(%arg5 : memref<8192xi32, #tpu.memory_space<vmem>>) target_semaphore(%run_scoped3A : memref<!tpu.dma_semaphore, #tpu.memory_space<semaphore_mem>>)
      %dma_wait3A = arith.constant 0 : i32
      %dma_wait3A_1509 = tpu.memref_slice %arg3[%mul3A_2, %dma_wait3A] : memref<128x8192xi32, #tpu.memory_space<hbm>> -> memref<1x8192xi32, #tpu.memory_space<hbm>>
      %dma_wait3A_1510 = tpu.memref_squeeze %dma_wait3A_1509 : memref<1x8192xi32, #tpu.memory_space<hbm>> -> memref<8192xi32, #tpu.memory_space<hbm>>
      %dma_wait3A_1511 = arith.constant 0 : i32
      %dma_wait3A_1512 = tpu.memref_slice %arg3[%mul3A_2, %dma_wait3A_1511] : memref<128x8192xi32, #tpu.memory_space<hbm>> -> memref<1x8192xi32, #tpu.memory_space<hbm>>
      %dma_wait3A_1513 = tpu.memref_squeeze %dma_wait3A_1512 : memref<1x8192xi32, #tpu.memory_space<hbm>> -> memref<8192xi32, #tpu.memory_space<hbm>>
      tpu.wait_dma2 semaphore(%run_scoped3A : memref<!tpu.dma_semaphore, #tpu.memory_space<semaphore_mem>>) src(%dma_wait3A_1513 : memref<8192xi32, #tpu.memory_space<hbm>>) dst(%arg5 : memref<8192xi32, #tpu.memory_space<vmem>>)
      tpu.yield
    }) : () -> ()
    "tpu.region"() ({
      %run_scoped3A = tpu.sem_alloc : memref<!tpu.dma_semaphore, #tpu.memory_space<semaphore_mem>>
      %dma_start3A = arith.constant 0 : i32
      %dma_start3A_1504 = tpu.memref_slice %arg3[%add3A_574, %dma_start3A] : memref<128x8192xi32, #tpu.memory_space<hbm>> -> memref<1x8192xi32, #tpu.memory_space<hbm>>
      %dma_start3A_1505 = tpu.memref_squeeze %dma_start3A_1504 : memref<1x8192xi32, #tpu.memory_space<hbm>> -> memref<8192xi32, #tpu.memory_space<hbm>>
      %dma_start3A_1506 = arith.constant 0 : i32
      %dma_start3A_1507 = tpu.memref_slice %arg3[%add3A_574, %dma_start3A_1506] : memref<128x8192xi32, #tpu.memory_space<hbm>> -> memref<1x8192xi32, #tpu.memory_space<hbm>>
      %dma_start3A_1508 = tpu.memref_squeeze %dma_start3A_1507 : memref<1x8192xi32, #tpu.memory_space<hbm>> -> memref<8192xi32, #tpu.memory_space<hbm>>
      tpu.enqueue_dma source(%dma_start3A_1508 : memref<8192xi32, #tpu.memory_space<hbm>>) target(%arg9 : memref<8192xi32, #tpu.memory_space<vmem>>) target_semaphore(%run_scoped3A : memref<!tpu.dma_semaphore, #tpu.memory_space<semaphore_mem>>)
      %dma_wait3A = arith.constant 0 : i32
      %dma_wait3A_1509 = tpu.memref_slice %arg3[%add3A_574, %dma_wait3A] : memref<128x8192xi32, #tpu.memory_space<hbm>> -> memref<1x8192xi32, #tpu.memory_space<hbm>>
      %dma_wait3A_1510 = tpu.memref_squeeze %dma_wait3A_1509 : memref<1x8192xi32, #tpu.memory_space<hbm>> -> memref<8192xi32, #tpu.memory_space<hbm>>
      %dma_wait3A_1511 = arith.constant 0 : i32
      %dma_wait3A_1512 = tpu.memref_slice %arg3[%add3A_574, %dma_wait3A_1511] : memref<128x8192xi32, #tpu.memory_space<hbm>> -> memref<1x8192xi32, #tpu.memory_space<hbm>>
      %dma_wait3A_1513 = tpu.memref_squeeze %dma_wait3A_1512 : memref<1x8192xi32, #tpu.memory_space<hbm>> -> memref<8192xi32, #tpu.memory_space<hbm>>
      tpu.wait_dma2 semaphore(%run_scoped3A : memref<!tpu.dma_semaphore, #tpu.memory_space<semaphore_mem>>) src(%dma_wait3A_1513 : memref<8192xi32, #tpu.memory_space<hbm>>) dst(%arg9 : memref<8192xi32, #tpu.memory_space<vmem>>)
      tpu.yield
    }) : () -> ()
    %add3A_575 = arith.constant 8192 : i32
    %add3A_576 = arith.constant 128 : i32
    %add3A_577 = arith.addi %add3A_575, %add3A_576 : i32
    %sub3A_578 = arith.constant 1 : i32
    %sub3A_579 = arith.subi %add3A_577, %sub3A_578 : i32
    %jit3A_580 = arith.constant 128 : i32
    %div3A_581 = arith.divsi %sub3A_579, %jit3A_580 : i32
    %sign3A_582 = arith.constant 0 : i32
    %sign3A_583 = arith.cmpi sgt, %sub3A_579, %sign3A_582 : i32
    %sign3A_584 = arith.extui %sign3A_583 : i1 to i32
    %sign3A_585 = arith.constant 0 : i32
    %sign3A_586 = arith.cmpi slt, %sub3A_579, %sign3A_585 : i32
    %sign3A_587 = arith.extui %sign3A_586 : i1 to i32
    %sign3A_588 = arith.subi %sign3A_584, %sign3A_587 : i32
    %sign3A_589 = arith.constant 0 : i32
    %sign3A_590 = arith.cmpi sgt, %jit3A_580, %sign3A_589 : i32
    %sign3A_591 = arith.extui %sign3A_590 : i1 to i32
    %sign3A_592 = arith.constant 0 : i32
    %sign3A_593 = arith.cmpi slt, %jit3A_580, %sign3A_592 : i32
    %sign3A_594 = arith.extui %sign3A_593 : i1 to i32
    %sign3A_595 = arith.subi %sign3A_591, %sign3A_594 : i32
    %ne3A_596 = arith.cmpi ne, %sign3A_588, %sign3A_595 : i32
    %rem3A_597 = arith.remsi %sub3A_579, %jit3A_580 : i32
    %ne3A_598 = arith.constant 0 : i32
    %ne3A_599 = arith.cmpi ne, %rem3A_597, %ne3A_598 : i32
    %and3A_600 = arith.andi %ne3A_596, %ne3A_599 : i1
    %sub3A_601 = arith.constant 1 : i32
    %sub3A_602 = arith.subi %div3A_581, %sub3A_601 : i32
    %select_n3A_603 = arith.select %and3A_600, %sub3A_602, %div3A_581 : i32
    %add3A_604 = arith.constant 4 : i32
    %add3A_605 = arith.addi %select_n3A_603, %add3A_604 : i32
    %sub3A_606 = arith.constant 1 : i32
    %sub3A_607 = arith.subi %add3A_605, %sub3A_606 : i32
    %jit3A_608 = arith.constant 4 : i32
    %div3A_609 = arith.divsi %sub3A_607, %jit3A_608 : i32
    %sign3A_610 = arith.constant 0 : i32
    %sign3A_611 = arith.cmpi sgt, %sub3A_607, %sign3A_610 : i32
    %sign3A_612 = arith.extui %sign3A_611 : i1 to i32
    %sign3A_613 = arith.constant 0 : i32
    %sign3A_614 = arith.cmpi slt, %sub3A_607, %sign3A_613 : i32
    %sign3A_615 = arith.extui %sign3A_614 : i1 to i32
    %sign3A_616 = arith.subi %sign3A_612, %sign3A_615 : i32
    %sign3A_617 = arith.constant 0 : i32
    %sign3A_618 = arith.cmpi sgt, %jit3A_608, %sign3A_617 : i32
    %sign3A_619 = arith.extui %sign3A_618 : i1 to i32
    %sign3A_620 = arith.constant 0 : i32
    %sign3A_621 = arith.cmpi slt, %jit3A_608, %sign3A_620 : i32
    %sign3A_622 = arith.extui %sign3A_621 : i1 to i32
    %sign3A_623 = arith.subi %sign3A_619, %sign3A_622 : i32
    %ne3A_624 = arith.cmpi ne, %sign3A_616, %sign3A_623 : i32
    %rem3A_625 = arith.remsi %sub3A_607, %jit3A_608 : i32
    %ne3A_626 = arith.constant 0 : i32
    %ne3A_627 = arith.cmpi ne, %rem3A_625, %ne3A_626 : i32
    %and3A_628 = arith.andi %ne3A_624, %ne3A_627 : i1
    %sub3A_629 = arith.constant 1 : i32
    %sub3A_630 = arith.subi %div3A_609, %sub3A_629 : i32
    %select_n3A_631 = arith.select %and3A_628, %sub3A_630, %div3A_609 : i32
    %mul3A_632 = arith.constant 0 : i32
    %mul3A_633 = arith.muli %mul3A_632, %select_n3A_631 : i32
    %min3A_634 = arith.minsi %mul3A_633, %select_n3A_603 : i32
    %mul3A_635 = arith.constant 1 : i32
    %mul3A_636 = arith.muli %mul3A_635, %select_n3A_631 : i32
    %min3A_637 = arith.minsi %mul3A_636, %select_n3A_603 : i32
    %while3A_638 = arith.constant 0 : i32
    %while3A_639 = arith.subi %min3A_637, %min3A_634 : i32
    %while3A_640 = arith.addi %min3A_634, %while3A_639 : i32
    %while3A_641 = arith.constant 1 : i32
    %while3A_642 = arith.divsi %while3A_639, %while3A_641 : i32
    %while3A_643 = arith.muli %while3A_642, %while3A_641 : i32
    %while3A_644 = arith.addi %min3A_634, %while3A_643 : i32
    %while3A_645 = arith.constant 1 : i32
    scf.for %while3A_1504 = %min3A_634 to %while3A_644 step %while3A_645  : i32 {
      %mul3A_1505 = arith.constant 128 : i32
      %mul3A_1506 = arith.muli %while3A_1504, %mul3A_1505 : i32
      %mul3A_1507 = arith.constant 128 : i32
      %mul3A_1508 = arith.muli %while3A_1504, %mul3A_1507 : i32
      %dma_start3A = tpu.memref_slice %arg7[%mul3A_1508] : memref<8192xi32, #tpu.memory_space<vmem>> -> memref<128xi32, #tpu.memory_space<vmem>>
      %dma_start3A_1509 = tpu.memref_slice %arg5[%mul3A_1506] : memref<8192xi32, #tpu.memory_space<vmem>> -> memref<128xi32, #tpu.memory_space<vmem>>
      %dma_start3A_1510 = arith.constant 0 : i32
      %dma_start3A_1511 = tpu.memref_slice %arg2[%dma_start3A_1510] : memref<16777216xi32, #tpu.memory_space<hbm>> -> memref<16777216xi32, #tpu.memory_space<hbm>>
      tpu.enqueue_indirect_dma source(%dma_start3A_1511 : memref<16777216xi32, #tpu.memory_space<hbm>>) target(%dma_start3A : memref<128xi32, #tpu.memory_space<vmem>>) offsets(%dma_start3A_1509 : memref<128xi32, #tpu.memory_space<vmem>>) semaphore(%arg17 : memref<!tpu.dma_semaphore, #tpu.memory_space<semaphore_mem>>)
    }
    %while3A_646 = arith.constant 1 : i32
    scf.for %while3A_1504 = %while3A_644 to %while3A_640 step %while3A_646  : i32 {
      %mul3A_1505 = arith.constant 128 : i32
      %mul3A_1506 = arith.muli %while3A_1504, %mul3A_1505 : i32
      %mul3A_1507 = arith.constant 128 : i32
      %mul3A_1508 = arith.muli %while3A_1504, %mul3A_1507 : i32
      %dma_start3A = tpu.memref_slice %arg7[%mul3A_1508] : memref<8192xi32, #tpu.memory_space<vmem>> -> memref<128xi32, #tpu.memory_space<vmem>>
      %dma_start3A_1509 = tpu.memref_slice %arg5[%mul3A_1506] : memref<8192xi32, #tpu.memory_space<vmem>> -> memref<128xi32, #tpu.memory_space<vmem>>
      %dma_start3A_1510 = arith.constant 0 : i32
      %dma_start3A_1511 = tpu.memref_slice %arg2[%dma_start3A_1510] : memref<16777216xi32, #tpu.memory_space<hbm>> -> memref<16777216xi32, #tpu.memory_space<hbm>>
      tpu.enqueue_indirect_dma source(%dma_start3A_1511 : memref<16777216xi32, #tpu.memory_space<hbm>>) target(%dma_start3A : memref<128xi32, #tpu.memory_space<vmem>>) offsets(%dma_start3A_1509 : memref<128xi32, #tpu.memory_space<vmem>>) semaphore(%arg17 : memref<!tpu.dma_semaphore, #tpu.memory_space<semaphore_mem>>)
    }
    %add3A_647 = arith.constant 8192 : i32
    %add3A_648 = arith.constant 128 : i32
    %add3A_649 = arith.addi %add3A_647, %add3A_648 : i32
    %sub3A_650 = arith.constant 1 : i32
    %sub3A_651 = arith.subi %add3A_649, %sub3A_650 : i32
    %jit3A_652 = arith.constant 128 : i32
    %div3A_653 = arith.divsi %sub3A_651, %jit3A_652 : i32
    %sign3A_654 = arith.constant 0 : i32
    %sign3A_655 = arith.cmpi sgt, %sub3A_651, %sign3A_654 : i32
    %sign3A_656 = arith.extui %sign3A_655 : i1 to i32
    %sign3A_657 = arith.constant 0 : i32
    %sign3A_658 = arith.cmpi slt, %sub3A_651, %sign3A_657 : i32
    %sign3A_659 = arith.extui %sign3A_658 : i1 to i32
    %sign3A_660 = arith.subi %sign3A_656, %sign3A_659 : i32
    %sign3A_661 = arith.constant 0 : i32
    %sign3A_662 = arith.cmpi sgt, %jit3A_652, %sign3A_661 : i32
    %sign3A_663 = arith.extui %sign3A_662 : i1 to i32
    %sign3A_664 = arith.constant 0 : i32
    %sign3A_665 = arith.cmpi slt, %jit3A_652, %sign3A_664 : i32
    %sign3A_666 = arith.extui %sign3A_665 : i1 to i32
    %sign3A_667 = arith.subi %sign3A_663, %sign3A_666 : i32
    %ne3A_668 = arith.cmpi ne, %sign3A_660, %sign3A_667 : i32
    %rem3A_669 = arith.remsi %sub3A_651, %jit3A_652 : i32
    %ne3A_670 = arith.constant 0 : i32
    %ne3A_671 = arith.cmpi ne, %rem3A_669, %ne3A_670 : i32
    %and3A_672 = arith.andi %ne3A_668, %ne3A_671 : i1
    %sub3A_673 = arith.constant 1 : i32
    %sub3A_674 = arith.subi %div3A_653, %sub3A_673 : i32
    %select_n3A_675 = arith.select %and3A_672, %sub3A_674, %div3A_653 : i32
    %add3A_676 = arith.constant 4 : i32
    %add3A_677 = arith.addi %select_n3A_675, %add3A_676 : i32
    %sub3A_678 = arith.constant 1 : i32
    %sub3A_679 = arith.subi %add3A_677, %sub3A_678 : i32
    %jit3A_680 = arith.constant 4 : i32
    %div3A_681 = arith.divsi %sub3A_679, %jit3A_680 : i32
    %sign3A_682 = arith.constant 0 : i32
    %sign3A_683 = arith.cmpi sgt, %sub3A_679, %sign3A_682 : i32
    %sign3A_684 = arith.extui %sign3A_683 : i1 to i32
    %sign3A_685 = arith.constant 0 : i32
    %sign3A_686 = arith.cmpi slt, %sub3A_679, %sign3A_685 : i32
    %sign3A_687 = arith.extui %sign3A_686 : i1 to i32
    %sign3A_688 = arith.subi %sign3A_684, %sign3A_687 : i32
    %sign3A_689 = arith.constant 0 : i32
    %sign3A_690 = arith.cmpi sgt, %jit3A_680, %sign3A_689 : i32
    %sign3A_691 = arith.extui %sign3A_690 : i1 to i32
    %sign3A_692 = arith.constant 0 : i32
    %sign3A_693 = arith.cmpi slt, %jit3A_680, %sign3A_692 : i32
    %sign3A_694 = arith.extui %sign3A_693 : i1 to i32
    %sign3A_695 = arith.subi %sign3A_691, %sign3A_694 : i32
    %ne3A_696 = arith.cmpi ne, %sign3A_688, %sign3A_695 : i32
    %rem3A_697 = arith.remsi %sub3A_679, %jit3A_680 : i32
    %ne3A_698 = arith.constant 0 : i32
    %ne3A_699 = arith.cmpi ne, %rem3A_697, %ne3A_698 : i32
    %and3A_700 = arith.andi %ne3A_696, %ne3A_699 : i1
    %sub3A_701 = arith.constant 1 : i32
    %sub3A_702 = arith.subi %div3A_681, %sub3A_701 : i32
    %select_n3A_703 = arith.select %and3A_700, %sub3A_702, %div3A_681 : i32
    %mul3A_704 = arith.constant 1 : i32
    %mul3A_705 = arith.muli %mul3A_704, %select_n3A_703 : i32
    %min3A_706 = arith.minsi %mul3A_705, %select_n3A_675 : i32
    %mul3A_707 = arith.constant 2 : i32
    %mul3A_708 = arith.muli %mul3A_707, %select_n3A_703 : i32
    %min3A_709 = arith.minsi %mul3A_708, %select_n3A_675 : i32
    %while3A_710 = arith.constant 0 : i32
    %while3A_711 = arith.subi %min3A_709, %min3A_706 : i32
    %while3A_712 = arith.addi %min3A_706, %while3A_711 : i32
    %while3A_713 = arith.constant 1 : i32
    %while3A_714 = arith.divsi %while3A_711, %while3A_713 : i32
    %while3A_715 = arith.muli %while3A_714, %while3A_713 : i32
    %while3A_716 = arith.addi %min3A_706, %while3A_715 : i32
    %while3A_717 = arith.constant 1 : i32
    scf.for %while3A_1504 = %min3A_706 to %while3A_716 step %while3A_717  : i32 {
      %mul3A_1505 = arith.constant 128 : i32
      %mul3A_1506 = arith.muli %while3A_1504, %mul3A_1505 : i32
      %mul3A_1507 = arith.constant 128 : i32
      %mul3A_1508 = arith.muli %while3A_1504, %mul3A_1507 : i32
      %dma_start3A = tpu.memref_slice %arg7[%mul3A_1508] : memref<8192xi32, #tpu.memory_space<vmem>> -> memref<128xi32, #tpu.memory_space<vmem>>
      %dma_start3A_1509 = tpu.memref_slice %arg5[%mul3A_1506] : memref<8192xi32, #tpu.memory_space<vmem>> -> memref<128xi32, #tpu.memory_space<vmem>>
      %dma_start3A_1510 = arith.constant 0 : i32
      %dma_start3A_1511 = tpu.memref_slice %arg2[%dma_start3A_1510] : memref<16777216xi32, #tpu.memory_space<hbm>> -> memref<16777216xi32, #tpu.memory_space<hbm>>
      tpu.enqueue_indirect_dma source(%dma_start3A_1511 : memref<16777216xi32, #tpu.memory_space<hbm>>) target(%dma_start3A : memref<128xi32, #tpu.memory_space<vmem>>) offsets(%dma_start3A_1509 : memref<128xi32, #tpu.memory_space<vmem>>) semaphore(%arg18 : memref<!tpu.dma_semaphore, #tpu.memory_space<semaphore_mem>>)
    }
    %while3A_718 = arith.constant 1 : i32
    scf.for %while3A_1504 = %while3A_716 to %while3A_712 step %while3A_718  : i32 {
      %mul3A_1505 = arith.constant 128 : i32
      %mul3A_1506 = arith.muli %while3A_1504, %mul3A_1505 : i32
      %mul3A_1507 = arith.constant 128 : i32
      %mul3A_1508 = arith.muli %while3A_1504, %mul3A_1507 : i32
      %dma_start3A = tpu.memref_slice %arg7[%mul3A_1508] : memref<8192xi32, #tpu.memory_space<vmem>> -> memref<128xi32, #tpu.memory_space<vmem>>
      %dma_start3A_1509 = tpu.memref_slice %arg5[%mul3A_1506] : memref<8192xi32, #tpu.memory_space<vmem>> -> memref<128xi32, #tpu.memory_space<vmem>>
      %dma_start3A_1510 = arith.constant 0 : i32
      %dma_start3A_1511 = tpu.memref_slice %arg2[%dma_start3A_1510] : memref<16777216xi32, #tpu.memory_space<hbm>> -> memref<16777216xi32, #tpu.memory_space<hbm>>
      tpu.enqueue_indirect_dma source(%dma_start3A_1511 : memref<16777216xi32, #tpu.memory_space<hbm>>) target(%dma_start3A : memref<128xi32, #tpu.memory_space<vmem>>) offsets(%dma_start3A_1509 : memref<128xi32, #tpu.memory_space<vmem>>) semaphore(%arg18 : memref<!tpu.dma_semaphore, #tpu.memory_space<semaphore_mem>>)
    }
    %add3A_719 = arith.constant 8192 : i32
    %add3A_720 = arith.constant 128 : i32
    %add3A_721 = arith.addi %add3A_719, %add3A_720 : i32
    %sub3A_722 = arith.constant 1 : i32
    %sub3A_723 = arith.subi %add3A_721, %sub3A_722 : i32
    %jit3A_724 = arith.constant 128 : i32
    %div3A_725 = arith.divsi %sub3A_723, %jit3A_724 : i32
    %sign3A_726 = arith.constant 0 : i32
    %sign3A_727 = arith.cmpi sgt, %sub3A_723, %sign3A_726 : i32
    %sign3A_728 = arith.extui %sign3A_727 : i1 to i32
    %sign3A_729 = arith.constant 0 : i32
    %sign3A_730 = arith.cmpi slt, %sub3A_723, %sign3A_729 : i32
    %sign3A_731 = arith.extui %sign3A_730 : i1 to i32
    %sign3A_732 = arith.subi %sign3A_728, %sign3A_731 : i32
    %sign3A_733 = arith.constant 0 : i32
    %sign3A_734 = arith.cmpi sgt, %jit3A_724, %sign3A_733 : i32
    %sign3A_735 = arith.extui %sign3A_734 : i1 to i32
    %sign3A_736 = arith.constant 0 : i32
    %sign3A_737 = arith.cmpi slt, %jit3A_724, %sign3A_736 : i32
    %sign3A_738 = arith.extui %sign3A_737 : i1 to i32
    %sign3A_739 = arith.subi %sign3A_735, %sign3A_738 : i32
    %ne3A_740 = arith.cmpi ne, %sign3A_732, %sign3A_739 : i32
    %rem3A_741 = arith.remsi %sub3A_723, %jit3A_724 : i32
    %ne3A_742 = arith.constant 0 : i32
    %ne3A_743 = arith.cmpi ne, %rem3A_741, %ne3A_742 : i32
    %and3A_744 = arith.andi %ne3A_740, %ne3A_743 : i1
    %sub3A_745 = arith.constant 1 : i32
    %sub3A_746 = arith.subi %div3A_725, %sub3A_745 : i32
    %select_n3A_747 = arith.select %and3A_744, %sub3A_746, %div3A_725 : i32
    %add3A_748 = arith.constant 4 : i32
    %add3A_749 = arith.addi %select_n3A_747, %add3A_748 : i32
    %sub3A_750 = arith.constant 1 : i32
    %sub3A_751 = arith.subi %add3A_749, %sub3A_750 : i32
    %jit3A_752 = arith.constant 4 : i32
    %div3A_753 = arith.divsi %sub3A_751, %jit3A_752 : i32
    %sign3A_754 = arith.constant 0 : i32
    %sign3A_755 = arith.cmpi sgt, %sub3A_751, %sign3A_754 : i32
    %sign3A_756 = arith.extui %sign3A_755 : i1 to i32
    %sign3A_757 = arith.constant 0 : i32
    %sign3A_758 = arith.cmpi slt, %sub3A_751, %sign3A_757 : i32
    %sign3A_759 = arith.extui %sign3A_758 : i1 to i32
    %sign3A_760 = arith.subi %sign3A_756, %sign3A_759 : i32
    %sign3A_761 = arith.constant 0 : i32
    %sign3A_762 = arith.cmpi sgt, %jit3A_752, %sign3A_761 : i32
    %sign3A_763 = arith.extui %sign3A_762 : i1 to i32
    %sign3A_764 = arith.constant 0 : i32
    %sign3A_765 = arith.cmpi slt, %jit3A_752, %sign3A_764 : i32
    %sign3A_766 = arith.extui %sign3A_765 : i1 to i32
    %sign3A_767 = arith.subi %sign3A_763, %sign3A_766 : i32
    %ne3A_768 = arith.cmpi ne, %sign3A_760, %sign3A_767 : i32
    %rem3A_769 = arith.remsi %sub3A_751, %jit3A_752 : i32
    %ne3A_770 = arith.constant 0 : i32
    %ne3A_771 = arith.cmpi ne, %rem3A_769, %ne3A_770 : i32
    %and3A_772 = arith.andi %ne3A_768, %ne3A_771 : i1
    %sub3A_773 = arith.constant 1 : i32
    %sub3A_774 = arith.subi %div3A_753, %sub3A_773 : i32
    %select_n3A_775 = arith.select %and3A_772, %sub3A_774, %div3A_753 : i32
    %mul3A_776 = arith.constant 2 : i32
    %mul3A_777 = arith.muli %mul3A_776, %select_n3A_775 : i32
    %min3A_778 = arith.minsi %mul3A_777, %select_n3A_747 : i32
    %mul3A_779 = arith.constant 3 : i32
    %mul3A_780 = arith.muli %mul3A_779, %select_n3A_775 : i32
    %min3A_781 = arith.minsi %mul3A_780, %select_n3A_747 : i32
    %while3A_782 = arith.constant 0 : i32
    %while3A_783 = arith.subi %min3A_781, %min3A_778 : i32
    %while3A_784 = arith.addi %min3A_778, %while3A_783 : i32
    %while3A_785 = arith.constant 1 : i32
    %while3A_786 = arith.divsi %while3A_783, %while3A_785 : i32
    %while3A_787 = arith.muli %while3A_786, %while3A_785 : i32
    %while3A_788 = arith.addi %min3A_778, %while3A_787 : i32
    %while3A_789 = arith.constant 1 : i32
    scf.for %while3A_1504 = %min3A_778 to %while3A_788 step %while3A_789  : i32 {
      %mul3A_1505 = arith.constant 128 : i32
      %mul3A_1506 = arith.muli %while3A_1504, %mul3A_1505 : i32
      %mul3A_1507 = arith.constant 128 : i32
      %mul3A_1508 = arith.muli %while3A_1504, %mul3A_1507 : i32
      %dma_start3A = tpu.memref_slice %arg7[%mul3A_1508] : memref<8192xi32, #tpu.memory_space<vmem>> -> memref<128xi32, #tpu.memory_space<vmem>>
      %dma_start3A_1509 = tpu.memref_slice %arg5[%mul3A_1506] : memref<8192xi32, #tpu.memory_space<vmem>> -> memref<128xi32, #tpu.memory_space<vmem>>
      %dma_start3A_1510 = arith.constant 0 : i32
      %dma_start3A_1511 = tpu.memref_slice %arg2[%dma_start3A_1510] : memref<16777216xi32, #tpu.memory_space<hbm>> -> memref<16777216xi32, #tpu.memory_space<hbm>>
      tpu.enqueue_indirect_dma source(%dma_start3A_1511 : memref<16777216xi32, #tpu.memory_space<hbm>>) target(%dma_start3A : memref<128xi32, #tpu.memory_space<vmem>>) offsets(%dma_start3A_1509 : memref<128xi32, #tpu.memory_space<vmem>>) semaphore(%arg19 : memref<!tpu.dma_semaphore, #tpu.memory_space<semaphore_mem>>)
    }
    %while3A_790 = arith.constant 1 : i32
    scf.for %while3A_1504 = %while3A_788 to %while3A_784 step %while3A_790  : i32 {
      %mul3A_1505 = arith.constant 128 : i32
      %mul3A_1506 = arith.muli %while3A_1504, %mul3A_1505 : i32
      %mul3A_1507 = arith.constant 128 : i32
      %mul3A_1508 = arith.muli %while3A_1504, %mul3A_1507 : i32
      %dma_start3A = tpu.memref_slice %arg7[%mul3A_1508] : memref<8192xi32, #tpu.memory_space<vmem>> -> memref<128xi32, #tpu.memory_space<vmem>>
      %dma_start3A_1509 = tpu.memref_slice %arg5[%mul3A_1506] : memref<8192xi32, #tpu.memory_space<vmem>> -> memref<128xi32, #tpu.memory_space<vmem>>
      %dma_start3A_1510 = arith.constant 0 : i32
      %dma_start3A_1511 = tpu.memref_slice %arg2[%dma_start3A_1510] : memref<16777216xi32, #tpu.memory_space<hbm>> -> memref<16777216xi32, #tpu.memory_space<hbm>>
      tpu.enqueue_indirect_dma source(%dma_start3A_1511 : memref<16777216xi32, #tpu.memory_space<hbm>>) target(%dma_start3A : memref<128xi32, #tpu.memory_space<vmem>>) offsets(%dma_start3A_1509 : memref<128xi32, #tpu.memory_space<vmem>>) semaphore(%arg19 : memref<!tpu.dma_semaphore, #tpu.memory_space<semaphore_mem>>)
    }
    %add3A_791 = arith.constant 8192 : i32
    %add3A_792 = arith.constant 128 : i32
    %add3A_793 = arith.addi %add3A_791, %add3A_792 : i32
    %sub3A_794 = arith.constant 1 : i32
    %sub3A_795 = arith.subi %add3A_793, %sub3A_794 : i32
    %jit3A_796 = arith.constant 128 : i32
    %div3A_797 = arith.divsi %sub3A_795, %jit3A_796 : i32
    %sign3A_798 = arith.constant 0 : i32
    %sign3A_799 = arith.cmpi sgt, %sub3A_795, %sign3A_798 : i32
    %sign3A_800 = arith.extui %sign3A_799 : i1 to i32
    %sign3A_801 = arith.constant 0 : i32
    %sign3A_802 = arith.cmpi slt, %sub3A_795, %sign3A_801 : i32
    %sign3A_803 = arith.extui %sign3A_802 : i1 to i32
    %sign3A_804 = arith.subi %sign3A_800, %sign3A_803 : i32
    %sign3A_805 = arith.constant 0 : i32
    %sign3A_806 = arith.cmpi sgt, %jit3A_796, %sign3A_805 : i32
    %sign3A_807 = arith.extui %sign3A_806 : i1 to i32
    %sign3A_808 = arith.constant 0 : i32
    %sign3A_809 = arith.cmpi slt, %jit3A_796, %sign3A_808 : i32
    %sign3A_810 = arith.extui %sign3A_809 : i1 to i32
    %sign3A_811 = arith.subi %sign3A_807, %sign3A_810 : i32
    %ne3A_812 = arith.cmpi ne, %sign3A_804, %sign3A_811 : i32
    %rem3A_813 = arith.remsi %sub3A_795, %jit3A_796 : i32
    %ne3A_814 = arith.constant 0 : i32
    %ne3A_815 = arith.cmpi ne, %rem3A_813, %ne3A_814 : i32
    %and3A_816 = arith.andi %ne3A_812, %ne3A_815 : i1
    %sub3A_817 = arith.constant 1 : i32
    %sub3A_818 = arith.subi %div3A_797, %sub3A_817 : i32
    %select_n3A_819 = arith.select %and3A_816, %sub3A_818, %div3A_797 : i32
    %add3A_820 = arith.constant 4 : i32
    %add3A_821 = arith.addi %select_n3A_819, %add3A_820 : i32
    %sub3A_822 = arith.constant 1 : i32
    %sub3A_823 = arith.subi %add3A_821, %sub3A_822 : i32
    %jit3A_824 = arith.constant 4 : i32
    %div3A_825 = arith.divsi %sub3A_823, %jit3A_824 : i32
    %sign3A_826 = arith.constant 0 : i32
    %sign3A_827 = arith.cmpi sgt, %sub3A_823, %sign3A_826 : i32
    %sign3A_828 = arith.extui %sign3A_827 : i1 to i32
    %sign3A_829 = arith.constant 0 : i32
    %sign3A_830 = arith.cmpi slt, %sub3A_823, %sign3A_829 : i32
    %sign3A_831 = arith.extui %sign3A_830 : i1 to i32
    %sign3A_832 = arith.subi %sign3A_828, %sign3A_831 : i32
    %sign3A_833 = arith.constant 0 : i32
    %sign3A_834 = arith.cmpi sgt, %jit3A_824, %sign3A_833 : i32
    %sign3A_835 = arith.extui %sign3A_834 : i1 to i32
    %sign3A_836 = arith.constant 0 : i32
    %sign3A_837 = arith.cmpi slt, %jit3A_824, %sign3A_836 : i32
    %sign3A_838 = arith.extui %sign3A_837 : i1 to i32
    %sign3A_839 = arith.subi %sign3A_835, %sign3A_838 : i32
    %ne3A_840 = arith.cmpi ne, %sign3A_832, %sign3A_839 : i32
    %rem3A_841 = arith.remsi %sub3A_823, %jit3A_824 : i32
    %ne3A_842 = arith.constant 0 : i32
    %ne3A_843 = arith.cmpi ne, %rem3A_841, %ne3A_842 : i32
    %and3A_844 = arith.andi %ne3A_840, %ne3A_843 : i1
    %sub3A_845 = arith.constant 1 : i32
    %sub3A_846 = arith.subi %div3A_825, %sub3A_845 : i32
    %select_n3A_847 = arith.select %and3A_844, %sub3A_846, %div3A_825 : i32
    %mul3A_848 = arith.constant 3 : i32
    %mul3A_849 = arith.muli %mul3A_848, %select_n3A_847 : i32
    %min3A_850 = arith.minsi %mul3A_849, %select_n3A_819 : i32
    %mul3A_851 = arith.constant 4 : i32
    %mul3A_852 = arith.muli %mul3A_851, %select_n3A_847 : i32
    %min3A_853 = arith.minsi %mul3A_852, %select_n3A_819 : i32
    %while3A_854 = arith.constant 0 : i32
    %while3A_855 = arith.subi %min3A_853, %min3A_850 : i32
    %while3A_856 = arith.addi %min3A_850, %while3A_855 : i32
    %while3A_857 = arith.constant 1 : i32
    %while3A_858 = arith.divsi %while3A_855, %while3A_857 : i32
    %while3A_859 = arith.muli %while3A_858, %while3A_857 : i32
    %while3A_860 = arith.addi %min3A_850, %while3A_859 : i32
    %while3A_861 = arith.constant 1 : i32
    scf.for %while3A_1504 = %min3A_850 to %while3A_860 step %while3A_861  : i32 {
      %mul3A_1505 = arith.constant 128 : i32
      %mul3A_1506 = arith.muli %while3A_1504, %mul3A_1505 : i32
      %mul3A_1507 = arith.constant 128 : i32
      %mul3A_1508 = arith.muli %while3A_1504, %mul3A_1507 : i32
      %dma_start3A = tpu.memref_slice %arg7[%mul3A_1508] : memref<8192xi32, #tpu.memory_space<vmem>> -> memref<128xi32, #tpu.memory_space<vmem>>
      %dma_start3A_1509 = tpu.memref_slice %arg5[%mul3A_1506] : memref<8192xi32, #tpu.memory_space<vmem>> -> memref<128xi32, #tpu.memory_space<vmem>>
      %dma_start3A_1510 = arith.constant 0 : i32
      %dma_start3A_1511 = tpu.memref_slice %arg2[%dma_start3A_1510] : memref<16777216xi32, #tpu.memory_space<hbm>> -> memref<16777216xi32, #tpu.memory_space<hbm>>
      tpu.enqueue_indirect_dma source(%dma_start3A_1511 : memref<16777216xi32, #tpu.memory_space<hbm>>) target(%dma_start3A : memref<128xi32, #tpu.memory_space<vmem>>) offsets(%dma_start3A_1509 : memref<128xi32, #tpu.memory_space<vmem>>) semaphore(%arg20 : memref<!tpu.dma_semaphore, #tpu.memory_space<semaphore_mem>>)
    }
    %while3A_862 = arith.constant 1 : i32
    scf.for %while3A_1504 = %while3A_860 to %while3A_856 step %while3A_862  : i32 {
      %mul3A_1505 = arith.constant 128 : i32
      %mul3A_1506 = arith.muli %while3A_1504, %mul3A_1505 : i32
      %mul3A_1507 = arith.constant 128 : i32
      %mul3A_1508 = arith.muli %while3A_1504, %mul3A_1507 : i32
      %dma_start3A = tpu.memref_slice %arg7[%mul3A_1508] : memref<8192xi32, #tpu.memory_space<vmem>> -> memref<128xi32, #tpu.memory_space<vmem>>
      %dma_start3A_1509 = tpu.memref_slice %arg5[%mul3A_1506] : memref<8192xi32, #tpu.memory_space<vmem>> -> memref<128xi32, #tpu.memory_space<vmem>>
      %dma_start3A_1510 = arith.constant 0 : i32
      %dma_start3A_1511 = tpu.memref_slice %arg2[%dma_start3A_1510] : memref<16777216xi32, #tpu.memory_space<hbm>> -> memref<16777216xi32, #tpu.memory_space<hbm>>
      tpu.enqueue_indirect_dma source(%dma_start3A_1511 : memref<16777216xi32, #tpu.memory_space<hbm>>) target(%dma_start3A : memref<128xi32, #tpu.memory_space<vmem>>) offsets(%dma_start3A_1509 : memref<128xi32, #tpu.memory_space<vmem>>) semaphore(%arg20 : memref<!tpu.dma_semaphore, #tpu.memory_space<semaphore_mem>>)
    }
    %add3A_863 = arith.constant 8192 : i32
    %add3A_864 = arith.constant 128 : i32
    %add3A_865 = arith.addi %add3A_863, %add3A_864 : i32
    %sub3A_866 = arith.constant 1 : i32
    %sub3A_867 = arith.subi %add3A_865, %sub3A_866 : i32
    %jit3A_868 = arith.constant 128 : i32
    %div3A_869 = arith.divsi %sub3A_867, %jit3A_868 : i32
    %sign3A_870 = arith.constant 0 : i32
    %sign3A_871 = arith.cmpi sgt, %sub3A_867, %sign3A_870 : i32
    %sign3A_872 = arith.extui %sign3A_871 : i1 to i32
    %sign3A_873 = arith.constant 0 : i32
    %sign3A_874 = arith.cmpi slt, %sub3A_867, %sign3A_873 : i32
    %sign3A_875 = arith.extui %sign3A_874 : i1 to i32
    %sign3A_876 = arith.subi %sign3A_872, %sign3A_875 : i32
    %sign3A_877 = arith.constant 0 : i32
    %sign3A_878 = arith.cmpi sgt, %jit3A_868, %sign3A_877 : i32
    %sign3A_879 = arith.extui %sign3A_878 : i1 to i32
    %sign3A_880 = arith.constant 0 : i32
    %sign3A_881 = arith.cmpi slt, %jit3A_868, %sign3A_880 : i32
    %sign3A_882 = arith.extui %sign3A_881 : i1 to i32
    %sign3A_883 = arith.subi %sign3A_879, %sign3A_882 : i32
    %ne3A_884 = arith.cmpi ne, %sign3A_876, %sign3A_883 : i32
    %rem3A_885 = arith.remsi %sub3A_867, %jit3A_868 : i32
    %ne3A_886 = arith.constant 0 : i32
    %ne3A_887 = arith.cmpi ne, %rem3A_885, %ne3A_886 : i32
    %and3A_888 = arith.andi %ne3A_884, %ne3A_887 : i1
    %sub3A_889 = arith.constant 1 : i32
    %sub3A_890 = arith.subi %div3A_869, %sub3A_889 : i32
    %select_n3A_891 = arith.select %and3A_888, %sub3A_890, %div3A_869 : i32
    %add3A_892 = arith.constant 4 : i32
    %add3A_893 = arith.addi %select_n3A_891, %add3A_892 : i32
    %sub3A_894 = arith.constant 1 : i32
    %sub3A_895 = arith.subi %add3A_893, %sub3A_894 : i32
    %jit3A_896 = arith.constant 4 : i32
    %div3A_897 = arith.divsi %sub3A_895, %jit3A_896 : i32
    %sign3A_898 = arith.constant 0 : i32
    %sign3A_899 = arith.cmpi sgt, %sub3A_895, %sign3A_898 : i32
    %sign3A_900 = arith.extui %sign3A_899 : i1 to i32
    %sign3A_901 = arith.constant 0 : i32
    %sign3A_902 = arith.cmpi slt, %sub3A_895, %sign3A_901 : i32
    %sign3A_903 = arith.extui %sign3A_902 : i1 to i32
    %sign3A_904 = arith.subi %sign3A_900, %sign3A_903 : i32
    %sign3A_905 = arith.constant 0 : i32
    %sign3A_906 = arith.cmpi sgt, %jit3A_896, %sign3A_905 : i32
    %sign3A_907 = arith.extui %sign3A_906 : i1 to i32
    %sign3A_908 = arith.constant 0 : i32
    %sign3A_909 = arith.cmpi slt, %jit3A_896, %sign3A_908 : i32
    %sign3A_910 = arith.extui %sign3A_909 : i1 to i32
    %sign3A_911 = arith.subi %sign3A_907, %sign3A_910 : i32
    %ne3A_912 = arith.cmpi ne, %sign3A_904, %sign3A_911 : i32
    %rem3A_913 = arith.remsi %sub3A_895, %jit3A_896 : i32
    %ne3A_914 = arith.constant 0 : i32
    %ne3A_915 = arith.cmpi ne, %rem3A_913, %ne3A_914 : i32
    %and3A_916 = arith.andi %ne3A_912, %ne3A_915 : i1
    %sub3A_917 = arith.constant 1 : i32
    %sub3A_918 = arith.subi %div3A_897, %sub3A_917 : i32
    %select_n3A_919 = arith.select %and3A_916, %sub3A_918, %div3A_897 : i32
    %mul3A_920 = arith.constant 0 : i32
    %mul3A_921 = arith.muli %mul3A_920, %select_n3A_919 : i32
    %min3A_922 = arith.minsi %mul3A_921, %select_n3A_891 : i32
    %mul3A_923 = arith.constant 1 : i32
    %mul3A_924 = arith.muli %mul3A_923, %select_n3A_919 : i32
    %min3A_925 = arith.minsi %mul3A_924, %select_n3A_891 : i32
    %while3A_926 = arith.constant 0 : i32
    %while3A_927 = arith.subi %min3A_925, %min3A_922 : i32
    %while3A_928 = arith.addi %min3A_922, %while3A_927 : i32
    %while3A_929 = arith.constant 1 : i32
    %while3A_930 = arith.divsi %while3A_927, %while3A_929 : i32
    %while3A_931 = arith.muli %while3A_930, %while3A_929 : i32
    %while3A_932 = arith.addi %min3A_922, %while3A_931 : i32
    %while3A_933 = arith.constant 1 : i32
    scf.for %while3A_1504 = %min3A_922 to %while3A_932 step %while3A_933  : i32 {
      %mul3A_1505 = arith.constant 128 : i32
      %mul3A_1506 = arith.muli %while3A_1504, %mul3A_1505 : i32
      %mul3A_1507 = arith.constant 128 : i32
      %mul3A_1508 = arith.muli %while3A_1504, %mul3A_1507 : i32
      %dma_start3A = tpu.memref_slice %arg11[%mul3A_1508] : memref<8192xi32, #tpu.memory_space<vmem>> -> memref<128xi32, #tpu.memory_space<vmem>>
      %dma_start3A_1509 = tpu.memref_slice %arg9[%mul3A_1506] : memref<8192xi32, #tpu.memory_space<vmem>> -> memref<128xi32, #tpu.memory_space<vmem>>
      %dma_start3A_1510 = arith.constant 0 : i32
      %dma_start3A_1511 = tpu.memref_slice %arg2[%dma_start3A_1510] : memref<16777216xi32, #tpu.memory_space<hbm>> -> memref<16777216xi32, #tpu.memory_space<hbm>>
      tpu.enqueue_indirect_dma source(%dma_start3A_1511 : memref<16777216xi32, #tpu.memory_space<hbm>>) target(%dma_start3A : memref<128xi32, #tpu.memory_space<vmem>>) offsets(%dma_start3A_1509 : memref<128xi32, #tpu.memory_space<vmem>>) semaphore(%arg21 : memref<!tpu.dma_semaphore, #tpu.memory_space<semaphore_mem>>)
    }
    %while3A_934 = arith.constant 1 : i32
    scf.for %while3A_1504 = %while3A_932 to %while3A_928 step %while3A_934  : i32 {
      %mul3A_1505 = arith.constant 128 : i32
      %mul3A_1506 = arith.muli %while3A_1504, %mul3A_1505 : i32
      %mul3A_1507 = arith.constant 128 : i32
      %mul3A_1508 = arith.muli %while3A_1504, %mul3A_1507 : i32
      %dma_start3A = tpu.memref_slice %arg11[%mul3A_1508] : memref<8192xi32, #tpu.memory_space<vmem>> -> memref<128xi32, #tpu.memory_space<vmem>>
      %dma_start3A_1509 = tpu.memref_slice %arg9[%mul3A_1506] : memref<8192xi32, #tpu.memory_space<vmem>> -> memref<128xi32, #tpu.memory_space<vmem>>
      %dma_start3A_1510 = arith.constant 0 : i32
      %dma_start3A_1511 = tpu.memref_slice %arg2[%dma_start3A_1510] : memref<16777216xi32, #tpu.memory_space<hbm>> -> memref<16777216xi32, #tpu.memory_space<hbm>>
      tpu.enqueue_indirect_dma source(%dma_start3A_1511 : memref<16777216xi32, #tpu.memory_space<hbm>>) target(%dma_start3A : memref<128xi32, #tpu.memory_space<vmem>>) offsets(%dma_start3A_1509 : memref<128xi32, #tpu.memory_space<vmem>>) semaphore(%arg21 : memref<!tpu.dma_semaphore, #tpu.memory_space<semaphore_mem>>)
    }
    %add3A_935 = arith.constant 8192 : i32
    %add3A_936 = arith.constant 128 : i32
    %add3A_937 = arith.addi %add3A_935, %add3A_936 : i32
    %sub3A_938 = arith.constant 1 : i32
    %sub3A_939 = arith.subi %add3A_937, %sub3A_938 : i32
    %jit3A_940 = arith.constant 128 : i32
    %div3A_941 = arith.divsi %sub3A_939, %jit3A_940 : i32
    %sign3A_942 = arith.constant 0 : i32
    %sign3A_943 = arith.cmpi sgt, %sub3A_939, %sign3A_942 : i32
    %sign3A_944 = arith.extui %sign3A_943 : i1 to i32
    %sign3A_945 = arith.constant 0 : i32
    %sign3A_946 = arith.cmpi slt, %sub3A_939, %sign3A_945 : i32
    %sign3A_947 = arith.extui %sign3A_946 : i1 to i32
    %sign3A_948 = arith.subi %sign3A_944, %sign3A_947 : i32
    %sign3A_949 = arith.constant 0 : i32
    %sign3A_950 = arith.cmpi sgt, %jit3A_940, %sign3A_949 : i32
    %sign3A_951 = arith.extui %sign3A_950 : i1 to i32
    %sign3A_952 = arith.constant 0 : i32
    %sign3A_953 = arith.cmpi slt, %jit3A_940, %sign3A_952 : i32
    %sign3A_954 = arith.extui %sign3A_953 : i1 to i32
    %sign3A_955 = arith.subi %sign3A_951, %sign3A_954 : i32
    %ne3A_956 = arith.cmpi ne, %sign3A_948, %sign3A_955 : i32
    %rem3A_957 = arith.remsi %sub3A_939, %jit3A_940 : i32
    %ne3A_958 = arith.constant 0 : i32
    %ne3A_959 = arith.cmpi ne, %rem3A_957, %ne3A_958 : i32
    %and3A_960 = arith.andi %ne3A_956, %ne3A_959 : i1
    %sub3A_961 = arith.constant 1 : i32
    %sub3A_962 = arith.subi %div3A_941, %sub3A_961 : i32
    %select_n3A_963 = arith.select %and3A_960, %sub3A_962, %div3A_941 : i32
    %add3A_964 = arith.constant 4 : i32
    %add3A_965 = arith.addi %select_n3A_963, %add3A_964 : i32
    %sub3A_966 = arith.constant 1 : i32
    %sub3A_967 = arith.subi %add3A_965, %sub3A_966 : i32
    %jit3A_968 = arith.constant 4 : i32
    %div3A_969 = arith.divsi %sub3A_967, %jit3A_968 : i32
    %sign3A_970 = arith.constant 0 : i32
    %sign3A_971 = arith.cmpi sgt, %sub3A_967, %sign3A_970 : i32
    %sign3A_972 = arith.extui %sign3A_971 : i1 to i32
    %sign3A_973 = arith.constant 0 : i32
    %sign3A_974 = arith.cmpi slt, %sub3A_967, %sign3A_973 : i32
    %sign3A_975 = arith.extui %sign3A_974 : i1 to i32
    %sign3A_976 = arith.subi %sign3A_972, %sign3A_975 : i32
    %sign3A_977 = arith.constant 0 : i32
    %sign3A_978 = arith.cmpi sgt, %jit3A_968, %sign3A_977 : i32
    %sign3A_979 = arith.extui %sign3A_978 : i1 to i32
    %sign3A_980 = arith.constant 0 : i32
    %sign3A_981 = arith.cmpi slt, %jit3A_968, %sign3A_980 : i32
    %sign3A_982 = arith.extui %sign3A_981 : i1 to i32
    %sign3A_983 = arith.subi %sign3A_979, %sign3A_982 : i32
    %ne3A_984 = arith.cmpi ne, %sign3A_976, %sign3A_983 : i32
    %rem3A_985 = arith.remsi %sub3A_967, %jit3A_968 : i32
    %ne3A_986 = arith.constant 0 : i32
    %ne3A_987 = arith.cmpi ne, %rem3A_985, %ne3A_986 : i32
    %and3A_988 = arith.andi %ne3A_984, %ne3A_987 : i1
    %sub3A_989 = arith.constant 1 : i32
    %sub3A_990 = arith.subi %div3A_969, %sub3A_989 : i32
    %select_n3A_991 = arith.select %and3A_988, %sub3A_990, %div3A_969 : i32
    %mul3A_992 = arith.constant 1 : i32
    %mul3A_993 = arith.muli %mul3A_992, %select_n3A_991 : i32
    %min3A_994 = arith.minsi %mul3A_993, %select_n3A_963 : i32
    %mul3A_995 = arith.constant 2 : i32
    %mul3A_996 = arith.muli %mul3A_995, %select_n3A_991 : i32
    %min3A_997 = arith.minsi %mul3A_996, %select_n3A_963 : i32
    %while3A_998 = arith.constant 0 : i32
    %while3A_999 = arith.subi %min3A_997, %min3A_994 : i32
    %while3A_1000 = arith.addi %min3A_994, %while3A_999 : i32
    %while3A_1001 = arith.constant 1 : i32
    %while3A_1002 = arith.divsi %while3A_999, %while3A_1001 : i32
    %while3A_1003 = arith.muli %while3A_1002, %while3A_1001 : i32
    %while3A_1004 = arith.addi %min3A_994, %while3A_1003 : i32
    %while3A_1005 = arith.constant 1 : i32
    scf.for %while3A_1504 = %min3A_994 to %while3A_1004 step %while3A_1005  : i32 {
      %mul3A_1505 = arith.constant 128 : i32
      %mul3A_1506 = arith.muli %while3A_1504, %mul3A_1505 : i32
      %mul3A_1507 = arith.constant 128 : i32
      %mul3A_1508 = arith.muli %while3A_1504, %mul3A_1507 : i32
      %dma_start3A = tpu.memref_slice %arg11[%mul3A_1508] : memref<8192xi32, #tpu.memory_space<vmem>> -> memref<128xi32, #tpu.memory_space<vmem>>
      %dma_start3A_1509 = tpu.memref_slice %arg9[%mul3A_1506] : memref<8192xi32, #tpu.memory_space<vmem>> -> memref<128xi32, #tpu.memory_space<vmem>>
      %dma_start3A_1510 = arith.constant 0 : i32
      %dma_start3A_1511 = tpu.memref_slice %arg2[%dma_start3A_1510] : memref<16777216xi32, #tpu.memory_space<hbm>> -> memref<16777216xi32, #tpu.memory_space<hbm>>
      tpu.enqueue_indirect_dma source(%dma_start3A_1511 : memref<16777216xi32, #tpu.memory_space<hbm>>) target(%dma_start3A : memref<128xi32, #tpu.memory_space<vmem>>) offsets(%dma_start3A_1509 : memref<128xi32, #tpu.memory_space<vmem>>) semaphore(%arg22 : memref<!tpu.dma_semaphore, #tpu.memory_space<semaphore_mem>>)
    }
    %while3A_1006 = arith.constant 1 : i32
    scf.for %while3A_1504 = %while3A_1004 to %while3A_1000 step %while3A_1006  : i32 {
      %mul3A_1505 = arith.constant 128 : i32
      %mul3A_1506 = arith.muli %while3A_1504, %mul3A_1505 : i32
      %mul3A_1507 = arith.constant 128 : i32
      %mul3A_1508 = arith.muli %while3A_1504, %mul3A_1507 : i32
      %dma_start3A = tpu.memref_slice %arg11[%mul3A_1508] : memref<8192xi32, #tpu.memory_space<vmem>> -> memref<128xi32, #tpu.memory_space<vmem>>
      %dma_start3A_1509 = tpu.memref_slice %arg9[%mul3A_1506] : memref<8192xi32, #tpu.memory_space<vmem>> -> memref<128xi32, #tpu.memory_space<vmem>>
      %dma_start3A_1510 = arith.constant 0 : i32
      %dma_start3A_1511 = tpu.memref_slice %arg2[%dma_start3A_1510] : memref<16777216xi32, #tpu.memory_space<hbm>> -> memref<16777216xi32, #tpu.memory_space<hbm>>
      tpu.enqueue_indirect_dma source(%dma_start3A_1511 : memref<16777216xi32, #tpu.memory_space<hbm>>) target(%dma_start3A : memref<128xi32, #tpu.memory_space<vmem>>) offsets(%dma_start3A_1509 : memref<128xi32, #tpu.memory_space<vmem>>) semaphore(%arg22 : memref<!tpu.dma_semaphore, #tpu.memory_space<semaphore_mem>>)
    }
    %add3A_1007 = arith.constant 8192 : i32
    %add3A_1008 = arith.constant 128 : i32
    %add3A_1009 = arith.addi %add3A_1007, %add3A_1008 : i32
    %sub3A_1010 = arith.constant 1 : i32
    %sub3A_1011 = arith.subi %add3A_1009, %sub3A_1010 : i32
    %jit3A_1012 = arith.constant 128 : i32
    %div3A_1013 = arith.divsi %sub3A_1011, %jit3A_1012 : i32
    %sign3A_1014 = arith.constant 0 : i32
    %sign3A_1015 = arith.cmpi sgt, %sub3A_1011, %sign3A_1014 : i32
    %sign3A_1016 = arith.extui %sign3A_1015 : i1 to i32
    %sign3A_1017 = arith.constant 0 : i32
    %sign3A_1018 = arith.cmpi slt, %sub3A_1011, %sign3A_1017 : i32
    %sign3A_1019 = arith.extui %sign3A_1018 : i1 to i32
    %sign3A_1020 = arith.subi %sign3A_1016, %sign3A_1019 : i32
    %sign3A_1021 = arith.constant 0 : i32
    %sign3A_1022 = arith.cmpi sgt, %jit3A_1012, %sign3A_1021 : i32
    %sign3A_1023 = arith.extui %sign3A_1022 : i1 to i32
    %sign3A_1024 = arith.constant 0 : i32
    %sign3A_1025 = arith.cmpi slt, %jit3A_1012, %sign3A_1024 : i32
    %sign3A_1026 = arith.extui %sign3A_1025 : i1 to i32
    %sign3A_1027 = arith.subi %sign3A_1023, %sign3A_1026 : i32
    %ne3A_1028 = arith.cmpi ne, %sign3A_1020, %sign3A_1027 : i32
    %rem3A_1029 = arith.remsi %sub3A_1011, %jit3A_1012 : i32
    %ne3A_1030 = arith.constant 0 : i32
    %ne3A_1031 = arith.cmpi ne, %rem3A_1029, %ne3A_1030 : i32
    %and3A_1032 = arith.andi %ne3A_1028, %ne3A_1031 : i1
    %sub3A_1033 = arith.constant 1 : i32
    %sub3A_1034 = arith.subi %div3A_1013, %sub3A_1033 : i32
    %select_n3A_1035 = arith.select %and3A_1032, %sub3A_1034, %div3A_1013 : i32
    %add3A_1036 = arith.constant 4 : i32
    %add3A_1037 = arith.addi %select_n3A_1035, %add3A_1036 : i32
    %sub3A_1038 = arith.constant 1 : i32
    %sub3A_1039 = arith.subi %add3A_1037, %sub3A_1038 : i32
    %jit3A_1040 = arith.constant 4 : i32
    %div3A_1041 = arith.divsi %sub3A_1039, %jit3A_1040 : i32
    %sign3A_1042 = arith.constant 0 : i32
    %sign3A_1043 = arith.cmpi sgt, %sub3A_1039, %sign3A_1042 : i32
    %sign3A_1044 = arith.extui %sign3A_1043 : i1 to i32
    %sign3A_1045 = arith.constant 0 : i32
    %sign3A_1046 = arith.cmpi slt, %sub3A_1039, %sign3A_1045 : i32
    %sign3A_1047 = arith.extui %sign3A_1046 : i1 to i32
    %sign3A_1048 = arith.subi %sign3A_1044, %sign3A_1047 : i32
    %sign3A_1049 = arith.constant 0 : i32
    %sign3A_1050 = arith.cmpi sgt, %jit3A_1040, %sign3A_1049 : i32
    %sign3A_1051 = arith.extui %sign3A_1050 : i1 to i32
    %sign3A_1052 = arith.constant 0 : i32
    %sign3A_1053 = arith.cmpi slt, %jit3A_1040, %sign3A_1052 : i32
    %sign3A_1054 = arith.extui %sign3A_1053 : i1 to i32
    %sign3A_1055 = arith.subi %sign3A_1051, %sign3A_1054 : i32
    %ne3A_1056 = arith.cmpi ne, %sign3A_1048, %sign3A_1055 : i32
    %rem3A_1057 = arith.remsi %sub3A_1039, %jit3A_1040 : i32
    %ne3A_1058 = arith.constant 0 : i32
    %ne3A_1059 = arith.cmpi ne, %rem3A_1057, %ne3A_1058 : i32
    %and3A_1060 = arith.andi %ne3A_1056, %ne3A_1059 : i1
    %sub3A_1061 = arith.constant 1 : i32
    %sub3A_1062 = arith.subi %div3A_1041, %sub3A_1061 : i32
    %select_n3A_1063 = arith.select %and3A_1060, %sub3A_1062, %div3A_1041 : i32
    %mul3A_1064 = arith.constant 2 : i32
    %mul3A_1065 = arith.muli %mul3A_1064, %select_n3A_1063 : i32
    %min3A_1066 = arith.minsi %mul3A_1065, %select_n3A_1035 : i32
    %mul3A_1067 = arith.constant 3 : i32
    %mul3A_1068 = arith.muli %mul3A_1067, %select_n3A_1063 : i32
    %min3A_1069 = arith.minsi %mul3A_1068, %select_n3A_1035 : i32
    %while3A_1070 = arith.constant 0 : i32
    %while3A_1071 = arith.subi %min3A_1069, %min3A_1066 : i32
    %while3A_1072 = arith.addi %min3A_1066, %while3A_1071 : i32
    %while3A_1073 = arith.constant 1 : i32
    %while3A_1074 = arith.divsi %while3A_1071, %while3A_1073 : i32
    %while3A_1075 = arith.muli %while3A_1074, %while3A_1073 : i32
    %while3A_1076 = arith.addi %min3A_1066, %while3A_1075 : i32
    %while3A_1077 = arith.constant 1 : i32
    scf.for %while3A_1504 = %min3A_1066 to %while3A_1076 step %while3A_1077  : i32 {
      %mul3A_1505 = arith.constant 128 : i32
      %mul3A_1506 = arith.muli %while3A_1504, %mul3A_1505 : i32
      %mul3A_1507 = arith.constant 128 : i32
      %mul3A_1508 = arith.muli %while3A_1504, %mul3A_1507 : i32
      %dma_start3A = tpu.memref_slice %arg11[%mul3A_1508] : memref<8192xi32, #tpu.memory_space<vmem>> -> memref<128xi32, #tpu.memory_space<vmem>>
      %dma_start3A_1509 = tpu.memref_slice %arg9[%mul3A_1506] : memref<8192xi32, #tpu.memory_space<vmem>> -> memref<128xi32, #tpu.memory_space<vmem>>
      %dma_start3A_1510 = arith.constant 0 : i32
      %dma_start3A_1511 = tpu.memref_slice %arg2[%dma_start3A_1510] : memref<16777216xi32, #tpu.memory_space<hbm>> -> memref<16777216xi32, #tpu.memory_space<hbm>>
      tpu.enqueue_indirect_dma source(%dma_start3A_1511 : memref<16777216xi32, #tpu.memory_space<hbm>>) target(%dma_start3A : memref<128xi32, #tpu.memory_space<vmem>>) offsets(%dma_start3A_1509 : memref<128xi32, #tpu.memory_space<vmem>>) semaphore(%arg23 : memref<!tpu.dma_semaphore, #tpu.memory_space<semaphore_mem>>)
    }
    %while3A_1078 = arith.constant 1 : i32
    scf.for %while3A_1504 = %while3A_1076 to %while3A_1072 step %while3A_1078  : i32 {
      %mul3A_1505 = arith.constant 128 : i32
      %mul3A_1506 = arith.muli %while3A_1504, %mul3A_1505 : i32
      %mul3A_1507 = arith.constant 128 : i32
      %mul3A_1508 = arith.muli %while3A_1504, %mul3A_1507 : i32
      %dma_start3A = tpu.memref_slice %arg11[%mul3A_1508] : memref<8192xi32, #tpu.memory_space<vmem>> -> memref<128xi32, #tpu.memory_space<vmem>>
      %dma_start3A_1509 = tpu.memref_slice %arg9[%mul3A_1506] : memref<8192xi32, #tpu.memory_space<vmem>> -> memref<128xi32, #tpu.memory_space<vmem>>
      %dma_start3A_1510 = arith.constant 0 : i32
      %dma_start3A_1511 = tpu.memref_slice %arg2[%dma_start3A_1510] : memref<16777216xi32, #tpu.memory_space<hbm>> -> memref<16777216xi32, #tpu.memory_space<hbm>>
      tpu.enqueue_indirect_dma source(%dma_start3A_1511 : memref<16777216xi32, #tpu.memory_space<hbm>>) target(%dma_start3A : memref<128xi32, #tpu.memory_space<vmem>>) offsets(%dma_start3A_1509 : memref<128xi32, #tpu.memory_space<vmem>>) semaphore(%arg23 : memref<!tpu.dma_semaphore, #tpu.memory_space<semaphore_mem>>)
    }
    %add3A_1079 = arith.constant 8192 : i32
    %add3A_1080 = arith.constant 128 : i32
    %add3A_1081 = arith.addi %add3A_1079, %add3A_1080 : i32
    %sub3A_1082 = arith.constant 1 : i32
    %sub3A_1083 = arith.subi %add3A_1081, %sub3A_1082 : i32
    %jit3A_1084 = arith.constant 128 : i32
    %div3A_1085 = arith.divsi %sub3A_1083, %jit3A_1084 : i32
    %sign3A_1086 = arith.constant 0 : i32
    %sign3A_1087 = arith.cmpi sgt, %sub3A_1083, %sign3A_1086 : i32
    %sign3A_1088 = arith.extui %sign3A_1087 : i1 to i32
    %sign3A_1089 = arith.constant 0 : i32
    %sign3A_1090 = arith.cmpi slt, %sub3A_1083, %sign3A_1089 : i32
    %sign3A_1091 = arith.extui %sign3A_1090 : i1 to i32
    %sign3A_1092 = arith.subi %sign3A_1088, %sign3A_1091 : i32
    %sign3A_1093 = arith.constant 0 : i32
    %sign3A_1094 = arith.cmpi sgt, %jit3A_1084, %sign3A_1093 : i32
    %sign3A_1095 = arith.extui %sign3A_1094 : i1 to i32
    %sign3A_1096 = arith.constant 0 : i32
    %sign3A_1097 = arith.cmpi slt, %jit3A_1084, %sign3A_1096 : i32
    %sign3A_1098 = arith.extui %sign3A_1097 : i1 to i32
    %sign3A_1099 = arith.subi %sign3A_1095, %sign3A_1098 : i32
    %ne3A_1100 = arith.cmpi ne, %sign3A_1092, %sign3A_1099 : i32
    %rem3A_1101 = arith.remsi %sub3A_1083, %jit3A_1084 : i32
    %ne3A_1102 = arith.constant 0 : i32
    %ne3A_1103 = arith.cmpi ne, %rem3A_1101, %ne3A_1102 : i32
    %and3A_1104 = arith.andi %ne3A_1100, %ne3A_1103 : i1
    %sub3A_1105 = arith.constant 1 : i32
    %sub3A_1106 = arith.subi %div3A_1085, %sub3A_1105 : i32
    %select_n3A_1107 = arith.select %and3A_1104, %sub3A_1106, %div3A_1085 : i32
    %add3A_1108 = arith.constant 4 : i32
    %add3A_1109 = arith.addi %select_n3A_1107, %add3A_1108 : i32
    %sub3A_1110 = arith.constant 1 : i32
    %sub3A_1111 = arith.subi %add3A_1109, %sub3A_1110 : i32
    %jit3A_1112 = arith.constant 4 : i32
    %div3A_1113 = arith.divsi %sub3A_1111, %jit3A_1112 : i32
    %sign3A_1114 = arith.constant 0 : i32
    %sign3A_1115 = arith.cmpi sgt, %sub3A_1111, %sign3A_1114 : i32
    %sign3A_1116 = arith.extui %sign3A_1115 : i1 to i32
    %sign3A_1117 = arith.constant 0 : i32
    %sign3A_1118 = arith.cmpi slt, %sub3A_1111, %sign3A_1117 : i32
    %sign3A_1119 = arith.extui %sign3A_1118 : i1 to i32
    %sign3A_1120 = arith.subi %sign3A_1116, %sign3A_1119 : i32
    %sign3A_1121 = arith.constant 0 : i32
    %sign3A_1122 = arith.cmpi sgt, %jit3A_1112, %sign3A_1121 : i32
    %sign3A_1123 = arith.extui %sign3A_1122 : i1 to i32
    %sign3A_1124 = arith.constant 0 : i32
    %sign3A_1125 = arith.cmpi slt, %jit3A_1112, %sign3A_1124 : i32
    %sign3A_1126 = arith.extui %sign3A_1125 : i1 to i32
    %sign3A_1127 = arith.subi %sign3A_1123, %sign3A_1126 : i32
    %ne3A_1128 = arith.cmpi ne, %sign3A_1120, %sign3A_1127 : i32
    %rem3A_1129 = arith.remsi %sub3A_1111, %jit3A_1112 : i32
    %ne3A_1130 = arith.constant 0 : i32
    %ne3A_1131 = arith.cmpi ne, %rem3A_1129, %ne3A_1130 : i32
    %and3A_1132 = arith.andi %ne3A_1128, %ne3A_1131 : i1
    %sub3A_1133 = arith.constant 1 : i32
    %sub3A_1134 = arith.subi %div3A_1113, %sub3A_1133 : i32
    %select_n3A_1135 = arith.select %and3A_1132, %sub3A_1134, %div3A_1113 : i32
    %mul3A_1136 = arith.constant 3 : i32
    %mul3A_1137 = arith.muli %mul3A_1136, %select_n3A_1135 : i32
    %min3A_1138 = arith.minsi %mul3A_1137, %select_n3A_1107 : i32
    %mul3A_1139 = arith.constant 4 : i32
    %mul3A_1140 = arith.muli %mul3A_1139, %select_n3A_1135 : i32
    %min3A_1141 = arith.minsi %mul3A_1140, %select_n3A_1107 : i32
    %while3A_1142 = arith.constant 0 : i32
    %while3A_1143 = arith.subi %min3A_1141, %min3A_1138 : i32
    %while3A_1144 = arith.addi %min3A_1138, %while3A_1143 : i32
    %while3A_1145 = arith.constant 1 : i32
    %while3A_1146 = arith.divsi %while3A_1143, %while3A_1145 : i32
    %while3A_1147 = arith.muli %while3A_1146, %while3A_1145 : i32
    %while3A_1148 = arith.addi %min3A_1138, %while3A_1147 : i32
    %while3A_1149 = arith.constant 1 : i32
    scf.for %while3A_1504 = %min3A_1138 to %while3A_1148 step %while3A_1149  : i32 {
      %mul3A_1505 = arith.constant 128 : i32
      %mul3A_1506 = arith.muli %while3A_1504, %mul3A_1505 : i32
      %mul3A_1507 = arith.constant 128 : i32
      %mul3A_1508 = arith.muli %while3A_1504, %mul3A_1507 : i32
      %dma_start3A = tpu.memref_slice %arg11[%mul3A_1508] : memref<8192xi32, #tpu.memory_space<vmem>> -> memref<128xi32, #tpu.memory_space<vmem>>
      %dma_start3A_1509 = tpu.memref_slice %arg9[%mul3A_1506] : memref<8192xi32, #tpu.memory_space<vmem>> -> memref<128xi32, #tpu.memory_space<vmem>>
      %dma_start3A_1510 = arith.constant 0 : i32
      %dma_start3A_1511 = tpu.memref_slice %arg2[%dma_start3A_1510] : memref<16777216xi32, #tpu.memory_space<hbm>> -> memref<16777216xi32, #tpu.memory_space<hbm>>
      tpu.enqueue_indirect_dma source(%dma_start3A_1511 : memref<16777216xi32, #tpu.memory_space<hbm>>) target(%dma_start3A : memref<128xi32, #tpu.memory_space<vmem>>) offsets(%dma_start3A_1509 : memref<128xi32, #tpu.memory_space<vmem>>) semaphore(%arg24 : memref<!tpu.dma_semaphore, #tpu.memory_space<semaphore_mem>>)
    }
    %while3A_1150 = arith.constant 1 : i32
    scf.for %while3A_1504 = %while3A_1148 to %while3A_1144 step %while3A_1150  : i32 {
      %mul3A_1505 = arith.constant 128 : i32
      %mul3A_1506 = arith.muli %while3A_1504, %mul3A_1505 : i32
      %mul3A_1507 = arith.constant 128 : i32
      %mul3A_1508 = arith.muli %while3A_1504, %mul3A_1507 : i32
      %dma_start3A = tpu.memref_slice %arg11[%mul3A_1508] : memref<8192xi32, #tpu.memory_space<vmem>> -> memref<128xi32, #tpu.memory_space<vmem>>
      %dma_start3A_1509 = tpu.memref_slice %arg9[%mul3A_1506] : memref<8192xi32, #tpu.memory_space<vmem>> -> memref<128xi32, #tpu.memory_space<vmem>>
      %dma_start3A_1510 = arith.constant 0 : i32
      %dma_start3A_1511 = tpu.memref_slice %arg2[%dma_start3A_1510] : memref<16777216xi32, #tpu.memory_space<hbm>> -> memref<16777216xi32, #tpu.memory_space<hbm>>
      tpu.enqueue_indirect_dma source(%dma_start3A_1511 : memref<16777216xi32, #tpu.memory_space<hbm>>) target(%dma_start3A : memref<128xi32, #tpu.memory_space<vmem>>) offsets(%dma_start3A_1509 : memref<128xi32, #tpu.memory_space<vmem>>) semaphore(%arg24 : memref<!tpu.dma_semaphore, #tpu.memory_space<semaphore_mem>>)
    }
    %scan3A = arith.constant 0 : i32
    %scan3A_1151 = arith.constant 0 : i32
    %scan3A_1152 = arith.constant 16 : i32
    %scan3A_1153 = arith.addi %scan3A_1151, %scan3A_1152 : i32
    %scan3A_1154 = arith.constant 1 : i32
    scf.for %scan3A_1504 = %scan3A_1151 to %scan3A_1153 step %scan3A_1154  : i32 {
      %mul3A_1505 = arith.constant 128 : i32
      %mul3A_1506 = arith.muli %scan3A_1504, %mul3A_1505 : i32
      %mul3A_1507 = arith.constant 128 : i32
      %mul3A_1508 = arith.muli %scan3A_1504, %mul3A_1507 : i32
      %dma_wait3A = tpu.memref_slice %arg7[%mul3A_1508] : memref<8192xi32, #tpu.memory_space<vmem>> -> memref<128xi32, #tpu.memory_space<vmem>>
      %dma_wait3A_1509 = tpu.memref_slice %arg5[%mul3A_1506] : memref<8192xi32, #tpu.memory_space<vmem>> -> memref<128xi32, #tpu.memory_space<vmem>>
      %dma_wait3A_1510 = arith.constant 0 : i32
      %dma_wait3A_1511 = tpu.memref_slice %arg2[%dma_wait3A_1510] : memref<16777216xi32, #tpu.memory_space<hbm>> -> memref<16777216xi32, #tpu.memory_space<hbm>>
      tpu.wait_indirect_dma semaphore(%arg17 : memref<!tpu.dma_semaphore, #tpu.memory_space<semaphore_mem>>) src(%dma_wait3A_1511 : memref<16777216xi32, #tpu.memory_space<hbm>>) dst(%dma_wait3A : memref<128xi32, #tpu.memory_space<vmem>>)
    }
    %scan3A_1155 = arith.constant 16 : i32
    %scan3A_1156 = arith.constant 0 : i32
    %scan3A_1157 = arith.constant 0 : i32
    %scan3A_1158 = arith.constant 128 : i32
    %scan3A_1159 = arith.addi %scan3A_1157, %scan3A_1158 : i32
    %scan3A_1160 = arith.constant 1 : i32
    %scan3A_1161 = scf.for %scan3A_1504 = %scan3A_1157 to %scan3A_1159 step %scan3A_1160 iter_args(%scan3A_1505 = %scan3A_1156) -> (i32)  : i32 {
      %mul3A_1506 = arith.constant 16 : i32
      %mul3A_1507 = arith.muli %scan3A_1504, %mul3A_1506 : i32
      %get3A = arith.index_cast %mul3A_1507 : i32 to index
      %get3A_1508 = tpu.vector_load %arg7[%get3A] {strides = array<i32>} : memref<8192xi32, #tpu.memory_space<vmem>>, vector<16xi32>,
      %get3A_1509 = arith.index_cast %mul3A_1507 : i32 to index
      %get3A_1510 = tpu.vector_load %arg5[%get3A_1509] {strides = array<i32>} : memref<8192xi32, #tpu.memory_space<vmem>>, vector<16xi32>,
      %swap3A = arith.index_cast %mul3A_1507 : i32 to index
      %swap3A_1511 = tpu.vector_load %arg8[%swap3A] {strides = array<i32>} : memref<8192xi32, #tpu.memory_space<vmem>>, vector<16xi32>,
      tpu.vector_store %arg8[%swap3A], %get3A_1508 {strides = array<i32>} : memref<8192xi32, #tpu.memory_space<vmem>>, vector<16xi32>,
      %ne3A_1512 = arith.cmpi ne, %get3A_1508, %get3A_1510 : vector<16xi32>
      %all_reduce_population_count3A = tpu.all_reduce %ne3A_1512 {dim = 0 : i64, kind = #tpu.reduction_kind<sum>} : vector<16xi1> -> vector<16xi32>
      %slice3A = vector.extract_strided_slice %all_reduce_population_count3A {offsets = [0], sizes = [1], strides = [1]} : vector<16xi32> to vector<1xi32>
      %squeeze3A = vector.extract %slice3A[0] : i32 from vector<1xi32>
      %iota3A = tpu.iota {dimensions = array<i32: 0>} : vector<16xi32>
      %add3A_1513 = vector.broadcast %mul3A_1507 : i32 to vector<16xi32>
      %add3A_1514 = arith.addi %iota3A, %add3A_1513 : vector<16xi32>
      %swap3A_1515 = arith.index_cast %scan3A_1505 : i32 to index
      %swap3A_1516 = tpu.vector_load %arg5[%swap3A_1515] masked %ne3A_1512 {strides = array<i32>} : memref<8192xi32, #tpu.memory_space<vmem>>, vector<16xi32>, vector<16xi1>
      tpu.vector_store %arg5[%swap3A_1515], %get3A_1508 masked %ne3A_1512 {strides = array<i32>} : memref<8192xi32, #tpu.memory_space<vmem>>, vector<16xi32>, vector<16xi1>
      %swap3A_1517 = arith.index_cast %scan3A_1505 : i32 to index
      %swap3A_1518 = tpu.vector_load %arg6[%swap3A_1517] masked %ne3A_1512 {strides = array<i32>} : memref<8192xi32, #tpu.memory_space<vmem>>, vector<16xi32>, vector<16xi1>
      tpu.vector_store %arg6[%swap3A_1517], %add3A_1514 masked %ne3A_1512 {strides = array<i32>} : memref<8192xi32, #tpu.memory_space<vmem>>, vector<16xi32>, vector<16xi1>
      %add3A_1519 = arith.addi %scan3A_1505, %squeeze3A : i32
      scf.yield %add3A_1519 : i32
    }
    %scan3A_1162 = arith.constant 128 : i32
    %scan3A_1163 = arith.constant 0 : i32
    %scan3A_1164 = arith.constant 16 : i32
    %scan3A_1165 = arith.constant 16 : i32
    %scan3A_1166 = arith.addi %scan3A_1164, %scan3A_1165 : i32
    %scan3A_1167 = arith.constant 1 : i32
    scf.for %scan3A_1504 = %scan3A_1164 to %scan3A_1166 step %scan3A_1167  : i32 {
      %mul3A_1505 = arith.constant 128 : i32
      %mul3A_1506 = arith.muli %scan3A_1504, %mul3A_1505 : i32
      %mul3A_1507 = arith.constant 128 : i32
      %mul3A_1508 = arith.muli %scan3A_1504, %mul3A_1507 : i32
      %dma_wait3A = tpu.memref_slice %arg7[%mul3A_1508] : memref<8192xi32, #tpu.memory_space<vmem>> -> memref<128xi32, #tpu.memory_space<vmem>>
      %dma_wait3A_1509 = tpu.memref_slice %arg5[%mul3A_1506] : memref<8192xi32, #tpu.memory_space<vmem>> -> memref<128xi32, #tpu.memory_space<vmem>>
      %dma_wait3A_1510 = arith.constant 0 : i32
      %dma_wait3A_1511 = tpu.memref_slice %arg2[%dma_wait3A_1510] : memref<16777216xi32, #tpu.memory_space<hbm>> -> memref<16777216xi32, #tpu.memory_space<hbm>>
      tpu.wait_indirect_dma semaphore(%arg18 : memref<!tpu.dma_semaphore, #tpu.memory_space<semaphore_mem>>) src(%dma_wait3A_1511 : memref<16777216xi32, #tpu.memory_space<hbm>>) dst(%dma_wait3A : memref<128xi32, #tpu.memory_space<vmem>>)
    }
    %scan3A_1168 = arith.constant 16 : i32
    %scan3A_1169 = arith.constant 128 : i32
    %scan3A_1170 = arith.constant 128 : i32
    %scan3A_1171 = arith.addi %scan3A_1169, %scan3A_1170 : i32
    %scan3A_1172 = arith.constant 1 : i32
    %scan3A_1173 = scf.for %scan3A_1504 = %scan3A_1169 to %scan3A_1171 step %scan3A_1172 iter_args(%scan3A_1505 = %scan3A_1161) -> (i32)  : i32 {
      %mul3A_1506 = arith.constant 16 : i32
      %mul3A_1507 = arith.muli %scan3A_1504, %mul3A_1506 : i32
      %get3A = arith.index_cast %mul3A_1507 : i32 to index
      %get3A_1508 = tpu.vector_load %arg7[%get3A] {strides = array<i32>} : memref<8192xi32, #tpu.memory_space<vmem>>, vector<16xi32>,
      %get3A_1509 = arith.index_cast %mul3A_1507 : i32 to index
      %get3A_1510 = tpu.vector_load %arg5[%get3A_1509] {strides = array<i32>} : memref<8192xi32, #tpu.memory_space<vmem>>, vector<16xi32>,
      %swap3A = arith.index_cast %mul3A_1507 : i32 to index
      %swap3A_1511 = tpu.vector_load %arg8[%swap3A] {strides = array<i32>} : memref<8192xi32, #tpu.memory_space<vmem>>, vector<16xi32>,
      tpu.vector_store %arg8[%swap3A], %get3A_1508 {strides = array<i32>} : memref<8192xi32, #tpu.memory_space<vmem>>, vector<16xi32>,
      %ne3A_1512 = arith.cmpi ne, %get3A_1508, %get3A_1510 : vector<16xi32>
      %all_reduce_population_count3A = tpu.all_reduce %ne3A_1512 {dim = 0 : i64, kind = #tpu.reduction_kind<sum>} : vector<16xi1> -> vector<16xi32>
      %slice3A = vector.extract_strided_slice %all_reduce_population_count3A {offsets = [0], sizes = [1], strides = [1]} : vector<16xi32> to vector<1xi32>
      %squeeze3A = vector.extract %slice3A[0] : i32 from vector<1xi32>
      %iota3A = tpu.iota {dimensions = array<i32: 0>} : vector<16xi32>
      %add3A_1513 = vector.broadcast %mul3A_1507 : i32 to vector<16xi32>
      %add3A_1514 = arith.addi %iota3A, %add3A_1513 : vector<16xi32>
      %swap3A_1515 = arith.index_cast %scan3A_1505 : i32 to index
      %swap3A_1516 = tpu.vector_load %arg5[%swap3A_1515] masked %ne3A_1512 {strides = array<i32>} : memref<8192xi32, #tpu.memory_space<vmem>>, vector<16xi32>, vector<16xi1>
      tpu.vector_store %arg5[%swap3A_1515], %get3A_1508 masked %ne3A_1512 {strides = array<i32>} : memref<8192xi32, #tpu.memory_space<vmem>>, vector<16xi32>, vector<16xi1>
      %swap3A_1517 = arith.index_cast %scan3A_1505 : i32 to index
      %swap3A_1518 = tpu.vector_load %arg6[%swap3A_1517] masked %ne3A_1512 {strides = array<i32>} : memref<8192xi32, #tpu.memory_space<vmem>>, vector<16xi32>, vector<16xi1>
      tpu.vector_store %arg6[%swap3A_1517], %add3A_1514 masked %ne3A_1512 {strides = array<i32>} : memref<8192xi32, #tpu.memory_space<vmem>>, vector<16xi32>, vector<16xi1>
      %add3A_1519 = arith.addi %scan3A_1505, %squeeze3A : i32
      scf.yield %add3A_1519 : i32
    }
    %scan3A_1174 = arith.constant 128 : i32
    %scan3A_1175 = arith.constant 0 : i32
    %scan3A_1176 = arith.constant 32 : i32
    %scan3A_1177 = arith.constant 16 : i32
    %scan3A_1178 = arith.addi %scan3A_1176, %scan3A_1177 : i32
    %scan3A_1179 = arith.constant 1 : i32
    scf.for %scan3A_1504 = %scan3A_1176 to %scan3A_1178 step %scan3A_1179  : i32 {
      %mul3A_1505 = arith.constant 128 : i32
      %mul3A_1506 = arith.muli %scan3A_1504, %mul3A_1505 : i32
      %mul3A_1507 = arith.constant 128 : i32
      %mul3A_1508 = arith.muli %scan3A_1504, %mul3A_1507 : i32
      %dma_wait3A = tpu.memref_slice %arg7[%mul3A_1508] : memref<8192xi32, #tpu.memory_space<vmem>> -> memref<128xi32, #tpu.memory_space<vmem>>
      %dma_wait3A_1509 = tpu.memref_slice %arg5[%mul3A_1506] : memref<8192xi32, #tpu.memory_space<vmem>> -> memref<128xi32, #tpu.memory_space<vmem>>
      %dma_wait3A_1510 = arith.constant 0 : i32
      %dma_wait3A_1511 = tpu.memref_slice %arg2[%dma_wait3A_1510] : memref<16777216xi32, #tpu.memory_space<hbm>> -> memref<16777216xi32, #tpu.memory_space<hbm>>
      tpu.wait_indirect_dma semaphore(%arg19 : memref<!tpu.dma_semaphore, #tpu.memory_space<semaphore_mem>>) src(%dma_wait3A_1511 : memref<16777216xi32, #tpu.memory_space<hbm>>) dst(%dma_wait3A : memref<128xi32, #tpu.memory_space<vmem>>)
    }
    %scan3A_1180 = arith.constant 16 : i32
    %scan3A_1181 = arith.constant 256 : i32
    %scan3A_1182 = arith.constant 128 : i32
    %scan3A_1183 = arith.addi %scan3A_1181, %scan3A_1182 : i32
    %scan3A_1184 = arith.constant 1 : i32
    %scan3A_1185 = scf.for %scan3A_1504 = %scan3A_1181 to %scan3A_1183 step %scan3A_1184 iter_args(%scan3A_1505 = %scan3A_1173) -> (i32)  : i32 {
      %mul3A_1506 = arith.constant 16 : i32
      %mul3A_1507 = arith.muli %scan3A_1504, %mul3A_1506 : i32
      %get3A = arith.index_cast %mul3A_1507 : i32 to index
      %get3A_1508 = tpu.vector_load %arg7[%get3A] {strides = array<i32>} : memref<8192xi32, #tpu.memory_space<vmem>>, vector<16xi32>,
      %get3A_1509 = arith.index_cast %mul3A_1507 : i32 to index
      %get3A_1510 = tpu.vector_load %arg5[%get3A_1509] {strides = array<i32>} : memref<8192xi32, #tpu.memory_space<vmem>>, vector<16xi32>,
      %swap3A = arith.index_cast %mul3A_1507 : i32 to index
      %swap3A_1511 = tpu.vector_load %arg8[%swap3A] {strides = array<i32>} : memref<8192xi32, #tpu.memory_space<vmem>>, vector<16xi32>,
      tpu.vector_store %arg8[%swap3A], %get3A_1508 {strides = array<i32>} : memref<8192xi32, #tpu.memory_space<vmem>>, vector<16xi32>,
      %ne3A_1512 = arith.cmpi ne, %get3A_1508, %get3A_1510 : vector<16xi32>
      %all_reduce_population_count3A = tpu.all_reduce %ne3A_1512 {dim = 0 : i64, kind = #tpu.reduction_kind<sum>} : vector<16xi1> -> vector<16xi32>
      %slice3A = vector.extract_strided_slice %all_reduce_population_count3A {offsets = [0], sizes = [1], strides = [1]} : vector<16xi32> to vector<1xi32>
      %squeeze3A = vector.extract %slice3A[0] : i32 from vector<1xi32>
      %iota3A = tpu.iota {dimensions = array<i32: 0>} : vector<16xi32>
      %add3A_1513 = vector.broadcast %mul3A_1507 : i32 to vector<16xi32>
      %add3A_1514 = arith.addi %iota3A, %add3A_1513 : vector<16xi32>
      %swap3A_1515 = arith.index_cast %scan3A_1505 : i32 to index
      %swap3A_1516 = tpu.vector_load %arg5[%swap3A_1515] masked %ne3A_1512 {strides = array<i32>} : memref<8192xi32, #tpu.memory_space<vmem>>, vector<16xi32>, vector<16xi1>
      tpu.vector_store %arg5[%swap3A_1515], %get3A_1508 masked %ne3A_1512 {strides = array<i32>} : memref<8192xi32, #tpu.memory_space<vmem>>, vector<16xi32>, vector<16xi1>
      %swap3A_1517 = arith.index_cast %scan3A_1505 : i32 to index
      %swap3A_1518 = tpu.vector_load %arg6[%swap3A_1517] masked %ne3A_1512 {strides = array<i32>} : memref<8192xi32, #tpu.memory_space<vmem>>, vector<16xi32>, vector<16xi1>
      tpu.vector_store %arg6[%swap3A_1517], %add3A_1514 masked %ne3A_1512 {strides = array<i32>} : memref<8192xi32, #tpu.memory_space<vmem>>, vector<16xi32>, vector<16xi1>
      %add3A_1519 = arith.addi %scan3A_1505, %squeeze3A : i32
      scf.yield %add3A_1519 : i32
    }
    %scan3A_1186 = arith.constant 128 : i32
    %scan3A_1187 = arith.constant 0 : i32
    %scan3A_1188 = arith.constant 48 : i32
    %scan3A_1189 = arith.constant 16 : i32
    %scan3A_1190 = arith.addi %scan3A_1188, %scan3A_1189 : i32
    %scan3A_1191 = arith.constant 1 : i32
    scf.for %scan3A_1504 = %scan3A_1188 to %scan3A_1190 step %scan3A_1191  : i32 {
      %mul3A_1505 = arith.constant 128 : i32
      %mul3A_1506 = arith.muli %scan3A_1504, %mul3A_1505 : i32
      %mul3A_1507 = arith.constant 128 : i32
      %mul3A_1508 = arith.muli %scan3A_1504, %mul3A_1507 : i32
      %dma_wait3A = tpu.memref_slice %arg7[%mul3A_1508] : memref<8192xi32, #tpu.memory_space<vmem>> -> memref<128xi32, #tpu.memory_space<vmem>>
      %dma_wait3A_1509 = tpu.memref_slice %arg5[%mul3A_1506] : memref<8192xi32, #tpu.memory_space<vmem>> -> memref<128xi32, #tpu.memory_space<vmem>>
      %dma_wait3A_1510 = arith.constant 0 : i32
      %dma_wait3A_1511 = tpu.memref_slice %arg2[%dma_wait3A_1510] : memref<16777216xi32, #tpu.memory_space<hbm>> -> memref<16777216xi32, #tpu.memory_space<hbm>>
      tpu.wait_indirect_dma semaphore(%arg20 : memref<!tpu.dma_semaphore, #tpu.memory_space<semaphore_mem>>) src(%dma_wait3A_1511 : memref<16777216xi32, #tpu.memory_space<hbm>>) dst(%dma_wait3A : memref<128xi32, #tpu.memory_space<vmem>>)
    }
    %scan3A_1192 = arith.constant 16 : i32
    %scan3A_1193 = arith.constant 384 : i32
    %scan3A_1194 = arith.constant 128 : i32
    %scan3A_1195 = arith.addi %scan3A_1193, %scan3A_1194 : i32
    %scan3A_1196 = arith.constant 1 : i32
    %scan3A_1197 = scf.for %scan3A_1504 = %scan3A_1193 to %scan3A_1195 step %scan3A_1196 iter_args(%scan3A_1505 = %scan3A_1185) -> (i32)  : i32 {
      %mul3A_1506 = arith.constant 16 : i32
      %mul3A_1507 = arith.muli %scan3A_1504, %mul3A_1506 : i32
      %get3A = arith.index_cast %mul3A_1507 : i32 to index
      %get3A_1508 = tpu.vector_load %arg7[%get3A] {strides = array<i32>} : memref<8192xi32, #tpu.memory_space<vmem>>, vector<16xi32>,
      %get3A_1509 = arith.index_cast %mul3A_1507 : i32 to index
      %get3A_1510 = tpu.vector_load %arg5[%get3A_1509] {strides = array<i32>} : memref<8192xi32, #tpu.memory_space<vmem>>, vector<16xi32>,
      %swap3A = arith.index_cast %mul3A_1507 : i32 to index
      %swap3A_1511 = tpu.vector_load %arg8[%swap3A] {strides = array<i32>} : memref<8192xi32, #tpu.memory_space<vmem>>, vector<16xi32>,
      tpu.vector_store %arg8[%swap3A], %get3A_1508 {strides = array<i32>} : memref<8192xi32, #tpu.memory_space<vmem>>, vector<16xi32>,
      %ne3A_1512 = arith.cmpi ne, %get3A_1508, %get3A_1510 : vector<16xi32>
      %all_reduce_population_count3A = tpu.all_reduce %ne3A_1512 {dim = 0 : i64, kind = #tpu.reduction_kind<sum>} : vector<16xi1> -> vector<16xi32>
      %slice3A = vector.extract_strided_slice %all_reduce_population_count3A {offsets = [0], sizes = [1], strides = [1]} : vector<16xi32> to vector<1xi32>
      %squeeze3A = vector.extract %slice3A[0] : i32 from vector<1xi32>
      %iota3A = tpu.iota {dimensions = array<i32: 0>} : vector<16xi32>
      %add3A_1513 = vector.broadcast %mul3A_1507 : i32 to vector<16xi32>
      %add3A_1514 = arith.addi %iota3A, %add3A_1513 : vector<16xi32>
      %swap3A_1515 = arith.index_cast %scan3A_1505 : i32 to index
      %swap3A_1516 = tpu.vector_load %arg5[%swap3A_1515] masked %ne3A_1512 {strides = array<i32>} : memref<8192xi32, #tpu.memory_space<vmem>>, vector<16xi32>, vector<16xi1>
      tpu.vector_store %arg5[%swap3A_1515], %get3A_1508 masked %ne3A_1512 {strides = array<i32>} : memref<8192xi32, #tpu.memory_space<vmem>>, vector<16xi32>, vector<16xi1>
      %swap3A_1517 = arith.index_cast %scan3A_1505 : i32 to index
      %swap3A_1518 = tpu.vector_load %arg6[%swap3A_1517] masked %ne3A_1512 {strides = array<i32>} : memref<8192xi32, #tpu.memory_space<vmem>>, vector<16xi32>, vector<16xi1>
      tpu.vector_store %arg6[%swap3A_1517], %add3A_1514 masked %ne3A_1512 {strides = array<i32>} : memref<8192xi32, #tpu.memory_space<vmem>>, vector<16xi32>, vector<16xi1>
      %add3A_1519 = arith.addi %scan3A_1505, %squeeze3A : i32
      scf.yield %add3A_1519 : i32
    }
    %scan3A_1198 = arith.constant 128 : i32
    %add3A_1199 = arith.constant 128 : i32
    %add3A_1200 = arith.addi %scan3A_1197, %add3A_1199 : i32
    %sub3A_1201 = arith.constant 1 : i32
    %sub3A_1202 = arith.subi %add3A_1200, %sub3A_1201 : i32
    %jit3A_1203 = arith.constant 128 : i32
    %div3A_1204 = arith.divsi %sub3A_1202, %jit3A_1203 : i32
    %sign3A_1205 = arith.constant 0 : i32
    %sign3A_1206 = arith.cmpi sgt, %sub3A_1202, %sign3A_1205 : i32
    %sign3A_1207 = arith.extui %sign3A_1206 : i1 to i32
    %sign3A_1208 = arith.constant 0 : i32
    %sign3A_1209 = arith.cmpi slt, %sub3A_1202, %sign3A_1208 : i32
    %sign3A_1210 = arith.extui %sign3A_1209 : i1 to i32
    %sign3A_1211 = arith.subi %sign3A_1207, %sign3A_1210 : i32
    %sign3A_1212 = arith.constant 0 : i32
    %sign3A_1213 = arith.cmpi sgt, %jit3A_1203, %sign3A_1212 : i32
    %sign3A_1214 = arith.extui %sign3A_1213 : i1 to i32
    %sign3A_1215 = arith.constant 0 : i32
    %sign3A_1216 = arith.cmpi slt, %jit3A_1203, %sign3A_1215 : i32
    %sign3A_1217 = arith.extui %sign3A_1216 : i1 to i32
    %sign3A_1218 = arith.subi %sign3A_1214, %sign3A_1217 : i32
    %ne3A_1219 = arith.cmpi ne, %sign3A_1211, %sign3A_1218 : i32
    %rem3A_1220 = arith.remsi %sub3A_1202, %jit3A_1203 : i32
    %ne3A_1221 = arith.constant 0 : i32
    %ne3A_1222 = arith.cmpi ne, %rem3A_1220, %ne3A_1221 : i32
    %and3A_1223 = arith.andi %ne3A_1219, %ne3A_1222 : i1
    %sub3A_1224 = arith.constant 1 : i32
    %sub3A_1225 = arith.subi %div3A_1204, %sub3A_1224 : i32
    %select_n3A_1226 = arith.select %and3A_1223, %sub3A_1225, %div3A_1204 : i32
    %while3A_1227 = arith.constant 0 : i32
    %while3A_1228 = arith.constant 0 : i32
    %while3A_1229 = arith.subi %select_n3A_1226, %while3A_1228 : i32
    %while3A_1230 = arith.addi %while3A_1228, %while3A_1229 : i32
    %while3A_1231 = arith.constant 1 : i32
    %while3A_1232 = arith.divsi %while3A_1229, %while3A_1231 : i32
    %while3A_1233 = arith.muli %while3A_1232, %while3A_1231 : i32
    %while3A_1234 = arith.addi %while3A_1228, %while3A_1233 : i32
    %while3A_1235 = arith.constant 1 : i32
    scf.for %while3A_1504 = %while3A_1228 to %while3A_1234 step %while3A_1235  : i32 {
      %mul3A_1505 = arith.constant 128 : i32
      %mul3A_1506 = arith.muli %while3A_1504, %mul3A_1505 : i32
      %mul3A_1507 = arith.constant 128 : i32
      %mul3A_1508 = arith.muli %while3A_1504, %mul3A_1507 : i32
      %dma_start3A = tpu.memref_slice %arg7[%mul3A_1508] : memref<8192xi32, #tpu.memory_space<vmem>> -> memref<128xi32, #tpu.memory_space<vmem>>
      %dma_start3A_1509 = tpu.memref_slice %arg5[%mul3A_1506] : memref<8192xi32, #tpu.memory_space<vmem>> -> memref<128xi32, #tpu.memory_space<vmem>>
      %dma_start3A_1510 = arith.constant 0 : i32
      %dma_start3A_1511 = tpu.memref_slice %arg2[%dma_start3A_1510] : memref<16777216xi32, #tpu.memory_space<hbm>> -> memref<16777216xi32, #tpu.memory_space<hbm>>
      tpu.enqueue_indirect_dma source(%dma_start3A_1511 : memref<16777216xi32, #tpu.memory_space<hbm>>) target(%dma_start3A : memref<128xi32, #tpu.memory_space<vmem>>) offsets(%dma_start3A_1509 : memref<128xi32, #tpu.memory_space<vmem>>) semaphore(%arg17 : memref<!tpu.dma_semaphore, #tpu.memory_space<semaphore_mem>>)
    }
    %while3A_1236 = arith.constant 1 : i32
    scf.for %while3A_1504 = %while3A_1234 to %while3A_1230 step %while3A_1236  : i32 {
      %mul3A_1505 = arith.constant 128 : i32
      %mul3A_1506 = arith.muli %while3A_1504, %mul3A_1505 : i32
      %mul3A_1507 = arith.constant 128 : i32
      %mul3A_1508 = arith.muli %while3A_1504, %mul3A_1507 : i32
      %dma_start3A = tpu.memref_slice %arg7[%mul3A_1508] : memref<8192xi32, #tpu.memory_space<vmem>> -> memref<128xi32, #tpu.memory_space<vmem>>
      %dma_start3A_1509 = tpu.memref_slice %arg5[%mul3A_1506] : memref<8192xi32, #tpu.memory_space<vmem>> -> memref<128xi32, #tpu.memory_space<vmem>>
      %dma_start3A_1510 = arith.constant 0 : i32
      %dma_start3A_1511 = tpu.memref_slice %arg2[%dma_start3A_1510] : memref<16777216xi32, #tpu.memory_space<hbm>> -> memref<16777216xi32, #tpu.memory_space<hbm>>
      tpu.enqueue_indirect_dma source(%dma_start3A_1511 : memref<16777216xi32, #tpu.memory_space<hbm>>) target(%dma_start3A : memref<128xi32, #tpu.memory_space<vmem>>) offsets(%dma_start3A_1509 : memref<128xi32, #tpu.memory_space<vmem>>) semaphore(%arg17 : memref<!tpu.dma_semaphore, #tpu.memory_space<semaphore_mem>>)
    }
    %scan3A_1237 = arith.constant 0 : i32
    %scan3A_1238 = arith.constant 0 : i32
    %scan3A_1239 = arith.constant 16 : i32
    %scan3A_1240 = arith.addi %scan3A_1238, %scan3A_1239 : i32
    %scan3A_1241 = arith.constant 1 : i32
    scf.for %scan3A_1504 = %scan3A_1238 to %scan3A_1240 step %scan3A_1241  : i32 {
      %mul3A_1505 = arith.constant 128 : i32
      %mul3A_1506 = arith.muli %scan3A_1504, %mul3A_1505 : i32
      %mul3A_1507 = arith.constant 128 : i32
      %mul3A_1508 = arith.muli %scan3A_1504, %mul3A_1507 : i32
      %dma_wait3A = tpu.memref_slice %arg11[%mul3A_1508] : memref<8192xi32, #tpu.memory_space<vmem>> -> memref<128xi32, #tpu.memory_space<vmem>>
      %dma_wait3A_1509 = tpu.memref_slice %arg9[%mul3A_1506] : memref<8192xi32, #tpu.memory_space<vmem>> -> memref<128xi32, #tpu.memory_space<vmem>>
      %dma_wait3A_1510 = arith.constant 0 : i32
      %dma_wait3A_1511 = tpu.memref_slice %arg2[%dma_wait3A_1510] : memref<16777216xi32, #tpu.memory_space<hbm>> -> memref<16777216xi32, #tpu.memory_space<hbm>>
      tpu.wait_indirect_dma semaphore(%arg21 : memref<!tpu.dma_semaphore, #tpu.memory_space<semaphore_mem>>) src(%dma_wait3A_1511 : memref<16777216xi32, #tpu.memory_space<hbm>>) dst(%dma_wait3A : memref<128xi32, #tpu.memory_space<vmem>>)
    }
    %scan3A_1242 = arith.constant 16 : i32
    %scan3A_1243 = arith.constant 0 : i32
    %scan3A_1244 = arith.constant 0 : i32
    %scan3A_1245 = arith.constant 128 : i32
    %scan3A_1246 = arith.addi %scan3A_1244, %scan3A_1245 : i32
    %scan3A_1247 = arith.constant 1 : i32
    %scan3A_1248 = scf.for %scan3A_1504 = %scan3A_1244 to %scan3A_1246 step %scan3A_1247 iter_args(%scan3A_1505 = %scan3A_1243) -> (i32)  : i32 {
      %mul3A_1506 = arith.constant 16 : i32
      %mul3A_1507 = arith.muli %scan3A_1504, %mul3A_1506 : i32
      %get3A = arith.index_cast %mul3A_1507 : i32 to index
      %get3A_1508 = tpu.vector_load %arg11[%get3A] {strides = array<i32>} : memref<8192xi32, #tpu.memory_space<vmem>>, vector<16xi32>,
      %get3A_1509 = arith.index_cast %mul3A_1507 : i32 to index
      %get3A_1510 = tpu.vector_load %arg9[%get3A_1509] {strides = array<i32>} : memref<8192xi32, #tpu.memory_space<vmem>>, vector<16xi32>,
      %swap3A = arith.index_cast %mul3A_1507 : i32 to index
      %swap3A_1511 = tpu.vector_load %arg12[%swap3A] {strides = array<i32>} : memref<8192xi32, #tpu.memory_space<vmem>>, vector<16xi32>,
      tpu.vector_store %arg12[%swap3A], %get3A_1508 {strides = array<i32>} : memref<8192xi32, #tpu.memory_space<vmem>>, vector<16xi32>,
      %ne3A_1512 = arith.cmpi ne, %get3A_1508, %get3A_1510 : vector<16xi32>
      %all_reduce_population_count3A = tpu.all_reduce %ne3A_1512 {dim = 0 : i64, kind = #tpu.reduction_kind<sum>} : vector<16xi1> -> vector<16xi32>
      %slice3A = vector.extract_strided_slice %all_reduce_population_count3A {offsets = [0], sizes = [1], strides = [1]} : vector<16xi32> to vector<1xi32>
      %squeeze3A = vector.extract %slice3A[0] : i32 from vector<1xi32>
      %iota3A = tpu.iota {dimensions = array<i32: 0>} : vector<16xi32>
      %add3A_1513 = vector.broadcast %mul3A_1507 : i32 to vector<16xi32>
      %add3A_1514 = arith.addi %iota3A, %add3A_1513 : vector<16xi32>
      %swap3A_1515 = arith.index_cast %scan3A_1505 : i32 to index
      %swap3A_1516 = tpu.vector_load %arg9[%swap3A_1515] masked %ne3A_1512 {strides = array<i32>} : memref<8192xi32, #tpu.memory_space<vmem>>, vector<16xi32>, vector<16xi1>
      tpu.vector_store %arg9[%swap3A_1515], %get3A_1508 masked %ne3A_1512 {strides = array<i32>} : memref<8192xi32, #tpu.memory_space<vmem>>, vector<16xi32>, vector<16xi1>
      %swap3A_1517 = arith.index_cast %scan3A_1505 : i32 to index
      %swap3A_1518 = tpu.vector_load %arg10[%swap3A_1517] masked %ne3A_1512 {strides = array<i32>} : memref<8192xi32, #tpu.memory_space<vmem>>, vector<16xi32>, vector<16xi1>
      tpu.vector_store %arg10[%swap3A_1517], %add3A_1514 masked %ne3A_1512 {strides = array<i32>} : memref<8192xi32, #tpu.memory_space<vmem>>, vector<16xi32>, vector<16xi1>
      %add3A_1519 = arith.addi %scan3A_1505, %squeeze3A : i32
      scf.yield %add3A_1519 : i32
    }
    %scan3A_1249 = arith.constant 128 : i32
    %scan3A_1250 = arith.constant 0 : i32
    %scan3A_1251 = arith.constant 16 : i32
    %scan3A_1252 = arith.constant 16 : i32
    %scan3A_1253 = arith.addi %scan3A_1251, %scan3A_1252 : i32
    %scan3A_1254 = arith.constant 1 : i32
    scf.for %scan3A_1504 = %scan3A_1251 to %scan3A_1253 step %scan3A_1254  : i32 {
      %mul3A_1505 = arith.constant 128 : i32
      %mul3A_1506 = arith.muli %scan3A_1504, %mul3A_1505 : i32
      %mul3A_1507 = arith.constant 128 : i32
      %mul3A_1508 = arith.muli %scan3A_1504, %mul3A_1507 : i32
      %dma_wait3A = tpu.memref_slice %arg11[%mul3A_1508] : memref<8192xi32, #tpu.memory_space<vmem>> -> memref<128xi32, #tpu.memory_space<vmem>>
      %dma_wait3A_1509 = tpu.memref_slice %arg9[%mul3A_1506] : memref<8192xi32, #tpu.memory_space<vmem>> -> memref<128xi32, #tpu.memory_space<vmem>>
      %dma_wait3A_1510 = arith.constant 0 : i32
      %dma_wait3A_1511 = tpu.memref_slice %arg2[%dma_wait3A_1510] : memref<16777216xi32, #tpu.memory_space<hbm>> -> memref<16777216xi32, #tpu.memory_space<hbm>>
      tpu.wait_indirect_dma semaphore(%arg22 : memref<!tpu.dma_semaphore, #tpu.memory_space<semaphore_mem>>) src(%dma_wait3A_1511 : memref<16777216xi32, #tpu.memory_space<hbm>>) dst(%dma_wait3A : memref<128xi32, #tpu.memory_space<vmem>>)
    }
    %scan3A_1255 = arith.constant 16 : i32
    %scan3A_1256 = arith.constant 128 : i32
    %scan3A_1257 = arith.constant 128 : i32
    %scan3A_1258 = arith.addi %scan3A_1256, %scan3A_1257 : i32
    %scan3A_1259 = arith.constant 1 : i32
    %scan3A_1260 = scf.for %scan3A_1504 = %scan3A_1256 to %scan3A_1258 step %scan3A_1259 iter_args(%scan3A_1505 = %scan3A_1248) -> (i32)  : i32 {
      %mul3A_1506 = arith.constant 16 : i32
      %mul3A_1507 = arith.muli %scan3A_1504, %mul3A_1506 : i32
      %get3A = arith.index_cast %mul3A_1507 : i32 to index
      %get3A_1508 = tpu.vector_load %arg11[%get3A] {strides = array<i32>} : memref<8192xi32, #tpu.memory_space<vmem>>, vector<16xi32>,
      %get3A_1509 = arith.index_cast %mul3A_1507 : i32 to index
      %get3A_1510 = tpu.vector_load %arg9[%get3A_1509] {strides = array<i32>} : memref<8192xi32, #tpu.memory_space<vmem>>, vector<16xi32>,
      %swap3A = arith.index_cast %mul3A_1507 : i32 to index
      %swap3A_1511 = tpu.vector_load %arg12[%swap3A] {strides = array<i32>} : memref<8192xi32, #tpu.memory_space<vmem>>, vector<16xi32>,
      tpu.vector_store %arg12[%swap3A], %get3A_1508 {strides = array<i32>} : memref<8192xi32, #tpu.memory_space<vmem>>, vector<16xi32>,
      %ne3A_1512 = arith.cmpi ne, %get3A_1508, %get3A_1510 : vector<16xi32>
      %all_reduce_population_count3A = tpu.all_reduce %ne3A_1512 {dim = 0 : i64, kind = #tpu.reduction_kind<sum>} : vector<16xi1> -> vector<16xi32>
      %slice3A = vector.extract_strided_slice %all_reduce_population_count3A {offsets = [0], sizes = [1], strides = [1]} : vector<16xi32> to vector<1xi32>
      %squeeze3A = vector.extract %slice3A[0] : i32 from vector<1xi32>
      %iota3A = tpu.iota {dimensions = array<i32: 0>} : vector<16xi32>
      %add3A_1513 = vector.broadcast %mul3A_1507 : i32 to vector<16xi32>
      %add3A_1514 = arith.addi %iota3A, %add3A_1513 : vector<16xi32>
      %swap3A_1515 = arith.index_cast %scan3A_1505 : i32 to index
      %swap3A_1516 = tpu.vector_load %arg9[%swap3A_1515] masked %ne3A_1512 {strides = array<i32>} : memref<8192xi32, #tpu.memory_space<vmem>>, vector<16xi32>, vector<16xi1>
      tpu.vector_store %arg9[%swap3A_1515], %get3A_1508 masked %ne3A_1512 {strides = array<i32>} : memref<8192xi32, #tpu.memory_space<vmem>>, vector<16xi32>, vector<16xi1>
      %swap3A_1517 = arith.index_cast %scan3A_1505 : i32 to index
      %swap3A_1518 = tpu.vector_load %arg10[%swap3A_1517] masked %ne3A_1512 {strides = array<i32>} : memref<8192xi32, #tpu.memory_space<vmem>>, vector<16xi32>, vector<16xi1>
      tpu.vector_store %arg10[%swap3A_1517], %add3A_1514 masked %ne3A_1512 {strides = array<i32>} : memref<8192xi32, #tpu.memory_space<vmem>>, vector<16xi32>, vector<16xi1>
      %add3A_1519 = arith.addi %scan3A_1505, %squeeze3A : i32
      scf.yield %add3A_1519 : i32
    }
    %scan3A_1261 = arith.constant 128 : i32
    %scan3A_1262 = arith.constant 0 : i32
    %scan3A_1263 = arith.constant 32 : i32
    %scan3A_1264 = arith.constant 16 : i32
    %scan3A_1265 = arith.addi %scan3A_1263, %scan3A_1264 : i32
    %scan3A_1266 = arith.constant 1 : i32
    scf.for %scan3A_1504 = %scan3A_1263 to %scan3A_1265 step %scan3A_1266  : i32 {
      %mul3A_1505 = arith.constant 128 : i32
      %mul3A_1506 = arith.muli %scan3A_1504, %mul3A_1505 : i32
      %mul3A_1507 = arith.constant 128 : i32
      %mul3A_1508 = arith.muli %scan3A_1504, %mul3A_1507 : i32
      %dma_wait3A = tpu.memref_slice %arg11[%mul3A_1508] : memref<8192xi32, #tpu.memory_space<vmem>> -> memref<128xi32, #tpu.memory_space<vmem>>
      %dma_wait3A_1509 = tpu.memref_slice %arg9[%mul3A_1506] : memref<8192xi32, #tpu.memory_space<vmem>> -> memref<128xi32, #tpu.memory_space<vmem>>
      %dma_wait3A_1510 = arith.constant 0 : i32
      %dma_wait3A_1511 = tpu.memref_slice %arg2[%dma_wait3A_1510] : memref<16777216xi32, #tpu.memory_space<hbm>> -> memref<16777216xi32, #tpu.memory_space<hbm>>
      tpu.wait_indirect_dma semaphore(%arg23 : memref<!tpu.dma_semaphore, #tpu.memory_space<semaphore_mem>>) src(%dma_wait3A_1511 : memref<16777216xi32, #tpu.memory_space<hbm>>) dst(%dma_wait3A : memref<128xi32, #tpu.memory_space<vmem>>)
    }
    %scan3A_1267 = arith.constant 16 : i32
    %scan3A_1268 = arith.constant 256 : i32
    %scan3A_1269 = arith.constant 128 : i32
    %scan3A_1270 = arith.addi %scan3A_1268, %scan3A_1269 : i32
    %scan3A_1271 = arith.constant 1 : i32
    %scan3A_1272 = scf.for %scan3A_1504 = %scan3A_1268 to %scan3A_1270 step %scan3A_1271 iter_args(%scan3A_1505 = %scan3A_1260) -> (i32)  : i32 {
      %mul3A_1506 = arith.constant 16 : i32
      %mul3A_1507 = arith.muli %scan3A_1504, %mul3A_1506 : i32
      %get3A = arith.index_cast %mul3A_1507 : i32 to index
      %get3A_1508 = tpu.vector_load %arg11[%get3A] {strides = array<i32>} : memref<8192xi32, #tpu.memory_space<vmem>>, vector<16xi32>,
      %get3A_1509 = arith.index_cast %mul3A_1507 : i32 to index
      %get3A_1510 = tpu.vector_load %arg9[%get3A_1509] {strides = array<i32>} : memref<8192xi32, #tpu.memory_space<vmem>>, vector<16xi32>,
      %swap3A = arith.index_cast %mul3A_1507 : i32 to index
      %swap3A_1511 = tpu.vector_load %arg12[%swap3A] {strides = array<i32>} : memref<8192xi32, #tpu.memory_space<vmem>>, vector<16xi32>,
      tpu.vector_store %arg12[%swap3A], %get3A_1508 {strides = array<i32>} : memref<8192xi32, #tpu.memory_space<vmem>>, vector<16xi32>,
      %ne3A_1512 = arith.cmpi ne, %get3A_1508, %get3A_1510 : vector<16xi32>
      %all_reduce_population_count3A = tpu.all_reduce %ne3A_1512 {dim = 0 : i64, kind = #tpu.reduction_kind<sum>} : vector<16xi1> -> vector<16xi32>
      %slice3A = vector.extract_strided_slice %all_reduce_population_count3A {offsets = [0], sizes = [1], strides = [1]} : vector<16xi32> to vector<1xi32>
      %squeeze3A = vector.extract %slice3A[0] : i32 from vector<1xi32>
      %iota3A = tpu.iota {dimensions = array<i32: 0>} : vector<16xi32>
      %add3A_1513 = vector.broadcast %mul3A_1507 : i32 to vector<16xi32>
      %add3A_1514 = arith.addi %iota3A, %add3A_1513 : vector<16xi32>
      %swap3A_1515 = arith.index_cast %scan3A_1505 : i32 to index
      %swap3A_1516 = tpu.vector_load %arg9[%swap3A_1515] masked %ne3A_1512 {strides = array<i32>} : memref<8192xi32, #tpu.memory_space<vmem>>, vector<16xi32>, vector<16xi1>
      tpu.vector_store %arg9[%swap3A_1515], %get3A_1508 masked %ne3A_1512 {strides = array<i32>} : memref<8192xi32, #tpu.memory_space<vmem>>, vector<16xi32>, vector<16xi1>
      %swap3A_1517 = arith.index_cast %scan3A_1505 : i32 to index
      %swap3A_1518 = tpu.vector_load %arg10[%swap3A_1517] masked %ne3A_1512 {strides = array<i32>} : memref<8192xi32, #tpu.memory_space<vmem>>, vector<16xi32>, vector<16xi1>
      tpu.vector_store %arg10[%swap3A_1517], %add3A_1514 masked %ne3A_1512 {strides = array<i32>} : memref<8192xi32, #tpu.memory_space<vmem>>, vector<16xi32>, vector<16xi1>
      %add3A_1519 = arith.addi %scan3A_1505, %squeeze3A : i32
      scf.yield %add3A_1519 : i32
    }
    %scan3A_1273 = arith.constant 128 : i32
    %scan3A_1274 = arith.constant 0 : i32
    %scan3A_1275 = arith.constant 48 : i32
    %scan3A_1276 = arith.constant 16 : i32
    %scan3A_1277 = arith.addi %scan3A_1275, %scan3A_1276 : i32
    %scan3A_1278 = arith.constant 1 : i32
    scf.for %scan3A_1504 = %scan3A_1275 to %scan3A_1277 step %scan3A_1278  : i32 {
      %mul3A_1505 = arith.constant 128 : i32
      %mul3A_1506 = arith.muli %scan3A_1504, %mul3A_1505 : i32
      %mul3A_1507 = arith.constant 128 : i32
      %mul3A_1508 = arith.muli %scan3A_1504, %mul3A_1507 : i32
      %dma_wait3A = tpu.memref_slice %arg11[%mul3A_1508] : memref<8192xi32, #tpu.memory_space<vmem>> -> memref<128xi32, #tpu.memory_space<vmem>>
      %dma_wait3A_1509 = tpu.memref_slice %arg9[%mul3A_1506] : memref<8192xi32, #tpu.memory_space<vmem>> -> memref<128xi32, #tpu.memory_space<vmem>>
      %dma_wait3A_1510 = arith.constant 0 : i32
      %dma_wait3A_1511 = tpu.memref_slice %arg2[%dma_wait3A_1510] : memref<16777216xi32, #tpu.memory_space<hbm>> -> memref<16777216xi32, #tpu.memory_space<hbm>>
      tpu.wait_indirect_dma semaphore(%arg24 : memref<!tpu.dma_semaphore, #tpu.memory_space<semaphore_mem>>) src(%dma_wait3A_1511 : memref<16777216xi32, #tpu.memory_space<hbm>>) dst(%dma_wait3A : memref<128xi32, #tpu.memory_space<vmem>>)
    }
    %scan3A_1279 = arith.constant 16 : i32
    %scan3A_1280 = arith.constant 384 : i32
    %scan3A_1281 = arith.constant 128 : i32
    %scan3A_1282 = arith.addi %scan3A_1280, %scan3A_1281 : i32
    %scan3A_1283 = arith.constant 1 : i32
    %scan3A_1284 = scf.for %scan3A_1504 = %scan3A_1280 to %scan3A_1282 step %scan3A_1283 iter_args(%scan3A_1505 = %scan3A_1272) -> (i32)  : i32 {
      %mul3A_1506 = arith.constant 16 : i32
      %mul3A_1507 = arith.muli %scan3A_1504, %mul3A_1506 : i32
      %get3A = arith.index_cast %mul3A_1507 : i32 to index
      %get3A_1508 = tpu.vector_load %arg11[%get3A] {strides = array<i32>} : memref<8192xi32, #tpu.memory_space<vmem>>, vector<16xi32>,
      %get3A_1509 = arith.index_cast %mul3A_1507 : i32 to index
      %get3A_1510 = tpu.vector_load %arg9[%get3A_1509] {strides = array<i32>} : memref<8192xi32, #tpu.memory_space<vmem>>, vector<16xi32>,
      %swap3A = arith.index_cast %mul3A_1507 : i32 to index
      %swap3A_1511 = tpu.vector_load %arg12[%swap3A] {strides = array<i32>} : memref<8192xi32, #tpu.memory_space<vmem>>, vector<16xi32>,
      tpu.vector_store %arg12[%swap3A], %get3A_1508 {strides = array<i32>} : memref<8192xi32, #tpu.memory_space<vmem>>, vector<16xi32>,
      %ne3A_1512 = arith.cmpi ne, %get3A_1508, %get3A_1510 : vector<16xi32>
      %all_reduce_population_count3A = tpu.all_reduce %ne3A_1512 {dim = 0 : i64, kind = #tpu.reduction_kind<sum>} : vector<16xi1> -> vector<16xi32>
      %slice3A = vector.extract_strided_slice %all_reduce_population_count3A {offsets = [0], sizes = [1], strides = [1]} : vector<16xi32> to vector<1xi32>
      %squeeze3A = vector.extract %slice3A[0] : i32 from vector<1xi32>
      %iota3A = tpu.iota {dimensions = array<i32: 0>} : vector<16xi32>
      %add3A_1513 = vector.broadcast %mul3A_1507 : i32 to vector<16xi32>
      %add3A_1514 = arith.addi %iota3A, %add3A_1513 : vector<16xi32>
      %swap3A_1515 = arith.index_cast %scan3A_1505 : i32 to index
      %swap3A_1516 = tpu.vector_load %arg9[%swap3A_1515] masked %ne3A_1512 {strides = array<i32>} : memref<8192xi32, #tpu.memory_space<vmem>>, vector<16xi32>, vector<16xi1>
      tpu.vector_store %arg9[%swap3A_1515], %get3A_1508 masked %ne3A_1512 {strides = array<i32>} : memref<8192xi32, #tpu.memory_space<vmem>>, vector<16xi32>, vector<16xi1>
      %swap3A_1517 = arith.index_cast %scan3A_1505 : i32 to index
      %swap3A_1518 = tpu.vector_load %arg10[%swap3A_1517] masked %ne3A_1512 {strides = array<i32>} : memref<8192xi32, #tpu.memory_space<vmem>>, vector<16xi32>, vector<16xi1>
      tpu.vector_store %arg10[%swap3A_1517], %add3A_1514 masked %ne3A_1512 {strides = array<i32>} : memref<8192xi32, #tpu.memory_space<vmem>>, vector<16xi32>, vector<16xi1>
      %add3A_1519 = arith.addi %scan3A_1505, %squeeze3A : i32
      scf.yield %add3A_1519 : i32
    }
    %scan3A_1285 = arith.constant 128 : i32
    %add3A_1286 = arith.constant 128 : i32
    %add3A_1287 = arith.addi %scan3A_1284, %add3A_1286 : i32
    %sub3A_1288 = arith.constant 1 : i32
    %sub3A_1289 = arith.subi %add3A_1287, %sub3A_1288 : i32
    %jit3A_1290 = arith.constant 128 : i32
    %div3A_1291 = arith.divsi %sub3A_1289, %jit3A_1290 : i32
    %sign3A_1292 = arith.constant 0 : i32
    %sign3A_1293 = arith.cmpi sgt, %sub3A_1289, %sign3A_1292 : i32
    %sign3A_1294 = arith.extui %sign3A_1293 : i1 to i32
    %sign3A_1295 = arith.constant 0 : i32
    %sign3A_1296 = arith.cmpi slt, %sub3A_1289, %sign3A_1295 : i32
    %sign3A_1297 = arith.extui %sign3A_1296 : i1 to i32
    %sign3A_1298 = arith.subi %sign3A_1294, %sign3A_1297 : i32
    %sign3A_1299 = arith.constant 0 : i32
    %sign3A_1300 = arith.cmpi sgt, %jit3A_1290, %sign3A_1299 : i32
    %sign3A_1301 = arith.extui %sign3A_1300 : i1 to i32
    %sign3A_1302 = arith.constant 0 : i32
    %sign3A_1303 = arith.cmpi slt, %jit3A_1290, %sign3A_1302 : i32
    %sign3A_1304 = arith.extui %sign3A_1303 : i1 to i32
    %sign3A_1305 = arith.subi %sign3A_1301, %sign3A_1304 : i32
    %ne3A_1306 = arith.cmpi ne, %sign3A_1298, %sign3A_1305 : i32
    %rem3A_1307 = arith.remsi %sub3A_1289, %jit3A_1290 : i32
    %ne3A_1308 = arith.constant 0 : i32
    %ne3A_1309 = arith.cmpi ne, %rem3A_1307, %ne3A_1308 : i32
    %and3A_1310 = arith.andi %ne3A_1306, %ne3A_1309 : i1
    %sub3A_1311 = arith.constant 1 : i32
    %sub3A_1312 = arith.subi %div3A_1291, %sub3A_1311 : i32
    %select_n3A_1313 = arith.select %and3A_1310, %sub3A_1312, %div3A_1291 : i32
    %while3A_1314 = arith.constant 0 : i32
    %while3A_1315 = arith.constant 0 : i32
    %while3A_1316 = arith.subi %select_n3A_1313, %while3A_1315 : i32
    %while3A_1317 = arith.addi %while3A_1315, %while3A_1316 : i32
    %while3A_1318 = arith.constant 1 : i32
    %while3A_1319 = arith.divsi %while3A_1316, %while3A_1318 : i32
    %while3A_1320 = arith.muli %while3A_1319, %while3A_1318 : i32
    %while3A_1321 = arith.addi %while3A_1315, %while3A_1320 : i32
    %while3A_1322 = arith.constant 1 : i32
    scf.for %while3A_1504 = %while3A_1315 to %while3A_1321 step %while3A_1322  : i32 {
      %mul3A_1505 = arith.constant 128 : i32
      %mul3A_1506 = arith.muli %while3A_1504, %mul3A_1505 : i32
      %mul3A_1507 = arith.constant 128 : i32
      %mul3A_1508 = arith.muli %while3A_1504, %mul3A_1507 : i32
      %dma_start3A = tpu.memref_slice %arg11[%mul3A_1508] : memref<8192xi32, #tpu.memory_space<vmem>> -> memref<128xi32, #tpu.memory_space<vmem>>
      %dma_start3A_1509 = tpu.memref_slice %arg9[%mul3A_1506] : memref<8192xi32, #tpu.memory_space<vmem>> -> memref<128xi32, #tpu.memory_space<vmem>>
      %dma_start3A_1510 = arith.constant 0 : i32
      %dma_start3A_1511 = tpu.memref_slice %arg2[%dma_start3A_1510] : memref<16777216xi32, #tpu.memory_space<hbm>> -> memref<16777216xi32, #tpu.memory_space<hbm>>
      tpu.enqueue_indirect_dma source(%dma_start3A_1511 : memref<16777216xi32, #tpu.memory_space<hbm>>) target(%dma_start3A : memref<128xi32, #tpu.memory_space<vmem>>) offsets(%dma_start3A_1509 : memref<128xi32, #tpu.memory_space<vmem>>) semaphore(%arg21 : memref<!tpu.dma_semaphore, #tpu.memory_space<semaphore_mem>>)
    }
    %while3A_1323 = arith.constant 1 : i32
    scf.for %while3A_1504 = %while3A_1321 to %while3A_1317 step %while3A_1323  : i32 {
      %mul3A_1505 = arith.constant 128 : i32
      %mul3A_1506 = arith.muli %while3A_1504, %mul3A_1505 : i32
      %mul3A_1507 = arith.constant 128 : i32
      %mul3A_1508 = arith.muli %while3A_1504, %mul3A_1507 : i32
      %dma_start3A = tpu.memref_slice %arg11[%mul3A_1508] : memref<8192xi32, #tpu.memory_space<vmem>> -> memref<128xi32, #tpu.memory_space<vmem>>
      %dma_start3A_1509 = tpu.memref_slice %arg9[%mul3A_1506] : memref<8192xi32, #tpu.memory_space<vmem>> -> memref<128xi32, #tpu.memory_space<vmem>>
      %dma_start3A_1510 = arith.constant 0 : i32
      %dma_start3A_1511 = tpu.memref_slice %arg2[%dma_start3A_1510] : memref<16777216xi32, #tpu.memory_space<hbm>> -> memref<16777216xi32, #tpu.memory_space<hbm>>
      tpu.enqueue_indirect_dma source(%dma_start3A_1511 : memref<16777216xi32, #tpu.memory_space<hbm>>) target(%dma_start3A : memref<128xi32, #tpu.memory_space<vmem>>) offsets(%dma_start3A_1509 : memref<128xi32, #tpu.memory_space<vmem>>) semaphore(%arg21 : memref<!tpu.dma_semaphore, #tpu.memory_space<semaphore_mem>>)
    }
    %while3A_1324:2 = scf.while (%while3A_1504 = %scan3A_1197, %while3A_1505 = %scan3A_1284) : (i32, i32) -> (i32, i32) {
      %gt3A = arith.constant 0 : i32
      %gt3A_1506 = arith.cmpi sgt, %while3A_1504, %gt3A : i32
      %gt3A_1507 = arith.constant 0 : i32
      %gt3A_1508 = arith.cmpi sgt, %while3A_1505, %gt3A_1507 : i32
      %or3A = arith.ori %gt3A_1506, %gt3A_1508 : i1
      scf.condition(%or3A) %while3A_1504, %while3A_1505 : i32, i32
    } do {
    ^bb0(%while3A_1504: i32, %while3A_1505: i32):
      %jit3A_1506 = arith.constant 16 : i32
      %div3A_1507 = arith.divsi %while3A_1504, %jit3A_1506 : i32
      %sign3A_1508 = arith.constant 0 : i32
      %sign3A_1509 = arith.cmpi sgt, %while3A_1504, %sign3A_1508 : i32
      %sign3A_1510 = arith.extui %sign3A_1509 : i1 to i32
      %sign3A_1511 = arith.constant 0 : i32
      %sign3A_1512 = arith.cmpi slt, %while3A_1504, %sign3A_1511 : i32
      %sign3A_1513 = arith.extui %sign3A_1512 : i1 to i32
      %sign3A_1514 = arith.subi %sign3A_1510, %sign3A_1513 : i32
      %sign3A_1515 = arith.constant 0 : i32
      %sign3A_1516 = arith.cmpi sgt, %jit3A_1506, %sign3A_1515 : i32
      %sign3A_1517 = arith.extui %sign3A_1516 : i1 to i32
      %sign3A_1518 = arith.constant 0 : i32
      %sign3A_1519 = arith.cmpi slt, %jit3A_1506, %sign3A_1518 : i32
      %sign3A_1520 = arith.extui %sign3A_1519 : i1 to i32
      %sign3A_1521 = arith.subi %sign3A_1517, %sign3A_1520 : i32
      %ne3A_1522 = arith.cmpi ne, %sign3A_1514, %sign3A_1521 : i32
      %rem3A_1523 = arith.remsi %while3A_1504, %jit3A_1506 : i32
      %ne3A_1524 = arith.constant 0 : i32
      %ne3A_1525 = arith.cmpi ne, %rem3A_1523, %ne3A_1524 : i32
      %and3A_1526 = arith.andi %ne3A_1522, %ne3A_1525 : i1
      %sub3A_1527 = arith.constant 1 : i32
      %sub3A_1528 = arith.subi %div3A_1507, %sub3A_1527 : i32
      %select_n3A_1529 = arith.select %and3A_1526, %sub3A_1528, %div3A_1507 : i32
      %jit3A_1530 = arith.constant 16 : i32
      %eq3A = arith.constant 0 : i32
      %eq3A_1531 = arith.cmpi eq, %jit3A_1530, %eq3A : i32
      %jit3A_1532 = arith.constant 1 : i32
      %select_n3A_1533 = arith.select %eq3A_1531, %jit3A_1532, %jit3A_1530 : i32
      %rem3A_1534 = arith.remsi %while3A_1504, %select_n3A_1533 : i32
      %ne3A_1535 = arith.constant 0 : i32
      %ne3A_1536 = arith.cmpi ne, %rem3A_1534, %ne3A_1535 : i32
      %lt3A = arith.constant 0 : i32
      %lt3A_1537 = arith.cmpi slt, %rem3A_1534, %lt3A : i32
      %lt3A_1538 = arith.constant 0 : i32
      %lt3A_1539 = arith.cmpi slt, %select_n3A_1533, %lt3A_1538 : i32
      %ne3A_1540 = arith.xori %lt3A_1537, %lt3A_1539 : i1
      %and3A_1541 = arith.andi %ne3A_1540, %ne3A_1536 : i1
      %add3A_1542 = arith.addi %rem3A_1534, %select_n3A_1533 : i32
      %select_n3A_1543 = arith.select %and3A_1541, %add3A_1542, %rem3A_1534 : i32
      %ne3A_1544 = arith.constant 0 : i32
      %ne3A_1545 = arith.cmpi ne, %select_n3A_1543, %ne3A_1544 : i32
      %convert_element_type3A = arith.extui %ne3A_1545 : i1 to i32
      %add3A_1546 = arith.constant 128 : i32
      %add3A_1547 = arith.addi %while3A_1504, %add3A_1546 : i32
      %sub3A_1548 = arith.constant 1 : i32
      %sub3A_1549 = arith.subi %add3A_1547, %sub3A_1548 : i32
      %jit3A_1550 = arith.constant 128 : i32
      %div3A_1551 = arith.divsi %sub3A_1549, %jit3A_1550 : i32
      %sign3A_1552 = arith.constant 0 : i32
      %sign3A_1553 = arith.cmpi sgt, %sub3A_1549, %sign3A_1552 : i32
      %sign3A_1554 = arith.extui %sign3A_1553 : i1 to i32
      %sign3A_1555 = arith.constant 0 : i32
      %sign3A_1556 = arith.cmpi slt, %sub3A_1549, %sign3A_1555 : i32
      %sign3A_1557 = arith.extui %sign3A_1556 : i1 to i32
      %sign3A_1558 = arith.subi %sign3A_1554, %sign3A_1557 : i32
      %sign3A_1559 = arith.constant 0 : i32
      %sign3A_1560 = arith.cmpi sgt, %jit3A_1550, %sign3A_1559 : i32
      %sign3A_1561 = arith.extui %sign3A_1560 : i1 to i32
      %sign3A_1562 = arith.constant 0 : i32
      %sign3A_1563 = arith.cmpi slt, %jit3A_1550, %sign3A_1562 : i32
      %sign3A_1564 = arith.extui %sign3A_1563 : i1 to i32
      %sign3A_1565 = arith.subi %sign3A_1561, %sign3A_1564 : i32
      %ne3A_1566 = arith.cmpi ne, %sign3A_1558, %sign3A_1565 : i32
      %rem3A_1567 = arith.remsi %sub3A_1549, %jit3A_1550 : i32
      %ne3A_1568 = arith.constant 0 : i32
      %ne3A_1569 = arith.cmpi ne, %rem3A_1567, %ne3A_1568 : i32
      %and3A_1570 = arith.andi %ne3A_1566, %ne3A_1569 : i1
      %sub3A_1571 = arith.constant 1 : i32
      %sub3A_1572 = arith.subi %div3A_1551, %sub3A_1571 : i32
      %select_n3A_1573 = arith.select %and3A_1570, %sub3A_1572, %div3A_1551 : i32
      %while3A_1574 = arith.constant 0 : i32
      %while3A_1575 = arith.constant 0 : i32
      %while3A_1576 = arith.subi %select_n3A_1573, %while3A_1575 : i32
      %while3A_1577 = arith.addi %while3A_1575, %while3A_1576 : i32
      %while3A_1578 = arith.constant 1 : i32
      %while3A_1579 = arith.divsi %while3A_1576, %while3A_1578 : i32
      %while3A_1580 = arith.muli %while3A_1579, %while3A_1578 : i32
      %while3A_1581 = arith.addi %while3A_1575, %while3A_1580 : i32
      %while3A_1582 = arith.constant 1 : i32
      scf.for %while3A_1787 = %while3A_1575 to %while3A_1581 step %while3A_1582  : i32 {
        %mul3A_1788 = arith.constant 128 : i32
        %mul3A_1789 = arith.muli %while3A_1787, %mul3A_1788 : i32
        %mul3A_1790 = arith.constant 128 : i32
        %mul3A_1791 = arith.muli %while3A_1787, %mul3A_1790 : i32
        %dma_wait3A = tpu.memref_slice %arg7[%mul3A_1791] : memref<8192xi32, #tpu.memory_space<vmem>> -> memref<128xi32, #tpu.memory_space<vmem>>
        %dma_wait3A_1792 = tpu.memref_slice %arg5[%mul3A_1789] : memref<8192xi32, #tpu.memory_space<vmem>> -> memref<128xi32, #tpu.memory_space<vmem>>
        %dma_wait3A_1793 = arith.constant 0 : i32
        %dma_wait3A_1794 = tpu.memref_slice %arg2[%dma_wait3A_1793] : memref<16777216xi32, #tpu.memory_space<hbm>> -> memref<16777216xi32, #tpu.memory_space<hbm>>
        tpu.wait_indirect_dma semaphore(%arg17 : memref<!tpu.dma_semaphore, #tpu.memory_space<semaphore_mem>>) src(%dma_wait3A_1794 : memref<16777216xi32, #tpu.memory_space<hbm>>) dst(%dma_wait3A : memref<128xi32, #tpu.memory_space<vmem>>)
      }
      %while3A_1583 = arith.constant 1 : i32
      scf.for %while3A_1787 = %while3A_1581 to %while3A_1577 step %while3A_1583  : i32 {
        %mul3A_1788 = arith.constant 128 : i32
        %mul3A_1789 = arith.muli %while3A_1787, %mul3A_1788 : i32
        %mul3A_1790 = arith.constant 128 : i32
        %mul3A_1791 = arith.muli %while3A_1787, %mul3A_1790 : i32
        %dma_wait3A = tpu.memref_slice %arg7[%mul3A_1791] : memref<8192xi32, #tpu.memory_space<vmem>> -> memref<128xi32, #tpu.memory_space<vmem>>
        %dma_wait3A_1792 = tpu.memref_slice %arg5[%mul3A_1789] : memref<8192xi32, #tpu.memory_space<vmem>> -> memref<128xi32, #tpu.memory_space<vmem>>
        %dma_wait3A_1793 = arith.constant 0 : i32
        %dma_wait3A_1794 = tpu.memref_slice %arg2[%dma_wait3A_1793] : memref<16777216xi32, #tpu.memory_space<hbm>> -> memref<16777216xi32, #tpu.memory_space<hbm>>
        tpu.wait_indirect_dma semaphore(%arg17 : memref<!tpu.dma_semaphore, #tpu.memory_space<semaphore_mem>>) src(%dma_wait3A_1794 : memref<16777216xi32, #tpu.memory_space<hbm>>) dst(%dma_wait3A : memref<128xi32, #tpu.memory_space<vmem>>)
      }
      %while3A_1584 = arith.constant 0 : i32
      %while3A_1585 = arith.constant 0 : i32
      %while3A_1586 = arith.subi %select_n3A_1529, %while3A_1584 : i32
      %while3A_1587 = arith.addi %while3A_1584, %while3A_1586 : i32
      %while3A_1588 = arith.constant 1 : i32
      %while3A_1589 = arith.divsi %while3A_1586, %while3A_1588 : i32
      %while3A_1590 = arith.muli %while3A_1589, %while3A_1588 : i32
      %while3A_1591 = arith.addi %while3A_1584, %while3A_1590 : i32
      %while3A_1592 = arith.constant 1 : i32
      %while3A_1593 = scf.for %while3A_1787 = %while3A_1584 to %while3A_1591 step %while3A_1592 iter_args(%while3A_1788 = %while3A_1585) -> (i32)  : i32 {
        %mul3A_1789 = arith.constant 16 : i32
        %mul3A_1790 = arith.muli %while3A_1787, %mul3A_1789 : i32
        %get3A = arith.index_cast %mul3A_1790 : i32 to index
        %get3A_1791 = tpu.vector_load %arg7[%get3A] {strides = array<i32>} : memref<8192xi32, #tpu.memory_space<vmem>>, vector<16xi32>,
        %get3A_1792 = arith.index_cast %mul3A_1790 : i32 to index
        %get3A_1793 = tpu.vector_load %arg5[%get3A_1792] {strides = array<i32>} : memref<8192xi32, #tpu.memory_space<vmem>>, vector<16xi32>,
        %get3A_1794 = arith.index_cast %mul3A_1790 : i32 to index
        %get3A_1795 = tpu.vector_load %arg6[%get3A_1794] {strides = array<i32>} : memref<8192xi32, #tpu.memory_space<vmem>>, vector<16xi32>,
        %eq3A_1796 = arith.cmpi eq, %get3A_1791, %get3A_1793 : vector<16xi32>
        %not3A = arith.constant dense<true> : vector<16xi1>
        %not3A_1797 = arith.xori %eq3A_1796, %not3A : vector<16xi1>
        tpu.vector_store_idx %arg8[%get3A_1795], %get3A_1791 masked %eq3A_1796 : memref<8192xi32, #tpu.memory_space<vmem>>[vector<16xi32>], vector<16xi32>, vector<16xi1>
        %all_reduce_population_count3A = tpu.all_reduce %not3A_1797 {dim = 0 : i64, kind = #tpu.reduction_kind<sum>} : vector<16xi1> -> vector<16xi32>
        %slice3A = vector.extract_strided_slice %all_reduce_population_count3A {offsets = [0], sizes = [1], strides = [1]} : vector<16xi32> to vector<1xi32>
        %squeeze3A = vector.extract %slice3A[0] : i32 from vector<1xi32>
        %swap3A = arith.index_cast %while3A_1788 : i32 to index
        %swap3A_1798 = tpu.vector_load %arg5[%swap3A] masked %not3A_1797 {strides = array<i32>} : memref<8192xi32, #tpu.memory_space<vmem>>, vector<16xi32>, vector<16xi1>
        tpu.vector_store %arg5[%swap3A], %get3A_1791 masked %not3A_1797 {strides = array<i32>} : memref<8192xi32, #tpu.memory_space<vmem>>, vector<16xi32>, vector<16xi1>
        %swap3A_1799 = arith.index_cast %while3A_1788 : i32 to index
        %swap3A_1800 = tpu.vector_load %arg6[%swap3A_1799] masked %not3A_1797 {strides = array<i32>} : memref<8192xi32, #tpu.memory_space<vmem>>, vector<16xi32>, vector<16xi1>
        tpu.vector_store %arg6[%swap3A_1799], %get3A_1795 masked %not3A_1797 {strides = array<i32>} : memref<8192xi32, #tpu.memory_space<vmem>>, vector<16xi32>, vector<16xi1>
        %add3A_1801 = arith.addi %while3A_1788, %squeeze3A : i32
        scf.yield %add3A_1801 : i32
      }
      %while3A_1594 = arith.constant 1 : i32
      %while3A_1595 = scf.for %while3A_1787 = %while3A_1591 to %while3A_1587 step %while3A_1594 iter_args(%while3A_1788 = %while3A_1593) -> (i32)  : i32 {
        %mul3A_1789 = arith.constant 16 : i32
        %mul3A_1790 = arith.muli %while3A_1787, %mul3A_1789 : i32
        %get3A = arith.index_cast %mul3A_1790 : i32 to index
        %get3A_1791 = tpu.vector_load %arg7[%get3A] {strides = array<i32>} : memref<8192xi32, #tpu.memory_space<vmem>>, vector<16xi32>,
        %get3A_1792 = arith.index_cast %mul3A_1790 : i32 to index
        %get3A_1793 = tpu.vector_load %arg5[%get3A_1792] {strides = array<i32>} : memref<8192xi32, #tpu.memory_space<vmem>>, vector<16xi32>,
        %get3A_1794 = arith.index_cast %mul3A_1790 : i32 to index
        %get3A_1795 = tpu.vector_load %arg6[%get3A_1794] {strides = array<i32>} : memref<8192xi32, #tpu.memory_space<vmem>>, vector<16xi32>,
        %eq3A_1796 = arith.cmpi eq, %get3A_1791, %get3A_1793 : vector<16xi32>
        %not3A = arith.constant dense<true> : vector<16xi1>
        %not3A_1797 = arith.xori %eq3A_1796, %not3A : vector<16xi1>
        tpu.vector_store_idx %arg8[%get3A_1795], %get3A_1791 masked %eq3A_1796 : memref<8192xi32, #tpu.memory_space<vmem>>[vector<16xi32>], vector<16xi32>, vector<16xi1>
        %all_reduce_population_count3A = tpu.all_reduce %not3A_1797 {dim = 0 : i64, kind = #tpu.reduction_kind<sum>} : vector<16xi1> -> vector<16xi32>
        %slice3A = vector.extract_strided_slice %all_reduce_population_count3A {offsets = [0], sizes = [1], strides = [1]} : vector<16xi32> to vector<1xi32>
        %squeeze3A = vector.extract %slice3A[0] : i32 from vector<1xi32>
        %swap3A = arith.index_cast %while3A_1788 : i32 to index
        %swap3A_1798 = tpu.vector_load %arg5[%swap3A] masked %not3A_1797 {strides = array<i32>} : memref<8192xi32, #tpu.memory_space<vmem>>, vector<16xi32>, vector<16xi1>
        tpu.vector_store %arg5[%swap3A], %get3A_1791 masked %not3A_1797 {strides = array<i32>} : memref<8192xi32, #tpu.memory_space<vmem>>, vector<16xi32>, vector<16xi1>
        %swap3A_1799 = arith.index_cast %while3A_1788 : i32 to index
        %swap3A_1800 = tpu.vector_load %arg6[%swap3A_1799] masked %not3A_1797 {strides = array<i32>} : memref<8192xi32, #tpu.memory_space<vmem>>, vector<16xi32>, vector<16xi1>
        tpu.vector_store %arg6[%swap3A_1799], %get3A_1795 masked %not3A_1797 {strides = array<i32>} : memref<8192xi32, #tpu.memory_space<vmem>>, vector<16xi32>, vector<16xi1>
        %add3A_1801 = arith.addi %while3A_1788, %squeeze3A : i32
        scf.yield %add3A_1801 : i32
      }
      %while3A_1596 = arith.constant 0 : i32
      %while3A_1597 = arith.subi %convert_element_type3A, %while3A_1596 : i32
      %while3A_1598 = arith.addi %while3A_1596, %while3A_1597 : i32
      %while3A_1599 = arith.constant 1 : i32
      %while3A_1600 = arith.divsi %while3A_1597, %while3A_1599 : i32
      %while3A_1601 = arith.muli %while3A_1600, %while3A_1599 : i32
      %while3A_1602 = arith.addi %while3A_1596, %while3A_1601 : i32
      %while3A_1603 = arith.constant 1 : i32
      %while3A_1604 = scf.for %while3A_1787 = %while3A_1596 to %while3A_1602 step %while3A_1603 iter_args(%while3A_1788 = %while3A_1595) -> (i32)  : i32 {
        %mul3A_1789 = arith.constant 16 : i32
        %mul3A_1790 = arith.muli %select_n3A_1529, %mul3A_1789 : i32
        %get3A = arith.index_cast %mul3A_1790 : i32 to index
        %get3A_1791 = tpu.vector_load %arg7[%get3A] {strides = array<i32>} : memref<8192xi32, #tpu.memory_space<vmem>>, vector<16xi32>,
        %get3A_1792 = arith.index_cast %mul3A_1790 : i32 to index
        %get3A_1793 = tpu.vector_load %arg5[%get3A_1792] {strides = array<i32>} : memref<8192xi32, #tpu.memory_space<vmem>>, vector<16xi32>,
        %get3A_1794 = arith.index_cast %mul3A_1790 : i32 to index
        %get3A_1795 = tpu.vector_load %arg6[%get3A_1794] {strides = array<i32>} : memref<8192xi32, #tpu.memory_space<vmem>>, vector<16xi32>,
        %iota3A = tpu.iota {dimensions = array<i32: 0>} : vector<16xi32>
        %add3A_1796 = vector.broadcast %mul3A_1790 : i32 to vector<16xi32>
        %add3A_1797 = arith.addi %iota3A, %add3A_1796 : vector<16xi32>
        %lt3A_1798 = vector.broadcast %while3A_1504 : i32 to vector<16xi32>
        %lt3A_1799 = arith.cmpi slt, %add3A_1797, %lt3A_1798 : vector<16xi32>
        %eq3A_1800 = arith.cmpi eq, %get3A_1791, %get3A_1793 : vector<16xi32>
        %and3A_1801 = arith.andi %eq3A_1800, %lt3A_1799 : vector<16xi1>
        %not3A = arith.constant dense<true> : vector<16xi1>
        %not3A_1802 = arith.xori %eq3A_1800, %not3A : vector<16xi1>
        %and3A_1803 = arith.andi %not3A_1802, %lt3A_1799 : vector<16xi1>
        tpu.vector_store_idx %arg8[%get3A_1795], %get3A_1791 masked %and3A_1801 : memref<8192xi32, #tpu.memory_space<vmem>>[vector<16xi32>], vector<16xi32>, vector<16xi1>
        %all_reduce_population_count3A = tpu.all_reduce %and3A_1803 {dim = 0 : i64, kind = #tpu.reduction_kind<sum>} : vector<16xi1> -> vector<16xi32>
        %slice3A = vector.extract_strided_slice %all_reduce_population_count3A {offsets = [0], sizes = [1], strides = [1]} : vector<16xi32> to vector<1xi32>
        %squeeze3A = vector.extract %slice3A[0] : i32 from vector<1xi32>
        %swap3A = arith.index_cast %while3A_1788 : i32 to index
        %swap3A_1804 = tpu.vector_load %arg5[%swap3A] masked %and3A_1803 {strides = array<i32>} : memref<8192xi32, #tpu.memory_space<vmem>>, vector<16xi32>, vector<16xi1>
        tpu.vector_store %arg5[%swap3A], %get3A_1791 masked %and3A_1803 {strides = array<i32>} : memref<8192xi32, #tpu.memory_space<vmem>>, vector<16xi32>, vector<16xi1>
        %swap3A_1805 = arith.index_cast %while3A_1788 : i32 to index
        %swap3A_1806 = tpu.vector_load %arg6[%swap3A_1805] masked %and3A_1803 {strides = array<i32>} : memref<8192xi32, #tpu.memory_space<vmem>>, vector<16xi32>, vector<16xi1>
        tpu.vector_store %arg6[%swap3A_1805], %get3A_1795 masked %and3A_1803 {strides = array<i32>} : memref<8192xi32, #tpu.memory_space<vmem>>, vector<16xi32>, vector<16xi1>
        %add3A_1807 = arith.addi %while3A_1788, %squeeze3A : i32
        scf.yield %add3A_1807 : i32
      }
      %while3A_1605 = arith.constant 1 : i32
      %while3A_1606 = scf.for %while3A_1787 = %while3A_1602 to %while3A_1598 step %while3A_1605 iter_args(%while3A_1788 = %while3A_1604) -> (i32)  : i32 {
        %mul3A_1789 = arith.constant 16 : i32
        %mul3A_1790 = arith.muli %select_n3A_1529, %mul3A_1789 : i32
        %get3A = arith.index_cast %mul3A_1790 : i32 to index
        %get3A_1791 = tpu.vector_load %arg7[%get3A] {strides = array<i32>} : memref<8192xi32, #tpu.memory_space<vmem>>, vector<16xi32>,
        %get3A_1792 = arith.index_cast %mul3A_1790 : i32 to index
        %get3A_1793 = tpu.vector_load %arg5[%get3A_1792] {strides = array<i32>} : memref<8192xi32, #tpu.memory_space<vmem>>, vector<16xi32>,
        %get3A_1794 = arith.index_cast %mul3A_1790 : i32 to index
        %get3A_1795 = tpu.vector_load %arg6[%get3A_1794] {strides = array<i32>} : memref<8192xi32, #tpu.memory_space<vmem>>, vector<16xi32>,
        %iota3A = tpu.iota {dimensions = array<i32: 0>} : vector<16xi32>
        %add3A_1796 = vector.broadcast %mul3A_1790 : i32 to vector<16xi32>
        %add3A_1797 = arith.addi %iota3A, %add3A_1796 : vector<16xi32>
        %lt3A_1798 = vector.broadcast %while3A_1504 : i32 to vector<16xi32>
        %lt3A_1799 = arith.cmpi slt, %add3A_1797, %lt3A_1798 : vector<16xi32>
        %eq3A_1800 = arith.cmpi eq, %get3A_1791, %get3A_1793 : vector<16xi32>
        %and3A_1801 = arith.andi %eq3A_1800, %lt3A_1799 : vector<16xi1>
        %not3A = arith.constant dense<true> : vector<16xi1>
        %not3A_1802 = arith.xori %eq3A_1800, %not3A : vector<16xi1>
        %and3A_1803 = arith.andi %not3A_1802, %lt3A_1799 : vector<16xi1>
        tpu.vector_store_idx %arg8[%get3A_1795], %get3A_1791 masked %and3A_1801 : memref<8192xi32, #tpu.memory_space<vmem>>[vector<16xi32>], vector<16xi32>, vector<16xi1>
        %all_reduce_population_count3A = tpu.all_reduce %and3A_1803 {dim = 0 : i64, kind = #tpu.reduction_kind<sum>} : vector<16xi1> -> vector<16xi32>
        %slice3A = vector.extract_strided_slice %all_reduce_population_count3A {offsets = [0], sizes = [1], strides = [1]} : vector<16xi32> to vector<1xi32>
        %squeeze3A = vector.extract %slice3A[0] : i32 from vector<1xi32>
        %swap3A = arith.index_cast %while3A_1788 : i32 to index
        %swap3A_1804 = tpu.vector_load %arg5[%swap3A] masked %and3A_1803 {strides = array<i32>} : memref<8192xi32, #tpu.memory_space<vmem>>, vector<16xi32>, vector<16xi1>
        tpu.vector_store %arg5[%swap3A], %get3A_1791 masked %and3A_1803 {strides = array<i32>} : memref<8192xi32, #tpu.memory_space<vmem>>, vector<16xi32>, vector<16xi1>
        %swap3A_1805 = arith.index_cast %while3A_1788 : i32 to index
        %swap3A_1806 = tpu.vector_load %arg6[%swap3A_1805] masked %and3A_1803 {strides = array<i32>} : memref<8192xi32, #tpu.memory_space<vmem>>, vector<16xi32>, vector<16xi1>
        tpu.vector_store %arg6[%swap3A_1805], %get3A_1795 masked %and3A_1803 {strides = array<i32>} : memref<8192xi32, #tpu.memory_space<vmem>>, vector<16xi32>, vector<16xi1>
        %add3A_1807 = arith.addi %while3A_1788, %squeeze3A : i32
        scf.yield %add3A_1807 : i32
      }
      %add3A_1607 = arith.constant 128 : i32
      %add3A_1608 = arith.addi %while3A_1606, %add3A_1607 : i32
      %sub3A_1609 = arith.constant 1 : i32
      %sub3A_1610 = arith.subi %add3A_1608, %sub3A_1609 : i32
      %jit3A_1611 = arith.constant 128 : i32
      %div3A_1612 = arith.divsi %sub3A_1610, %jit3A_1611 : i32
      %sign3A_1613 = arith.constant 0 : i32
      %sign3A_1614 = arith.cmpi sgt, %sub3A_1610, %sign3A_1613 : i32
      %sign3A_1615 = arith.extui %sign3A_1614 : i1 to i32
      %sign3A_1616 = arith.constant 0 : i32
      %sign3A_1617 = arith.cmpi slt, %sub3A_1610, %sign3A_1616 : i32
      %sign3A_1618 = arith.extui %sign3A_1617 : i1 to i32
      %sign3A_1619 = arith.subi %sign3A_1615, %sign3A_1618 : i32
      %sign3A_1620 = arith.constant 0 : i32
      %sign3A_1621 = arith.cmpi sgt, %jit3A_1611, %sign3A_1620 : i32
      %sign3A_1622 = arith.extui %sign3A_1621 : i1 to i32
      %sign3A_1623 = arith.constant 0 : i32
      %sign3A_1624 = arith.cmpi slt, %jit3A_1611, %sign3A_1623 : i32
      %sign3A_1625 = arith.extui %sign3A_1624 : i1 to i32
      %sign3A_1626 = arith.subi %sign3A_1622, %sign3A_1625 : i32
      %ne3A_1627 = arith.cmpi ne, %sign3A_1619, %sign3A_1626 : i32
      %rem3A_1628 = arith.remsi %sub3A_1610, %jit3A_1611 : i32
      %ne3A_1629 = arith.constant 0 : i32
      %ne3A_1630 = arith.cmpi ne, %rem3A_1628, %ne3A_1629 : i32
      %and3A_1631 = arith.andi %ne3A_1627, %ne3A_1630 : i1
      %sub3A_1632 = arith.constant 1 : i32
      %sub3A_1633 = arith.subi %div3A_1612, %sub3A_1632 : i32
      %select_n3A_1634 = arith.select %and3A_1631, %sub3A_1633, %div3A_1612 : i32
      %while3A_1635 = arith.constant 0 : i32
      %while3A_1636 = arith.constant 0 : i32
      %while3A_1637 = arith.subi %select_n3A_1634, %while3A_1636 : i32
      %while3A_1638 = arith.addi %while3A_1636, %while3A_1637 : i32
      %while3A_1639 = arith.constant 1 : i32
      %while3A_1640 = arith.divsi %while3A_1637, %while3A_1639 : i32
      %while3A_1641 = arith.muli %while3A_1640, %while3A_1639 : i32
      %while3A_1642 = arith.addi %while3A_1636, %while3A_1641 : i32
      %while3A_1643 = arith.constant 1 : i32
      scf.for %while3A_1787 = %while3A_1636 to %while3A_1642 step %while3A_1643  : i32 {
        %mul3A_1788 = arith.constant 128 : i32
        %mul3A_1789 = arith.muli %while3A_1787, %mul3A_1788 : i32
        %mul3A_1790 = arith.constant 128 : i32
        %mul3A_1791 = arith.muli %while3A_1787, %mul3A_1790 : i32
        %dma_start3A = tpu.memref_slice %arg7[%mul3A_1791] : memref<8192xi32, #tpu.memory_space<vmem>> -> memref<128xi32, #tpu.memory_space<vmem>>
        %dma_start3A_1792 = tpu.memref_slice %arg5[%mul3A_1789] : memref<8192xi32, #tpu.memory_space<vmem>> -> memref<128xi32, #tpu.memory_space<vmem>>
        %dma_start3A_1793 = arith.constant 0 : i32
        %dma_start3A_1794 = tpu.memref_slice %arg2[%dma_start3A_1793] : memref<16777216xi32, #tpu.memory_space<hbm>> -> memref<16777216xi32, #tpu.memory_space<hbm>>
        tpu.enqueue_indirect_dma source(%dma_start3A_1794 : memref<16777216xi32, #tpu.memory_space<hbm>>) target(%dma_start3A : memref<128xi32, #tpu.memory_space<vmem>>) offsets(%dma_start3A_1792 : memref<128xi32, #tpu.memory_space<vmem>>) semaphore(%arg17 : memref<!tpu.dma_semaphore, #tpu.memory_space<semaphore_mem>>)
      }
      %while3A_1644 = arith.constant 1 : i32
      scf.for %while3A_1787 = %while3A_1642 to %while3A_1638 step %while3A_1644  : i32 {
        %mul3A_1788 = arith.constant 128 : i32
        %mul3A_1789 = arith.muli %while3A_1787, %mul3A_1788 : i32
        %mul3A_1790 = arith.constant 128 : i32
        %mul3A_1791 = arith.muli %while3A_1787, %mul3A_1790 : i32
        %dma_start3A = tpu.memref_slice %arg7[%mul3A_1791] : memref<8192xi32, #tpu.memory_space<vmem>> -> memref<128xi32, #tpu.memory_space<vmem>>
        %dma_start3A_1792 = tpu.memref_slice %arg5[%mul3A_1789] : memref<8192xi32, #tpu.memory_space<vmem>> -> memref<128xi32, #tpu.memory_space<vmem>>
        %dma_start3A_1793 = arith.constant 0 : i32
        %dma_start3A_1794 = tpu.memref_slice %arg2[%dma_start3A_1793] : memref<16777216xi32, #tpu.memory_space<hbm>> -> memref<16777216xi32, #tpu.memory_space<hbm>>
        tpu.enqueue_indirect_dma source(%dma_start3A_1794 : memref<16777216xi32, #tpu.memory_space<hbm>>) target(%dma_start3A : memref<128xi32, #tpu.memory_space<vmem>>) offsets(%dma_start3A_1792 : memref<128xi32, #tpu.memory_space<vmem>>) semaphore(%arg17 : memref<!tpu.dma_semaphore, #tpu.memory_space<semaphore_mem>>)
      }
      %jit3A_1645 = arith.constant 16 : i32
      %div3A_1646 = arith.divsi %while3A_1505, %jit3A_1645 : i32
      %sign3A_1647 = arith.constant 0 : i32
      %sign3A_1648 = arith.cmpi sgt, %while3A_1505, %sign3A_1647 : i32
      %sign3A_1649 = arith.extui %sign3A_1648 : i1 to i32
      %sign3A_1650 = arith.constant 0 : i32
      %sign3A_1651 = arith.cmpi slt, %while3A_1505, %sign3A_1650 : i32
      %sign3A_1652 = arith.extui %sign3A_1651 : i1 to i32
      %sign3A_1653 = arith.subi %sign3A_1649, %sign3A_1652 : i32
      %sign3A_1654 = arith.constant 0 : i32
      %sign3A_1655 = arith.cmpi sgt, %jit3A_1645, %sign3A_1654 : i32
      %sign3A_1656 = arith.extui %sign3A_1655 : i1 to i32
      %sign3A_1657 = arith.constant 0 : i32
      %sign3A_1658 = arith.cmpi slt, %jit3A_1645, %sign3A_1657 : i32
      %sign3A_1659 = arith.extui %sign3A_1658 : i1 to i32
      %sign3A_1660 = arith.subi %sign3A_1656, %sign3A_1659 : i32
      %ne3A_1661 = arith.cmpi ne, %sign3A_1653, %sign3A_1660 : i32
      %rem3A_1662 = arith.remsi %while3A_1505, %jit3A_1645 : i32
      %ne3A_1663 = arith.constant 0 : i32
      %ne3A_1664 = arith.cmpi ne, %rem3A_1662, %ne3A_1663 : i32
      %and3A_1665 = arith.andi %ne3A_1661, %ne3A_1664 : i1
      %sub3A_1666 = arith.constant 1 : i32
      %sub3A_1667 = arith.subi %div3A_1646, %sub3A_1666 : i32
      %select_n3A_1668 = arith.select %and3A_1665, %sub3A_1667, %div3A_1646 : i32
      %jit3A_1669 = arith.constant 16 : i32
      %eq3A_1670 = arith.constant 0 : i32
      %eq3A_1671 = arith.cmpi eq, %jit3A_1669, %eq3A_1670 : i32
      %jit3A_1672 = arith.constant 1 : i32
      %select_n3A_1673 = arith.select %eq3A_1671, %jit3A_1672, %jit3A_1669 : i32
      %rem3A_1674 = arith.remsi %while3A_1505, %select_n3A_1673 : i32
      %ne3A_1675 = arith.constant 0 : i32
      %ne3A_1676 = arith.cmpi ne, %rem3A_1674, %ne3A_1675 : i32
      %lt3A_1677 = arith.constant 0 : i32
      %lt3A_1678 = arith.cmpi slt, %rem3A_1674, %lt3A_1677 : i32
      %lt3A_1679 = arith.constant 0 : i32
      %lt3A_1680 = arith.cmpi slt, %select_n3A_1673, %lt3A_1679 : i32
      %ne3A_1681 = arith.xori %lt3A_1678, %lt3A_1680 : i1
      %and3A_1682 = arith.andi %ne3A_1681, %ne3A_1676 : i1
      %add3A_1683 = arith.addi %rem3A_1674, %select_n3A_1673 : i32
      %select_n3A_1684 = arith.select %and3A_1682, %add3A_1683, %rem3A_1674 : i32
      %ne3A_1685 = arith.constant 0 : i32
      %ne3A_1686 = arith.cmpi ne, %select_n3A_1684, %ne3A_1685 : i32
      %convert_element_type3A_1687 = arith.extui %ne3A_1686 : i1 to i32
      %add3A_1688 = arith.constant 128 : i32
      %add3A_1689 = arith.addi %while3A_1505, %add3A_1688 : i32
      %sub3A_1690 = arith.constant 1 : i32
      %sub3A_1691 = arith.subi %add3A_1689, %sub3A_1690 : i32
      %jit3A_1692 = arith.constant 128 : i32
      %div3A_1693 = arith.divsi %sub3A_1691, %jit3A_1692 : i32
      %sign3A_1694 = arith.constant 0 : i32
      %sign3A_1695 = arith.cmpi sgt, %sub3A_1691, %sign3A_1694 : i32
      %sign3A_1696 = arith.extui %sign3A_1695 : i1 to i32
      %sign3A_1697 = arith.constant 0 : i32
      %sign3A_1698 = arith.cmpi slt, %sub3A_1691, %sign3A_1697 : i32
      %sign3A_1699 = arith.extui %sign3A_1698 : i1 to i32
      %sign3A_1700 = arith.subi %sign3A_1696, %sign3A_1699 : i32
      %sign3A_1701 = arith.constant 0 : i32
      %sign3A_1702 = arith.cmpi sgt, %jit3A_1692, %sign3A_1701 : i32
      %sign3A_1703 = arith.extui %sign3A_1702 : i1 to i32
      %sign3A_1704 = arith.constant 0 : i32
      %sign3A_1705 = arith.cmpi slt, %jit3A_1692, %sign3A_1704 : i32
      %sign3A_1706 = arith.extui %sign3A_1705 : i1 to i32
      %sign3A_1707 = arith.subi %sign3A_1703, %sign3A_1706 : i32
      %ne3A_1708 = arith.cmpi ne, %sign3A_1700, %sign3A_1707 : i32
      %rem3A_1709 = arith.remsi %sub3A_1691, %jit3A_1692 : i32
      %ne3A_1710 = arith.constant 0 : i32
      %ne3A_1711 = arith.cmpi ne, %rem3A_1709, %ne3A_1710 : i32
      %and3A_1712 = arith.andi %ne3A_1708, %ne3A_1711 : i1
      %sub3A_1713 = arith.constant 1 : i32
      %sub3A_1714 = arith.subi %div3A_1693, %sub3A_1713 : i32
      %select_n3A_1715 = arith.select %and3A_1712, %sub3A_1714, %div3A_1693 : i32
      %while3A_1716 = arith.constant 0 : i32
      %while3A_1717 = arith.constant 0 : i32
      %while3A_1718 = arith.subi %select_n3A_1715, %while3A_1717 : i32
      %while3A_1719 = arith.addi %while3A_1717, %while3A_1718 : i32
      %while3A_1720 = arith.constant 1 : i32
      %while3A_1721 = arith.divsi %while3A_1718, %while3A_1720 : i32
      %while3A_1722 = arith.muli %while3A_1721, %while3A_1720 : i32
      %while3A_1723 = arith.addi %while3A_1717, %while3A_1722 : i32
      %while3A_1724 = arith.constant 1 : i32
      scf.for %while3A_1787 = %while3A_1717 to %while3A_1723 step %while3A_1724  : i32 {
        %mul3A_1788 = arith.constant 128 : i32
        %mul3A_1789 = arith.muli %while3A_1787, %mul3A_1788 : i32
        %mul3A_1790 = arith.constant 128 : i32
        %mul3A_1791 = arith.muli %while3A_1787, %mul3A_1790 : i32
        %dma_wait3A = tpu.memref_slice %arg11[%mul3A_1791] : memref<8192xi32, #tpu.memory_space<vmem>> -> memref<128xi32, #tpu.memory_space<vmem>>
        %dma_wait3A_1792 = tpu.memref_slice %arg9[%mul3A_1789] : memref<8192xi32, #tpu.memory_space<vmem>> -> memref<128xi32, #tpu.memory_space<vmem>>
        %dma_wait3A_1793 = arith.constant 0 : i32
        %dma_wait3A_1794 = tpu.memref_slice %arg2[%dma_wait3A_1793] : memref<16777216xi32, #tpu.memory_space<hbm>> -> memref<16777216xi32, #tpu.memory_space<hbm>>
        tpu.wait_indirect_dma semaphore(%arg21 : memref<!tpu.dma_semaphore, #tpu.memory_space<semaphore_mem>>) src(%dma_wait3A_1794 : memref<16777216xi32, #tpu.memory_space<hbm>>) dst(%dma_wait3A : memref<128xi32, #tpu.memory_space<vmem>>)
      }
      %while3A_1725 = arith.constant 1 : i32
      scf.for %while3A_1787 = %while3A_1723 to %while3A_1719 step %while3A_1725  : i32 {
        %mul3A_1788 = arith.constant 128 : i32
        %mul3A_1789 = arith.muli %while3A_1787, %mul3A_1788 : i32
        %mul3A_1790 = arith.constant 128 : i32
        %mul3A_1791 = arith.muli %while3A_1787, %mul3A_1790 : i32
        %dma_wait3A = tpu.memref_slice %arg11[%mul3A_1791] : memref<8192xi32, #tpu.memory_space<vmem>> -> memref<128xi32, #tpu.memory_space<vmem>>
        %dma_wait3A_1792 = tpu.memref_slice %arg9[%mul3A_1789] : memref<8192xi32, #tpu.memory_space<vmem>> -> memref<128xi32, #tpu.memory_space<vmem>>
        %dma_wait3A_1793 = arith.constant 0 : i32
        %dma_wait3A_1794 = tpu.memref_slice %arg2[%dma_wait3A_1793] : memref<16777216xi32, #tpu.memory_space<hbm>> -> memref<16777216xi32, #tpu.memory_space<hbm>>
        tpu.wait_indirect_dma semaphore(%arg21 : memref<!tpu.dma_semaphore, #tpu.memory_space<semaphore_mem>>) src(%dma_wait3A_1794 : memref<16777216xi32, #tpu.memory_space<hbm>>) dst(%dma_wait3A : memref<128xi32, #tpu.memory_space<vmem>>)
      }
      %while3A_1726 = arith.constant 0 : i32
      %while3A_1727 = arith.constant 0 : i32
      %while3A_1728 = arith.subi %select_n3A_1668, %while3A_1726 : i32
      %while3A_1729 = arith.addi %while3A_1726, %while3A_1728 : i32
      %while3A_1730 = arith.constant 1 : i32
      %while3A_1731 = arith.divsi %while3A_1728, %while3A_1730 : i32
      %while3A_1732 = arith.muli %while3A_1731, %while3A_1730 : i32
      %while3A_1733 = arith.addi %while3A_1726, %while3A_1732 : i32
      %while3A_1734 = arith.constant 1 : i32
      %while3A_1735 = scf.for %while3A_1787 = %while3A_1726 to %while3A_1733 step %while3A_1734 iter_args(%while3A_1788 = %while3A_1727) -> (i32)  : i32 {
        %mul3A_1789 = arith.constant 16 : i32
        %mul3A_1790 = arith.muli %while3A_1787, %mul3A_1789 : i32
        %get3A = arith.index_cast %mul3A_1790 : i32 to index
        %get3A_1791 = tpu.vector_load %arg11[%get3A] {strides = array<i32>} : memref<8192xi32, #tpu.memory_space<vmem>>, vector<16xi32>,
        %get3A_1792 = arith.index_cast %mul3A_1790 : i32 to index
        %get3A_1793 = tpu.vector_load %arg9[%get3A_1792] {strides = array<i32>} : memref<8192xi32, #tpu.memory_space<vmem>>, vector<16xi32>,
        %get3A_1794 = arith.index_cast %mul3A_1790 : i32 to index
        %get3A_1795 = tpu.vector_load %arg10[%get3A_1794] {strides = array<i32>} : memref<8192xi32, #tpu.memory_space<vmem>>, vector<16xi32>,
        %eq3A_1796 = arith.cmpi eq, %get3A_1791, %get3A_1793 : vector<16xi32>
        %not3A = arith.constant dense<true> : vector<16xi1>
        %not3A_1797 = arith.xori %eq3A_1796, %not3A : vector<16xi1>
        tpu.vector_store_idx %arg12[%get3A_1795], %get3A_1791 masked %eq3A_1796 : memref<8192xi32, #tpu.memory_space<vmem>>[vector<16xi32>], vector<16xi32>, vector<16xi1>
        %all_reduce_population_count3A = tpu.all_reduce %not3A_1797 {dim = 0 : i64, kind = #tpu.reduction_kind<sum>} : vector<16xi1> -> vector<16xi32>
        %slice3A = vector.extract_strided_slice %all_reduce_population_count3A {offsets = [0], sizes = [1], strides = [1]} : vector<16xi32> to vector<1xi32>
        %squeeze3A = vector.extract %slice3A[0] : i32 from vector<1xi32>
        %swap3A = arith.index_cast %while3A_1788 : i32 to index
        %swap3A_1798 = tpu.vector_load %arg9[%swap3A] masked %not3A_1797 {strides = array<i32>} : memref<8192xi32, #tpu.memory_space<vmem>>, vector<16xi32>, vector<16xi1>
        tpu.vector_store %arg9[%swap3A], %get3A_1791 masked %not3A_1797 {strides = array<i32>} : memref<8192xi32, #tpu.memory_space<vmem>>, vector<16xi32>, vector<16xi1>
        %swap3A_1799 = arith.index_cast %while3A_1788 : i32 to index
        %swap3A_1800 = tpu.vector_load %arg10[%swap3A_1799] masked %not3A_1797 {strides = array<i32>} : memref<8192xi32, #tpu.memory_space<vmem>>, vector<16xi32>, vector<16xi1>
        tpu.vector_store %arg10[%swap3A_1799], %get3A_1795 masked %not3A_1797 {strides = array<i32>} : memref<8192xi32, #tpu.memory_space<vmem>>, vector<16xi32>, vector<16xi1>
        %add3A_1801 = arith.addi %while3A_1788, %squeeze3A : i32
        scf.yield %add3A_1801 : i32
      }
      %while3A_1736 = arith.constant 1 : i32
      %while3A_1737 = scf.for %while3A_1787 = %while3A_1733 to %while3A_1729 step %while3A_1736 iter_args(%while3A_1788 = %while3A_1735) -> (i32)  : i32 {
        %mul3A_1789 = arith.constant 16 : i32
        %mul3A_1790 = arith.muli %while3A_1787, %mul3A_1789 : i32
        %get3A = arith.index_cast %mul3A_1790 : i32 to index
        %get3A_1791 = tpu.vector_load %arg11[%get3A] {strides = array<i32>} : memref<8192xi32, #tpu.memory_space<vmem>>, vector<16xi32>,
        %get3A_1792 = arith.index_cast %mul3A_1790 : i32 to index
        %get3A_1793 = tpu.vector_load %arg9[%get3A_1792] {strides = array<i32>} : memref<8192xi32, #tpu.memory_space<vmem>>, vector<16xi32>,
        %get3A_1794 = arith.index_cast %mul3A_1790 : i32 to index
        %get3A_1795 = tpu.vector_load %arg10[%get3A_1794] {strides = array<i32>} : memref<8192xi32, #tpu.memory_space<vmem>>, vector<16xi32>,
        %eq3A_1796 = arith.cmpi eq, %get3A_1791, %get3A_1793 : vector<16xi32>
        %not3A = arith.constant dense<true> : vector<16xi1>
        %not3A_1797 = arith.xori %eq3A_1796, %not3A : vector<16xi1>
        tpu.vector_store_idx %arg12[%get3A_1795], %get3A_1791 masked %eq3A_1796 : memref<8192xi32, #tpu.memory_space<vmem>>[vector<16xi32>], vector<16xi32>, vector<16xi1>
        %all_reduce_population_count3A = tpu.all_reduce %not3A_1797 {dim = 0 : i64, kind = #tpu.reduction_kind<sum>} : vector<16xi1> -> vector<16xi32>
        %slice3A = vector.extract_strided_slice %all_reduce_population_count3A {offsets = [0], sizes = [1], strides = [1]} : vector<16xi32> to vector<1xi32>
        %squeeze3A = vector.extract %slice3A[0] : i32 from vector<1xi32>
        %swap3A = arith.index_cast %while3A_1788 : i32 to index
        %swap3A_1798 = tpu.vector_load %arg9[%swap3A] masked %not3A_1797 {strides = array<i32>} : memref<8192xi32, #tpu.memory_space<vmem>>, vector<16xi32>, vector<16xi1>
        tpu.vector_store %arg9[%swap3A], %get3A_1791 masked %not3A_1797 {strides = array<i32>} : memref<8192xi32, #tpu.memory_space<vmem>>, vector<16xi32>, vector<16xi1>
        %swap3A_1799 = arith.index_cast %while3A_1788 : i32 to index
        %swap3A_1800 = tpu.vector_load %arg10[%swap3A_1799] masked %not3A_1797 {strides = array<i32>} : memref<8192xi32, #tpu.memory_space<vmem>>, vector<16xi32>, vector<16xi1>
        tpu.vector_store %arg10[%swap3A_1799], %get3A_1795 masked %not3A_1797 {strides = array<i32>} : memref<8192xi32, #tpu.memory_space<vmem>>, vector<16xi32>, vector<16xi1>
        %add3A_1801 = arith.addi %while3A_1788, %squeeze3A : i32
        scf.yield %add3A_1801 : i32
      }
      %while3A_1738 = arith.constant 0 : i32
      %while3A_1739 = arith.subi %convert_element_type3A_1687, %while3A_1738 : i32
      %while3A_1740 = arith.addi %while3A_1738, %while3A_1739 : i32
      %while3A_1741 = arith.constant 1 : i32
      %while3A_1742 = arith.divsi %while3A_1739, %while3A_1741 : i32
      %while3A_1743 = arith.muli %while3A_1742, %while3A_1741 : i32
      %while3A_1744 = arith.addi %while3A_1738, %while3A_1743 : i32
      %while3A_1745 = arith.constant 1 : i32
      %while3A_1746 = scf.for %while3A_1787 = %while3A_1738 to %while3A_1744 step %while3A_1745 iter_args(%while3A_1788 = %while3A_1737) -> (i32)  : i32 {
        %mul3A_1789 = arith.constant 16 : i32
        %mul3A_1790 = arith.muli %select_n3A_1668, %mul3A_1789 : i32
        %get3A = arith.index_cast %mul3A_1790 : i32 to index
        %get3A_1791 = tpu.vector_load %arg11[%get3A] {strides = array<i32>} : memref<8192xi32, #tpu.memory_space<vmem>>, vector<16xi32>,
        %get3A_1792 = arith.index_cast %mul3A_1790 : i32 to index
        %get3A_1793 = tpu.vector_load %arg9[%get3A_1792] {strides = array<i32>} : memref<8192xi32, #tpu.memory_space<vmem>>, vector<16xi32>,
        %get3A_1794 = arith.index_cast %mul3A_1790 : i32 to index
        %get3A_1795 = tpu.vector_load %arg10[%get3A_1794] {strides = array<i32>} : memref<8192xi32, #tpu.memory_space<vmem>>, vector<16xi32>,
        %iota3A = tpu.iota {dimensions = array<i32: 0>} : vector<16xi32>
        %add3A_1796 = vector.broadcast %mul3A_1790 : i32 to vector<16xi32>
        %add3A_1797 = arith.addi %iota3A, %add3A_1796 : vector<16xi32>
        %lt3A_1798 = vector.broadcast %while3A_1505 : i32 to vector<16xi32>
        %lt3A_1799 = arith.cmpi slt, %add3A_1797, %lt3A_1798 : vector<16xi32>
        %eq3A_1800 = arith.cmpi eq, %get3A_1791, %get3A_1793 : vector<16xi32>
        %and3A_1801 = arith.andi %eq3A_1800, %lt3A_1799 : vector<16xi1>
        %not3A = arith.constant dense<true> : vector<16xi1>
        %not3A_1802 = arith.xori %eq3A_1800, %not3A : vector<16xi1>
        %and3A_1803 = arith.andi %not3A_1802, %lt3A_1799 : vector<16xi1>
        tpu.vector_store_idx %arg12[%get3A_1795], %get3A_1791 masked %and3A_1801 : memref<8192xi32, #tpu.memory_space<vmem>>[vector<16xi32>], vector<16xi32>, vector<16xi1>
        %all_reduce_population_count3A = tpu.all_reduce %and3A_1803 {dim = 0 : i64, kind = #tpu.reduction_kind<sum>} : vector<16xi1> -> vector<16xi32>
        %slice3A = vector.extract_strided_slice %all_reduce_population_count3A {offsets = [0], sizes = [1], strides = [1]} : vector<16xi32> to vector<1xi32>
        %squeeze3A = vector.extract %slice3A[0] : i32 from vector<1xi32>
        %swap3A = arith.index_cast %while3A_1788 : i32 to index
        %swap3A_1804 = tpu.vector_load %arg9[%swap3A] masked %and3A_1803 {strides = array<i32>} : memref<8192xi32, #tpu.memory_space<vmem>>, vector<16xi32>, vector<16xi1>
        tpu.vector_store %arg9[%swap3A], %get3A_1791 masked %and3A_1803 {strides = array<i32>} : memref<8192xi32, #tpu.memory_space<vmem>>, vector<16xi32>, vector<16xi1>
        %swap3A_1805 = arith.index_cast %while3A_1788 : i32 to index
        %swap3A_1806 = tpu.vector_load %arg10[%swap3A_1805] masked %and3A_1803 {strides = array<i32>} : memref<8192xi32, #tpu.memory_space<vmem>>, vector<16xi32>, vector<16xi1>
        tpu.vector_store %arg10[%swap3A_1805], %get3A_1795 masked %and3A_1803 {strides = array<i32>} : memref<8192xi32, #tpu.memory_space<vmem>>, vector<16xi32>, vector<16xi1>
        %add3A_1807 = arith.addi %while3A_1788, %squeeze3A : i32
        scf.yield %add3A_1807 : i32
      }
      %while3A_1747 = arith.constant 1 : i32
      %while3A_1748 = scf.for %while3A_1787 = %while3A_1744 to %while3A_1740 step %while3A_1747 iter_args(%while3A_1788 = %while3A_1746) -> (i32)  : i32 {
        %mul3A_1789 = arith.constant 16 : i32
        %mul3A_1790 = arith.muli %select_n3A_1668, %mul3A_1789 : i32
        %get3A = arith.index_cast %mul3A_1790 : i32 to index
        %get3A_1791 = tpu.vector_load %arg11[%get3A] {strides = array<i32>} : memref<8192xi32, #tpu.memory_space<vmem>>, vector<16xi32>,
        %get3A_1792 = arith.index_cast %mul3A_1790 : i32 to index
        %get3A_1793 = tpu.vector_load %arg9[%get3A_1792] {strides = array<i32>} : memref<8192xi32, #tpu.memory_space<vmem>>, vector<16xi32>,
        %get3A_1794 = arith.index_cast %mul3A_1790 : i32 to index
        %get3A_1795 = tpu.vector_load %arg10[%get3A_1794] {strides = array<i32>} : memref<8192xi32, #tpu.memory_space<vmem>>, vector<16xi32>,
        %iota3A = tpu.iota {dimensions = array<i32: 0>} : vector<16xi32>
        %add3A_1796 = vector.broadcast %mul3A_1790 : i32 to vector<16xi32>
        %add3A_1797 = arith.addi %iota3A, %add3A_1796 : vector<16xi32>
        %lt3A_1798 = vector.broadcast %while3A_1505 : i32 to vector<16xi32>
        %lt3A_1799 = arith.cmpi slt, %add3A_1797, %lt3A_1798 : vector<16xi32>
        %eq3A_1800 = arith.cmpi eq, %get3A_1791, %get3A_1793 : vector<16xi32>
        %and3A_1801 = arith.andi %eq3A_1800, %lt3A_1799 : vector<16xi1>
        %not3A = arith.constant dense<true> : vector<16xi1>
        %not3A_1802 = arith.xori %eq3A_1800, %not3A : vector<16xi1>
        %and3A_1803 = arith.andi %not3A_1802, %lt3A_1799 : vector<16xi1>
        tpu.vector_store_idx %arg12[%get3A_1795], %get3A_1791 masked %and3A_1801 : memref<8192xi32, #tpu.memory_space<vmem>>[vector<16xi32>], vector<16xi32>, vector<16xi1>
        %all_reduce_population_count3A = tpu.all_reduce %and3A_1803 {dim = 0 : i64, kind = #tpu.reduction_kind<sum>} : vector<16xi1> -> vector<16xi32>
        %slice3A = vector.extract_strided_slice %all_reduce_population_count3A {offsets = [0], sizes = [1], strides = [1]} : vector<16xi32> to vector<1xi32>
        %squeeze3A = vector.extract %slice3A[0] : i32 from vector<1xi32>
        %swap3A = arith.index_cast %while3A_1788 : i32 to index
        %swap3A_1804 = tpu.vector_load %arg9[%swap3A] masked %and3A_1803 {strides = array<i32>} : memref<8192xi32, #tpu.memory_space<vmem>>, vector<16xi32>, vector<16xi1>
        tpu.vector_store %arg9[%swap3A], %get3A_1791 masked %and3A_1803 {strides = array<i32>} : memref<8192xi32, #tpu.memory_space<vmem>>, vector<16xi32>, vector<16xi1>
        %swap3A_1805 = arith.index_cast %while3A_1788 : i32 to index
        %swap3A_1806 = tpu.vector_load %arg10[%swap3A_1805] masked %and3A_1803 {strides = array<i32>} : memref<8192xi32, #tpu.memory_space<vmem>>, vector<16xi32>, vector<16xi1>
        tpu.vector_store %arg10[%swap3A_1805], %get3A_1795 masked %and3A_1803 {strides = array<i32>} : memref<8192xi32, #tpu.memory_space<vmem>>, vector<16xi32>, vector<16xi1>
        %add3A_1807 = arith.addi %while3A_1788, %squeeze3A : i32
        scf.yield %add3A_1807 : i32
      }
      %add3A_1749 = arith.constant 128 : i32
      %add3A_1750 = arith.addi %while3A_1748, %add3A_1749 : i32
      %sub3A_1751 = arith.constant 1 : i32
      %sub3A_1752 = arith.subi %add3A_1750, %sub3A_1751 : i32
      %jit3A_1753 = arith.constant 128 : i32
      %div3A_1754 = arith.divsi %sub3A_1752, %jit3A_1753 : i32
      %sign3A_1755 = arith.constant 0 : i32
      %sign3A_1756 = arith.cmpi sgt, %sub3A_1752, %sign3A_1755 : i32
      %sign3A_1757 = arith.extui %sign3A_1756 : i1 to i32
      %sign3A_1758 = arith.constant 0 : i32
      %sign3A_1759 = arith.cmpi slt, %sub3A_1752, %sign3A_1758 : i32
      %sign3A_1760 = arith.extui %sign3A_1759 : i1 to i32
      %sign3A_1761 = arith.subi %sign3A_1757, %sign3A_1760 : i32
      %sign3A_1762 = arith.constant 0 : i32
      %sign3A_1763 = arith.cmpi sgt, %jit3A_1753, %sign3A_1762 : i32
      %sign3A_1764 = arith.extui %sign3A_1763 : i1 to i32
      %sign3A_1765 = arith.constant 0 : i32
      %sign3A_1766 = arith.cmpi slt, %jit3A_1753, %sign3A_1765 : i32
      %sign3A_1767 = arith.extui %sign3A_1766 : i1 to i32
      %sign3A_1768 = arith.subi %sign3A_1764, %sign3A_1767 : i32
      %ne3A_1769 = arith.cmpi ne, %sign3A_1761, %sign3A_1768 : i32
      %rem3A_1770 = arith.remsi %sub3A_1752, %jit3A_1753 : i32
      %ne3A_1771 = arith.constant 0 : i32
      %ne3A_1772 = arith.cmpi ne, %rem3A_1770, %ne3A_1771 : i32
      %and3A_1773 = arith.andi %ne3A_1769, %ne3A_1772 : i1
      %sub3A_1774 = arith.constant 1 : i32
      %sub3A_1775 = arith.subi %div3A_1754, %sub3A_1774 : i32
      %select_n3A_1776 = arith.select %and3A_1773, %sub3A_1775, %div3A_1754 : i32
      %while3A_1777 = arith.constant 0 : i32
      %while3A_1778 = arith.constant 0 : i32
      %while3A_1779 = arith.subi %select_n3A_1776, %while3A_1778 : i32
      %while3A_1780 = arith.addi %while3A_1778, %while3A_1779 : i32
      %while3A_1781 = arith.constant 1 : i32
      %while3A_1782 = arith.divsi %while3A_1779, %while3A_1781 : i32
      %while3A_1783 = arith.muli %while3A_1782, %while3A_1781 : i32
      %while3A_1784 = arith.addi %while3A_1778, %while3A_1783 : i32
      %while3A_1785 = arith.constant 1 : i32
      scf.for %while3A_1787 = %while3A_1778 to %while3A_1784 step %while3A_1785  : i32 {
        %mul3A_1788 = arith.constant 128 : i32
        %mul3A_1789 = arith.muli %while3A_1787, %mul3A_1788 : i32
        %mul3A_1790 = arith.constant 128 : i32
        %mul3A_1791 = arith.muli %while3A_1787, %mul3A_1790 : i32
        %dma_start3A = tpu.memref_slice %arg11[%mul3A_1791] : memref<8192xi32, #tpu.memory_space<vmem>> -> memref<128xi32, #tpu.memory_space<vmem>>
        %dma_start3A_1792 = tpu.memref_slice %arg9[%mul3A_1789] : memref<8192xi32, #tpu.memory_space<vmem>> -> memref<128xi32, #tpu.memory_space<vmem>>
        %dma_start3A_1793 = arith.constant 0 : i32
        %dma_start3A_1794 = tpu.memref_slice %arg2[%dma_start3A_1793] : memref<16777216xi32, #tpu.memory_space<hbm>> -> memref<16777216xi32, #tpu.memory_space<hbm>>
        tpu.enqueue_indirect_dma source(%dma_start3A_1794 : memref<16777216xi32, #tpu.memory_space<hbm>>) target(%dma_start3A : memref<128xi32, #tpu.memory_space<vmem>>) offsets(%dma_start3A_1792 : memref<128xi32, #tpu.memory_space<vmem>>) semaphore(%arg21 : memref<!tpu.dma_semaphore, #tpu.memory_space<semaphore_mem>>)
      }
      %while3A_1786 = arith.constant 1 : i32
      scf.for %while3A_1787 = %while3A_1784 to %while3A_1780 step %while3A_1786  : i32 {
        %mul3A_1788 = arith.constant 128 : i32
        %mul3A_1789 = arith.muli %while3A_1787, %mul3A_1788 : i32
        %mul3A_1790 = arith.constant 128 : i32
        %mul3A_1791 = arith.muli %while3A_1787, %mul3A_1790 : i32
        %dma_start3A = tpu.memref_slice %arg11[%mul3A_1791] : memref<8192xi32, #tpu.memory_space<vmem>> -> memref<128xi32, #tpu.memory_space<vmem>>
        %dma_start3A_1792 = tpu.memref_slice %arg9[%mul3A_1789] : memref<8192xi32, #tpu.memory_space<vmem>> -> memref<128xi32, #tpu.memory_space<vmem>>
        %dma_start3A_1793 = arith.constant 0 : i32
        %dma_start3A_1794 = tpu.memref_slice %arg2[%dma_start3A_1793] : memref<16777216xi32, #tpu.memory_space<hbm>> -> memref<16777216xi32, #tpu.memory_space<hbm>>
        tpu.enqueue_indirect_dma source(%dma_start3A_1794 : memref<16777216xi32, #tpu.memory_space<hbm>>) target(%dma_start3A : memref<128xi32, #tpu.memory_space<vmem>>) offsets(%dma_start3A_1792 : memref<128xi32, #tpu.memory_space<vmem>>) semaphore(%arg21 : memref<!tpu.dma_semaphore, #tpu.memory_space<semaphore_mem>>)
      }
      scf.yield %while3A_1606, %while3A_1748 : i32, i32
    }
    "tpu.region"() ({
      %run_scoped3A = tpu.sem_alloc : memref<!tpu.dma_semaphore, #tpu.memory_space<semaphore_mem>>
      %dma_start3A = arith.constant 0 : i32
      %dma_start3A_1504 = tpu.memref_slice %arg4[%mul3A_2, %dma_start3A] : memref<128x8192xi32, #tpu.memory_space<hbm>> -> memref<1x8192xi32, #tpu.memory_space<hbm>>
      %dma_start3A_1505 = tpu.memref_squeeze %dma_start3A_1504 : memref<1x8192xi32, #tpu.memory_space<hbm>> -> memref<8192xi32, #tpu.memory_space<hbm>>
      %dma_start3A_1506 = arith.constant 0 : i32
      %dma_start3A_1507 = tpu.memref_slice %arg4[%mul3A_2, %dma_start3A_1506] : memref<128x8192xi32, #tpu.memory_space<hbm>> -> memref<1x8192xi32, #tpu.memory_space<hbm>>
      %dma_start3A_1508 = tpu.memref_squeeze %dma_start3A_1507 : memref<1x8192xi32, #tpu.memory_space<hbm>> -> memref<8192xi32, #tpu.memory_space<hbm>>
      tpu.enqueue_dma source(%arg8 : memref<8192xi32, #tpu.memory_space<vmem>>) target(%dma_start3A_1508 : memref<8192xi32, #tpu.memory_space<hbm>>) target_semaphore(%run_scoped3A : memref<!tpu.dma_semaphore, #tpu.memory_space<semaphore_mem>>)
      %dma_wait3A = arith.constant 0 : i32
      %dma_wait3A_1509 = tpu.memref_slice %arg4[%mul3A_2, %dma_wait3A] : memref<128x8192xi32, #tpu.memory_space<hbm>> -> memref<1x8192xi32, #tpu.memory_space<hbm>>
      %dma_wait3A_1510 = tpu.memref_squeeze %dma_wait3A_1509 : memref<1x8192xi32, #tpu.memory_space<hbm>> -> memref<8192xi32, #tpu.memory_space<hbm>>
      %dma_wait3A_1511 = arith.constant 0 : i32
      %dma_wait3A_1512 = tpu.memref_slice %arg4[%mul3A_2, %dma_wait3A_1511] : memref<128x8192xi32, #tpu.memory_space<hbm>> -> memref<1x8192xi32, #tpu.memory_space<hbm>>
      %dma_wait3A_1513 = tpu.memref_squeeze %dma_wait3A_1512 : memref<1x8192xi32, #tpu.memory_space<hbm>> -> memref<8192xi32, #tpu.memory_space<hbm>>
      tpu.wait_dma2 semaphore(%run_scoped3A : memref<!tpu.dma_semaphore, #tpu.memory_space<semaphore_mem>>) src(%arg8 : memref<8192xi32, #tpu.memory_space<vmem>>) dst(%dma_wait3A_1513 : memref<8192xi32, #tpu.memory_space<hbm>>)
      tpu.yield
    }) : () -> ()
    "tpu.region"() ({
      %run_scoped3A = tpu.sem_alloc : memref<!tpu.dma_semaphore, #tpu.memory_space<semaphore_mem>>
      %dma_start3A = arith.constant 0 : i32
      %dma_start3A_1504 = tpu.memref_slice %arg4[%add3A_574, %dma_start3A] : memref<128x8192xi32, #tpu.memory_space<hbm>> -> memref<1x8192xi32, #tpu.memory_space<hbm>>
      %dma_start3A_1505 = tpu.memref_squeeze %dma_start3A_1504 : memref<1x8192xi32, #tpu.memory_space<hbm>> -> memref<8192xi32, #tpu.memory_space<hbm>>
      %dma_start3A_1506 = arith.constant 0 : i32
      %dma_start3A_1507 = tpu.memref_slice %arg4[%add3A_574, %dma_start3A_1506] : memref<128x8192xi32, #tpu.memory_space<hbm>> -> memref<1x8192xi32, #tpu.memory_space<hbm>>
      %dma_start3A_1508 = tpu.memref_squeeze %dma_start3A_1507 : memref<1x8192xi32, #tpu.memory_space<hbm>> -> memref<8192xi32, #tpu.memory_space<hbm>>
      tpu.enqueue_dma source(%arg12 : memref<8192xi32, #tpu.memory_space<vmem>>) target(%dma_start3A_1508 : memref<8192xi32, #tpu.memory_space<hbm>>) target_semaphore(%run_scoped3A : memref<!tpu.dma_semaphore, #tpu.memory_space<semaphore_mem>>)
      %dma_wait3A = arith.constant 0 : i32
      %dma_wait3A_1509 = tpu.memref_slice %arg4[%add3A_574, %dma_wait3A] : memref<128x8192xi32, #tpu.memory_space<hbm>> -> memref<1x8192xi32, #tpu.memory_space<hbm>>
      %dma_wait3A_1510 = tpu.memref_squeeze %dma_wait3A_1509 : memref<1x8192xi32, #tpu.memory_space<hbm>> -> memref<8192xi32, #tpu.memory_space<hbm>>
      %dma_wait3A_1511 = arith.constant 0 : i32
      %dma_wait3A_1512 = tpu.memref_slice %arg4[%add3A_574, %dma_wait3A_1511] : memref<128x8192xi32, #tpu.memory_space<hbm>> -> memref<1x8192xi32, #tpu.memory_space<hbm>>
      %dma_wait3A_1513 = tpu.memref_squeeze %dma_wait3A_1512 : memref<1x8192xi32, #tpu.memory_space<hbm>> -> memref<8192xi32, #tpu.memory_space<hbm>>
      tpu.wait_dma2 semaphore(%run_scoped3A : memref<!tpu.dma_semaphore, #tpu.memory_space<semaphore_mem>>) src(%arg12 : memref<8192xi32, #tpu.memory_space<vmem>>) dst(%dma_wait3A_1513 : memref<8192xi32, #tpu.memory_space<hbm>>)
      tpu.yield
    }) : () -> ()
    %add3A_1325 = arith.constant 2 : i32
    %add3A_1326 = arith.addi %mul3A_2, %add3A_1325 : i32
    %add3A_1327 = arith.constant 3 : i32
    %add3A_1328 = arith.addi %mul3A_2, %add3A_1327 : i32
    %scan3A_1329 = arith.constant 0 : i32
    %scan3A_1330 = arith.constant 0 : i32
    %scan3A_1331 = arith.constant 16 : i32
    %scan3A_1332 = arith.addi %scan3A_1330, %scan3A_1331 : i32
    %scan3A_1333 = arith.constant 1 : i32
    scf.for %scan3A_1504 = %scan3A_1330 to %scan3A_1332 step %scan3A_1333  : i32 {
      %mul3A_1505 = arith.constant 128 : i32
      %mul3A_1506 = arith.muli %scan3A_1504, %mul3A_1505 : i32
      %mul3A_1507 = arith.constant 128 : i32
      %mul3A_1508 = arith.muli %scan3A_1504, %mul3A_1507 : i32
      %dma_wait3A = tpu.memref_slice %arg14[%mul3A_1508] : memref<8192xi32, #tpu.memory_space<vmem>> -> memref<128xi32, #tpu.memory_space<vmem>>
      %dma_wait3A_1509 = tpu.memref_slice %arg13[%mul3A_1506] : memref<8192xi32, #tpu.memory_space<vmem>> -> memref<128xi32, #tpu.memory_space<vmem>>
      %dma_wait3A_1510 = arith.constant 0 : i32
      %dma_wait3A_1511 = tpu.memref_slice %arg2[%dma_wait3A_1510] : memref<16777216xi32, #tpu.memory_space<hbm>> -> memref<16777216xi32, #tpu.memory_space<hbm>>
      tpu.wait_indirect_dma semaphore(%arg25 : memref<!tpu.dma_semaphore, #tpu.memory_space<semaphore_mem>>) src(%dma_wait3A_1511 : memref<16777216xi32, #tpu.memory_space<hbm>>) dst(%dma_wait3A : memref<128xi32, #tpu.memory_space<vmem>>)
    }
    %scan3A_1334 = arith.constant 16 : i32
    %scan3A_1335 = arith.constant 0 : i32
    %scan3A_1336 = arith.constant 0 : i32
    %scan3A_1337 = arith.constant 128 : i32
    %scan3A_1338 = arith.addi %scan3A_1336, %scan3A_1337 : i32
    %scan3A_1339 = arith.constant 1 : i32
    %scan3A_1340 = scf.for %scan3A_1504 = %scan3A_1336 to %scan3A_1338 step %scan3A_1339 iter_args(%scan3A_1505 = %scan3A_1335) -> (i32)  : i32 {
      %mul3A_1506 = arith.constant 16 : i32
      %mul3A_1507 = arith.muli %scan3A_1504, %mul3A_1506 : i32
      %get3A = arith.index_cast %mul3A_1507 : i32 to index
      %get3A_1508 = tpu.vector_load %arg14[%get3A] {strides = array<i32>} : memref<8192xi32, #tpu.memory_space<vmem>>, vector<16xi32>,
      %get3A_1509 = arith.index_cast %mul3A_1507 : i32 to index
      %get3A_1510 = tpu.vector_load %arg13[%get3A_1509] {strides = array<i32>} : memref<8192xi32, #tpu.memory_space<vmem>>, vector<16xi32>,
      %swap3A = arith.index_cast %mul3A_1507 : i32 to index
      %swap3A_1511 = tpu.vector_load %arg8[%swap3A] {strides = array<i32>} : memref<8192xi32, #tpu.memory_space<vmem>>, vector<16xi32>,
      tpu.vector_store %arg8[%swap3A], %get3A_1508 {strides = array<i32>} : memref<8192xi32, #tpu.memory_space<vmem>>, vector<16xi32>,
      %ne3A_1512 = arith.cmpi ne, %get3A_1508, %get3A_1510 : vector<16xi32>
      %all_reduce_population_count3A = tpu.all_reduce %ne3A_1512 {dim = 0 : i64, kind = #tpu.reduction_kind<sum>} : vector<16xi1> -> vector<16xi32>
      %slice3A = vector.extract_strided_slice %all_reduce_population_count3A {offsets = [0], sizes = [1], strides = [1]} : vector<16xi32> to vector<1xi32>
      %squeeze3A = vector.extract %slice3A[0] : i32 from vector<1xi32>
      %iota3A = tpu.iota {dimensions = array<i32: 0>} : vector<16xi32>
      %add3A_1513 = vector.broadcast %mul3A_1507 : i32 to vector<16xi32>
      %add3A_1514 = arith.addi %iota3A, %add3A_1513 : vector<16xi32>
      %swap3A_1515 = arith.index_cast %scan3A_1505 : i32 to index
      %swap3A_1516 = tpu.vector_load %arg13[%swap3A_1515] masked %ne3A_1512 {strides = array<i32>} : memref<8192xi32, #tpu.memory_space<vmem>>, vector<16xi32>, vector<16xi1>
      tpu.vector_store %arg13[%swap3A_1515], %get3A_1508 masked %ne3A_1512 {strides = array<i32>} : memref<8192xi32, #tpu.memory_space<vmem>>, vector<16xi32>, vector<16xi1>
      %swap3A_1517 = arith.index_cast %scan3A_1505 : i32 to index
      %swap3A_1518 = tpu.vector_load %arg6[%swap3A_1517] masked %ne3A_1512 {strides = array<i32>} : memref<8192xi32, #tpu.memory_space<vmem>>, vector<16xi32>, vector<16xi1>
      tpu.vector_store %arg6[%swap3A_1517], %add3A_1514 masked %ne3A_1512 {strides = array<i32>} : memref<8192xi32, #tpu.memory_space<vmem>>, vector<16xi32>, vector<16xi1>
      %add3A_1519 = arith.addi %scan3A_1505, %squeeze3A : i32
      scf.yield %add3A_1519 : i32
    }
    %scan3A_1341 = arith.constant 128 : i32
    %scan3A_1342 = arith.constant 0 : i32
    %scan3A_1343 = arith.constant 16 : i32
    %scan3A_1344 = arith.constant 16 : i32
    %scan3A_1345 = arith.addi %scan3A_1343, %scan3A_1344 : i32
    %scan3A_1346 = arith.constant 1 : i32
    scf.for %scan3A_1504 = %scan3A_1343 to %scan3A_1345 step %scan3A_1346  : i32 {
      %mul3A_1505 = arith.constant 128 : i32
      %mul3A_1506 = arith.muli %scan3A_1504, %mul3A_1505 : i32
      %mul3A_1507 = arith.constant 128 : i32
      %mul3A_1508 = arith.muli %scan3A_1504, %mul3A_1507 : i32
      %dma_wait3A = tpu.memref_slice %arg14[%mul3A_1508] : memref<8192xi32, #tpu.memory_space<vmem>> -> memref<128xi32, #tpu.memory_space<vmem>>
      %dma_wait3A_1509 = tpu.memref_slice %arg13[%mul3A_1506] : memref<8192xi32, #tpu.memory_space<vmem>> -> memref<128xi32, #tpu.memory_space<vmem>>
      %dma_wait3A_1510 = arith.constant 0 : i32
      %dma_wait3A_1511 = tpu.memref_slice %arg2[%dma_wait3A_1510] : memref<16777216xi32, #tpu.memory_space<hbm>> -> memref<16777216xi32, #tpu.memory_space<hbm>>
      tpu.wait_indirect_dma semaphore(%arg26 : memref<!tpu.dma_semaphore, #tpu.memory_space<semaphore_mem>>) src(%dma_wait3A_1511 : memref<16777216xi32, #tpu.memory_space<hbm>>) dst(%dma_wait3A : memref<128xi32, #tpu.memory_space<vmem>>)
    }
    %scan3A_1347 = arith.constant 16 : i32
    %scan3A_1348 = arith.constant 128 : i32
    %scan3A_1349 = arith.constant 128 : i32
    %scan3A_1350 = arith.addi %scan3A_1348, %scan3A_1349 : i32
    %scan3A_1351 = arith.constant 1 : i32
    %scan3A_1352 = scf.for %scan3A_1504 = %scan3A_1348 to %scan3A_1350 step %scan3A_1351 iter_args(%scan3A_1505 = %scan3A_1340) -> (i32)  : i32 {
      %mul3A_1506 = arith.constant 16 : i32
      %mul3A_1507 = arith.muli %scan3A_1504, %mul3A_1506 : i32
      %get3A = arith.index_cast %mul3A_1507 : i32 to index
      %get3A_1508 = tpu.vector_load %arg14[%get3A] {strides = array<i32>} : memref<8192xi32, #tpu.memory_space<vmem>>, vector<16xi32>,
      %get3A_1509 = arith.index_cast %mul3A_1507 : i32 to index
      %get3A_1510 = tpu.vector_load %arg13[%get3A_1509] {strides = array<i32>} : memref<8192xi32, #tpu.memory_space<vmem>>, vector<16xi32>,
      %swap3A = arith.index_cast %mul3A_1507 : i32 to index
      %swap3A_1511 = tpu.vector_load %arg8[%swap3A] {strides = array<i32>} : memref<8192xi32, #tpu.memory_space<vmem>>, vector<16xi32>,
      tpu.vector_store %arg8[%swap3A], %get3A_1508 {strides = array<i32>} : memref<8192xi32, #tpu.memory_space<vmem>>, vector<16xi32>,
      %ne3A_1512 = arith.cmpi ne, %get3A_1508, %get3A_1510 : vector<16xi32>
      %all_reduce_population_count3A = tpu.all_reduce %ne3A_1512 {dim = 0 : i64, kind = #tpu.reduction_kind<sum>} : vector<16xi1> -> vector<16xi32>
      %slice3A = vector.extract_strided_slice %all_reduce_population_count3A {offsets = [0], sizes = [1], strides = [1]} : vector<16xi32> to vector<1xi32>
      %squeeze3A = vector.extract %slice3A[0] : i32 from vector<1xi32>
      %iota3A = tpu.iota {dimensions = array<i32: 0>} : vector<16xi32>
      %add3A_1513 = vector.broadcast %mul3A_1507 : i32 to vector<16xi32>
      %add3A_1514 = arith.addi %iota3A, %add3A_1513 : vector<16xi32>
      %swap3A_1515 = arith.index_cast %scan3A_1505 : i32 to index
      %swap3A_1516 = tpu.vector_load %arg13[%swap3A_1515] masked %ne3A_1512 {strides = array<i32>} : memref<8192xi32, #tpu.memory_space<vmem>>, vector<16xi32>, vector<16xi1>
      tpu.vector_store %arg13[%swap3A_1515], %get3A_1508 masked %ne3A_1512 {strides = array<i32>} : memref<8192xi32, #tpu.memory_space<vmem>>, vector<16xi32>, vector<16xi1>
      %swap3A_1517 = arith.index_cast %scan3A_1505 : i32 to index
      %swap3A_1518 = tpu.vector_load %arg6[%swap3A_1517] masked %ne3A_1512 {strides = array<i32>} : memref<8192xi32, #tpu.memory_space<vmem>>, vector<16xi32>, vector<16xi1>
      tpu.vector_store %arg6[%swap3A_1517], %add3A_1514 masked %ne3A_1512 {strides = array<i32>} : memref<8192xi32, #tpu.memory_space<vmem>>, vector<16xi32>, vector<16xi1>
      %add3A_1519 = arith.addi %scan3A_1505, %squeeze3A : i32
      scf.yield %add3A_1519 : i32
    }
    %scan3A_1353 = arith.constant 128 : i32
    %scan3A_1354 = arith.constant 0 : i32
    %scan3A_1355 = arith.constant 32 : i32
    %scan3A_1356 = arith.constant 16 : i32
    %scan3A_1357 = arith.addi %scan3A_1355, %scan3A_1356 : i32
    %scan3A_1358 = arith.constant 1 : i32
    scf.for %scan3A_1504 = %scan3A_1355 to %scan3A_1357 step %scan3A_1358  : i32 {
      %mul3A_1505 = arith.constant 128 : i32
      %mul3A_1506 = arith.muli %scan3A_1504, %mul3A_1505 : i32
      %mul3A_1507 = arith.constant 128 : i32
      %mul3A_1508 = arith.muli %scan3A_1504, %mul3A_1507 : i32
      %dma_wait3A = tpu.memref_slice %arg14[%mul3A_1508] : memref<8192xi32, #tpu.memory_space<vmem>> -> memref<128xi32, #tpu.memory_space<vmem>>
      %dma_wait3A_1509 = tpu.memref_slice %arg13[%mul3A_1506] : memref<8192xi32, #tpu.memory_space<vmem>> -> memref<128xi32, #tpu.memory_space<vmem>>
      %dma_wait3A_1510 = arith.constant 0 : i32
      %dma_wait3A_1511 = tpu.memref_slice %arg2[%dma_wait3A_1510] : memref<16777216xi32, #tpu.memory_space<hbm>> -> memref<16777216xi32, #tpu.memory_space<hbm>>
      tpu.wait_indirect_dma semaphore(%arg27 : memref<!tpu.dma_semaphore, #tpu.memory_space<semaphore_mem>>) src(%dma_wait3A_1511 : memref<16777216xi32, #tpu.memory_space<hbm>>) dst(%dma_wait3A : memref<128xi32, #tpu.memory_space<vmem>>)
    }
    %scan3A_1359 = arith.constant 16 : i32
    %scan3A_1360 = arith.constant 256 : i32
    %scan3A_1361 = arith.constant 128 : i32
    %scan3A_1362 = arith.addi %scan3A_1360, %scan3A_1361 : i32
    %scan3A_1363 = arith.constant 1 : i32
    %scan3A_1364 = scf.for %scan3A_1504 = %scan3A_1360 to %scan3A_1362 step %scan3A_1363 iter_args(%scan3A_1505 = %scan3A_1352) -> (i32)  : i32 {
      %mul3A_1506 = arith.constant 16 : i32
      %mul3A_1507 = arith.muli %scan3A_1504, %mul3A_1506 : i32
      %get3A = arith.index_cast %mul3A_1507 : i32 to index
      %get3A_1508 = tpu.vector_load %arg14[%get3A] {strides = array<i32>} : memref<8192xi32, #tpu.memory_space<vmem>>, vector<16xi32>,
      %get3A_1509 = arith.index_cast %mul3A_1507 : i32 to index
      %get3A_1510 = tpu.vector_load %arg13[%get3A_1509] {strides = array<i32>} : memref<8192xi32, #tpu.memory_space<vmem>>, vector<16xi32>,
      %swap3A = arith.index_cast %mul3A_1507 : i32 to index
      %swap3A_1511 = tpu.vector_load %arg8[%swap3A] {strides = array<i32>} : memref<8192xi32, #tpu.memory_space<vmem>>, vector<16xi32>,
      tpu.vector_store %arg8[%swap3A], %get3A_1508 {strides = array<i32>} : memref<8192xi32, #tpu.memory_space<vmem>>, vector<16xi32>,
      %ne3A_1512 = arith.cmpi ne, %get3A_1508, %get3A_1510 : vector<16xi32>
      %all_reduce_population_count3A = tpu.all_reduce %ne3A_1512 {dim = 0 : i64, kind = #tpu.reduction_kind<sum>} : vector<16xi1> -> vector<16xi32>
      %slice3A = vector.extract_strided_slice %all_reduce_population_count3A {offsets = [0], sizes = [1], strides = [1]} : vector<16xi32> to vector<1xi32>
      %squeeze3A = vector.extract %slice3A[0] : i32 from vector<1xi32>
      %iota3A = tpu.iota {dimensions = array<i32: 0>} : vector<16xi32>
      %add3A_1513 = vector.broadcast %mul3A_1507 : i32 to vector<16xi32>
      %add3A_1514 = arith.addi %iota3A, %add3A_1513 : vector<16xi32>
      %swap3A_1515 = arith.index_cast %scan3A_1505 : i32 to index
      %swap3A_1516 = tpu.vector_load %arg13[%swap3A_1515] masked %ne3A_1512 {strides = array<i32>} : memref<8192xi32, #tpu.memory_space<vmem>>, vector<16xi32>, vector<16xi1>
      tpu.vector_store %arg13[%swap3A_1515], %get3A_1508 masked %ne3A_1512 {strides = array<i32>} : memref<8192xi32, #tpu.memory_space<vmem>>, vector<16xi32>, vector<16xi1>
      %swap3A_1517 = arith.index_cast %scan3A_1505 : i32 to index
      %swap3A_1518 = tpu.vector_load %arg6[%swap3A_1517] masked %ne3A_1512 {strides = array<i32>} : memref<8192xi32, #tpu.memory_space<vmem>>, vector<16xi32>, vector<16xi1>
      tpu.vector_store %arg6[%swap3A_1517], %add3A_1514 masked %ne3A_1512 {strides = array<i32>} : memref<8192xi32, #tpu.memory_space<vmem>>, vector<16xi32>, vector<16xi1>
      %add3A_1519 = arith.addi %scan3A_1505, %squeeze3A : i32
      scf.yield %add3A_1519 : i32
    }
    %scan3A_1365 = arith.constant 128 : i32
    %scan3A_1366 = arith.constant 0 : i32
    %scan3A_1367 = arith.constant 48 : i32
    %scan3A_1368 = arith.constant 16 : i32
    %scan3A_1369 = arith.addi %scan3A_1367, %scan3A_1368 : i32
    %scan3A_1370 = arith.constant 1 : i32
    scf.for %scan3A_1504 = %scan3A_1367 to %scan3A_1369 step %scan3A_1370  : i32 {
      %mul3A_1505 = arith.constant 128 : i32
      %mul3A_1506 = arith.muli %scan3A_1504, %mul3A_1505 : i32
      %mul3A_1507 = arith.constant 128 : i32
      %mul3A_1508 = arith.muli %scan3A_1504, %mul3A_1507 : i32
      %dma_wait3A = tpu.memref_slice %arg14[%mul3A_1508] : memref<8192xi32, #tpu.memory_space<vmem>> -> memref<128xi32, #tpu.memory_space<vmem>>
      %dma_wait3A_1509 = tpu.memref_slice %arg13[%mul3A_1506] : memref<8192xi32, #tpu.memory_space<vmem>> -> memref<128xi32, #tpu.memory_space<vmem>>
      %dma_wait3A_1510 = arith.constant 0 : i32
      %dma_wait3A_1511 = tpu.memref_slice %arg2[%dma_wait3A_1510] : memref<16777216xi32, #tpu.memory_space<hbm>> -> memref<16777216xi32, #tpu.memory_space<hbm>>
      tpu.wait_indirect_dma semaphore(%arg28 : memref<!tpu.dma_semaphore, #tpu.memory_space<semaphore_mem>>) src(%dma_wait3A_1511 : memref<16777216xi32, #tpu.memory_space<hbm>>) dst(%dma_wait3A : memref<128xi32, #tpu.memory_space<vmem>>)
    }
    %scan3A_1371 = arith.constant 16 : i32
    %scan3A_1372 = arith.constant 384 : i32
    %scan3A_1373 = arith.constant 128 : i32
    %scan3A_1374 = arith.addi %scan3A_1372, %scan3A_1373 : i32
    %scan3A_1375 = arith.constant 1 : i32
    %scan3A_1376 = scf.for %scan3A_1504 = %scan3A_1372 to %scan3A_1374 step %scan3A_1375 iter_args(%scan3A_1505 = %scan3A_1364) -> (i32)  : i32 {
      %mul3A_1506 = arith.constant 16 : i32
      %mul3A_1507 = arith.muli %scan3A_1504, %mul3A_1506 : i32
      %get3A = arith.index_cast %mul3A_1507 : i32 to index
      %get3A_1508 = tpu.vector_load %arg14[%get3A] {strides = array<i32>} : memref<8192xi32, #tpu.memory_space<vmem>>, vector<16xi32>,
      %get3A_1509 = arith.index_cast %mul3A_1507 : i32 to index
      %get3A_1510 = tpu.vector_load %arg13[%get3A_1509] {strides = array<i32>} : memref<8192xi32, #tpu.memory_space<vmem>>, vector<16xi32>,
      %swap3A = arith.index_cast %mul3A_1507 : i32 to index
      %swap3A_1511 = tpu.vector_load %arg8[%swap3A] {strides = array<i32>} : memref<8192xi32, #tpu.memory_space<vmem>>, vector<16xi32>,
      tpu.vector_store %arg8[%swap3A], %get3A_1508 {strides = array<i32>} : memref<8192xi32, #tpu.memory_space<vmem>>, vector<16xi32>,
      %ne3A_1512 = arith.cmpi ne, %get3A_1508, %get3A_1510 : vector<16xi32>
      %all_reduce_population_count3A = tpu.all_reduce %ne3A_1512 {dim = 0 : i64, kind = #tpu.reduction_kind<sum>} : vector<16xi1> -> vector<16xi32>
      %slice3A = vector.extract_strided_slice %all_reduce_population_count3A {offsets = [0], sizes = [1], strides = [1]} : vector<16xi32> to vector<1xi32>
      %squeeze3A = vector.extract %slice3A[0] : i32 from vector<1xi32>
      %iota3A = tpu.iota {dimensions = array<i32: 0>} : vector<16xi32>
      %add3A_1513 = vector.broadcast %mul3A_1507 : i32 to vector<16xi32>
      %add3A_1514 = arith.addi %iota3A, %add3A_1513 : vector<16xi32>
      %swap3A_1515 = arith.index_cast %scan3A_1505 : i32 to index
      %swap3A_1516 = tpu.vector_load %arg13[%swap3A_1515] masked %ne3A_1512 {strides = array<i32>} : memref<8192xi32, #tpu.memory_space<vmem>>, vector<16xi32>, vector<16xi1>
      tpu.vector_store %arg13[%swap3A_1515], %get3A_1508 masked %ne3A_1512 {strides = array<i32>} : memref<8192xi32, #tpu.memory_space<vmem>>, vector<16xi32>, vector<16xi1>
      %swap3A_1517 = arith.index_cast %scan3A_1505 : i32 to index
      %swap3A_1518 = tpu.vector_load %arg6[%swap3A_1517] masked %ne3A_1512 {strides = array<i32>} : memref<8192xi32, #tpu.memory_space<vmem>>, vector<16xi32>, vector<16xi1>
      tpu.vector_store %arg6[%swap3A_1517], %add3A_1514 masked %ne3A_1512 {strides = array<i32>} : memref<8192xi32, #tpu.memory_space<vmem>>, vector<16xi32>, vector<16xi1>
      %add3A_1519 = arith.addi %scan3A_1505, %squeeze3A : i32
      scf.yield %add3A_1519 : i32
    }
    %scan3A_1377 = arith.constant 128 : i32
    %add3A_1378 = arith.constant 128 : i32
    %add3A_1379 = arith.addi %scan3A_1376, %add3A_1378 : i32
    %sub3A_1380 = arith.constant 1 : i32
    %sub3A_1381 = arith.subi %add3A_1379, %sub3A_1380 : i32
    %jit3A_1382 = arith.constant 128 : i32
    %div3A_1383 = arith.divsi %sub3A_1381, %jit3A_1382 : i32
    %sign3A_1384 = arith.constant 0 : i32
    %sign3A_1385 = arith.cmpi sgt, %sub3A_1381, %sign3A_1384 : i32
    %sign3A_1386 = arith.extui %sign3A_1385 : i1 to i32
    %sign3A_1387 = arith.constant 0 : i32
    %sign3A_1388 = arith.cmpi slt, %sub3A_1381, %sign3A_1387 : i32
    %sign3A_1389 = arith.extui %sign3A_1388 : i1 to i32
    %sign3A_1390 = arith.subi %sign3A_1386, %sign3A_1389 : i32
    %sign3A_1391 = arith.constant 0 : i32
    %sign3A_1392 = arith.cmpi sgt, %jit3A_1382, %sign3A_1391 : i32
    %sign3A_1393 = arith.extui %sign3A_1392 : i1 to i32
    %sign3A_1394 = arith.constant 0 : i32
    %sign3A_1395 = arith.cmpi slt, %jit3A_1382, %sign3A_1394 : i32
    %sign3A_1396 = arith.extui %sign3A_1395 : i1 to i32
    %sign3A_1397 = arith.subi %sign3A_1393, %sign3A_1396 : i32
    %ne3A_1398 = arith.cmpi ne, %sign3A_1390, %sign3A_1397 : i32
    %rem3A_1399 = arith.remsi %sub3A_1381, %jit3A_1382 : i32
    %ne3A_1400 = arith.constant 0 : i32
    %ne3A_1401 = arith.cmpi ne, %rem3A_1399, %ne3A_1400 : i32
    %and3A_1402 = arith.andi %ne3A_1398, %ne3A_1401 : i1
    %sub3A_1403 = arith.constant 1 : i32
    %sub3A_1404 = arith.subi %div3A_1383, %sub3A_1403 : i32
    %select_n3A_1405 = arith.select %and3A_1402, %sub3A_1404, %div3A_1383 : i32
    %while3A_1406 = arith.constant 0 : i32
    %while3A_1407 = arith.constant 0 : i32
    %while3A_1408 = arith.subi %select_n3A_1405, %while3A_1407 : i32
    %while3A_1409 = arith.addi %while3A_1407, %while3A_1408 : i32
    %while3A_1410 = arith.constant 1 : i32
    %while3A_1411 = arith.divsi %while3A_1408, %while3A_1410 : i32
    %while3A_1412 = arith.muli %while3A_1411, %while3A_1410 : i32
    %while3A_1413 = arith.addi %while3A_1407, %while3A_1412 : i32
    %while3A_1414 = arith.constant 1 : i32
    scf.for %while3A_1504 = %while3A_1407 to %while3A_1413 step %while3A_1414  : i32 {
      %mul3A_1505 = arith.constant 128 : i32
      %mul3A_1506 = arith.muli %while3A_1504, %mul3A_1505 : i32
      %mul3A_1507 = arith.constant 128 : i32
      %mul3A_1508 = arith.muli %while3A_1504, %mul3A_1507 : i32
      %dma_start3A = tpu.memref_slice %arg14[%mul3A_1508] : memref<8192xi32, #tpu.memory_space<vmem>> -> memref<128xi32, #tpu.memory_space<vmem>>
      %dma_start3A_1509 = tpu.memref_slice %arg13[%mul3A_1506] : memref<8192xi32, #tpu.memory_space<vmem>> -> memref<128xi32, #tpu.memory_space<vmem>>
      %dma_start3A_1510 = arith.constant 0 : i32
      %dma_start3A_1511 = tpu.memref_slice %arg2[%dma_start3A_1510] : memref<16777216xi32, #tpu.memory_space<hbm>> -> memref<16777216xi32, #tpu.memory_space<hbm>>
      tpu.enqueue_indirect_dma source(%dma_start3A_1511 : memref<16777216xi32, #tpu.memory_space<hbm>>) target(%dma_start3A : memref<128xi32, #tpu.memory_space<vmem>>) offsets(%dma_start3A_1509 : memref<128xi32, #tpu.memory_space<vmem>>) semaphore(%arg25 : memref<!tpu.dma_semaphore, #tpu.memory_space<semaphore_mem>>)
    }
    %while3A_1415 = arith.constant 1 : i32
    scf.for %while3A_1504 = %while3A_1413 to %while3A_1409 step %while3A_1415  : i32 {
      %mul3A_1505 = arith.constant 128 : i32
      %mul3A_1506 = arith.muli %while3A_1504, %mul3A_1505 : i32
      %mul3A_1507 = arith.constant 128 : i32
      %mul3A_1508 = arith.muli %while3A_1504, %mul3A_1507 : i32
      %dma_start3A = tpu.memref_slice %arg14[%mul3A_1508] : memref<8192xi32, #tpu.memory_space<vmem>> -> memref<128xi32, #tpu.memory_space<vmem>>
      %dma_start3A_1509 = tpu.memref_slice %arg13[%mul3A_1506] : memref<8192xi32, #tpu.memory_space<vmem>> -> memref<128xi32, #tpu.memory_space<vmem>>
      %dma_start3A_1510 = arith.constant 0 : i32
      %dma_start3A_1511 = tpu.memref_slice %arg2[%dma_start3A_1510] : memref<16777216xi32, #tpu.memory_space<hbm>> -> memref<16777216xi32, #tpu.memory_space<hbm>>
      tpu.enqueue_indirect_dma source(%dma_start3A_1511 : memref<16777216xi32, #tpu.memory_space<hbm>>) target(%dma_start3A : memref<128xi32, #tpu.memory_space<vmem>>) offsets(%dma_start3A_1509 : memref<128xi32, #tpu.memory_space<vmem>>) semaphore(%arg25 : memref<!tpu.dma_semaphore, #tpu.memory_space<semaphore_mem>>)
    }
    %scan3A_1416 = arith.constant 0 : i32
    %scan3A_1417 = arith.constant 0 : i32
    %scan3A_1418 = arith.constant 16 : i32
    %scan3A_1419 = arith.addi %scan3A_1417, %scan3A_1418 : i32
    %scan3A_1420 = arith.constant 1 : i32
    scf.for %scan3A_1504 = %scan3A_1417 to %scan3A_1419 step %scan3A_1420  : i32 {
      %mul3A_1505 = arith.constant 128 : i32
      %mul3A_1506 = arith.muli %scan3A_1504, %mul3A_1505 : i32
      %mul3A_1507 = arith.constant 128 : i32
      %mul3A_1508 = arith.muli %scan3A_1504, %mul3A_1507 : i32
      %dma_wait3A = tpu.memref_slice %arg16[%mul3A_1508] : memref<8192xi32, #tpu.memory_space<vmem>> -> memref<128xi32, #tpu.memory_space<vmem>>
      %dma_wait3A_1509 = tpu.memref_slice %arg15[%mul3A_1506] : memref<8192xi32, #tpu.memory_space<vmem>> -> memref<128xi32, #tpu.memory_space<vmem>>
      %dma_wait3A_1510 = arith.constant 0 : i32
      %dma_wait3A_1511 = tpu.memref_slice %arg2[%dma_wait3A_1510] : memref<16777216xi32, #tpu.memory_space<hbm>> -> memref<16777216xi32, #tpu.memory_space<hbm>>
      tpu.wait_indirect_dma semaphore(%arg29 : memref<!tpu.dma_semaphore, #tpu.memory_space<semaphore_mem>>) src(%dma_wait3A_1511 : memref<16777216xi32, #tpu.memory_space<hbm>>) dst(%dma_wait3A : memref<128xi32, #tpu.memory_space<vmem>>)
    }
    %scan3A_1421 = arith.constant 16 : i32
    %scan3A_1422 = arith.constant 0 : i32
    %scan3A_1423 = arith.constant 0 : i32
    %scan3A_1424 = arith.constant 128 : i32
    %scan3A_1425 = arith.addi %scan3A_1423, %scan3A_1424 : i32
    %scan3A_1426 = arith.constant 1 : i32
    %scan3A_1427 = scf.for %scan3A_1504 = %scan3A_1423 to %scan3A_1425 step %scan3A_1426 iter_args(%scan3A_1505 = %scan3A_1422) -> (i32)  : i32 {
      %mul3A_1506 = arith.constant 16 : i32
      %mul3A_1507 = arith.muli %scan3A_1504, %mul3A_1506 : i32
      %get3A = arith.index_cast %mul3A_1507 : i32 to index
      %get3A_1508 = tpu.vector_load %arg16[%get3A] {strides = array<i32>} : memref<8192xi32, #tpu.memory_space<vmem>>, vector<16xi32>,
      %get3A_1509 = arith.index_cast %mul3A_1507 : i32 to index
      %get3A_1510 = tpu.vector_load %arg15[%get3A_1509] {strides = array<i32>} : memref<8192xi32, #tpu.memory_space<vmem>>, vector<16xi32>,
      %swap3A = arith.index_cast %mul3A_1507 : i32 to index
      %swap3A_1511 = tpu.vector_load %arg12[%swap3A] {strides = array<i32>} : memref<8192xi32, #tpu.memory_space<vmem>>, vector<16xi32>,
      tpu.vector_store %arg12[%swap3A], %get3A_1508 {strides = array<i32>} : memref<8192xi32, #tpu.memory_space<vmem>>, vector<16xi32>,
      %ne3A_1512 = arith.cmpi ne, %get3A_1508, %get3A_1510 : vector<16xi32>
      %all_reduce_population_count3A = tpu.all_reduce %ne3A_1512 {dim = 0 : i64, kind = #tpu.reduction_kind<sum>} : vector<16xi1> -> vector<16xi32>
      %slice3A = vector.extract_strided_slice %all_reduce_population_count3A {offsets = [0], sizes = [1], strides = [1]} : vector<16xi32> to vector<1xi32>
      %squeeze3A = vector.extract %slice3A[0] : i32 from vector<1xi32>
      %iota3A = tpu.iota {dimensions = array<i32: 0>} : vector<16xi32>
      %add3A_1513 = vector.broadcast %mul3A_1507 : i32 to vector<16xi32>
      %add3A_1514 = arith.addi %iota3A, %add3A_1513 : vector<16xi32>
      %swap3A_1515 = arith.index_cast %scan3A_1505 : i32 to index
      %swap3A_1516 = tpu.vector_load %arg15[%swap3A_1515] masked %ne3A_1512 {strides = array<i32>} : memref<8192xi32, #tpu.memory_space<vmem>>, vector<16xi32>, vector<16xi1>
      tpu.vector_store %arg15[%swap3A_1515], %get3A_1508 masked %ne3A_1512 {strides = array<i32>} : memref<8192xi32, #tpu.memory_space<vmem>>, vector<16xi32>, vector<16xi1>
      %swap3A_1517 = arith.index_cast %scan3A_1505 : i32 to index
      %swap3A_1518 = tpu.vector_load %arg10[%swap3A_1517] masked %ne3A_1512 {strides = array<i32>} : memref<8192xi32, #tpu.memory_space<vmem>>, vector<16xi32>, vector<16xi1>
      tpu.vector_store %arg10[%swap3A_1517], %add3A_1514 masked %ne3A_1512 {strides = array<i32>} : memref<8192xi32, #tpu.memory_space<vmem>>, vector<16xi32>, vector<16xi1>
      %add3A_1519 = arith.addi %scan3A_1505, %squeeze3A : i32
      scf.yield %add3A_1519 : i32
    }
    %scan3A_1428 = arith.constant 128 : i32
    %scan3A_1429 = arith.constant 0 : i32
    %scan3A_1430 = arith.constant 16 : i32
    %scan3A_1431 = arith.constant 16 : i32
    %scan3A_1432 = arith.addi %scan3A_1430, %scan3A_1431 : i32
    %scan3A_1433 = arith.constant 1 : i32
    scf.for %scan3A_1504 = %scan3A_1430 to %scan3A_1432 step %scan3A_1433  : i32 {
      %mul3A_1505 = arith.constant 128 : i32
      %mul3A_1506 = arith.muli %scan3A_1504, %mul3A_1505 : i32
      %mul3A_1507 = arith.constant 128 : i32
      %mul3A_1508 = arith.muli %scan3A_1504, %mul3A_1507 : i32
      %dma_wait3A = tpu.memref_slice %arg16[%mul3A_1508] : memref<8192xi32, #tpu.memory_space<vmem>> -> memref<128xi32, #tpu.memory_space<vmem>>
      %dma_wait3A_1509 = tpu.memref_slice %arg15[%mul3A_1506] : memref<8192xi32, #tpu.memory_space<vmem>> -> memref<128xi32, #tpu.memory_space<vmem>>
      %dma_wait3A_1510 = arith.constant 0 : i32
      %dma_wait3A_1511 = tpu.memref_slice %arg2[%dma_wait3A_1510] : memref<16777216xi32, #tpu.memory_space<hbm>> -> memref<16777216xi32, #tpu.memory_space<hbm>>
      tpu.wait_indirect_dma semaphore(%arg30 : memref<!tpu.dma_semaphore, #tpu.memory_space<semaphore_mem>>) src(%dma_wait3A_1511 : memref<16777216xi32, #tpu.memory_space<hbm>>) dst(%dma_wait3A : memref<128xi32, #tpu.memory_space<vmem>>)
    }
    %scan3A_1434 = arith.constant 16 : i32
    %scan3A_1435 = arith.constant 128 : i32
    %scan3A_1436 = arith.constant 128 : i32
    %scan3A_1437 = arith.addi %scan3A_1435, %scan3A_1436 : i32
    %scan3A_1438 = arith.constant 1 : i32
    %scan3A_1439 = scf.for %scan3A_1504 = %scan3A_1435 to %scan3A_1437 step %scan3A_1438 iter_args(%scan3A_1505 = %scan3A_1427) -> (i32)  : i32 {
      %mul3A_1506 = arith.constant 16 : i32
      %mul3A_1507 = arith.muli %scan3A_1504, %mul3A_1506 : i32
      %get3A = arith.index_cast %mul3A_1507 : i32 to index
      %get3A_1508 = tpu.vector_load %arg16[%get3A] {strides = array<i32>} : memref<8192xi32, #tpu.memory_space<vmem>>, vector<16xi32>,
      %get3A_1509 = arith.index_cast %mul3A_1507 : i32 to index
      %get3A_1510 = tpu.vector_load %arg15[%get3A_1509] {strides = array<i32>} : memref<8192xi32, #tpu.memory_space<vmem>>, vector<16xi32>,
      %swap3A = arith.index_cast %mul3A_1507 : i32 to index
      %swap3A_1511 = tpu.vector_load %arg12[%swap3A] {strides = array<i32>} : memref<8192xi32, #tpu.memory_space<vmem>>, vector<16xi32>,
      tpu.vector_store %arg12[%swap3A], %get3A_1508 {strides = array<i32>} : memref<8192xi32, #tpu.memory_space<vmem>>, vector<16xi32>,
      %ne3A_1512 = arith.cmpi ne, %get3A_1508, %get3A_1510 : vector<16xi32>
      %all_reduce_population_count3A = tpu.all_reduce %ne3A_1512 {dim = 0 : i64, kind = #tpu.reduction_kind<sum>} : vector<16xi1> -> vector<16xi32>
      %slice3A = vector.extract_strided_slice %all_reduce_population_count3A {offsets = [0], sizes = [1], strides = [1]} : vector<16xi32> to vector<1xi32>
      %squeeze3A = vector.extract %slice3A[0] : i32 from vector<1xi32>
      %iota3A = tpu.iota {dimensions = array<i32: 0>} : vector<16xi32>
      %add3A_1513 = vector.broadcast %mul3A_1507 : i32 to vector<16xi32>
      %add3A_1514 = arith.addi %iota3A, %add3A_1513 : vector<16xi32>
      %swap3A_1515 = arith.index_cast %scan3A_1505 : i32 to index
      %swap3A_1516 = tpu.vector_load %arg15[%swap3A_1515] masked %ne3A_1512 {strides = array<i32>} : memref<8192xi32, #tpu.memory_space<vmem>>, vector<16xi32>, vector<16xi1>
      tpu.vector_store %arg15[%swap3A_1515], %get3A_1508 masked %ne3A_1512 {strides = array<i32>} : memref<8192xi32, #tpu.memory_space<vmem>>, vector<16xi32>, vector<16xi1>
      %swap3A_1517 = arith.index_cast %scan3A_1505 : i32 to index
      %swap3A_1518 = tpu.vector_load %arg10[%swap3A_1517] masked %ne3A_1512 {strides = array<i32>} : memref<8192xi32, #tpu.memory_space<vmem>>, vector<16xi32>, vector<16xi1>
      tpu.vector_store %arg10[%swap3A_1517], %add3A_1514 masked %ne3A_1512 {strides = array<i32>} : memref<8192xi32, #tpu.memory_space<vmem>>, vector<16xi32>, vector<16xi1>
      %add3A_1519 = arith.addi %scan3A_1505, %squeeze3A : i32
      scf.yield %add3A_1519 : i32
    }
    %scan3A_1440 = arith.constant 128 : i32
    %scan3A_1441 = arith.constant 0 : i32
    %scan3A_1442 = arith.constant 32 : i32
    %scan3A_1443 = arith.constant 16 : i32
    %scan3A_1444 = arith.addi %scan3A_1442, %scan3A_1443 : i32
    %scan3A_1445 = arith.constant 1 : i32
    scf.for %scan3A_1504 = %scan3A_1442 to %scan3A_1444 step %scan3A_1445  : i32 {
      %mul3A_1505 = arith.constant 128 : i32
      %mul3A_1506 = arith.muli %scan3A_1504, %mul3A_1505 : i32
      %mul3A_1507 = arith.constant 128 : i32
      %mul3A_1508 = arith.muli %scan3A_1504, %mul3A_1507 : i32
      %dma_wait3A = tpu.memref_slice %arg16[%mul3A_1508] : memref<8192xi32, #tpu.memory_space<vmem>> -> memref<128xi32, #tpu.memory_space<vmem>>
      %dma_wait3A_1509 = tpu.memref_slice %arg15[%mul3A_1506] : memref<8192xi32, #tpu.memory_space<vmem>> -> memref<128xi32, #tpu.memory_space<vmem>>
      %dma_wait3A_1510 = arith.constant 0 : i32
      %dma_wait3A_1511 = tpu.memref_slice %arg2[%dma_wait3A_1510] : memref<16777216xi32, #tpu.memory_space<hbm>> -> memref<16777216xi32, #tpu.memory_space<hbm>>
      tpu.wait_indirect_dma semaphore(%arg31 : memref<!tpu.dma_semaphore, #tpu.memory_space<semaphore_mem>>) src(%dma_wait3A_1511 : memref<16777216xi32, #tpu.memory_space<hbm>>) dst(%dma_wait3A : memref<128xi32, #tpu.memory_space<vmem>>)
    }
    %scan3A_1446 = arith.constant 16 : i32
    %scan3A_1447 = arith.constant 256 : i32
    %scan3A_1448 = arith.constant 128 : i32
    %scan3A_1449 = arith.addi %scan3A_1447, %scan3A_1448 : i32
    %scan3A_1450 = arith.constant 1 : i32
    %scan3A_1451 = scf.for %scan3A_1504 = %scan3A_1447 to %scan3A_1449 step %scan3A_1450 iter_args(%scan3A_1505 = %scan3A_1439) -> (i32)  : i32 {
      %mul3A_1506 = arith.constant 16 : i32
      %mul3A_1507 = arith.muli %scan3A_1504, %mul3A_1506 : i32
      %get3A = arith.index_cast %mul3A_1507 : i32 to index
      %get3A_1508 = tpu.vector_load %arg16[%get3A] {strides = array<i32>} : memref<8192xi32, #tpu.memory_space<vmem>>, vector<16xi32>,
      %get3A_1509 = arith.index_cast %mul3A_1507 : i32 to index
      %get3A_1510 = tpu.vector_load %arg15[%get3A_1509] {strides = array<i32>} : memref<8192xi32, #tpu.memory_space<vmem>>, vector<16xi32>,
      %swap3A = arith.index_cast %mul3A_1507 : i32 to index
      %swap3A_1511 = tpu.vector_load %arg12[%swap3A] {strides = array<i32>} : memref<8192xi32, #tpu.memory_space<vmem>>, vector<16xi32>,
      tpu.vector_store %arg12[%swap3A], %get3A_1508 {strides = array<i32>} : memref<8192xi32, #tpu.memory_space<vmem>>, vector<16xi32>,
      %ne3A_1512 = arith.cmpi ne, %get3A_1508, %get3A_1510 : vector<16xi32>
      %all_reduce_population_count3A = tpu.all_reduce %ne3A_1512 {dim = 0 : i64, kind = #tpu.reduction_kind<sum>} : vector<16xi1> -> vector<16xi32>
      %slice3A = vector.extract_strided_slice %all_reduce_population_count3A {offsets = [0], sizes = [1], strides = [1]} : vector<16xi32> to vector<1xi32>
      %squeeze3A = vector.extract %slice3A[0] : i32 from vector<1xi32>
      %iota3A = tpu.iota {dimensions = array<i32: 0>} : vector<16xi32>
      %add3A_1513 = vector.broadcast %mul3A_1507 : i32 to vector<16xi32>
      %add3A_1514 = arith.addi %iota3A, %add3A_1513 : vector<16xi32>
      %swap3A_1515 = arith.index_cast %scan3A_1505 : i32 to index
      %swap3A_1516 = tpu.vector_load %arg15[%swap3A_1515] masked %ne3A_1512 {strides = array<i32>} : memref<8192xi32, #tpu.memory_space<vmem>>, vector<16xi32>, vector<16xi1>
      tpu.vector_store %arg15[%swap3A_1515], %get3A_1508 masked %ne3A_1512 {strides = array<i32>} : memref<8192xi32, #tpu.memory_space<vmem>>, vector<16xi32>, vector<16xi1>
      %swap3A_1517 = arith.index_cast %scan3A_1505 : i32 to index
      %swap3A_1518 = tpu.vector_load %arg10[%swap3A_1517] masked %ne3A_1512 {strides = array<i32>} : memref<8192xi32, #tpu.memory_space<vmem>>, vector<16xi32>, vector<16xi1>
      tpu.vector_store %arg10[%swap3A_1517], %add3A_1514 masked %ne3A_1512 {strides = array<i32>} : memref<8192xi32, #tpu.memory_space<vmem>>, vector<16xi32>, vector<16xi1>
      %add3A_1519 = arith.addi %scan3A_1505, %squeeze3A : i32
      scf.yield %add3A_1519 : i32
    }
    %scan3A_1452 = arith.constant 128 : i32
    %scan3A_1453 = arith.constant 0 : i32
    %scan3A_1454 = arith.constant 48 : i32
    %scan3A_1455 = arith.constant 16 : i32
    %scan3A_1456 = arith.addi %scan3A_1454, %scan3A_1455 : i32
    %scan3A_1457 = arith.constant 1 : i32
    scf.for %scan3A_1504 = %scan3A_1454 to %scan3A_1456 step %scan3A_1457  : i32 {
      %mul3A_1505 = arith.constant 128 : i32
      %mul3A_1506 = arith.muli %scan3A_1504, %mul3A_1505 : i32
      %mul3A_1507 = arith.constant 128 : i32
      %mul3A_1508 = arith.muli %scan3A_1504, %mul3A_1507 : i32
      %dma_wait3A = tpu.memref_slice %arg16[%mul3A_1508] : memref<8192xi32, #tpu.memory_space<vmem>> -> memref<128xi32, #tpu.memory_space<vmem>>
      %dma_wait3A_1509 = tpu.memref_slice %arg15[%mul3A_1506] : memref<8192xi32, #tpu.memory_space<vmem>> -> memref<128xi32, #tpu.memory_space<vmem>>
      %dma_wait3A_1510 = arith.constant 0 : i32
      %dma_wait3A_1511 = tpu.memref_slice %arg2[%dma_wait3A_1510] : memref<16777216xi32, #tpu.memory_space<hbm>> -> memref<16777216xi32, #tpu.memory_space<hbm>>
      tpu.wait_indirect_dma semaphore(%arg32 : memref<!tpu.dma_semaphore, #tpu.memory_space<semaphore_mem>>) src(%dma_wait3A_1511 : memref<16777216xi32, #tpu.memory_space<hbm>>) dst(%dma_wait3A : memref<128xi32, #tpu.memory_space<vmem>>)
    }
    %scan3A_1458 = arith.constant 16 : i32
    %scan3A_1459 = arith.constant 384 : i32
    %scan3A_1460 = arith.constant 128 : i32
    %scan3A_1461 = arith.addi %scan3A_1459, %scan3A_1460 : i32
    %scan3A_1462 = arith.constant 1 : i32
    %scan3A_1463 = scf.for %scan3A_1504 = %scan3A_1459 to %scan3A_1461 step %scan3A_1462 iter_args(%scan3A_1505 = %scan3A_1451) -> (i32)  : i32 {
      %mul3A_1506 = arith.constant 16 : i32
      %mul3A_1507 = arith.muli %scan3A_1504, %mul3A_1506 : i32
      %get3A = arith.index_cast %mul3A_1507 : i32 to index
      %get3A_1508 = tpu.vector_load %arg16[%get3A] {strides = array<i32>} : memref<8192xi32, #tpu.memory_space<vmem>>, vector<16xi32>,
      %get3A_1509 = arith.index_cast %mul3A_1507 : i32 to index
      %get3A_1510 = tpu.vector_load %arg15[%get3A_1509] {strides = array<i32>} : memref<8192xi32, #tpu.memory_space<vmem>>, vector<16xi32>,
      %swap3A = arith.index_cast %mul3A_1507 : i32 to index
      %swap3A_1511 = tpu.vector_load %arg12[%swap3A] {strides = array<i32>} : memref<8192xi32, #tpu.memory_space<vmem>>, vector<16xi32>,
      tpu.vector_store %arg12[%swap3A], %get3A_1508 {strides = array<i32>} : memref<8192xi32, #tpu.memory_space<vmem>>, vector<16xi32>,
      %ne3A_1512 = arith.cmpi ne, %get3A_1508, %get3A_1510 : vector<16xi32>
      %all_reduce_population_count3A = tpu.all_reduce %ne3A_1512 {dim = 0 : i64, kind = #tpu.reduction_kind<sum>} : vector<16xi1> -> vector<16xi32>
      %slice3A = vector.extract_strided_slice %all_reduce_population_count3A {offsets = [0], sizes = [1], strides = [1]} : vector<16xi32> to vector<1xi32>
      %squeeze3A = vector.extract %slice3A[0] : i32 from vector<1xi32>
      %iota3A = tpu.iota {dimensions = array<i32: 0>} : vector<16xi32>
      %add3A_1513 = vector.broadcast %mul3A_1507 : i32 to vector<16xi32>
      %add3A_1514 = arith.addi %iota3A, %add3A_1513 : vector<16xi32>
      %swap3A_1515 = arith.index_cast %scan3A_1505 : i32 to index
      %swap3A_1516 = tpu.vector_load %arg15[%swap3A_1515] masked %ne3A_1512 {strides = array<i32>} : memref<8192xi32, #tpu.memory_space<vmem>>, vector<16xi32>, vector<16xi1>
      tpu.vector_store %arg15[%swap3A_1515], %get3A_1508 masked %ne3A_1512 {strides = array<i32>} : memref<8192xi32, #tpu.memory_space<vmem>>, vector<16xi32>, vector<16xi1>
      %swap3A_1517 = arith.index_cast %scan3A_1505 : i32 to index
      %swap3A_1518 = tpu.vector_load %arg10[%swap3A_1517] masked %ne3A_1512 {strides = array<i32>} : memref<8192xi32, #tpu.memory_space<vmem>>, vector<16xi32>, vector<16xi1>
      tpu.vector_store %arg10[%swap3A_1517], %add3A_1514 masked %ne3A_1512 {strides = array<i32>} : memref<8192xi32, #tpu.memory_space<vmem>>, vector<16xi32>, vector<16xi1>
      %add3A_1519 = arith.addi %scan3A_1505, %squeeze3A : i32
      scf.yield %add3A_1519 : i32
    }
    %scan3A_1464 = arith.constant 128 : i32
    %add3A_1465 = arith.constant 128 : i32
    %add3A_1466 = arith.addi %scan3A_1463, %add3A_1465 : i32
    %sub3A_1467 = arith.constant 1 : i32
    %sub3A_1468 = arith.subi %add3A_1466, %sub3A_1467 : i32
    %jit3A_1469 = arith.constant 128 : i32
    %div3A_1470 = arith.divsi %sub3A_1468, %jit3A_1469 : i32
    %sign3A_1471 = arith.constant 0 : i32
    %sign3A_1472 = arith.cmpi sgt, %sub3A_1468, %sign3A_1471 : i32
    %sign3A_1473 = arith.extui %sign3A_1472 : i1 to i32
    %sign3A_1474 = arith.constant 0 : i32
    %sign3A_1475 = arith.cmpi slt, %sub3A_1468, %sign3A_1474 : i32
    %sign3A_1476 = arith.extui %sign3A_1475 : i1 to i32
    %sign3A_1477 = arith.subi %sign3A_1473, %sign3A_1476 : i32
    %sign3A_1478 = arith.constant 0 : i32
    %sign3A_1479 = arith.cmpi sgt, %jit3A_1469, %sign3A_1478 : i32
    %sign3A_1480 = arith.extui %sign3A_1479 : i1 to i32
    %sign3A_1481 = arith.constant 0 : i32
    %sign3A_1482 = arith.cmpi slt, %jit3A_1469, %sign3A_1481 : i32
    %sign3A_1483 = arith.extui %sign3A_1482 : i1 to i32
    %sign3A_1484 = arith.subi %sign3A_1480, %sign3A_1483 : i32
    %ne3A_1485 = arith.cmpi ne, %sign3A_1477, %sign3A_1484 : i32
    %rem3A_1486 = arith.remsi %sub3A_1468, %jit3A_1469 : i32
    %ne3A_1487 = arith.constant 0 : i32
    %ne3A_1488 = arith.cmpi ne, %rem3A_1486, %ne3A_1487 : i32
    %and3A_1489 = arith.andi %ne3A_1485, %ne3A_1488 : i1
    %sub3A_1490 = arith.constant 1 : i32
    %sub3A_1491 = arith.subi %div3A_1470, %sub3A_1490 : i32
    %select_n3A_1492 = arith.select %and3A_1489, %sub3A_1491, %div3A_1470 : i32
    %while3A_1493 = arith.constant 0 : i32
    %while3A_1494 = arith.constant 0 : i32
    %while3A_1495 = arith.subi %select_n3A_1492, %while3A_1494 : i32
    %while3A_1496 = arith.addi %while3A_1494, %while3A_1495 : i32
    %while3A_1497 = arith.constant 1 : i32
    %while3A_1498 = arith.divsi %while3A_1495, %while3A_1497 : i32
    %while3A_1499 = arith.muli %while3A_1498, %while3A_1497 : i32
    %while3A_1500 = arith.addi %while3A_1494, %while3A_1499 : i32
    %while3A_1501 = arith.constant 1 : i32
    scf.for %while3A_1504 = %while3A_1494 to %while3A_1500 step %while3A_1501  : i32 {
      %mul3A_1505 = arith.constant 128 : i32
      %mul3A_1506 = arith.muli %while3A_1504, %mul3A_1505 : i32
      %mul3A_1507 = arith.constant 128 : i32
      %mul3A_1508 = arith.muli %while3A_1504, %mul3A_1507 : i32
      %dma_start3A = tpu.memref_slice %arg16[%mul3A_1508] : memref<8192xi32, #tpu.memory_space<vmem>> -> memref<128xi32, #tpu.memory_space<vmem>>
      %dma_start3A_1509 = tpu.memref_slice %arg15[%mul3A_1506] : memref<8192xi32, #tpu.memory_space<vmem>> -> memref<128xi32, #tpu.memory_space<vmem>>
      %dma_start3A_1510 = arith.constant 0 : i32
      %dma_start3A_1511 = tpu.memref_slice %arg2[%dma_start3A_1510] : memref<16777216xi32, #tpu.memory_space<hbm>> -> memref<16777216xi32, #tpu.memory_space<hbm>>
      tpu.enqueue_indirect_dma source(%dma_start3A_1511 : memref<16777216xi32, #tpu.memory_space<hbm>>) target(%dma_start3A : memref<128xi32, #tpu.memory_space<vmem>>) offsets(%dma_start3A_1509 : memref<128xi32, #tpu.memory_space<vmem>>) semaphore(%arg29 : memref<!tpu.dma_semaphore, #tpu.memory_space<semaphore_mem>>)
    }
    %while3A_1502 = arith.constant 1 : i32
    scf.for %while3A_1504 = %while3A_1500 to %while3A_1496 step %while3A_1502  : i32 {
      %mul3A_1505 = arith.constant 128 : i32
      %mul3A_1506 = arith.muli %while3A_1504, %mul3A_1505 : i32
      %mul3A_1507 = arith.constant 128 : i32
      %mul3A_1508 = arith.muli %while3A_1504, %mul3A_1507 : i32
      %dma_start3A = tpu.memref_slice %arg16[%mul3A_1508] : memref<8192xi32, #tpu.memory_space<vmem>> -> memref<128xi32, #tpu.memory_space<vmem>>
      %dma_start3A_1509 = tpu.memref_slice %arg15[%mul3A_1506] : memref<8192xi32, #tpu.memory_space<vmem>> -> memref<128xi32, #tpu.memory_space<vmem>>
      %dma_start3A_1510 = arith.constant 0 : i32
      %dma_start3A_1511 = tpu.memref_slice %arg2[%dma_start3A_1510] : memref<16777216xi32, #tpu.memory_space<hbm>> -> memref<16777216xi32, #tpu.memory_space<hbm>>
      tpu.enqueue_indirect_dma source(%dma_start3A_1511 : memref<16777216xi32, #tpu.memory_space<hbm>>) target(%dma_start3A : memref<128xi32, #tpu.memory_space<vmem>>) offsets(%dma_start3A_1509 : memref<128xi32, #tpu.memory_space<vmem>>) semaphore(%arg29 : memref<!tpu.dma_semaphore, #tpu.memory_space<semaphore_mem>>)
    }
    %while3A_1503:2 = scf.while (%while3A_1504 = %scan3A_1376, %while3A_1505 = %scan3A_1463) : (i32, i32) -> (i32, i32) {
      %gt3A = arith.constant 0 : i32
      %gt3A_1506 = arith.cmpi sgt, %while3A_1504, %gt3A : i32
      %gt3A_1507 = arith.constant 0 : i32
      %gt3A_1508 = arith.cmpi sgt, %while3A_1505, %gt3A_1507 : i32
      %or3A = arith.ori %gt3A_1506, %gt3A_1508 : i1
      scf.condition(%or3A) %while3A_1504, %while3A_1505 : i32, i32
    } do {
    ^bb0(%while3A_1504: i32, %while3A_1505: i32):
      %jit3A_1506 = arith.constant 16 : i32
      %div3A_1507 = arith.divsi %while3A_1504, %jit3A_1506 : i32
      %sign3A_1508 = arith.constant 0 : i32
      %sign3A_1509 = arith.cmpi sgt, %while3A_1504, %sign3A_1508 : i32
      %sign3A_1510 = arith.extui %sign3A_1509 : i1 to i32
      %sign3A_1511 = arith.constant 0 : i32
      %sign3A_1512 = arith.cmpi slt, %while3A_1504, %sign3A_1511 : i32
      %sign3A_1513 = arith.extui %sign3A_1512 : i1 to i32
      %sign3A_1514 = arith.subi %sign3A_1510, %sign3A_1513 : i32
      %sign3A_1515 = arith.constant 0 : i32
      %sign3A_1516 = arith.cmpi sgt, %jit3A_1506, %sign3A_1515 : i32
      %sign3A_1517 = arith.extui %sign3A_1516 : i1 to i32
      %sign3A_1518 = arith.constant 0 : i32
      %sign3A_1519 = arith.cmpi slt, %jit3A_1506, %sign3A_1518 : i32
      %sign3A_1520 = arith.extui %sign3A_1519 : i1 to i32
      %sign3A_1521 = arith.subi %sign3A_1517, %sign3A_1520 : i32
      %ne3A_1522 = arith.cmpi ne, %sign3A_1514, %sign3A_1521 : i32
      %rem3A_1523 = arith.remsi %while3A_1504, %jit3A_1506 : i32
      %ne3A_1524 = arith.constant 0 : i32
      %ne3A_1525 = arith.cmpi ne, %rem3A_1523, %ne3A_1524 : i32
      %and3A_1526 = arith.andi %ne3A_1522, %ne3A_1525 : i1
      %sub3A_1527 = arith.constant 1 : i32
      %sub3A_1528 = arith.subi %div3A_1507, %sub3A_1527 : i32
      %select_n3A_1529 = arith.select %and3A_1526, %sub3A_1528, %div3A_1507 : i32
      %jit3A_1530 = arith.constant 16 : i32
      %eq3A = arith.constant 0 : i32
      %eq3A_1531 = arith.cmpi eq, %jit3A_1530, %eq3A : i32
      %jit3A_1532 = arith.constant 1 : i32
      %select_n3A_1533 = arith.select %eq3A_1531, %jit3A_1532, %jit3A_1530 : i32
      %rem3A_1534 = arith.remsi %while3A_1504, %select_n3A_1533 : i32
      %ne3A_1535 = arith.constant 0 : i32
      %ne3A_1536 = arith.cmpi ne, %rem3A_1534, %ne3A_1535 : i32
      %lt3A = arith.constant 0 : i32
      %lt3A_1537 = arith.cmpi slt, %rem3A_1534, %lt3A : i32
      %lt3A_1538 = arith.constant 0 : i32
      %lt3A_1539 = arith.cmpi slt, %select_n3A_1533, %lt3A_1538 : i32
      %ne3A_1540 = arith.xori %lt3A_1537, %lt3A_1539 : i1
      %and3A_1541 = arith.andi %ne3A_1540, %ne3A_1536 : i1
      %add3A_1542 = arith.addi %rem3A_1534, %select_n3A_1533 : i32
      %select_n3A_1543 = arith.select %and3A_1541, %add3A_1542, %rem3A_1534 : i32
      %ne3A_1544 = arith.constant 0 : i32
      %ne3A_1545 = arith.cmpi ne, %select_n3A_1543, %ne3A_1544 : i32
      %convert_element_type3A = arith.extui %ne3A_1545 : i1 to i32
      %add3A_1546 = arith.constant 128 : i32
      %add3A_1547 = arith.addi %while3A_1504, %add3A_1546 : i32
      %sub3A_1548 = arith.constant 1 : i32
      %sub3A_1549 = arith.subi %add3A_1547, %sub3A_1548 : i32
      %jit3A_1550 = arith.constant 128 : i32
      %div3A_1551 = arith.divsi %sub3A_1549, %jit3A_1550 : i32
      %sign3A_1552 = arith.constant 0 : i32
      %sign3A_1553 = arith.cmpi sgt, %sub3A_1549, %sign3A_1552 : i32
      %sign3A_1554 = arith.extui %sign3A_1553 : i1 to i32
      %sign3A_1555 = arith.constant 0 : i32
      %sign3A_1556 = arith.cmpi slt, %sub3A_1549, %sign3A_1555 : i32
      %sign3A_1557 = arith.extui %sign3A_1556 : i1 to i32
      %sign3A_1558 = arith.subi %sign3A_1554, %sign3A_1557 : i32
      %sign3A_1559 = arith.constant 0 : i32
      %sign3A_1560 = arith.cmpi sgt, %jit3A_1550, %sign3A_1559 : i32
      %sign3A_1561 = arith.extui %sign3A_1560 : i1 to i32
      %sign3A_1562 = arith.constant 0 : i32
      %sign3A_1563 = arith.cmpi slt, %jit3A_1550, %sign3A_1562 : i32
      %sign3A_1564 = arith.extui %sign3A_1563 : i1 to i32
      %sign3A_1565 = arith.subi %sign3A_1561, %sign3A_1564 : i32
      %ne3A_1566 = arith.cmpi ne, %sign3A_1558, %sign3A_1565 : i32
      %rem3A_1567 = arith.remsi %sub3A_1549, %jit3A_1550 : i32
      %ne3A_1568 = arith.constant 0 : i32
      %ne3A_1569 = arith.cmpi ne, %rem3A_1567, %ne3A_1568 : i32
      %and3A_1570 = arith.andi %ne3A_1566, %ne3A_1569 : i1
      %sub3A_1571 = arith.constant 1 : i32
      %sub3A_1572 = arith.subi %div3A_1551, %sub3A_1571 : i32
      %select_n3A_1573 = arith.select %and3A_1570, %sub3A_1572, %div3A_1551 : i32
      %while3A_1574 = arith.constant 0 : i32
      %while3A_1575 = arith.constant 0 : i32
      %while3A_1576 = arith.subi %select_n3A_1573, %while3A_1575 : i32
      %while3A_1577 = arith.addi %while3A_1575, %while3A_1576 : i32
      %while3A_1578 = arith.constant 1 : i32
      %while3A_1579 = arith.divsi %while3A_1576, %while3A_1578 : i32
      %while3A_1580 = arith.muli %while3A_1579, %while3A_1578 : i32
      %while3A_1581 = arith.addi %while3A_1575, %while3A_1580 : i32
      %while3A_1582 = arith.constant 1 : i32
      scf.for %while3A_1787 = %while3A_1575 to %while3A_1581 step %while3A_1582  : i32 {
        %mul3A_1788 = arith.constant 128 : i32
        %mul3A_1789 = arith.muli %while3A_1787, %mul3A_1788 : i32
        %mul3A_1790 = arith.constant 128 : i32
        %mul3A_1791 = arith.muli %while3A_1787, %mul3A_1790 : i32
        %dma_wait3A = tpu.memref_slice %arg14[%mul3A_1791] : memref<8192xi32, #tpu.memory_space<vmem>> -> memref<128xi32, #tpu.memory_space<vmem>>
        %dma_wait3A_1792 = tpu.memref_slice %arg13[%mul3A_1789] : memref<8192xi32, #tpu.memory_space<vmem>> -> memref<128xi32, #tpu.memory_space<vmem>>
        %dma_wait3A_1793 = arith.constant 0 : i32
        %dma_wait3A_1794 = tpu.memref_slice %arg2[%dma_wait3A_1793] : memref<16777216xi32, #tpu.memory_space<hbm>> -> memref<16777216xi32, #tpu.memory_space<hbm>>
        tpu.wait_indirect_dma semaphore(%arg25 : memref<!tpu.dma_semaphore, #tpu.memory_space<semaphore_mem>>) src(%dma_wait3A_1794 : memref<16777216xi32, #tpu.memory_space<hbm>>) dst(%dma_wait3A : memref<128xi32, #tpu.memory_space<vmem>>)
      }
      %while3A_1583 = arith.constant 1 : i32
      scf.for %while3A_1787 = %while3A_1581 to %while3A_1577 step %while3A_1583  : i32 {
        %mul3A_1788 = arith.constant 128 : i32
        %mul3A_1789 = arith.muli %while3A_1787, %mul3A_1788 : i32
        %mul3A_1790 = arith.constant 128 : i32
        %mul3A_1791 = arith.muli %while3A_1787, %mul3A_1790 : i32
        %dma_wait3A = tpu.memref_slice %arg14[%mul3A_1791] : memref<8192xi32, #tpu.memory_space<vmem>> -> memref<128xi32, #tpu.memory_space<vmem>>
        %dma_wait3A_1792 = tpu.memref_slice %arg13[%mul3A_1789] : memref<8192xi32, #tpu.memory_space<vmem>> -> memref<128xi32, #tpu.memory_space<vmem>>
        %dma_wait3A_1793 = arith.constant 0 : i32
        %dma_wait3A_1794 = tpu.memref_slice %arg2[%dma_wait3A_1793] : memref<16777216xi32, #tpu.memory_space<hbm>> -> memref<16777216xi32, #tpu.memory_space<hbm>>
        tpu.wait_indirect_dma semaphore(%arg25 : memref<!tpu.dma_semaphore, #tpu.memory_space<semaphore_mem>>) src(%dma_wait3A_1794 : memref<16777216xi32, #tpu.memory_space<hbm>>) dst(%dma_wait3A : memref<128xi32, #tpu.memory_space<vmem>>)
      }
      %while3A_1584 = arith.constant 0 : i32
      %while3A_1585 = arith.constant 0 : i32
      %while3A_1586 = arith.subi %select_n3A_1529, %while3A_1584 : i32
      %while3A_1587 = arith.addi %while3A_1584, %while3A_1586 : i32
      %while3A_1588 = arith.constant 1 : i32
      %while3A_1589 = arith.divsi %while3A_1586, %while3A_1588 : i32
      %while3A_1590 = arith.muli %while3A_1589, %while3A_1588 : i32
      %while3A_1591 = arith.addi %while3A_1584, %while3A_1590 : i32
      %while3A_1592 = arith.constant 1 : i32
      %while3A_1593 = scf.for %while3A_1787 = %while3A_1584 to %while3A_1591 step %while3A_1592 iter_args(%while3A_1788 = %while3A_1585) -> (i32)  : i32 {
        %mul3A_1789 = arith.constant 16 : i32
        %mul3A_1790 = arith.muli %while3A_1787, %mul3A_1789 : i32
        %get3A = arith.index_cast %mul3A_1790 : i32 to index
        %get3A_1791 = tpu.vector_load %arg14[%get3A] {strides = array<i32>} : memref<8192xi32, #tpu.memory_space<vmem>>, vector<16xi32>,
        %get3A_1792 = arith.index_cast %mul3A_1790 : i32 to index
        %get3A_1793 = tpu.vector_load %arg13[%get3A_1792] {strides = array<i32>} : memref<8192xi32, #tpu.memory_space<vmem>>, vector<16xi32>,
        %get3A_1794 = arith.index_cast %mul3A_1790 : i32 to index
        %get3A_1795 = tpu.vector_load %arg6[%get3A_1794] {strides = array<i32>} : memref<8192xi32, #tpu.memory_space<vmem>>, vector<16xi32>,
        %eq3A_1796 = arith.cmpi eq, %get3A_1791, %get3A_1793 : vector<16xi32>
        %not3A = arith.constant dense<true> : vector<16xi1>
        %not3A_1797 = arith.xori %eq3A_1796, %not3A : vector<16xi1>
        tpu.vector_store_idx %arg8[%get3A_1795], %get3A_1791 masked %eq3A_1796 : memref<8192xi32, #tpu.memory_space<vmem>>[vector<16xi32>], vector<16xi32>, vector<16xi1>
        %all_reduce_population_count3A = tpu.all_reduce %not3A_1797 {dim = 0 : i64, kind = #tpu.reduction_kind<sum>} : vector<16xi1> -> vector<16xi32>
        %slice3A = vector.extract_strided_slice %all_reduce_population_count3A {offsets = [0], sizes = [1], strides = [1]} : vector<16xi32> to vector<1xi32>
        %squeeze3A = vector.extract %slice3A[0] : i32 from vector<1xi32>
        %swap3A = arith.index_cast %while3A_1788 : i32 to index
        %swap3A_1798 = tpu.vector_load %arg13[%swap3A] masked %not3A_1797 {strides = array<i32>} : memref<8192xi32, #tpu.memory_space<vmem>>, vector<16xi32>, vector<16xi1>
        tpu.vector_store %arg13[%swap3A], %get3A_1791 masked %not3A_1797 {strides = array<i32>} : memref<8192xi32, #tpu.memory_space<vmem>>, vector<16xi32>, vector<16xi1>
        %swap3A_1799 = arith.index_cast %while3A_1788 : i32 to index
        %swap3A_1800 = tpu.vector_load %arg6[%swap3A_1799] masked %not3A_1797 {strides = array<i32>} : memref<8192xi32, #tpu.memory_space<vmem>>, vector<16xi32>, vector<16xi1>
        tpu.vector_store %arg6[%swap3A_1799], %get3A_1795 masked %not3A_1797 {strides = array<i32>} : memref<8192xi32, #tpu.memory_space<vmem>>, vector<16xi32>, vector<16xi1>
        %add3A_1801 = arith.addi %while3A_1788, %squeeze3A : i32
        scf.yield %add3A_1801 : i32
      }
      %while3A_1594 = arith.constant 1 : i32
      %while3A_1595 = scf.for %while3A_1787 = %while3A_1591 to %while3A_1587 step %while3A_1594 iter_args(%while3A_1788 = %while3A_1593) -> (i32)  : i32 {
        %mul3A_1789 = arith.constant 16 : i32
        %mul3A_1790 = arith.muli %while3A_1787, %mul3A_1789 : i32
        %get3A = arith.index_cast %mul3A_1790 : i32 to index
        %get3A_1791 = tpu.vector_load %arg14[%get3A] {strides = array<i32>} : memref<8192xi32, #tpu.memory_space<vmem>>, vector<16xi32>,
        %get3A_1792 = arith.index_cast %mul3A_1790 : i32 to index
        %get3A_1793 = tpu.vector_load %arg13[%get3A_1792] {strides = array<i32>} : memref<8192xi32, #tpu.memory_space<vmem>>, vector<16xi32>,
        %get3A_1794 = arith.index_cast %mul3A_1790 : i32 to index
        %get3A_1795 = tpu.vector_load %arg6[%get3A_1794] {strides = array<i32>} : memref<8192xi32, #tpu.memory_space<vmem>>, vector<16xi32>,
        %eq3A_1796 = arith.cmpi eq, %get3A_1791, %get3A_1793 : vector<16xi32>
        %not3A = arith.constant dense<true> : vector<16xi1>
        %not3A_1797 = arith.xori %eq3A_1796, %not3A : vector<16xi1>
        tpu.vector_store_idx %arg8[%get3A_1795], %get3A_1791 masked %eq3A_1796 : memref<8192xi32, #tpu.memory_space<vmem>>[vector<16xi32>], vector<16xi32>, vector<16xi1>
        %all_reduce_population_count3A = tpu.all_reduce %not3A_1797 {dim = 0 : i64, kind = #tpu.reduction_kind<sum>} : vector<16xi1> -> vector<16xi32>
        %slice3A = vector.extract_strided_slice %all_reduce_population_count3A {offsets = [0], sizes = [1], strides = [1]} : vector<16xi32> to vector<1xi32>
        %squeeze3A = vector.extract %slice3A[0] : i32 from vector<1xi32>
        %swap3A = arith.index_cast %while3A_1788 : i32 to index
        %swap3A_1798 = tpu.vector_load %arg13[%swap3A] masked %not3A_1797 {strides = array<i32>} : memref<8192xi32, #tpu.memory_space<vmem>>, vector<16xi32>, vector<16xi1>
        tpu.vector_store %arg13[%swap3A], %get3A_1791 masked %not3A_1797 {strides = array<i32>} : memref<8192xi32, #tpu.memory_space<vmem>>, vector<16xi32>, vector<16xi1>
        %swap3A_1799 = arith.index_cast %while3A_1788 : i32 to index
        %swap3A_1800 = tpu.vector_load %arg6[%swap3A_1799] masked %not3A_1797 {strides = array<i32>} : memref<8192xi32, #tpu.memory_space<vmem>>, vector<16xi32>, vector<16xi1>
        tpu.vector_store %arg6[%swap3A_1799], %get3A_1795 masked %not3A_1797 {strides = array<i32>} : memref<8192xi32, #tpu.memory_space<vmem>>, vector<16xi32>, vector<16xi1>
        %add3A_1801 = arith.addi %while3A_1788, %squeeze3A : i32
        scf.yield %add3A_1801 : i32
      }
      %while3A_1596 = arith.constant 0 : i32
      %while3A_1597 = arith.subi %convert_element_type3A, %while3A_1596 : i32
      %while3A_1598 = arith.addi %while3A_1596, %while3A_1597 : i32
      %while3A_1599 = arith.constant 1 : i32
      %while3A_1600 = arith.divsi %while3A_1597, %while3A_1599 : i32
      %while3A_1601 = arith.muli %while3A_1600, %while3A_1599 : i32
      %while3A_1602 = arith.addi %while3A_1596, %while3A_1601 : i32
      %while3A_1603 = arith.constant 1 : i32
      %while3A_1604 = scf.for %while3A_1787 = %while3A_1596 to %while3A_1602 step %while3A_1603 iter_args(%while3A_1788 = %while3A_1595) -> (i32)  : i32 {
        %mul3A_1789 = arith.constant 16 : i32
        %mul3A_1790 = arith.muli %select_n3A_1529, %mul3A_1789 : i32
        %get3A = arith.index_cast %mul3A_1790 : i32 to index
        %get3A_1791 = tpu.vector_load %arg14[%get3A] {strides = array<i32>} : memref<8192xi32, #tpu.memory_space<vmem>>, vector<16xi32>,
        %get3A_1792 = arith.index_cast %mul3A_1790 : i32 to index
        %get3A_1793 = tpu.vector_load %arg13[%get3A_1792] {strides = array<i32>} : memref<8192xi32, #tpu.memory_space<vmem>>, vector<16xi32>,
        %get3A_1794 = arith.index_cast %mul3A_1790 : i32 to index
        %get3A_1795 = tpu.vector_load %arg6[%get3A_1794] {strides = array<i32>} : memref<8192xi32, #tpu.memory_space<vmem>>, vector<16xi32>,
        %iota3A = tpu.iota {dimensions = array<i32: 0>} : vector<16xi32>
        %add3A_1796 = vector.broadcast %mul3A_1790 : i32 to vector<16xi32>
        %add3A_1797 = arith.addi %iota3A, %add3A_1796 : vector<16xi32>
        %lt3A_1798 = vector.broadcast %while3A_1504 : i32 to vector<16xi32>
        %lt3A_1799 = arith.cmpi slt, %add3A_1797, %lt3A_1798 : vector<16xi32>
        %eq3A_1800 = arith.cmpi eq, %get3A_1791, %get3A_1793 : vector<16xi32>
        %and3A_1801 = arith.andi %eq3A_1800, %lt3A_1799 : vector<16xi1>
        %not3A = arith.constant dense<true> : vector<16xi1>
        %not3A_1802 = arith.xori %eq3A_1800, %not3A : vector<16xi1>
        %and3A_1803 = arith.andi %not3A_1802, %lt3A_1799 : vector<16xi1>
        tpu.vector_store_idx %arg8[%get3A_1795], %get3A_1791 masked %and3A_1801 : memref<8192xi32, #tpu.memory_space<vmem>>[vector<16xi32>], vector<16xi32>, vector<16xi1>
        %all_reduce_population_count3A = tpu.all_reduce %and3A_1803 {dim = 0 : i64, kind = #tpu.reduction_kind<sum>} : vector<16xi1> -> vector<16xi32>
        %slice3A = vector.extract_strided_slice %all_reduce_population_count3A {offsets = [0], sizes = [1], strides = [1]} : vector<16xi32> to vector<1xi32>
        %squeeze3A = vector.extract %slice3A[0] : i32 from vector<1xi32>
        %swap3A = arith.index_cast %while3A_1788 : i32 to index
        %swap3A_1804 = tpu.vector_load %arg13[%swap3A] masked %and3A_1803 {strides = array<i32>} : memref<8192xi32, #tpu.memory_space<vmem>>, vector<16xi32>, vector<16xi1>
        tpu.vector_store %arg13[%swap3A], %get3A_1791 masked %and3A_1803 {strides = array<i32>} : memref<8192xi32, #tpu.memory_space<vmem>>, vector<16xi32>, vector<16xi1>
        %swap3A_1805 = arith.index_cast %while3A_1788 : i32 to index
        %swap3A_1806 = tpu.vector_load %arg6[%swap3A_1805] masked %and3A_1803 {strides = array<i32>} : memref<8192xi32, #tpu.memory_space<vmem>>, vector<16xi32>, vector<16xi1>
        tpu.vector_store %arg6[%swap3A_1805], %get3A_1795 masked %and3A_1803 {strides = array<i32>} : memref<8192xi32, #tpu.memory_space<vmem>>, vector<16xi32>, vector<16xi1>
        %add3A_1807 = arith.addi %while3A_1788, %squeeze3A : i32
        scf.yield %add3A_1807 : i32
      }
      %while3A_1605 = arith.constant 1 : i32
      %while3A_1606 = scf.for %while3A_1787 = %while3A_1602 to %while3A_1598 step %while3A_1605 iter_args(%while3A_1788 = %while3A_1604) -> (i32)  : i32 {
        %mul3A_1789 = arith.constant 16 : i32
        %mul3A_1790 = arith.muli %select_n3A_1529, %mul3A_1789 : i32
        %get3A = arith.index_cast %mul3A_1790 : i32 to index
        %get3A_1791 = tpu.vector_load %arg14[%get3A] {strides = array<i32>} : memref<8192xi32, #tpu.memory_space<vmem>>, vector<16xi32>,
        %get3A_1792 = arith.index_cast %mul3A_1790 : i32 to index
        %get3A_1793 = tpu.vector_load %arg13[%get3A_1792] {strides = array<i32>} : memref<8192xi32, #tpu.memory_space<vmem>>, vector<16xi32>,
        %get3A_1794 = arith.index_cast %mul3A_1790 : i32 to index
        %get3A_1795 = tpu.vector_load %arg6[%get3A_1794] {strides = array<i32>} : memref<8192xi32, #tpu.memory_space<vmem>>, vector<16xi32>,
        %iota3A = tpu.iota {dimensions = array<i32: 0>} : vector<16xi32>
        %add3A_1796 = vector.broadcast %mul3A_1790 : i32 to vector<16xi32>
        %add3A_1797 = arith.addi %iota3A, %add3A_1796 : vector<16xi32>
        %lt3A_1798 = vector.broadcast %while3A_1504 : i32 to vector<16xi32>
        %lt3A_1799 = arith.cmpi slt, %add3A_1797, %lt3A_1798 : vector<16xi32>
        %eq3A_1800 = arith.cmpi eq, %get3A_1791, %get3A_1793 : vector<16xi32>
        %and3A_1801 = arith.andi %eq3A_1800, %lt3A_1799 : vector<16xi1>
        %not3A = arith.constant dense<true> : vector<16xi1>
        %not3A_1802 = arith.xori %eq3A_1800, %not3A : vector<16xi1>
        %and3A_1803 = arith.andi %not3A_1802, %lt3A_1799 : vector<16xi1>
        tpu.vector_store_idx %arg8[%get3A_1795], %get3A_1791 masked %and3A_1801 : memref<8192xi32, #tpu.memory_space<vmem>>[vector<16xi32>], vector<16xi32>, vector<16xi1>
        %all_reduce_population_count3A = tpu.all_reduce %and3A_1803 {dim = 0 : i64, kind = #tpu.reduction_kind<sum>} : vector<16xi1> -> vector<16xi32>
        %slice3A = vector.extract_strided_slice %all_reduce_population_count3A {offsets = [0], sizes = [1], strides = [1]} : vector<16xi32> to vector<1xi32>
        %squeeze3A = vector.extract %slice3A[0] : i32 from vector<1xi32>
        %swap3A = arith.index_cast %while3A_1788 : i32 to index
        %swap3A_1804 = tpu.vector_load %arg13[%swap3A] masked %and3A_1803 {strides = array<i32>} : memref<8192xi32, #tpu.memory_space<vmem>>, vector<16xi32>, vector<16xi1>
        tpu.vector_store %arg13[%swap3A], %get3A_1791 masked %and3A_1803 {strides = array<i32>} : memref<8192xi32, #tpu.memory_space<vmem>>, vector<16xi32>, vector<16xi1>
        %swap3A_1805 = arith.index_cast %while3A_1788 : i32 to index
        %swap3A_1806 = tpu.vector_load %arg6[%swap3A_1805] masked %and3A_1803 {strides = array<i32>} : memref<8192xi32, #tpu.memory_space<vmem>>, vector<16xi32>, vector<16xi1>
        tpu.vector_store %arg6[%swap3A_1805], %get3A_1795 masked %and3A_1803 {strides = array<i32>} : memref<8192xi32, #tpu.memory_space<vmem>>, vector<16xi32>, vector<16xi1>
        %add3A_1807 = arith.addi %while3A_1788, %squeeze3A : i32
        scf.yield %add3A_1807 : i32
      }
      %add3A_1607 = arith.constant 128 : i32
      %add3A_1608 = arith.addi %while3A_1606, %add3A_1607 : i32
      %sub3A_1609 = arith.constant 1 : i32
      %sub3A_1610 = arith.subi %add3A_1608, %sub3A_1609 : i32
      %jit3A_1611 = arith.constant 128 : i32
      %div3A_1612 = arith.divsi %sub3A_1610, %jit3A_1611 : i32
      %sign3A_1613 = arith.constant 0 : i32
      %sign3A_1614 = arith.cmpi sgt, %sub3A_1610, %sign3A_1613 : i32
      %sign3A_1615 = arith.extui %sign3A_1614 : i1 to i32
      %sign3A_1616 = arith.constant 0 : i32
      %sign3A_1617 = arith.cmpi slt, %sub3A_1610, %sign3A_1616 : i32
      %sign3A_1618 = arith.extui %sign3A_1617 : i1 to i32
      %sign3A_1619 = arith.subi %sign3A_1615, %sign3A_1618 : i32
      %sign3A_1620 = arith.constant 0 : i32
      %sign3A_1621 = arith.cmpi sgt, %jit3A_1611, %sign3A_1620 : i32
      %sign3A_1622 = arith.extui %sign3A_1621 : i1 to i32
      %sign3A_1623 = arith.constant 0 : i32
      %sign3A_1624 = arith.cmpi slt, %jit3A_1611, %sign3A_1623 : i32
      %sign3A_1625 = arith.extui %sign3A_1624 : i1 to i32
      %sign3A_1626 = arith.subi %sign3A_1622, %sign3A_1625 : i32
      %ne3A_1627 = arith.cmpi ne, %sign3A_1619, %sign3A_1626 : i32
      %rem3A_1628 = arith.remsi %sub3A_1610, %jit3A_1611 : i32
      %ne3A_1629 = arith.constant 0 : i32
      %ne3A_1630 = arith.cmpi ne, %rem3A_1628, %ne3A_1629 : i32
      %and3A_1631 = arith.andi %ne3A_1627, %ne3A_1630 : i1
      %sub3A_1632 = arith.constant 1 : i32
      %sub3A_1633 = arith.subi %div3A_1612, %sub3A_1632 : i32
      %select_n3A_1634 = arith.select %and3A_1631, %sub3A_1633, %div3A_1612 : i32
      %while3A_1635 = arith.constant 0 : i32
      %while3A_1636 = arith.constant 0 : i32
      %while3A_1637 = arith.subi %select_n3A_1634, %while3A_1636 : i32
      %while3A_1638 = arith.addi %while3A_1636, %while3A_1637 : i32
      %while3A_1639 = arith.constant 1 : i32
      %while3A_1640 = arith.divsi %while3A_1637, %while3A_1639 : i32
      %while3A_1641 = arith.muli %while3A_1640, %while3A_1639 : i32
      %while3A_1642 = arith.addi %while3A_1636, %while3A_1641 : i32
      %while3A_1643 = arith.constant 1 : i32
      scf.for %while3A_1787 = %while3A_1636 to %while3A_1642 step %while3A_1643  : i32 {
        %mul3A_1788 = arith.constant 128 : i32
        %mul3A_1789 = arith.muli %while3A_1787, %mul3A_1788 : i32
        %mul3A_1790 = arith.constant 128 : i32
        %mul3A_1791 = arith.muli %while3A_1787, %mul3A_1790 : i32
        %dma_start3A = tpu.memref_slice %arg14[%mul3A_1791] : memref<8192xi32, #tpu.memory_space<vmem>> -> memref<128xi32, #tpu.memory_space<vmem>>
        %dma_start3A_1792 = tpu.memref_slice %arg13[%mul3A_1789] : memref<8192xi32, #tpu.memory_space<vmem>> -> memref<128xi32, #tpu.memory_space<vmem>>
        %dma_start3A_1793 = arith.constant 0 : i32
        %dma_start3A_1794 = tpu.memref_slice %arg2[%dma_start3A_1793] : memref<16777216xi32, #tpu.memory_space<hbm>> -> memref<16777216xi32, #tpu.memory_space<hbm>>
        tpu.enqueue_indirect_dma source(%dma_start3A_1794 : memref<16777216xi32, #tpu.memory_space<hbm>>) target(%dma_start3A : memref<128xi32, #tpu.memory_space<vmem>>) offsets(%dma_start3A_1792 : memref<128xi32, #tpu.memory_space<vmem>>) semaphore(%arg25 : memref<!tpu.dma_semaphore, #tpu.memory_space<semaphore_mem>>)
      }
      %while3A_1644 = arith.constant 1 : i32
      scf.for %while3A_1787 = %while3A_1642 to %while3A_1638 step %while3A_1644  : i32 {
        %mul3A_1788 = arith.constant 128 : i32
        %mul3A_1789 = arith.muli %while3A_1787, %mul3A_1788 : i32
        %mul3A_1790 = arith.constant 128 : i32
        %mul3A_1791 = arith.muli %while3A_1787, %mul3A_1790 : i32
        %dma_start3A = tpu.memref_slice %arg14[%mul3A_1791] : memref<8192xi32, #tpu.memory_space<vmem>> -> memref<128xi32, #tpu.memory_space<vmem>>
        %dma_start3A_1792 = tpu.memref_slice %arg13[%mul3A_1789] : memref<8192xi32, #tpu.memory_space<vmem>> -> memref<128xi32, #tpu.memory_space<vmem>>
        %dma_start3A_1793 = arith.constant 0 : i32
        %dma_start3A_1794 = tpu.memref_slice %arg2[%dma_start3A_1793] : memref<16777216xi32, #tpu.memory_space<hbm>> -> memref<16777216xi32, #tpu.memory_space<hbm>>
        tpu.enqueue_indirect_dma source(%dma_start3A_1794 : memref<16777216xi32, #tpu.memory_space<hbm>>) target(%dma_start3A : memref<128xi32, #tpu.memory_space<vmem>>) offsets(%dma_start3A_1792 : memref<128xi32, #tpu.memory_space<vmem>>) semaphore(%arg25 : memref<!tpu.dma_semaphore, #tpu.memory_space<semaphore_mem>>)
      }
      %jit3A_1645 = arith.constant 16 : i32
      %div3A_1646 = arith.divsi %while3A_1505, %jit3A_1645 : i32
      %sign3A_1647 = arith.constant 0 : i32
      %sign3A_1648 = arith.cmpi sgt, %while3A_1505, %sign3A_1647 : i32
      %sign3A_1649 = arith.extui %sign3A_1648 : i1 to i32
      %sign3A_1650 = arith.constant 0 : i32
      %sign3A_1651 = arith.cmpi slt, %while3A_1505, %sign3A_1650 : i32
      %sign3A_1652 = arith.extui %sign3A_1651 : i1 to i32
      %sign3A_1653 = arith.subi %sign3A_1649, %sign3A_1652 : i32
      %sign3A_1654 = arith.constant 0 : i32
      %sign3A_1655 = arith.cmpi sgt, %jit3A_1645, %sign3A_1654 : i32
      %sign3A_1656 = arith.extui %sign3A_1655 : i1 to i32
      %sign3A_1657 = arith.constant 0 : i32
      %sign3A_1658 = arith.cmpi slt, %jit3A_1645, %sign3A_1657 : i32
      %sign3A_1659 = arith.extui %sign3A_1658 : i1 to i32
      %sign3A_1660 = arith.subi %sign3A_1656, %sign3A_1659 : i32
      %ne3A_1661 = arith.cmpi ne, %sign3A_1653, %sign3A_1660 : i32
      %rem3A_1662 = arith.remsi %while3A_1505, %jit3A_1645 : i32
      %ne3A_1663 = arith.constant 0 : i32
      %ne3A_1664 = arith.cmpi ne, %rem3A_1662, %ne3A_1663 : i32
      %and3A_1665 = arith.andi %ne3A_1661, %ne3A_1664 : i1
      %sub3A_1666 = arith.constant 1 : i32
      %sub3A_1667 = arith.subi %div3A_1646, %sub3A_1666 : i32
      %select_n3A_1668 = arith.select %and3A_1665, %sub3A_1667, %div3A_1646 : i32
      %jit3A_1669 = arith.constant 16 : i32
      %eq3A_1670 = arith.constant 0 : i32
      %eq3A_1671 = arith.cmpi eq, %jit3A_1669, %eq3A_1670 : i32
      %jit3A_1672 = arith.constant 1 : i32
      %select_n3A_1673 = arith.select %eq3A_1671, %jit3A_1672, %jit3A_1669 : i32
      %rem3A_1674 = arith.remsi %while3A_1505, %select_n3A_1673 : i32
      %ne3A_1675 = arith.constant 0 : i32
      %ne3A_1676 = arith.cmpi ne, %rem3A_1674, %ne3A_1675 : i32
      %lt3A_1677 = arith.constant 0 : i32
      %lt3A_1678 = arith.cmpi slt, %rem3A_1674, %lt3A_1677 : i32
      %lt3A_1679 = arith.constant 0 : i32
      %lt3A_1680 = arith.cmpi slt, %select_n3A_1673, %lt3A_1679 : i32
      %ne3A_1681 = arith.xori %lt3A_1678, %lt3A_1680 : i1
      %and3A_1682 = arith.andi %ne3A_1681, %ne3A_1676 : i1
      %add3A_1683 = arith.addi %rem3A_1674, %select_n3A_1673 : i32
      %select_n3A_1684 = arith.select %and3A_1682, %add3A_1683, %rem3A_1674 : i32
      %ne3A_1685 = arith.constant 0 : i32
      %ne3A_1686 = arith.cmpi ne, %select_n3A_1684, %ne3A_1685 : i32
      %convert_element_type3A_1687 = arith.extui %ne3A_1686 : i1 to i32
      %add3A_1688 = arith.constant 128 : i32
      %add3A_1689 = arith.addi %while3A_1505, %add3A_1688 : i32
      %sub3A_1690 = arith.constant 1 : i32
      %sub3A_1691 = arith.subi %add3A_1689, %sub3A_1690 : i32
      %jit3A_1692 = arith.constant 128 : i32
      %div3A_1693 = arith.divsi %sub3A_1691, %jit3A_1692 : i32
      %sign3A_1694 = arith.constant 0 : i32
      %sign3A_1695 = arith.cmpi sgt, %sub3A_1691, %sign3A_1694 : i32
      %sign3A_1696 = arith.extui %sign3A_1695 : i1 to i32
      %sign3A_1697 = arith.constant 0 : i32
      %sign3A_1698 = arith.cmpi slt, %sub3A_1691, %sign3A_1697 : i32
      %sign3A_1699 = arith.extui %sign3A_1698 : i1 to i32
      %sign3A_1700 = arith.subi %sign3A_1696, %sign3A_1699 : i32
      %sign3A_1701 = arith.constant 0 : i32
      %sign3A_1702 = arith.cmpi sgt, %jit3A_1692, %sign3A_1701 : i32
      %sign3A_1703 = arith.extui %sign3A_1702 : i1 to i32
      %sign3A_1704 = arith.constant 0 : i32
      %sign3A_1705 = arith.cmpi slt, %jit3A_1692, %sign3A_1704 : i32
      %sign3A_1706 = arith.extui %sign3A_1705 : i1 to i32
      %sign3A_1707 = arith.subi %sign3A_1703, %sign3A_1706 : i32
      %ne3A_1708 = arith.cmpi ne, %sign3A_1700, %sign3A_1707 : i32
      %rem3A_1709 = arith.remsi %sub3A_1691, %jit3A_1692 : i32
      %ne3A_1710 = arith.constant 0 : i32
      %ne3A_1711 = arith.cmpi ne, %rem3A_1709, %ne3A_1710 : i32
      %and3A_1712 = arith.andi %ne3A_1708, %ne3A_1711 : i1
      %sub3A_1713 = arith.constant 1 : i32
      %sub3A_1714 = arith.subi %div3A_1693, %sub3A_1713 : i32
      %select_n3A_1715 = arith.select %and3A_1712, %sub3A_1714, %div3A_1693 : i32
      %while3A_1716 = arith.constant 0 : i32
      %while3A_1717 = arith.constant 0 : i32
      %while3A_1718 = arith.subi %select_n3A_1715, %while3A_1717 : i32
      %while3A_1719 = arith.addi %while3A_1717, %while3A_1718 : i32
      %while3A_1720 = arith.constant 1 : i32
      %while3A_1721 = arith.divsi %while3A_1718, %while3A_1720 : i32
      %while3A_1722 = arith.muli %while3A_1721, %while3A_1720 : i32
      %while3A_1723 = arith.addi %while3A_1717, %while3A_1722 : i32
      %while3A_1724 = arith.constant 1 : i32
      scf.for %while3A_1787 = %while3A_1717 to %while3A_1723 step %while3A_1724  : i32 {
        %mul3A_1788 = arith.constant 128 : i32
        %mul3A_1789 = arith.muli %while3A_1787, %mul3A_1788 : i32
        %mul3A_1790 = arith.constant 128 : i32
        %mul3A_1791 = arith.muli %while3A_1787, %mul3A_1790 : i32
        %dma_wait3A = tpu.memref_slice %arg16[%mul3A_1791] : memref<8192xi32, #tpu.memory_space<vmem>> -> memref<128xi32, #tpu.memory_space<vmem>>
        %dma_wait3A_1792 = tpu.memref_slice %arg15[%mul3A_1789] : memref<8192xi32, #tpu.memory_space<vmem>> -> memref<128xi32, #tpu.memory_space<vmem>>
        %dma_wait3A_1793 = arith.constant 0 : i32
        %dma_wait3A_1794 = tpu.memref_slice %arg2[%dma_wait3A_1793] : memref<16777216xi32, #tpu.memory_space<hbm>> -> memref<16777216xi32, #tpu.memory_space<hbm>>
        tpu.wait_indirect_dma semaphore(%arg29 : memref<!tpu.dma_semaphore, #tpu.memory_space<semaphore_mem>>) src(%dma_wait3A_1794 : memref<16777216xi32, #tpu.memory_space<hbm>>) dst(%dma_wait3A : memref<128xi32, #tpu.memory_space<vmem>>)
      }
      %while3A_1725 = arith.constant 1 : i32
      scf.for %while3A_1787 = %while3A_1723 to %while3A_1719 step %while3A_1725  : i32 {
        %mul3A_1788 = arith.constant 128 : i32
        %mul3A_1789 = arith.muli %while3A_1787, %mul3A_1788 : i32
        %mul3A_1790 = arith.constant 128 : i32
        %mul3A_1791 = arith.muli %while3A_1787, %mul3A_1790 : i32
        %dma_wait3A = tpu.memref_slice %arg16[%mul3A_1791] : memref<8192xi32, #tpu.memory_space<vmem>> -> memref<128xi32, #tpu.memory_space<vmem>>
        %dma_wait3A_1792 = tpu.memref_slice %arg15[%mul3A_1789] : memref<8192xi32, #tpu.memory_space<vmem>> -> memref<128xi32, #tpu.memory_space<vmem>>
        %dma_wait3A_1793 = arith.constant 0 : i32
        %dma_wait3A_1794 = tpu.memref_slice %arg2[%dma_wait3A_1793] : memref<16777216xi32, #tpu.memory_space<hbm>> -> memref<16777216xi32, #tpu.memory_space<hbm>>
        tpu.wait_indirect_dma semaphore(%arg29 : memref<!tpu.dma_semaphore, #tpu.memory_space<semaphore_mem>>) src(%dma_wait3A_1794 : memref<16777216xi32, #tpu.memory_space<hbm>>) dst(%dma_wait3A : memref<128xi32, #tpu.memory_space<vmem>>)
      }
      %while3A_1726 = arith.constant 0 : i32
      %while3A_1727 = arith.constant 0 : i32
      %while3A_1728 = arith.subi %select_n3A_1668, %while3A_1726 : i32
      %while3A_1729 = arith.addi %while3A_1726, %while3A_1728 : i32
      %while3A_1730 = arith.constant 1 : i32
      %while3A_1731 = arith.divsi %while3A_1728, %while3A_1730 : i32
      %while3A_1732 = arith.muli %while3A_1731, %while3A_1730 : i32
      %while3A_1733 = arith.addi %while3A_1726, %while3A_1732 : i32
      %while3A_1734 = arith.constant 1 : i32
      %while3A_1735 = scf.for %while3A_1787 = %while3A_1726 to %while3A_1733 step %while3A_1734 iter_args(%while3A_1788 = %while3A_1727) -> (i32)  : i32 {
        %mul3A_1789 = arith.constant 16 : i32
        %mul3A_1790 = arith.muli %while3A_1787, %mul3A_1789 : i32
        %get3A = arith.index_cast %mul3A_1790 : i32 to index
        %get3A_1791 = tpu.vector_load %arg16[%get3A] {strides = array<i32>} : memref<8192xi32, #tpu.memory_space<vmem>>, vector<16xi32>,
        %get3A_1792 = arith.index_cast %mul3A_1790 : i32 to index
        %get3A_1793 = tpu.vector_load %arg15[%get3A_1792] {strides = array<i32>} : memref<8192xi32, #tpu.memory_space<vmem>>, vector<16xi32>,
        %get3A_1794 = arith.index_cast %mul3A_1790 : i32 to index
        %get3A_1795 = tpu.vector_load %arg10[%get3A_1794] {strides = array<i32>} : memref<8192xi32, #tpu.memory_space<vmem>>, vector<16xi32>,
        %eq3A_1796 = arith.cmpi eq, %get3A_1791, %get3A_1793 : vector<16xi32>
        %not3A = arith.constant dense<true> : vector<16xi1>
        %not3A_1797 = arith.xori %eq3A_1796, %not3A : vector<16xi1>
        tpu.vector_store_idx %arg12[%get3A_1795], %get3A_1791 masked %eq3A_1796 : memref<8192xi32, #tpu.memory_space<vmem>>[vector<16xi32>], vector<16xi32>, vector<16xi1>
        %all_reduce_population_count3A = tpu.all_reduce %not3A_1797 {dim = 0 : i64, kind = #tpu.reduction_kind<sum>} : vector<16xi1> -> vector<16xi32>
        %slice3A = vector.extract_strided_slice %all_reduce_population_count3A {offsets = [0], sizes = [1], strides = [1]} : vector<16xi32> to vector<1xi32>
        %squeeze3A = vector.extract %slice3A[0] : i32 from vector<1xi32>
        %swap3A = arith.index_cast %while3A_1788 : i32 to index
        %swap3A_1798 = tpu.vector_load %arg15[%swap3A] masked %not3A_1797 {strides = array<i32>} : memref<8192xi32, #tpu.memory_space<vmem>>, vector<16xi32>, vector<16xi1>
        tpu.vector_store %arg15[%swap3A], %get3A_1791 masked %not3A_1797 {strides = array<i32>} : memref<8192xi32, #tpu.memory_space<vmem>>, vector<16xi32>, vector<16xi1>
        %swap3A_1799 = arith.index_cast %while3A_1788 : i32 to index
        %swap3A_1800 = tpu.vector_load %arg10[%swap3A_1799] masked %not3A_1797 {strides = array<i32>} : memref<8192xi32, #tpu.memory_space<vmem>>, vector<16xi32>, vector<16xi1>
        tpu.vector_store %arg10[%swap3A_1799], %get3A_1795 masked %not3A_1797 {strides = array<i32>} : memref<8192xi32, #tpu.memory_space<vmem>>, vector<16xi32>, vector<16xi1>
        %add3A_1801 = arith.addi %while3A_1788, %squeeze3A : i32
        scf.yield %add3A_1801 : i32
      }
      %while3A_1736 = arith.constant 1 : i32
      %while3A_1737 = scf.for %while3A_1787 = %while3A_1733 to %while3A_1729 step %while3A_1736 iter_args(%while3A_1788 = %while3A_1735) -> (i32)  : i32 {
        %mul3A_1789 = arith.constant 16 : i32
        %mul3A_1790 = arith.muli %while3A_1787, %mul3A_1789 : i32
        %get3A = arith.index_cast %mul3A_1790 : i32 to index
        %get3A_1791 = tpu.vector_load %arg16[%get3A] {strides = array<i32>} : memref<8192xi32, #tpu.memory_space<vmem>>, vector<16xi32>,
        %get3A_1792 = arith.index_cast %mul3A_1790 : i32 to index
        %get3A_1793 = tpu.vector_load %arg15[%get3A_1792] {strides = array<i32>} : memref<8192xi32, #tpu.memory_space<vmem>>, vector<16xi32>,
        %get3A_1794 = arith.index_cast %mul3A_1790 : i32 to index
        %get3A_1795 = tpu.vector_load %arg10[%get3A_1794] {strides = array<i32>} : memref<8192xi32, #tpu.memory_space<vmem>>, vector<16xi32>,
        %eq3A_1796 = arith.cmpi eq, %get3A_1791, %get3A_1793 : vector<16xi32>
        %not3A = arith.constant dense<true> : vector<16xi1>
        %not3A_1797 = arith.xori %eq3A_1796, %not3A : vector<16xi1>
        tpu.vector_store_idx %arg12[%get3A_1795], %get3A_1791 masked %eq3A_1796 : memref<8192xi32, #tpu.memory_space<vmem>>[vector<16xi32>], vector<16xi32>, vector<16xi1>
        %all_reduce_population_count3A = tpu.all_reduce %not3A_1797 {dim = 0 : i64, kind = #tpu.reduction_kind<sum>} : vector<16xi1> -> vector<16xi32>
        %slice3A = vector.extract_strided_slice %all_reduce_population_count3A {offsets = [0], sizes = [1], strides = [1]} : vector<16xi32> to vector<1xi32>
        %squeeze3A = vector.extract %slice3A[0] : i32 from vector<1xi32>
        %swap3A = arith.index_cast %while3A_1788 : i32 to index
        %swap3A_1798 = tpu.vector_load %arg15[%swap3A] masked %not3A_1797 {strides = array<i32>} : memref<8192xi32, #tpu.memory_space<vmem>>, vector<16xi32>, vector<16xi1>
        tpu.vector_store %arg15[%swap3A], %get3A_1791 masked %not3A_1797 {strides = array<i32>} : memref<8192xi32, #tpu.memory_space<vmem>>, vector<16xi32>, vector<16xi1>
        %swap3A_1799 = arith.index_cast %while3A_1788 : i32 to index
        %swap3A_1800 = tpu.vector_load %arg10[%swap3A_1799] masked %not3A_1797 {strides = array<i32>} : memref<8192xi32, #tpu.memory_space<vmem>>, vector<16xi32>, vector<16xi1>
        tpu.vector_store %arg10[%swap3A_1799], %get3A_1795 masked %not3A_1797 {strides = array<i32>} : memref<8192xi32, #tpu.memory_space<vmem>>, vector<16xi32>, vector<16xi1>
        %add3A_1801 = arith.addi %while3A_1788, %squeeze3A : i32
        scf.yield %add3A_1801 : i32
      }
      %while3A_1738 = arith.constant 0 : i32
      %while3A_1739 = arith.subi %convert_element_type3A_1687, %while3A_1738 : i32
      %while3A_1740 = arith.addi %while3A_1738, %while3A_1739 : i32
      %while3A_1741 = arith.constant 1 : i32
      %while3A_1742 = arith.divsi %while3A_1739, %while3A_1741 : i32
      %while3A_1743 = arith.muli %while3A_1742, %while3A_1741 : i32
      %while3A_1744 = arith.addi %while3A_1738, %while3A_1743 : i32
      %while3A_1745 = arith.constant 1 : i32
      %while3A_1746 = scf.for %while3A_1787 = %while3A_1738 to %while3A_1744 step %while3A_1745 iter_args(%while3A_1788 = %while3A_1737) -> (i32)  : i32 {
        %mul3A_1789 = arith.constant 16 : i32
        %mul3A_1790 = arith.muli %select_n3A_1668, %mul3A_1789 : i32
        %get3A = arith.index_cast %mul3A_1790 : i32 to index
        %get3A_1791 = tpu.vector_load %arg16[%get3A] {strides = array<i32>} : memref<8192xi32, #tpu.memory_space<vmem>>, vector<16xi32>,
        %get3A_1792 = arith.index_cast %mul3A_1790 : i32 to index
        %get3A_1793 = tpu.vector_load %arg15[%get3A_1792] {strides = array<i32>} : memref<8192xi32, #tpu.memory_space<vmem>>, vector<16xi32>,
        %get3A_1794 = arith.index_cast %mul3A_1790 : i32 to index
        %get3A_1795 = tpu.vector_load %arg10[%get3A_1794] {strides = array<i32>} : memref<8192xi32, #tpu.memory_space<vmem>>, vector<16xi32>,
        %iota3A = tpu.iota {dimensions = array<i32: 0>} : vector<16xi32>
        %add3A_1796 = vector.broadcast %mul3A_1790 : i32 to vector<16xi32>
        %add3A_1797 = arith.addi %iota3A, %add3A_1796 : vector<16xi32>
        %lt3A_1798 = vector.broadcast %while3A_1505 : i32 to vector<16xi32>
        %lt3A_1799 = arith.cmpi slt, %add3A_1797, %lt3A_1798 : vector<16xi32>
        %eq3A_1800 = arith.cmpi eq, %get3A_1791, %get3A_1793 : vector<16xi32>
        %and3A_1801 = arith.andi %eq3A_1800, %lt3A_1799 : vector<16xi1>
        %not3A = arith.constant dense<true> : vector<16xi1>
        %not3A_1802 = arith.xori %eq3A_1800, %not3A : vector<16xi1>
        %and3A_1803 = arith.andi %not3A_1802, %lt3A_1799 : vector<16xi1>
        tpu.vector_store_idx %arg12[%get3A_1795], %get3A_1791 masked %and3A_1801 : memref<8192xi32, #tpu.memory_space<vmem>>[vector<16xi32>], vector<16xi32>, vector<16xi1>
        %all_reduce_population_count3A = tpu.all_reduce %and3A_1803 {dim = 0 : i64, kind = #tpu.reduction_kind<sum>} : vector<16xi1> -> vector<16xi32>
        %slice3A = vector.extract_strided_slice %all_reduce_population_count3A {offsets = [0], sizes = [1], strides = [1]} : vector<16xi32> to vector<1xi32>
        %squeeze3A = vector.extract %slice3A[0] : i32 from vector<1xi32>
        %swap3A = arith.index_cast %while3A_1788 : i32 to index
        %swap3A_1804 = tpu.vector_load %arg15[%swap3A] masked %and3A_1803 {strides = array<i32>} : memref<8192xi32, #tpu.memory_space<vmem>>, vector<16xi32>, vector<16xi1>
        tpu.vector_store %arg15[%swap3A], %get3A_1791 masked %and3A_1803 {strides = array<i32>} : memref<8192xi32, #tpu.memory_space<vmem>>, vector<16xi32>, vector<16xi1>
        %swap3A_1805 = arith.index_cast %while3A_1788 : i32 to index
        %swap3A_1806 = tpu.vector_load %arg10[%swap3A_1805] masked %and3A_1803 {strides = array<i32>} : memref<8192xi32, #tpu.memory_space<vmem>>, vector<16xi32>, vector<16xi1>
        tpu.vector_store %arg10[%swap3A_1805], %get3A_1795 masked %and3A_1803 {strides = array<i32>} : memref<8192xi32, #tpu.memory_space<vmem>>, vector<16xi32>, vector<16xi1>
        %add3A_1807 = arith.addi %while3A_1788, %squeeze3A : i32
        scf.yield %add3A_1807 : i32
      }
      %while3A_1747 = arith.constant 1 : i32
      %while3A_1748 = scf.for %while3A_1787 = %while3A_1744 to %while3A_1740 step %while3A_1747 iter_args(%while3A_1788 = %while3A_1746) -> (i32)  : i32 {
        %mul3A_1789 = arith.constant 16 : i32
        %mul3A_1790 = arith.muli %select_n3A_1668, %mul3A_1789 : i32
        %get3A = arith.index_cast %mul3A_1790 : i32 to index
        %get3A_1791 = tpu.vector_load %arg16[%get3A] {strides = array<i32>} : memref<8192xi32, #tpu.memory_space<vmem>>, vector<16xi32>,
        %get3A_1792 = arith.index_cast %mul3A_1790 : i32 to index
        %get3A_1793 = tpu.vector_load %arg15[%get3A_1792] {strides = array<i32>} : memref<8192xi32, #tpu.memory_space<vmem>>, vector<16xi32>,
        %get3A_1794 = arith.index_cast %mul3A_1790 : i32 to index
        %get3A_1795 = tpu.vector_load %arg10[%get3A_1794] {strides = array<i32>} : memref<8192xi32, #tpu.memory_space<vmem>>, vector<16xi32>,
        %iota3A = tpu.iota {dimensions = array<i32: 0>} : vector<16xi32>
        %add3A_1796 = vector.broadcast %mul3A_1790 : i32 to vector<16xi32>
        %add3A_1797 = arith.addi %iota3A, %add3A_1796 : vector<16xi32>
        %lt3A_1798 = vector.broadcast %while3A_1505 : i32 to vector<16xi32>
        %lt3A_1799 = arith.cmpi slt, %add3A_1797, %lt3A_1798 : vector<16xi32>
        %eq3A_1800 = arith.cmpi eq, %get3A_1791, %get3A_1793 : vector<16xi32>
        %and3A_1801 = arith.andi %eq3A_1800, %lt3A_1799 : vector<16xi1>
        %not3A = arith.constant dense<true> : vector<16xi1>
        %not3A_1802 = arith.xori %eq3A_1800, %not3A : vector<16xi1>
        %and3A_1803 = arith.andi %not3A_1802, %lt3A_1799 : vector<16xi1>
        tpu.vector_store_idx %arg12[%get3A_1795], %get3A_1791 masked %and3A_1801 : memref<8192xi32, #tpu.memory_space<vmem>>[vector<16xi32>], vector<16xi32>, vector<16xi1>
        %all_reduce_population_count3A = tpu.all_reduce %and3A_1803 {dim = 0 : i64, kind = #tpu.reduction_kind<sum>} : vector<16xi1> -> vector<16xi32>
        %slice3A = vector.extract_strided_slice %all_reduce_population_count3A {offsets = [0], sizes = [1], strides = [1]} : vector<16xi32> to vector<1xi32>
        %squeeze3A = vector.extract %slice3A[0] : i32 from vector<1xi32>
        %swap3A = arith.index_cast %while3A_1788 : i32 to index
        %swap3A_1804 = tpu.vector_load %arg15[%swap3A] masked %and3A_1803 {strides = array<i32>} : memref<8192xi32, #tpu.memory_space<vmem>>, vector<16xi32>, vector<16xi1>
        tpu.vector_store %arg15[%swap3A], %get3A_1791 masked %and3A_1803 {strides = array<i32>} : memref<8192xi32, #tpu.memory_space<vmem>>, vector<16xi32>, vector<16xi1>
        %swap3A_1805 = arith.index_cast %while3A_1788 : i32 to index
        %swap3A_1806 = tpu.vector_load %arg10[%swap3A_1805] masked %and3A_1803 {strides = array<i32>} : memref<8192xi32, #tpu.memory_space<vmem>>, vector<16xi32>, vector<16xi1>
        tpu.vector_store %arg10[%swap3A_1805], %get3A_1795 masked %and3A_1803 {strides = array<i32>} : memref<8192xi32, #tpu.memory_space<vmem>>, vector<16xi32>, vector<16xi1>
        %add3A_1807 = arith.addi %while3A_1788, %squeeze3A : i32
        scf.yield %add3A_1807 : i32
      }
      %add3A_1749 = arith.constant 128 : i32
      %add3A_1750 = arith.addi %while3A_1748, %add3A_1749 : i32
      %sub3A_1751 = arith.constant 1 : i32
      %sub3A_1752 = arith.subi %add3A_1750, %sub3A_1751 : i32
      %jit3A_1753 = arith.constant 128 : i32
      %div3A_1754 = arith.divsi %sub3A_1752, %jit3A_1753 : i32
      %sign3A_1755 = arith.constant 0 : i32
      %sign3A_1756 = arith.cmpi sgt, %sub3A_1752, %sign3A_1755 : i32
      %sign3A_1757 = arith.extui %sign3A_1756 : i1 to i32
      %sign3A_1758 = arith.constant 0 : i32
      %sign3A_1759 = arith.cmpi slt, %sub3A_1752, %sign3A_1758 : i32
      %sign3A_1760 = arith.extui %sign3A_1759 : i1 to i32
      %sign3A_1761 = arith.subi %sign3A_1757, %sign3A_1760 : i32
      %sign3A_1762 = arith.constant 0 : i32
      %sign3A_1763 = arith.cmpi sgt, %jit3A_1753, %sign3A_1762 : i32
      %sign3A_1764 = arith.extui %sign3A_1763 : i1 to i32
      %sign3A_1765 = arith.constant 0 : i32
      %sign3A_1766 = arith.cmpi slt, %jit3A_1753, %sign3A_1765 : i32
      %sign3A_1767 = arith.extui %sign3A_1766 : i1 to i32
      %sign3A_1768 = arith.subi %sign3A_1764, %sign3A_1767 : i32
      %ne3A_1769 = arith.cmpi ne, %sign3A_1761, %sign3A_1768 : i32
      %rem3A_1770 = arith.remsi %sub3A_1752, %jit3A_1753 : i32
      %ne3A_1771 = arith.constant 0 : i32
      %ne3A_1772 = arith.cmpi ne, %rem3A_1770, %ne3A_1771 : i32
      %and3A_1773 = arith.andi %ne3A_1769, %ne3A_1772 : i1
      %sub3A_1774 = arith.constant 1 : i32
      %sub3A_1775 = arith.subi %div3A_1754, %sub3A_1774 : i32
      %select_n3A_1776 = arith.select %and3A_1773, %sub3A_1775, %div3A_1754 : i32
      %while3A_1777 = arith.constant 0 : i32
      %while3A_1778 = arith.constant 0 : i32
      %while3A_1779 = arith.subi %select_n3A_1776, %while3A_1778 : i32
      %while3A_1780 = arith.addi %while3A_1778, %while3A_1779 : i32
      %while3A_1781 = arith.constant 1 : i32
      %while3A_1782 = arith.divsi %while3A_1779, %while3A_1781 : i32
      %while3A_1783 = arith.muli %while3A_1782, %while3A_1781 : i32
      %while3A_1784 = arith.addi %while3A_1778, %while3A_1783 : i32
      %while3A_1785 = arith.constant 1 : i32
      scf.for %while3A_1787 = %while3A_1778 to %while3A_1784 step %while3A_1785  : i32 {
        %mul3A_1788 = arith.constant 128 : i32
        %mul3A_1789 = arith.muli %while3A_1787, %mul3A_1788 : i32
        %mul3A_1790 = arith.constant 128 : i32
        %mul3A_1791 = arith.muli %while3A_1787, %mul3A_1790 : i32
        %dma_start3A = tpu.memref_slice %arg16[%mul3A_1791] : memref<8192xi32, #tpu.memory_space<vmem>> -> memref<128xi32, #tpu.memory_space<vmem>>
        %dma_start3A_1792 = tpu.memref_slice %arg15[%mul3A_1789] : memref<8192xi32, #tpu.memory_space<vmem>> -> memref<128xi32, #tpu.memory_space<vmem>>
        %dma_start3A_1793 = arith.constant 0 : i32
        %dma_start3A_1794 = tpu.memref_slice %arg2[%dma_start3A_1793] : memref<16777216xi32, #tpu.memory_space<hbm>> -> memref<16777216xi32, #tpu.memory_space<hbm>>
        tpu.enqueue_indirect_dma source(%dma_start3A_1794 : memref<16777216xi32, #tpu.memory_space<hbm>>) target(%dma_start3A : memref<128xi32, #tpu.memory_space<vmem>>) offsets(%dma_start3A_1792 : memref<128xi32, #tpu.memory_space<vmem>>) semaphore(%arg29 : memref<!tpu.dma_semaphore, #tpu.memory_space<semaphore_mem>>)
      }
      %while3A_1786 = arith.constant 1 : i32
      scf.for %while3A_1787 = %while3A_1784 to %while3A_1780 step %while3A_1786  : i32 {
        %mul3A_1788 = arith.constant 128 : i32
        %mul3A_1789 = arith.muli %while3A_1787, %mul3A_1788 : i32
        %mul3A_1790 = arith.constant 128 : i32
        %mul3A_1791 = arith.muli %while3A_1787, %mul3A_1790 : i32
        %dma_start3A = tpu.memref_slice %arg16[%mul3A_1791] : memref<8192xi32, #tpu.memory_space<vmem>> -> memref<128xi32, #tpu.memory_space<vmem>>
        %dma_start3A_1792 = tpu.memref_slice %arg15[%mul3A_1789] : memref<8192xi32, #tpu.memory_space<vmem>> -> memref<128xi32, #tpu.memory_space<vmem>>
        %dma_start3A_1793 = arith.constant 0 : i32
        %dma_start3A_1794 = tpu.memref_slice %arg2[%dma_start3A_1793] : memref<16777216xi32, #tpu.memory_space<hbm>> -> memref<16777216xi32, #tpu.memory_space<hbm>>
        tpu.enqueue_indirect_dma source(%dma_start3A_1794 : memref<16777216xi32, #tpu.memory_space<hbm>>) target(%dma_start3A : memref<128xi32, #tpu.memory_space<vmem>>) offsets(%dma_start3A_1792 : memref<128xi32, #tpu.memory_space<vmem>>) semaphore(%arg29 : memref<!tpu.dma_semaphore, #tpu.memory_space<semaphore_mem>>)
      }
      scf.yield %while3A_1606, %while3A_1748 : i32, i32
    }
    "tpu.region"() ({
      %run_scoped3A = tpu.sem_alloc : memref<!tpu.dma_semaphore, #tpu.memory_space<semaphore_mem>>
      %dma_start3A = arith.constant 0 : i32
      %dma_start3A_1504 = tpu.memref_slice %arg4[%add3A_1326, %dma_start3A] : memref<128x8192xi32, #tpu.memory_space<hbm>> -> memref<1x8192xi32, #tpu.memory_space<hbm>>
      %dma_start3A_1505 = tpu.memref_squeeze %dma_start3A_1504 : memref<1x8192xi32, #tpu.memory_space<hbm>> -> memref<8192xi32, #tpu.memory_space<hbm>>
      %dma_start3A_1506 = arith.constant 0 : i32
      %dma_start3A_1507 = tpu.memref_slice %arg4[%add3A_1326, %dma_start3A_1506] : memref<128x8192xi32, #tpu.memory_space<hbm>> -> memref<1x8192xi32, #tpu.memory_space<hbm>>
      %dma_start3A_1508 = tpu.memref_squeeze %dma_start3A_1507 : memref<1x8192xi32, #tpu.memory_space<hbm>> -> memref<8192xi32, #tpu.memory_space<hbm>>
      tpu.enqueue_dma source(%arg8 : memref<8192xi32, #tpu.memory_space<vmem>>) target(%dma_start3A_1508 : memref<8192xi32, #tpu.memory_space<hbm>>) target_semaphore(%run_scoped3A : memref<!tpu.dma_semaphore, #tpu.memory_space<semaphore_mem>>)
      %dma_wait3A = arith.constant 0 : i32
      %dma_wait3A_1509 = tpu.memref_slice %arg4[%add3A_1326, %dma_wait3A] : memref<128x8192xi32, #tpu.memory_space<hbm>> -> memref<1x8192xi32, #tpu.memory_space<hbm>>
      %dma_wait3A_1510 = tpu.memref_squeeze %dma_wait3A_1509 : memref<1x8192xi32, #tpu.memory_space<hbm>> -> memref<8192xi32, #tpu.memory_space<hbm>>
      %dma_wait3A_1511 = arith.constant 0 : i32
      %dma_wait3A_1512 = tpu.memref_slice %arg4[%add3A_1326, %dma_wait3A_1511] : memref<128x8192xi32, #tpu.memory_space<hbm>> -> memref<1x8192xi32, #tpu.memory_space<hbm>>
      %dma_wait3A_1513 = tpu.memref_squeeze %dma_wait3A_1512 : memref<1x8192xi32, #tpu.memory_space<hbm>> -> memref<8192xi32, #tpu.memory_space<hbm>>
      tpu.wait_dma2 semaphore(%run_scoped3A : memref<!tpu.dma_semaphore, #tpu.memory_space<semaphore_mem>>) src(%arg8 : memref<8192xi32, #tpu.memory_space<vmem>>) dst(%dma_wait3A_1513 : memref<8192xi32, #tpu.memory_space<hbm>>)
      tpu.yield
    }) : () -> ()
    "tpu.region"() ({
      %run_scoped3A = tpu.sem_alloc : memref<!tpu.dma_semaphore, #tpu.memory_space<semaphore_mem>>
      %dma_start3A = arith.constant 0 : i32
      %dma_start3A_1504 = tpu.memref_slice %arg4[%add3A_1328, %dma_start3A] : memref<128x8192xi32, #tpu.memory_space<hbm>> -> memref<1x8192xi32, #tpu.memory_space<hbm>>
      %dma_start3A_1505 = tpu.memref_squeeze %dma_start3A_1504 : memref<1x8192xi32, #tpu.memory_space<hbm>> -> memref<8192xi32, #tpu.memory_space<hbm>>
      %dma_start3A_1506 = arith.constant 0 : i32
      %dma_start3A_1507 = tpu.memref_slice %arg4[%add3A_1328, %dma_start3A_1506] : memref<128x8192xi32, #tpu.memory_space<hbm>> -> memref<1x8192xi32, #tpu.memory_space<hbm>>
      %dma_start3A_1508 = tpu.memref_squeeze %dma_start3A_1507 : memref<1x8192xi32, #tpu.memory_space<hbm>> -> memref<8192xi32, #tpu.memory_space<hbm>>
      tpu.enqueue_dma source(%arg12 : memref<8192xi32, #tpu.memory_space<vmem>>) target(%dma_start3A_1508 : memref<8192xi32, #tpu.memory_space<hbm>>) target_semaphore(%run_scoped3A : memref<!tpu.dma_semaphore, #tpu.memory_space<semaphore_mem>>)
      %dma_wait3A = arith.constant 0 : i32
      %dma_wait3A_1509 = tpu.memref_slice %arg4[%add3A_1328, %dma_wait3A] : memref<128x8192xi32, #tpu.memory_space<hbm>> -> memref<1x8192xi32, #tpu.memory_space<hbm>>
      %dma_wait3A_1510 = tpu.memref_squeeze %dma_wait3A_1509 : memref<1x8192xi32, #tpu.memory_space<hbm>> -> memref<8192xi32, #tpu.memory_space<hbm>>
      %dma_wait3A_1511 = arith.constant 0 : i32
      %dma_wait3A_1512 = tpu.memref_slice %arg4[%add3A_1328, %dma_wait3A_1511] : memref<128x8192xi32, #tpu.memory_space<hbm>> -> memref<1x8192xi32, #tpu.memory_space<hbm>>
      %dma_wait3A_1513 = tpu.memref_squeeze %dma_wait3A_1512 : memref<1x8192xi32, #tpu.memory_space<hbm>> -> memref<8192xi32, #tpu.memory_space<hbm>>
      tpu.wait_dma2 semaphore(%run_scoped3A : memref<!tpu.dma_semaphore, #tpu.memory_space<semaphore_mem>>) src(%arg12 : memref<8192xi32, #tpu.memory_space<vmem>>) dst(%dma_wait3A_1513 : memref<8192xi32, #tpu.memory_space<hbm>>)
      tpu.yield
    }) : () -> ()
    return
  }
}

</mosaic_0001>

<sc_bundles>
// kernel: kernel.3.cloned.1.call-start
scs
__scs_entry_jumppad:
0x0: {  	(pc) =	sbr.rel $0x88, $3  }
0x1: {  	(tag) =	ssettag $0x0;
	lr =	simm.s32 $0x1  }
0x2: {  	[smem:$0x3F9F] =	sst lr;
	_ =	strace $0xD0000000  }
0x3: {  	_ = 	snop  }
0x4: {  	_ = 	snop  }
0x5: {  	_ = 	snop  }
0x6: {  	_ = 	snop  }
0x7: {  	_ = 	snop  }
__scs_overlays_trampoline_lowered:
0x8: {  	[smem:$0x3FAE] =	sst s0  }
0x9: {  	[smem:$0x3FAF] =	sst s1  }
0xa: {  	[smem:$0x3FB0] =	sst s2  }
0xb: {  	[smem:$0x3FB1] =	sst s3  }
0xc: {  	[smem:$0x3FB2] =	sst s4  }
0xd: {  	[smem:$0x3FB3] =	sst s5  }
0xe: {  	[smem:$0x3FB4] =	sst s6  }
0xf: {  	[smem:$0x3FB5] =	sst s7  }
0x10: {  	[smem:$0x3FB6] =	sst s8  }
0x11: {  	[smem:$0x3FB7] =	sst s9;
	s0 =	simm.s32 @!p0 $0x0  }
0x12: {  	s1 =	sld [smem:$0x3F9D];
	s0 =	simm.s32 @p0 $0x1  }
0x13: {  	[smem:$0x3FB8] =	sst s0;
	s0 =	simm.s32 @!p1 $0x0  }
0x14: {  	s2 =	sld [smem:$0x3F9C];
	s0 =	simm.s32 @p1 $0x1  }
0x15: {  	[smem:$0x3FB9] =	sst s0;
	s0 =	simm.s32 @!p2 $0x0  }
0x16: {  	s3 =	sld [smem:$0x3FDB];
	s0 =	simm.s32 @p2 $0x1  }
0x17: {  	s4 =	simm.s32 $0x1BF5;
	[smem:$0x3FBB] =	sst s0  }
0x18: {  	s0 =	sld [smem:$0x3F9E];
	_ =	swait.ge [sflag:s4], $0x0  }
0x19: {  	s7 =	sld [smem:$0x3F9F]  }
0x1a: {  	s8 =	sadd.s32 $0xFFFFE003, lr  }
0x1b: {  	s9 =	sadd.s32 $0xFFFFFEF7, lr;
	s5 =	simm.s32 $0xFFFFFFFF;
	p2 =	slt.u32 s8, $0xFFFFF086  }
0x1c: {  	p1 =	slt.u32 s9, $0xF7A;
	s5 =	simm.s32 @!p2 $0x0  }
0x1d: {  	s5 =	simm.s32 @p1 $0x1;
	p0 =	seq.s32 s7, s2  }
0x1e: {  	s7 =	smul.u32 @!p0 $0xF7A, s2;
	p2 =	seq.s32 @!p0 s5, $0x0  }
0x1f: {  	s9 =	smul.u32 $0xF7A, s1;
	s8 =	simm.s32 @!p0 $0x1BF5;
	p2 =	por !p2, p0  }
0x20: {  	[sflag:s8] =	ssyncset.s32 @!p0 $0xFFFFF086;
	s6 =	sadd.s32 @!p0 s3, s7;
	s7 =	simm.s32 @!p0 $0x108  }
0x21: {  	s3 =	sadd.s32 s3, s9;
	s6 =	sadd.s32 @!p0 $0x88, s6;
	s7 =	simm.s32 @p2 $0x1082  }
0x22: {  	[simem:s7], [sflag:s8] =	dma.local @!p0 [hbm:s6], $0xF7A  }
0x23: {  	s9 =	sor.u32 $0xD0000000, s2;
	s6 =	simm.s32 $0x108;
	_ =	swait.ge @!p0 [sflag:s8], $0x0  }
0x24: {  	s3 =	sadd.s32 $0x88, s3;
	s6 =	simm.s32 @!p1 $0x1082;
	[sflag:s4] =	ssyncset.s32 $0xFFFFF086  }
0x25: {  	[simem:s6], [sflag:s4] =	dma.local [hbm:s3], $0xF7A  }
0x26: {  	[smem:$0x3F9F] =	sst s1;
	(tag) =	ssettag s2;
	_ =	strace s9  }
0x27: {  	s1 =	sld [smem:$0x3FAF]  }
0x28: {  	s2 =	sld [smem:$0x3FB0]  }
0x29: {  	s4 =	sld [smem:$0x3FB2]  }
0x2a: {  	p0 =	seq.s32 s5, $0x0;
	s5 =	sld [smem:$0x3FB3]  }
0x2b: {  	s6 =	sld [smem:$0x3FB4]  }
0x2c: {  	s7 =	sld [smem:$0x3FB5]  }
0x2d: {  	s3 =	simm.s32 $0x108;
	s8 =	sld [smem:$0x3FB6]  }
0x2e: {  	s3 =	simm.s32 @!p0 $0x1082;
	s9 =	sld [smem:$0x3FB7]  }
0x2f: {  	lr =	sadd.s32 s0, s3;
	s0 =	sld [smem:$0x3FAE]  }
0x30: {  	s3 =	sld [smem:$0x3FB1]  }
0x31: {  	[smem:$0x3FBA] =	sst s10  }
0x32: {  	s10 =	sld [smem:$0x3FB8];
	_ =	sdelay $0x3  }
0x33: {  	p0 =	seq.s32 s10, $0x1;
	s10 =	sld [smem:$0x3FBA];
	_ =	sdelay $0x3  }
0x34: {  	[smem:$0x3FBA] =	sst s10  }
0x35: {  	s10 =	sld [smem:$0x3FB9];
	_ =	sdelay $0x3  }
0x36: {  	p1 =	seq.s32 s10, $0x1;
	s10 =	sld [smem:$0x3FBA];
	_ =	sdelay $0x3  }
0x37: {  	[smem:$0x3FBA] =	sst s10  }
0x38: {  	s10 =	sld [smem:$0x3FBB]  }
0x39: {  	_ = 	snop;
	(pc) =	sbr.ind lr, $3  }
0x3a: {  	_ = 	snop  }
0x3b: {  	_ = 	snop  }
0x3c: {  	p2 =	seq.s32 s10, $0x1;
	s10 =	sld [smem:$0x3FBA]  }
0x3d: {  	_ =	shalt  }
0x3e: {  	_ =	shalt  }
0x3f: {  	_ =	shalt  }
0x40: {  	_ =	shalt  }
0x41: {  	_ =	shalt  }
0x42: {  	_ =	shalt  }
0x43: {  	_ =	shalt  }
0x44: {  	_ =	shalt  }
0x45: {  	_ =	shalt  }
0x46: {  	_ =	shalt  }
0x47: {  	_ =	shalt  }
0x48: {  	_ =	shalt  }
0x49: {  	_ =	shalt  }
0x4a: {  	_ =	shalt  }
0x4b: {  	_ =	shalt  }
0x4c: {  	_ =	shalt  }
0x4d: {  	_ =	shalt  }
0x4e: {  	_ =	shalt  }
0x4f: {  	_ =	shalt  }
0x50: {  	_ =	shalt  }
0x51: {  	_ =	shalt  }
0x52: {  	_ =	shalt  }
0x53: {  	_ =	shalt  }
0x54: {  	_ =	shalt  }
0x55: {  	_ =	shalt  }
0x56: {  	_ =	shalt  }
0x57: {  	_ =	shalt  }
0x58: {  	_ =	shalt  }
0x59: {  	_ =	shalt  }
0x5a: {  	_ =	shalt  }
0x5b: {  	_ =	shalt  }
0x5c: {  	_ =	shalt  }
0x5d: {  	_ =	shalt  }
0x5e: {  	_ =	shalt  }
0x5f: {  	_ =	shalt  }
0x60: {  	_ =	shalt  }
0x61: {  	_ =	shalt  }
0x62: {  	_ =	shalt  }
0x63: {  	_ =	shalt  }
0x64: {  	_ =	shalt  }
0x65: {  	_ =	shalt  }
0x66: {  	_ =	shalt  }
0x67: {  	_ =	shalt  }
0x68: {  	_ =	shalt  }
0x69: {  	_ =	shalt  }
0x6a: {  	_ =	shalt  }
0x6b: {  	_ =	shalt  }
0x6c: {  	_ =	shalt  }
0x6d: {  	_ =	shalt  }
0x6e: {  	_ =	shalt  }
0x6f: {  	_ =	shalt  }
0x70: {  	_ =	shalt  }
0x71: {  	_ =	shalt  }
0x72: {  	_ =	shalt  }
0x73: {  	_ =	shalt  }
0x74: {  	_ =	shalt  }
0x75: {  	_ =	shalt  }
0x76: {  	_ =	shalt  }
0x77: {  	_ =	shalt  }
0x78: {  	_ =	shalt  }
0x79: {  	_ =	shalt  }
0x7a: {  	_ =	shalt  }
0x7b: {  	_ =	shalt  }
0x7c: {  	_ =	shalt  }
0x7d: {  	_ =	shalt  }
0x7e: {  	_ =	shalt  }
0x7f: {  	_ =	shalt  }
0x80: {  	_ =	shalt  }
0x81: {  	_ =	shalt  }
0x82: {  	_ =	shalt  }
0x83: {  	_ =	shalt  }
0x84: {  	_ =	shalt  }
0x85: {  	_ =	shalt  }
0x86: {  	_ =	shalt  }
0x87: {  	_ =	shalt  }
.Lfunc_end0:
.L_simem_size_0:
called_computation_lowered:
.L_overlay_start_0:
0x88: {  	s2 =	sld [smem:$0x3FD9]  }
0x89: {  	s3 =	sld [smem:$0x3FFE];
	_ =	sdelay $0x1  }
0x8a: {  	s1 =	srdreg.scid  }
0x8b: {  	s0 =	sand.u32 $0x1, s1  }
0x8c: {  	s17 =	sshll.u32 s0, $0xA;
	s2 =	sadd.s32 s3, s2  }
0x8d: {  	s2 =	sadd.s32 s2, s17  }
0x8e: {  	[smem:$0x3FC6] =	sst s2  }
0x8f: {  	_ = 	snop  }
0x90: {  	s2 =	sld [smem:$0x3FC9]  }
0x91: {  	s18 =	sld [smem:$0x3FD0];
	(tm) =	ssettm $0x1  }
0x92: {  	s4 =	sld [smem:$0x3FFB];
	_ =	sdelay $0x3  }
0x93: {  	_ =	strace s4  }
0x94: {  	s4 =	sld [smem:$0x3FFC];
	_ =	sdelay $0x3  }
0x95: {  	_ =	strace s4  }
0x96: {  	s4 =	sld [smem:$0x3FFD];
	_ =	sdelay $0x3  }
0x97: {  	_ =	strace s4  }
0x98: {  	_ =	strace $0x8FFFFFFF  }
0x99: {  	s19 =	sld [smem:$0x3FDB];
	_ =	sdelay $0x1  }
0x9a: {  	s5 =	simm.s32 $_scs_section_size  }
0x9b: {  	s6 =	simm.s32 $_size__tile_overlayer_lowered;
	s7 =	simm.s32 $_tile_overlayer_lowered  }
0x9c: {  	s22 =	simm.s32 $0x1BFF;
	s21 =	sshll.u32 s7, $0x1;
	s4 =	sadd.s32 s5, s19  }
0x9d: {  	s8 =	simm.s32 $0x0;
	s20 =	sshll.u32 s6, $0x1;
	s6 =	sadd.s32 s21, s4  }
0x9e: {  	[timem:s8], [sflag:s22] =	dma.local [hbm:s6], s20  }
0x9f: {  	_ =	swait.ge [sflag:s22], s20  }
0xa0: {  	s5 =	ssub.s32 $0x0, s20;
	[sflag:s22] =	ssyncset.done $0x0  }
0xa1: {  	[sflag:s22] =	ssyncadd.s32 s5;
	_ =	sdelay $0x1  }
0xa2: {  	s23 =	simm.s32 $0x1B8B  }
0xa3: {  	_ =	swait.ge [sflag:s23], $0x1  }
0xa4: {  	[sflag:s23] =	ssyncset.done $0x0  }
0xa5: {  	s25 =	simm.s32 $0x1B8E;
	s24 =	sld [smem:$0x3FFE];
	[sflag:s23] =	ssyncadd.s32 $0xFFFFFFFF  }
0xa6: {  	s26 =	simm.s32 $execute0_lowered;
	[smem:$0x3FD2] =	sst s25  }
0xa7: {  	s6 =	sshll.u32 s26, $0x1;
	_ =	strace $0x80000046;
	[dreg:$0x1] =	wrdreg $0xFFFFFFFF  }
0xa8: {  	s28 =	simm.s32 $_size_execute0_lowered;
	s4 =	sadd.s32 s4, s6;
	[dreg:$0x0] =	wrdreg $0x0  }
0xa9: {  	s6 =	sshll.u32 s28, $0x1;
	[dreg:$0x2] =	wrdreg s4  }
0xaa: {  	[dreg:$0x3] =	wrdreg s6  }
0xab: {  	[dreg:$0x4] =	wrdreg $0xC0  }
0xac: {  	_ =	task [dreg:s8], $0x5FFFF  }
0xad: {  	[dreg:$0x1] =	wrdreg $0xFFFFFFFF  }
0xae: {  	[dreg:$0x0] =	wrdreg $0x60  }
0xaf: {  	[dreg:$0x2] =	wrdreg s2  }
0xb0: {  	[dreg:$0x3] =	wrdreg s18  }
0xb1: {  	[dreg:$0x4] =	wrdreg s24  }
0xb2: {  	[dreg:$0x5] =	wrdreg $0x9  }
0xb3: {  	_ =	task.clear_ibuf [dreg:s8], $0x6FFFF;
	_ =	strace $0x90000046  }
0xb4: {  	s29 =	simm.s32 $0x9;
	_ =	strace $0x80000048  }
0xb5: {  	_ =	swait.ge [sflag:s29], $0x1  }
0xb6: {  	[sflag:s29] =	ssyncadd.s32 $0xFFFFFFFF  }
0xb7: {  	_ =	strace $0x90000048  }
0xb8: {  	_ =	sfence  }
0xb9: {  	s30 =	sld [smem:$0x0];
	_ =	sdelay $0x2  }
0xba: {  	s31 =	sshll.u32 s1, $0xD;
	s1 =	sshrl.u32 s1, $0x2  }
0xbb: {  	s3 =	sand.u32 $0x4000, s31;
	s1 =	sadd.s32 s1, s30  }
0xbc: {  	s0 =	sor.u32 s3, s0;
	s1 =	sshll.u32 s1, $0x11  }
0xbd: {  	s0 =	sor.u32 s1, s0  }
0xbe: {  	s0 =	sadd.s32 $0x8F2B, s0  }
0xbf: {  	[sflag:s0] =	ssyncadd.remote.s32 $0x1  }
0xc0: {  	_ =	sfence.sel $0xFFFF  }
0xc1: {  	[dreg:$0x0] =	wrdreg $0xFFFFFFFF;
	(pc) =	sbr.abs _section_cstart, $3  }
0xc2: {  	[dreg:$0x1] =	wrdreg $0xFFFFFFFF  }
0xc3: {  	_ =	task.clear_ibuf [dreg:s8], $0x2FFFF;
	_ =	strace $0x9FFFFFFF  }
0xc4: {  	(tm) =	ssettm $0x7FFFFFFF  }
0xc5: {  	_ =	shalt  }
tec
execute0_lowered:
.L_overlay_start_1:
0x0: {  	(tag) =	ssettag $0x1  }
0x1: {  	s1 =	rddreg [dreg:$0x0]  }
0x2: {  	s0 =	rddreg [dreg:$0x1]  }
0x3: {  	s2 =	rddreg [dreg:$0x2]  }
0x4: {  	s8 =	simm.s32 $0x0;
	s3 =	srdreg.scid;
	s5 =	stileid.u32  }
0x5: {  	s13 =	simm.s32 $0x80;
	s16 =	simm.s32 $0x11;
	s18 =	simm.s32 $0x2  }
0x6: {  	s28 =	simm.s32 $0x9;
	s29 =	simm.s32 $0xA;
	s30 =	simm.s32 $0xB  }
0x7: {  	s31 =	simm.s32 $0xC;
	s15 =	simm.s32 $0xD;
	s17 =	simm.s32 $0xE  }
0x8: {  	[smem:$0x7FF] =	sst s8;
	s3 =	sand.u32 $0x1, s3;
	s5 =	sshll.u32 s5, $0xD  }
0x9: {  	s2 =	sadd.s32 $0x400, s2;
	s4 =	ssub.s32 $0x2, s3;
	s3 =	sshll.u32 s3, $0x6  }
0xa: {  	_ =	strace $0x80000047;
	s6 =	sshrl.u32 s4, $0x1;
	s3 =	sor.u32 s3, s5  }
0xb: {  	s4 =	ssub.s32 s4, s6;
	s5 =	sor.u32 $0x20, s3;
	s9 =	sadd.s32 s0, s3  }
0xc: {  	s19 =	sor.u32 $0x30, s3;
	s22 =	sadd.s32 s2, s3;
	[dreg:$0x6] =	wrdreg s9  }
0xd: {  	s21 =	sor.u32 $0x10, s3;
	s7 =	sadd.s32 s0, s5;
	[dreg:$0x8] =	wrdreg s22  }
0xe: {  	s3 =	simm.s32 $0x400;
	s20 =	sadd.s32 s0, s19;
	[dreg:$0x4] =	wrdreg s7  }
0xf: {  	s6 =	simm.s32 $0x0;
	s0 =	sadd.s32 s0, s21;
	[dreg:$0x5] =	wrdreg s20  }
0x10: {  	s23 =	sadd.s32 s2, s21;
	s24 =	sadd.s32 s2, s5;
	[dreg:$0x7] =	wrdreg s0  }
0x11: {  	s25 =	sadd.s32 s2, s19;
	s26 =	smax.u32 s4, $0x1;
	[dreg:$0x9] =	wrdreg s23  }
.Ltmp0:
0x12: {  	s19 =	simm.s32 $0x3;
	[dreg:$0xa] =	wrdreg s24;
	(pc) =	sbr.rel .LBB2_1-.Ltmp0, $4  }
0x13: {  	s21 =	simm.s32 $0x5;
	s22 =	simm.s32 $0x6;
	[dreg:$0xb] =	wrdreg s25  }
0x14: {  	s4 =	simm.s32 $0xF;
	s5 =	simm.s32 $0x10;
	[dreg:$0xc] =	wrdreg s26  }
0x15: {  	s0 =	simm.s32 $0x1;
	s20 =	simm.s32 $0x4;
	s23 =	simm.s32 $0x7  }
0x16: {  	v0 =	vlaneseq.u32;
	s24 =	simm.s32 $0x8;
	s25 =	simm.s32 $0x6000;
	s26 =	simm.s32 $0xE000  }
.LBB2_107:
0x17: {  	s2 =	rddreg [dreg:$0xa];
	s3 =	simm.s32 $0x400  }
0x18: {  	[hbm4b:s2+s13] =	stream.strided.scatter [tilespmem:s25], [sflag:$0x11], $0x2000, s3, s13, $0x38;
	[tilespmem:$0x18000] =	vst v63  }
0x19: {  	_ =	swait.ge [sflag:s16], $0x2000  }
0x1a: {  	[sflag:s16] =	ssyncset.done $0x0  }
0x1b: {  	s12 =	rddreg [dreg:$0xb];
	[sflag:s16] =	ssyncadd.s32 $0xFFFFE000  }
0x1c: {  	[hbm4b:s12+s13] =	stream.strided.scatter [tilespmem:s26], [sflag:$0x11], $0x2000, s3, s13, $0x38;
	[tilespmem:$0x18000] =	vst v63  }
0x1d: {  	_ =	swait.ge [sflag:s16], $0x2000  }
0x1e: {  	s6 =	rddreg [dreg:$0xd]  }
0x1f: {  	s14 =	rddreg [dreg:$0xc];
	s6 =	sadd.s32 $0x1, s6  }
0x20: {  	p0 =	sne.s32 s6, s14  }
.Ltmp1:
0x21: {  	_ = 	snop;
	(pc) =	sbr.rel @!p0 .LBB2_108-.Ltmp1, $3  }
0x22: {  	_ =	sdelay $0x1  }
0x23: {  	[sflag:s16] =	ssyncset.done $0x0  }
0x24: {  	s8 =	simm.s32 $0x0;
	[sflag:s16] =	ssyncadd.s32 $0xFFFFE000  }
.LBB2_1:
0x25: {  	[dreg:$0xd] =	wrdreg s6  }
0x26: {  	s2 =	rddreg [dreg:$0x4];
	s11 =	simm.s32 $0x10000  }
0x27: {  	[tilespmem:s11], [sflag:$0x11] =	stream.strided.gather [hbm4b:s2+s13], $0x2000, s3, s13, $0x38;
	[tilespmem:$0x18000] =	vst v63  }
0x28: {  	_ =	swait.ge [sflag:s16], $0x2000  }
0x29: {  	[sflag:s16] =	ssyncset.done $0x0  }
0x2a: {  	s7 =	simm.s32 $0x14000;
	s12 =	rddreg [dreg:$0x5];
	[sflag:s16] =	ssyncadd.s32 $0xFFFFE000  }
0x2b: {  	[tilespmem:s7], [sflag:$0x11] =	stream.strided.gather [hbm4b:s12+s13], $0x2000, s3, s13, $0x38;
	[tilespmem:$0x18000] =	vst v63  }
0x2c: {  	_ =	swait.ge [sflag:s16], $0x2000  }
0x2d: {  	[sflag:s16] =	ssyncset.done $0x0  }
0x2e: {  	s14 =	simm.s32 $0x12000;
	[sflag:s16] =	ssyncadd.s32 $0xFFFFE000  }
0x2f: {  	[tilespmem:s14], [sflag:$0x9] =	stream.indirect.gather [hbm4b:s1+s13], $0x1, s11, s13, $0xb8;
	[tilespmem:$0x18000] =	vst v63  }
0x30: {  	s6 =	simm.s32 $0x10080;
	s9 =	simm.s32 $0x12080  }
0x31: {  	[tilespmem:s9], [sflag:$0x9] =	stream.indirect.gather [hbm4b:s1+s13], $0x1, s6, s13, $0xb8;
	[tilespmem:$0x18000] =	vst v63  }
0x32: {  	s10 =	simm.s32 $0x10100;
	s11 =	simm.s32 $0x12100  }
0x33: {  	[tilespmem:s11], [sflag:$0x9] =	stream.indirect.gather [hbm4b:s1+s13], $0x1, s10, s13, $0xb8;
	[tilespmem:$0x18000] =	vst v63  }
0x34: {  	s12 =	simm.s32 $0x10180;
	s14 =	simm.s32 $0x12180  }
0x35: {  	[tilespmem:s14], [sflag:$0x9] =	stream.indirect.gather [hbm4b:s1+s13], $0x1, s12, s13, $0xb8;
	[tilespmem:$0x18000] =	vst v63  }
0x36: {  	s6 =	simm.s32 $0x10200;
	s9 =	simm.s32 $0x12200  }
0x37: {  	[tilespmem:s9], [sflag:$0x9] =	stream.indirect.gather [hbm4b:s1+s13], $0x1, s6, s13, $0xb8;
	[tilespmem:$0x18000] =	vst v63  }
0x38: {  	s10 =	simm.s32 $0x10280;
	s11 =	simm.s32 $0x12280  }
0x39: {  	[tilespmem:s11], [sflag:$0x9] =	stream.indirect.gather [hbm4b:s1+s13], $0x1, s10, s13, $0xb8;
	[tilespmem:$0x18000] =	vst v63  }
0x3a: {  	s12 =	simm.s32 $0x10300;
	s14 =	simm.s32 $0x12300  }
0x3b: {  	[tilespmem:s14], [sflag:$0x9] =	stream.indirect.gather [hbm4b:s1+s13], $0x1, s12, s13, $0xb8;
	[tilespmem:$0x18000] =	vst v63  }
0x3c: {  	s6 =	simm.s32 $0x10380;
	s9 =	simm.s32 $0x12380  }
0x3d: {  	[tilespmem:s9], [sflag:$0x9] =	stream.indirect.gather [hbm4b:s1+s13], $0x1, s6, s13, $0xb8;
	[tilespmem:$0x18000] =	vst v63  }
0x3e: {  	s10 =	simm.s32 $0x10400;
	s11 =	simm.s32 $0x12400  }
0x3f: {  	[tilespmem:s11], [sflag:$0x9] =	stream.indirect.gather [hbm4b:s1+s13], $0x1, s10, s13, $0xb8;
	[tilespmem:$0x18000] =	vst v63  }
0x40: {  	s12 =	simm.s32 $0x10480;
	s14 =	simm.s32 $0x12480  }
0x41: {  	[tilespmem:s14], [sflag:$0x9] =	stream.indirect.gather [hbm4b:s1+s13], $0x1, s12, s13, $0xb8;
	[tilespmem:$0x18000] =	vst v63  }
0x42: {  	s6 =	simm.s32 $0x10500;
	s9 =	simm.s32 $0x12500  }
0x43: {  	[tilespmem:s9], [sflag:$0x9] =	stream.indirect.gather [hbm4b:s1+s13], $0x1, s6, s13, $0xb8;
	[tilespmem:$0x18000] =	vst v63  }
0x44: {  	s10 =	simm.s32 $0x10580;
	s11 =	simm.s32 $0x12580  }
0x45: {  	[tilespmem:s11], [sflag:$0x9] =	stream.indirect.gather [hbm4b:s1+s13], $0x1, s10, s13, $0xb8;
	[tilespmem:$0x18000] =	vst v63  }
0x46: {  	s12 =	simm.s32 $0x10600;
	s14 =	simm.s32 $0x12600  }
0x47: {  	[tilespmem:s14], [sflag:$0x9] =	stream.indirect.gather [hbm4b:s1+s13], $0x1, s12, s13, $0xb8;
	[tilespmem:$0x18000] =	vst v63  }
0x48: {  	s6 =	simm.s32 $0x10680;
	s9 =	simm.s32 $0x12680  }
0x49: {  	[tilespmem:s9], [sflag:$0x9] =	stream.indirect.gather [hbm4b:s1+s13], $0x1, s6, s13, $0xb8;
	[tilespmem:$0x18000] =	vst v63  }
0x4a: {  	s10 =	simm.s32 $0x10700;
	s11 =	simm.s32 $0x12700  }
0x4b: {  	[tilespmem:s11], [sflag:$0x9] =	stream.indirect.gather [hbm4b:s1+s13], $0x1, s10, s13, $0xb8;
	[tilespmem:$0x18000] =	vst v63  }
0x4c: {  	s12 =	simm.s32 $0x10780;
	s14 =	simm.s32 $0x12780  }
0x4d: {  	[tilespmem:s14], [sflag:$0x9] =	stream.indirect.gather [hbm4b:s1+s13], $0x1, s12, s13, $0xb8;
	[tilespmem:$0x18000] =	vst v63  }
0x4e: {  	s6 =	simm.s32 $0x10800;
	s9 =	simm.s32 $0x12800  }
0x4f: {  	[tilespmem:s9], [sflag:$0xA] =	stream.indirect.gather [hbm4b:s1+s13], $0x1, s6, s13, $0xb8;
	[tilespmem:$0x18000] =	vst v63  }
0x50: {  	s10 =	simm.s32 $0x10880;
	s11 =	simm.s32 $0x12880  }
0x51: {  	[tilespmem:s11], [sflag:$0xA] =	stream.indirect.gather [hbm4b:s1+s13], $0x1, s10, s13, $0xb8;
	[tilespmem:$0x18000] =	vst v63  }
0x52: {  	s12 =	simm.s32 $0x10900;
	s14 =	simm.s32 $0x12900  }
0x53: {  	[tilespmem:s14], [sflag:$0xA] =	stream.indirect.gather [hbm4b:s1+s13], $0x1, s12, s13, $0xb8;
	[tilespmem:$0x18000] =	vst v63  }
0x54: {  	s6 =	simm.s32 $0x10980;
	s9 =	simm.s32 $0x12980  }
0x55: {  	[tilespmem:s9], [sflag:$0xA] =	stream.indirect.gather [hbm4b:s1+s13], $0x1, s6, s13, $0xb8;
	[tilespmem:$0x18000] =	vst v63  }
0x56: {  	s10 =	simm.s32 $0x10A00;
	s11 =	simm.s32 $0x12A00  }
0x57: {  	[tilespmem:s11], [sflag:$0xA] =	stream.indirect.gather [hbm4b:s1+s13], $0x1, s10, s13, $0xb8;
	[tilespmem:$0x18000] =	vst v63  }
0x58: {  	s12 =	simm.s32 $0x10A80;
	s14 =	simm.s32 $0x12A80  }
0x59: {  	[tilespmem:s14], [sflag:$0xA] =	stream.indirect.gather [hbm4b:s1+s13], $0x1, s12, s13, $0xb8;
	[tilespmem:$0x18000] =	vst v63  }
0x5a: {  	s6 =	simm.s32 $0x10B00;
	s9 =	simm.s32 $0x12B00  }
0x5b: {  	[tilespmem:s9], [sflag:$0xA] =	stream.indirect.gather [hbm4b:s1+s13], $0x1, s6, s13, $0xb8;
	[tilespmem:$0x18000] =	vst v63  }
0x5c: {  	s10 =	simm.s32 $0x10B80;
	s11 =	simm.s32 $0x12B80  }
0x5d: {  	[tilespmem:s11], [sflag:$0xA] =	stream.indirect.gather [hbm4b:s1+s13], $0x1, s10, s13, $0xb8;
	[tilespmem:$0x18000] =	vst v63  }
0x5e: {  	s12 =	simm.s32 $0x10C00;
	s14 =	simm.s32 $0x12C00  }
0x5f: {  	[tilespmem:s14], [sflag:$0xA] =	stream.indirect.gather [hbm4b:s1+s13], $0x1, s12, s13, $0xb8;
	[tilespmem:$0x18000] =	vst v63  }
0x60: {  	s6 =	simm.s32 $0x10C80;
	s9 =	simm.s32 $0x12C80  }
0x61: {  	[tilespmem:s9], [sflag:$0xA] =	stream.indirect.gather [hbm4b:s1+s13], $0x1, s6, s13, $0xb8;
	[tilespmem:$0x18000] =	vst v63  }
0x62: {  	s10 =	simm.s32 $0x10D00;
	s11 =	simm.s32 $0x12D00  }
0x63: {  	[tilespmem:s11], [sflag:$0xA] =	stream.indirect.gather [hbm4b:s1+s13], $0x1, s10, s13, $0xb8;
	[tilespmem:$0x18000] =	vst v63  }
0x64: {  	s12 =	simm.s32 $0x10D80;
	s14 =	simm.s32 $0x12D80  }
0x65: {  	[tilespmem:s14], [sflag:$0xA] =	stream.indirect.gather [hbm4b:s1+s13], $0x1, s12, s13, $0xb8;
	[tilespmem:$0x18000] =	vst v63  }
0x66: {  	s6 =	simm.s32 $0x10E00;
	s9 =	simm.s32 $0x12E00  }
0x67: {  	[tilespmem:s9], [sflag:$0xA] =	stream.indirect.gather [hbm4b:s1+s13], $0x1, s6, s13, $0xb8;
	[tilespmem:$0x18000] =	vst v63  }
0x68: {  	s10 =	simm.s32 $0x10E80;
	s11 =	simm.s32 $0x12E80  }
0x69: {  	[tilespmem:s11], [sflag:$0xA] =	stream.indirect.gather [hbm4b:s1+s13], $0x1, s10, s13, $0xb8;
	[tilespmem:$0x18000] =	vst v63  }
0x6a: {  	s12 =	simm.s32 $0x10F00;
	s14 =	simm.s32 $0x12F00  }
0x6b: {  	[tilespmem:s14], [sflag:$0xA] =	stream.indirect.gather [hbm4b:s1+s13], $0x1, s12, s13, $0xb8;
	[tilespmem:$0x18000] =	vst v63  }
0x6c: {  	s6 =	simm.s32 $0x10F80;
	s9 =	simm.s32 $0x12F80  }
0x6d: {  	[tilespmem:s9], [sflag:$0xA] =	stream.indirect.gather [hbm4b:s1+s13], $0x1, s6, s13, $0xb8;
	[tilespmem:$0x18000] =	vst v63  }
0x6e: {  	s10 =	simm.s32 $0x11000;
	s11 =	simm.s32 $0x13000  }
0x6f: {  	[tilespmem:s11], [sflag:$0xB] =	stream.indirect.gather [hbm4b:s1+s13], $0x1, s10, s13, $0xb8;
	[tilespmem:$0x18000] =	vst v63  }
0x70: {  	s12 =	simm.s32 $0x11080;
	s14 =	simm.s32 $0x13080  }
0x71: {  	[tilespmem:s14], [sflag:$0xB] =	stream.indirect.gather [hbm4b:s1+s13], $0x1, s12, s13, $0xb8;
	[tilespmem:$0x18000] =	vst v63  }
0x72: {  	s6 =	simm.s32 $0x11100;
	s9 =	simm.s32 $0x13100  }
0x73: {  	[tilespmem:s9], [sflag:$0xB] =	stream.indirect.gather [hbm4b:s1+s13], $0x1, s6, s13, $0xb8;
	[tilespmem:$0x18000] =	vst v63  }
0x74: {  	s10 =	simm.s32 $0x11180;
	s11 =	simm.s32 $0x13180  }
0x75: {  	[tilespmem:s11], [sflag:$0xB] =	stream.indirect.gather [hbm4b:s1+s13], $0x1, s10, s13, $0xb8;
	[tilespmem:$0x18000] =	vst v63  }
0x76: {  	s12 =	simm.s32 $0x11200;
	s14 =	simm.s32 $0x13200  }
0x77: {  	[tilespmem:s14], [sflag:$0xB] =	stream.indirect.gather [hbm4b:s1+s13], $0x1, s12, s13, $0xb8;
	[tilespmem:$0x18000] =	vst v63  }
0x78: {  	s6 =	simm.s32 $0x11280;
	s9 =	simm.s32 $0x13280  }
0x79: {  	[tilespmem:s9], [sflag:$0xB] =	stream.indirect.gather [hbm4b:s1+s13], $0x1, s6, s13, $0xb8;
	[tilespmem:$0x18000] =	vst v63  }
0x7a: {  	s10 =	simm.s32 $0x11300;
	s11 =	simm.s32 $0x13300  }
0x7b: {  	[tilespmem:s11], [sflag:$0xB] =	stream.indirect.gather [hbm4b:s1+s13], $0x1, s10, s13, $0xb8;
	[tilespmem:$0x18000] =	vst v63  }
0x7c: {  	s12 =	simm.s32 $0x11380;
	s14 =	simm.s32 $0x13380  }
0x7d: {  	[tilespmem:s14], [sflag:$0xB] =	stream.indirect.gather [hbm4b:s1+s13], $0x1, s12, s13, $0xb8;
	[tilespmem:$0x18000] =	vst v63  }
0x7e: {  	s6 =	simm.s32 $0x11400;
	s9 =	simm.s32 $0x13400  }
0x7f: {  	[tilespmem:s9], [sflag:$0xB] =	stream.indirect.gather [hbm4b:s1+s13], $0x1, s6, s13, $0xb8;
	[tilespmem:$0x18000] =	vst v63  }
0x80: {  	s10 =	simm.s32 $0x11480;
	s11 =	simm.s32 $0x13480  }
0x81: {  	[tilespmem:s11], [sflag:$0xB] =	stream.indirect.gather [hbm4b:s1+s13], $0x1, s10, s13, $0xb8;
	[tilespmem:$0x18000] =	vst v63  }
0x82: {  	s12 =	simm.s32 $0x11500;
	s14 =	simm.s32 $0x13500  }
0x83: {  	[tilespmem:s14], [sflag:$0xB] =	stream.indirect.gather [hbm4b:s1+s13], $0x1, s12, s13, $0xb8;
	[tilespmem:$0x18000] =	vst v63  }
0x84: {  	s6 =	simm.s32 $0x11580;
	s9 =	simm.s32 $0x13580  }
0x85: {  	[tilespmem:s9], [sflag:$0xB] =	stream.indirect.gather [hbm4b:s1+s13], $0x1, s6, s13, $0xb8;
	[tilespmem:$0x18000] =	vst v63  }
0x86: {  	s10 =	simm.s32 $0x11600;
	s11 =	simm.s32 $0x13600  }
0x87: {  	[tilespmem:s11], [sflag:$0xB] =	stream.indirect.gather [hbm4b:s1+s13], $0x1, s10, s13, $0xb8;
	[tilespmem:$0x18000] =	vst v63  }
0x88: {  	s12 =	simm.s32 $0x11680;
	s14 =	simm.s32 $0x13680  }
0x89: {  	[tilespmem:s14], [sflag:$0xB] =	stream.indirect.gather [hbm4b:s1+s13], $0x1, s12, s13, $0xb8;
	[tilespmem:$0x18000] =	vst v63  }
0x8a: {  	s6 =	simm.s32 $0x11700;
	s9 =	simm.s32 $0x13700  }
0x8b: {  	[tilespmem:s9], [sflag:$0xB] =	stream.indirect.gather [hbm4b:s1+s13], $0x1, s6, s13, $0xb8;
	[tilespmem:$0x18000] =	vst v63  }
0x8c: {  	s10 =	simm.s32 $0x11780;
	s11 =	simm.s32 $0x13780  }
0x8d: {  	[tilespmem:s11], [sflag:$0xB] =	stream.indirect.gather [hbm4b:s1+s13], $0x1, s10, s13, $0xb8;
	[tilespmem:$0x18000] =	vst v63  }
0x8e: {  	s12 =	simm.s32 $0x11800;
	s14 =	simm.s32 $0x13800  }
0x8f: {  	[tilespmem:s14], [sflag:$0xC] =	stream.indirect.gather [hbm4b:s1+s13], $0x1, s12, s13, $0xb8;
	[tilespmem:$0x18000] =	vst v63  }
0x90: {  	s6 =	simm.s32 $0x11880;
	s9 =	simm.s32 $0x13880  }
0x91: {  	[tilespmem:s9], [sflag:$0xC] =	stream.indirect.gather [hbm4b:s1+s13], $0x1, s6, s13, $0xb8;
	[tilespmem:$0x18000] =	vst v63  }
0x92: {  	s10 =	simm.s32 $0x11900;
	s11 =	simm.s32 $0x13900  }
0x93: {  	[tilespmem:s11], [sflag:$0xC] =	stream.indirect.gather [hbm4b:s1+s13], $0x1, s10, s13, $0xb8;
	[tilespmem:$0x18000] =	vst v63  }
0x94: {  	s12 =	simm.s32 $0x11980;
	s14 =	simm.s32 $0x13980  }
0x95: {  	[tilespmem:s14], [sflag:$0xC] =	stream.indirect.gather [hbm4b:s1+s13], $0x1, s12, s13, $0xb8;
	[tilespmem:$0x18000] =	vst v63  }
0x96: {  	s6 =	simm.s32 $0x11A00;
	s9 =	simm.s32 $0x13A00  }
0x97: {  	[tilespmem:s9], [sflag:$0xC] =	stream.indirect.gather [hbm4b:s1+s13], $0x1, s6, s13, $0xb8;
	[tilespmem:$0x18000] =	vst v63  }
0x98: {  	s10 =	simm.s32 $0x11A80;
	s11 =	simm.s32 $0x13A80  }
0x99: {  	[tilespmem:s11], [sflag:$0xC] =	stream.indirect.gather [hbm4b:s1+s13], $0x1, s10, s13, $0xb8;
	[tilespmem:$0x18000] =	vst v63  }
0x9a: {  	s12 =	simm.s32 $0x11B00;
	s14 =	simm.s32 $0x13B00  }
0x9b: {  	[tilespmem:s14], [sflag:$0xC] =	stream.indirect.gather [hbm4b:s1+s13], $0x1, s12, s13, $0xb8;
	[tilespmem:$0x18000] =	vst v63  }
0x9c: {  	s6 =	simm.s32 $0x11B80;
	s9 =	simm.s32 $0x13B80  }
0x9d: {  	[tilespmem:s9], [sflag:$0xC] =	stream.indirect.gather [hbm4b:s1+s13], $0x1, s6, s13, $0xb8;
	[tilespmem:$0x18000] =	vst v63  }
0x9e: {  	s10 =	simm.s32 $0x11C00;
	s11 =	simm.s32 $0x13C00  }
0x9f: {  	[tilespmem:s11], [sflag:$0xC] =	stream.indirect.gather [hbm4b:s1+s13], $0x1, s10, s13, $0xb8;
	[tilespmem:$0x18000] =	vst v63  }
0xa0: {  	s12 =	simm.s32 $0x11C80;
	s14 =	simm.s32 $0x13C80  }
0xa1: {  	[tilespmem:s14], [sflag:$0xC] =	stream.indirect.gather [hbm4b:s1+s13], $0x1, s12, s13, $0xb8;
	[tilespmem:$0x18000] =	vst v63  }
0xa2: {  	s6 =	simm.s32 $0x11D00;
	s9 =	simm.s32 $0x13D00  }
0xa3: {  	[tilespmem:s9], [sflag:$0xC] =	stream.indirect.gather [hbm4b:s1+s13], $0x1, s6, s13, $0xb8;
	[tilespmem:$0x18000] =	vst v63  }
0xa4: {  	s10 =	simm.s32 $0x11D80;
	s11 =	simm.s32 $0x13D80  }
0xa5: {  	[tilespmem:s11], [sflag:$0xC] =	stream.indirect.gather [hbm4b:s1+s13], $0x1, s10, s13, $0xb8;
	[tilespmem:$0x18000] =	vst v63  }
0xa6: {  	s12 =	simm.s32 $0x11E00;
	s14 =	simm.s32 $0x13E00  }
0xa7: {  	[tilespmem:s14], [sflag:$0xC] =	stream.indirect.gather [hbm4b:s1+s13], $0x1, s12, s13, $0xb8;
	[tilespmem:$0x18000] =	vst v63  }
0xa8: {  	s6 =	simm.s32 $0x11E80;
	s9 =	simm.s32 $0x13E80  }
0xa9: {  	[tilespmem:s9], [sflag:$0xC] =	stream.indirect.gather [hbm4b:s1+s13], $0x1, s6, s13, $0xb8;
	[tilespmem:$0x18000] =	vst v63  }
0xaa: {  	s10 =	simm.s32 $0x11F00;
	s11 =	simm.s32 $0x13F00  }
0xab: {  	[tilespmem:s11], [sflag:$0xC] =	stream.indirect.gather [hbm4b:s1+s13], $0x1, s10, s13, $0xb8;
	[tilespmem:$0x18000] =	vst v63  }
0xac: {  	s12 =	simm.s32 $0x11F80;
	s14 =	simm.s32 $0x13F80  }
0xad: {  	[tilespmem:s14], [sflag:$0xC] =	stream.indirect.gather [hbm4b:s1+s13], $0x1, s12, s13, $0xb8;
	[tilespmem:$0x18000] =	vst v63  }
0xae: {  	s9 =	simm.s32 $0x16000  }
0xaf: {  	[tilespmem:s9], [sflag:$0xD] =	stream.indirect.gather [hbm4b:s1+s13], $0x1, s7, s13, $0xb8;
	[tilespmem:$0x18000] =	vst v63  }
0xb0: {  	s10 =	simm.s32 $0x14080;
	s11 =	simm.s32 $0x16080  }
0xb1: {  	[tilespmem:s11], [sflag:$0xD] =	stream.indirect.gather [hbm4b:s1+s13], $0x1, s10, s13, $0xb8;
	[tilespmem:$0x18000] =	vst v63  }
0xb2: {  	s12 =	simm.s32 $0x14100;
	s14 =	simm.s32 $0x16100  }
0xb3: {  	[tilespmem:s14], [sflag:$0xD] =	stream.indirect.gather [hbm4b:s1+s13], $0x1, s12, s13, $0xb8;
	[tilespmem:$0x18000] =	vst v63  }
0xb4: {  	s7 =	simm.s32 $0x14180;
	s9 =	simm.s32 $0x16180  }
0xb5: {  	[tilespmem:s9], [sflag:$0xD] =	stream.indirect.gather [hbm4b:s1+s13], $0x1, s7, s13, $0xb8;
	[tilespmem:$0x18000] =	vst v63  }
0xb6: {  	s10 =	simm.s32 $0x14200;
	s11 =	simm.s32 $0x16200  }
0xb7: {  	[tilespmem:s11], [sflag:$0xD] =	stream.indirect.gather [hbm4b:s1+s13], $0x1, s10, s13, $0xb8;
	[tilespmem:$0x18000] =	vst v63  }
0xb8: {  	s12 =	simm.s32 $0x14280;
	s14 =	simm.s32 $0x16280  }
0xb9: {  	[tilespmem:s14], [sflag:$0xD] =	stream.indirect.gather [hbm4b:s1+s13], $0x1, s12, s13, $0xb8;
	[tilespmem:$0x18000] =	vst v63  }
0xba: {  	s7 =	simm.s32 $0x14300;
	s9 =	simm.s32 $0x16300  }
0xbb: {  	[tilespmem:s9], [sflag:$0xD] =	stream.indirect.gather [hbm4b:s1+s13], $0x1, s7, s13, $0xb8;
	[tilespmem:$0x18000] =	vst v63  }
0xbc: {  	s10 =	simm.s32 $0x14380;
	s11 =	simm.s32 $0x16380  }
0xbd: {  	[tilespmem:s11], [sflag:$0xD] =	stream.indirect.gather [hbm4b:s1+s13], $0x1, s10, s13, $0xb8;
	[tilespmem:$0x18000] =	vst v63  }
0xbe: {  	s12 =	simm.s32 $0x14400;
	s14 =	simm.s32 $0x16400  }
0xbf: {  	[tilespmem:s14], [sflag:$0xD] =	stream.indirect.gather [hbm4b:s1+s13], $0x1, s12, s13, $0xb8;
	[tilespmem:$0x18000] =	vst v63  }
0xc0: {  	s7 =	simm.s32 $0x14480;
	s9 =	simm.s32 $0x16480  }
0xc1: {  	[tilespmem:s9], [sflag:$0xD] =	stream.indirect.gather [hbm4b:s1+s13], $0x1, s7, s13, $0xb8;
	[tilespmem:$0x18000] =	vst v63  }
0xc2: {  	s10 =	simm.s32 $0x14500;
	s11 =	simm.s32 $0x16500  }
0xc3: {  	[tilespmem:s11], [sflag:$0xD] =	stream.indirect.gather [hbm4b:s1+s13], $0x1, s10, s13, $0xb8;
	[tilespmem:$0x18000] =	vst v63  }
0xc4: {  	s12 =	simm.s32 $0x14580;
	s14 =	simm.s32 $0x16580  }
0xc5: {  	[tilespmem:s14], [sflag:$0xD] =	stream.indirect.gather [hbm4b:s1+s13], $0x1, s12, s13, $0xb8;
	[tilespmem:$0x18000] =	vst v63  }
0xc6: {  	s7 =	simm.s32 $0x14600;
	s9 =	simm.s32 $0x16600  }
0xc7: {  	[tilespmem:s9], [sflag:$0xD] =	stream.indirect.gather [hbm4b:s1+s13], $0x1, s7, s13, $0xb8;
	[tilespmem:$0x18000] =	vst v63  }
0xc8: {  	s10 =	simm.s32 $0x14680;
	s11 =	simm.s32 $0x16680  }
0xc9: {  	[tilespmem:s11], [sflag:$0xD] =	stream.indirect.gather [hbm4b:s1+s13], $0x1, s10, s13, $0xb8;
	[tilespmem:$0x18000] =	vst v63  }
0xca: {  	s12 =	simm.s32 $0x14700;
	s14 =	simm.s32 $0x16700  }
0xcb: {  	[tilespmem:s14], [sflag:$0xD] =	stream.indirect.gather [hbm4b:s1+s13], $0x1, s12, s13, $0xb8;
	[tilespmem:$0x18000] =	vst v63  }
0xcc: {  	s7 =	simm.s32 $0x14780;
	s9 =	simm.s32 $0x16780  }
0xcd: {  	[tilespmem:s9], [sflag:$0xD] =	stream.indirect.gather [hbm4b:s1+s13], $0x1, s7, s13, $0xb8;
	[tilespmem:$0x18000] =	vst v63  }
0xce: {  	s10 =	simm.s32 $0x14800;
	s11 =	simm.s32 $0x16800  }
0xcf: {  	[tilespmem:s11], [sflag:$0xE] =	stream.indirect.gather [hbm4b:s1+s13], $0x1, s10, s13, $0xb8;
	[tilespmem:$0x18000] =	vst v63  }
0xd0: {  	s12 =	simm.s32 $0x14880;
	s14 =	simm.s32 $0x16880  }
0xd1: {  	[tilespmem:s14], [sflag:$0xE] =	stream.indirect.gather [hbm4b:s1+s13], $0x1, s12, s13, $0xb8;
	[tilespmem:$0x18000] =	vst v63  }
0xd2: {  	s7 =	simm.s32 $0x14900;
	s9 =	simm.s32 $0x16900  }
0xd3: {  	[tilespmem:s9], [sflag:$0xE] =	stream.indirect.gather [hbm4b:s1+s13], $0x1, s7, s13, $0xb8;
	[tilespmem:$0x18000] =	vst v63  }
0xd4: {  	s10 =	simm.s32 $0x14980;
	s11 =	simm.s32 $0x16980  }
0xd5: {  	[tilespmem:s11], [sflag:$0xE] =	stream.indirect.gather [hbm4b:s1+s13], $0x1, s10, s13, $0xb8;
	[tilespmem:$0x18000] =	vst v63  }
0xd6: {  	s12 =	simm.s32 $0x14A00;
	s14 =	simm.s32 $0x16A00  }
0xd7: {  	[tilespmem:s14], [sflag:$0xE] =	stream.indirect.gather [hbm4b:s1+s13], $0x1, s12, s13, $0xb8;
	[tilespmem:$0x18000] =	vst v63  }
0xd8: {  	s7 =	simm.s32 $0x14A80;
	s9 =	simm.s32 $0x16A80  }
0xd9: {  	[tilespmem:s9], [sflag:$0xE] =	stream.indirect.gather [hbm4b:s1+s13], $0x1, s7, s13, $0xb8;
	[tilespmem:$0x18000] =	vst v63  }
0xda: {  	s10 =	simm.s32 $0x14B00;
	s11 =	simm.s32 $0x16B00  }
0xdb: {  	[tilespmem:s11], [sflag:$0xE] =	stream.indirect.gather [hbm4b:s1+s13], $0x1, s10, s13, $0xb8;
	[tilespmem:$0x18000] =	vst v63  }
0xdc: {  	s12 =	simm.s32 $0x14B80;
	s14 =	simm.s32 $0x16B80  }
0xdd: {  	[tilespmem:s14], [sflag:$0xE] =	stream.indirect.gather [hbm4b:s1+s13], $0x1, s12, s13, $0xb8;
	[tilespmem:$0x18000] =	vst v63  }
0xde: {  	s7 =	simm.s32 $0x14C00;
	s9 =	simm.s32 $0x16C00  }
0xdf: {  	[tilespmem:s9], [sflag:$0xE] =	stream.indirect.gather [hbm4b:s1+s13], $0x1, s7, s13, $0xb8;
	[tilespmem:$0x18000] =	vst v63  }
0xe0: {  	s10 =	simm.s32 $0x14C80;
	s11 =	simm.s32 $0x16C80  }
0xe1: {  	[tilespmem:s11], [sflag:$0xE] =	stream.indirect.gather [hbm4b:s1+s13], $0x1, s10, s13, $0xb8;
	[tilespmem:$0x18000] =	vst v63  }
0xe2: {  	s12 =	simm.s32 $0x14D00;
	s14 =	simm.s32 $0x16D00  }
0xe3: {  	[tilespmem:s14], [sflag:$0xE] =	stream.indirect.gather [hbm4b:s1+s13], $0x1, s12, s13, $0xb8;
	[tilespmem:$0x18000] =	vst v63  }
0xe4: {  	s7 =	simm.s32 $0x14D80;
	s9 =	simm.s32 $0x16D80  }
0xe5: {  	[tilespmem:s9], [sflag:$0xE] =	stream.indirect.gather [hbm4b:s1+s13], $0x1, s7, s13, $0xb8;
	[tilespmem:$0x18000] =	vst v63  }
0xe6: {  	s10 =	simm.s32 $0x14E00;
	s11 =	simm.s32 $0x16E00  }
0xe7: {  	[tilespmem:s11], [sflag:$0xE] =	stream.indirect.gather [hbm4b:s1+s13], $0x1, s10, s13, $0xb8;
	[tilespmem:$0x18000] =	vst v63  }
0xe8: {  	s12 =	simm.s32 $0x14E80;
	s14 =	simm.s32 $0x16E80  }
0xe9: {  	[tilespmem:s14], [sflag:$0xE] =	stream.indirect.gather [hbm4b:s1+s13], $0x1, s12, s13, $0xb8;
	[tilespmem:$0x18000] =	vst v63  }
0xea: {  	s7 =	simm.s32 $0x14F00;
	s9 =	simm.s32 $0x16F00  }
0xeb: {  	[tilespmem:s9], [sflag:$0xE] =	stream.indirect.gather [hbm4b:s1+s13], $0x1, s7, s13, $0xb8;
	[tilespmem:$0x18000] =	vst v63  }
0xec: {  	s10 =	simm.s32 $0x14F80;
	s11 =	simm.s32 $0x16F80  }
0xed: {  	[tilespmem:s11], [sflag:$0xE] =	stream.indirect.gather [hbm4b:s1+s13], $0x1, s10, s13, $0xb8;
	[tilespmem:$0x18000] =	vst v63  }
0xee: {  	s12 =	simm.s32 $0x15000;
	s14 =	simm.s32 $0x17000  }
0xef: {  	[tilespmem:s14], [sflag:$0xF] =	stream.indirect.gather [hbm4b:s1+s13], $0x1, s12, s13, $0xb8;
	[tilespmem:$0x18000] =	vst v63  }
0xf0: {  	s7 =	simm.s32 $0x15080;
	s9 =	simm.s32 $0x17080  }
0xf1: {  	[tilespmem:s9], [sflag:$0xF] =	stream.indirect.gather [hbm4b:s1+s13], $0x1, s7, s13, $0xb8;
	[tilespmem:$0x18000] =	vst v63  }
0xf2: {  	s10 =	simm.s32 $0x15100;
	s11 =	simm.s32 $0x17100  }
0xf3: {  	[tilespmem:s11], [sflag:$0xF] =	stream.indirect.gather [hbm4b:s1+s13], $0x1, s10, s13, $0xb8;
	[tilespmem:$0x18000] =	vst v63  }
0xf4: {  	s12 =	simm.s32 $0x15180;
	s14 =	simm.s32 $0x17180  }
0xf5: {  	[tilespmem:s14], [sflag:$0xF] =	stream.indirect.gather [hbm4b:s1+s13], $0x1, s12, s13, $0xb8;
	[tilespmem:$0x18000] =	vst v63  }
0xf6: {  	s7 =	simm.s32 $0x15200;
	s9 =	simm.s32 $0x17200  }
0xf7: {  	[tilespmem:s9], [sflag:$0xF] =	stream.indirect.gather [hbm4b:s1+s13], $0x1, s7, s13, $0xb8;
	[tilespmem:$0x18000] =	vst v63  }
0xf8: {  	s10 =	simm.s32 $0x15280;
	s11 =	simm.s32 $0x17280  }
0xf9: {  	[tilespmem:s11], [sflag:$0xF] =	stream.indirect.gather [hbm4b:s1+s13], $0x1, s10, s13, $0xb8;
	[tilespmem:$0x18000] =	vst v63  }
0xfa: {  	s12 =	simm.s32 $0x15300;
	s14 =	simm.s32 $0x17300  }
0xfb: {  	[tilespmem:s14], [sflag:$0xF] =	stream.indirect.gather [hbm4b:s1+s13], $0x1, s12, s13, $0xb8;
	[tilespmem:$0x18000] =	vst v63  }
0xfc: {  	s7 =	simm.s32 $0x15380;
	s9 =	simm.s32 $0x17380  }
0xfd: {  	[tilespmem:s9], [sflag:$0xF] =	stream.indirect.gather [hbm4b:s1+s13], $0x1, s7, s13, $0xb8;
	[tilespmem:$0x18000] =	vst v63  }
0xfe: {  	s10 =	simm.s32 $0x15400;
	s11 =	simm.s32 $0x17400  }
0xff: {  	[tilespmem:s11], [sflag:$0xF] =	stream.indirect.gather [hbm4b:s1+s13], $0x1, s10, s13, $0xb8;
	[tilespmem:$0x18000] =	vst v63  }
0x100: {  	s12 =	simm.s32 $0x15480;
	s14 =	simm.s32 $0x17480  }
0x101: {  	[tilespmem:s14], [sflag:$0xF] =	stream.indirect.gather [hbm4b:s1+s13], $0x1, s12, s13, $0xb8;
	[tilespmem:$0x18000] =	vst v63  }
0x102: {  	s7 =	simm.s32 $0x15500;
	s9 =	simm.s32 $0x17500  }
0x103: {  	[tilespmem:s9], [sflag:$0xF] =	stream.indirect.gather [hbm4b:s1+s13], $0x1, s7, s13, $0xb8;
	[tilespmem:$0x18000] =	vst v63  }
0x104: {  	s10 =	simm.s32 $0x15580;
	s11 =	simm.s32 $0x17580  }
0x105: {  	[tilespmem:s11], [sflag:$0xF] =	stream.indirect.gather [hbm4b:s1+s13], $0x1, s10, s13, $0xb8;
	[tilespmem:$0x18000] =	vst v63  }
0x106: {  	s12 =	simm.s32 $0x15600;
	s14 =	simm.s32 $0x17600  }
0x107: {  	[tilespmem:s14], [sflag:$0xF] =	stream.indirect.gather [hbm4b:s1+s13], $0x1, s12, s13, $0xb8;
	[tilespmem:$0x18000] =	vst v63  }
0x108: {  	s7 =	simm.s32 $0x15680;
	s9 =	simm.s32 $0x17680  }
0x109: {  	[tilespmem:s9], [sflag:$0xF] =	stream.indirect.gather [hbm4b:s1+s13], $0x1, s7, s13, $0xb8;
	[tilespmem:$0x18000] =	vst v63  }
0x10a: {  	s10 =	simm.s32 $0x15700;
	s11 =	simm.s32 $0x17700  }
0x10b: {  	[tilespmem:s11], [sflag:$0xF] =	stream.indirect.gather [hbm4b:s1+s13], $0x1, s10, s13, $0xb8;
	[tilespmem:$0x18000] =	vst v63  }
0x10c: {  	s12 =	simm.s32 $0x15780;
	s14 =	simm.s32 $0x17780  }
0x10d: {  	[tilespmem:s14], [sflag:$0xF] =	stream.indirect.gather [hbm4b:s1+s13], $0x1, s12, s13, $0xb8;
	[tilespmem:$0x18000] =	vst v63  }
0x10e: {  	s7 =	simm.s32 $0x15800;
	s9 =	simm.s32 $0x17800  }
0x10f: {  	[tilespmem:s9], [sflag:$0x10] =	stream.indirect.gather [hbm4b:s1+s13], $0x1, s7, s13, $0xb8;
	[tilespmem:$0x18000] =	vst v63  }
0x110: {  	s10 =	simm.s32 $0x15880;
	s11 =	simm.s32 $0x17880  }
0x111: {  	[tilespmem:s11], [sflag:$0x10] =	stream.indirect.gather [hbm4b:s1+s13], $0x1, s10, s13, $0xb8;
	[tilespmem:$0x18000] =	vst v63  }
0x112: {  	s12 =	simm.s32 $0x15900;
	s14 =	simm.s32 $0x17900  }
0x113: {  	[tilespmem:s14], [sflag:$0x10] =	stream.indirect.gather [hbm4b:s1+s13], $0x1, s12, s13, $0xb8;
	[tilespmem:$0x18000] =	vst v63  }
0x114: {  	s7 =	simm.s32 $0x15980;
	s9 =	simm.s32 $0x17980  }
0x115: {  	[tilespmem:s9], [sflag:$0x10] =	stream.indirect.gather [hbm4b:s1+s13], $0x1, s7, s13, $0xb8;
	[tilespmem:$0x18000] =	vst v63  }
0x116: {  	s10 =	simm.s32 $0x15A00;
	s11 =	simm.s32 $0x17A00  }
0x117: {  	[tilespmem:s11], [sflag:$0x10] =	stream.indirect.gather [hbm4b:s1+s13], $0x1, s10, s13, $0xb8;
	[tilespmem:$0x18000] =	vst v63  }
0x118: {  	s12 =	simm.s32 $0x15A80;
	s14 =	simm.s32 $0x17A80  }
0x119: {  	[tilespmem:s14], [sflag:$0x10] =	stream.indirect.gather [hbm4b:s1+s13], $0x1, s12, s13, $0xb8;
	[tilespmem:$0x18000] =	vst v63  }
0x11a: {  	s7 =	simm.s32 $0x15B00;
	s9 =	simm.s32 $0x17B00  }
0x11b: {  	[tilespmem:s9], [sflag:$0x10] =	stream.indirect.gather [hbm4b:s1+s13], $0x1, s7, s13, $0xb8;
	[tilespmem:$0x18000] =	vst v63  }
0x11c: {  	s10 =	simm.s32 $0x15B80;
	s11 =	simm.s32 $0x17B80  }
0x11d: {  	[tilespmem:s11], [sflag:$0x10] =	stream.indirect.gather [hbm4b:s1+s13], $0x1, s10, s13, $0xb8;
	[tilespmem:$0x18000] =	vst v63  }
0x11e: {  	s12 =	simm.s32 $0x15C00;
	s14 =	simm.s32 $0x17C00  }
0x11f: {  	[tilespmem:s14], [sflag:$0x10] =	stream.indirect.gather [hbm4b:s1+s13], $0x1, s12, s13, $0xb8;
	[tilespmem:$0x18000] =	vst v63  }
0x120: {  	s7 =	simm.s32 $0x17C80;
	s9 =	simm.s32 $0x15C80  }
0x121: {  	[tilespmem:s7], [sflag:$0x10] =	stream.indirect.gather [hbm4b:s1+s13], $0x1, s9, s13, $0xb8;
	[tilespmem:$0x18000] =	vst v63  }
0x122: {  	s10 =	simm.s32 $0x17D00;
	s11 =	simm.s32 $0x15D00  }
0x123: {  	[tilespmem:s10], [sflag:$0x10] =	stream.indirect.gather [hbm4b:s1+s13], $0x1, s11, s13, $0xb8;
	[tilespmem:$0x18000] =	vst v63  }
0x124: {  	s12 =	simm.s32 $0x17D80;
	s14 =	simm.s32 $0x15D80  }
0x125: {  	[tilespmem:s12], [sflag:$0x10] =	stream.indirect.gather [hbm4b:s1+s13], $0x1, s14, s13, $0xb8;
	[tilespmem:$0x18000] =	vst v63  }
0x126: {  	s7 =	simm.s32 $0x17E00;
	s9 =	simm.s32 $0x15E00  }
0x127: {  	[tilespmem:s7], [sflag:$0x10] =	stream.indirect.gather [hbm4b:s1+s13], $0x1, s9, s13, $0xb8;
	[tilespmem:$0x18000] =	vst v63  }
0x128: {  	s10 =	simm.s32 $0x17E80;
	s11 =	simm.s32 $0x15E80  }
0x129: {  	[tilespmem:s10], [sflag:$0x10] =	stream.indirect.gather [hbm4b:s1+s13], $0x1, s11, s13, $0xb8;
	[tilespmem:$0x18000] =	vst v63  }
0x12a: {  	s12 =	simm.s32 $0x17F00;
	s14 =	simm.s32 $0x15F00  }
0x12b: {  	[tilespmem:s12], [sflag:$0x10] =	stream.indirect.gather [hbm4b:s1+s13], $0x1, s14, s13, $0xb8;
	[tilespmem:$0x18000] =	vst v63  }
0x12c: {  	s6 =	simm.s32 $0x17F80;
	s7 =	simm.s32 $0x15F80  }
0x12d: {  	[tilespmem:s6], [sflag:$0x10] =	stream.indirect.gather [hbm4b:s1+s13], $0x1, s7, s13, $0xb8;
	[tilespmem:$0x18000] =	vst v63  }
0x12e: {  	s9 =	rddreg [dreg:$0x6]  }
0x12f: {  	[tilespmem:s8], [sflag:$0x11] =	stream.strided.gather [hbm4b:s9+s13], $0x2000, s3, s13, $0x38;
	[tilespmem:$0x18000] =	vst v63  }
0x130: {  	_ =	swait.ge [sflag:s16], $0x2000  }
0x131: {  	[sflag:s16] =	ssyncset.done $0x0  }
0x132: {  	s9 =	simm.s32 $0x8000;
	s10 =	rddreg [dreg:$0x7];
	[sflag:s16] =	ssyncadd.s32 $0xFFFFE000  }
0x133: {  	[tilespmem:s9], [sflag:$0x11] =	stream.strided.gather [hbm4b:s10+s13], $0x2000, s3, s13, $0x38;
	[tilespmem:$0x18000] =	vst v63  }
0x134: {  	_ =	swait.ge [sflag:s16], $0x2000  }
0x135: {  	[sflag:s16] =	ssyncset.done $0x0  }
0x136: {  	s7 =	simm.s32 $0x4000;
	[sflag:s16] =	ssyncadd.s32 $0xFFFFE000  }
0x137: {  	[tilespmem:s7], [sflag:$0x1] =	stream.indirect.gather [hbm4b:s1+s13], $0x1, s8, s13, $0xb8;
	[tilespmem:$0x18000] =	vst v63  }
0x138: {  	s11 =	simm.s32 $0x4080  }
0x139: {  	[tilespmem:s11], [sflag:$0x1] =	stream.indirect.gather [hbm4b:s1+s13], $0x1, s13, s13, $0xb8;
	[tilespmem:$0x18000] =	vst v63  }
0x13a: {  	s12 =	simm.s32 $0x4100;
	s14 =	simm.s32 $0x100  }
0x13b: {  	[tilespmem:s12], [sflag:$0x1] =	stream.indirect.gather [hbm4b:s1+s13], $0x1, s14, s13, $0xb8;
	[tilespmem:$0x18000] =	vst v63  }
0x13c: {  	s10 =	simm.s32 $0x4180;
	s11 =	simm.s32 $0x180  }
0x13d: {  	[tilespmem:s10], [sflag:$0x1] =	stream.indirect.gather [hbm4b:s1+s13], $0x1, s11, s13, $0xb8;
	[tilespmem:$0x18000] =	vst v63  }
0x13e: {  	s12 =	simm.s32 $0x4200;
	s14 =	simm.s32 $0x200  }
0x13f: {  	[tilespmem:s12], [sflag:$0x1] =	stream.indirect.gather [hbm4b:s1+s13], $0x1, s14, s13, $0xb8;
	[tilespmem:$0x18000] =	vst v63  }
0x140: {  	s10 =	simm.s32 $0x4280;
	s11 =	simm.s32 $0x280  }
0x141: {  	[tilespmem:s10], [sflag:$0x1] =	stream.indirect.gather [hbm4b:s1+s13], $0x1, s11, s13, $0xb8;
	[tilespmem:$0x18000] =	vst v63  }
0x142: {  	s12 =	simm.s32 $0x4300;
	s14 =	simm.s32 $0x300  }
0x143: {  	[tilespmem:s12], [sflag:$0x1] =	stream.indirect.gather [hbm4b:s1+s13], $0x1, s14, s13, $0xb8;
	[tilespmem:$0x18000] =	vst v63  }
0x144: {  	s6 =	simm.s32 $0x4380;
	s10 =	simm.s32 $0x380  }
0x145: {  	[tilespmem:s6], [sflag:$0x1] =	stream.indirect.gather [hbm4b:s1+s13], $0x1, s10, s13, $0xb8;
	[tilespmem:$0x18000] =	vst v63  }
0x146: {  	s11 =	simm.s32 $0x4400  }
0x147: {  	[tilespmem:s11], [sflag:$0x1] =	stream.indirect.gather [hbm4b:s1+s13], $0x1, s3, s13, $0xb8;
	[tilespmem:$0x18000] =	vst v63  }
0x148: {  	s12 =	simm.s32 $0x480;
	s14 =	simm.s32 $0x4480  }
0x149: {  	[tilespmem:s14], [sflag:$0x1] =	stream.indirect.gather [hbm4b:s1+s13], $0x1, s12, s13, $0xb8;
	[tilespmem:$0x18000] =	vst v63  }
0x14a: {  	s6 =	simm.s32 $0x4500;
	s3 =	simm.s32 $0x500  }
0x14b: {  	[tilespmem:s6], [sflag:$0x1] =	stream.indirect.gather [hbm4b:s1+s13], $0x1, s3, s13, $0xb8;
	[tilespmem:$0x18000] =	vst v63  }
0x14c: {  	s10 =	simm.s32 $0x580;
	s11 =	simm.s32 $0x4580  }
0x14d: {  	[tilespmem:s11], [sflag:$0x1] =	stream.indirect.gather [hbm4b:s1+s13], $0x1, s10, s13, $0xb8;
	[tilespmem:$0x18000] =	vst v63  }
0x14e: {  	s12 =	simm.s32 $0x600;
	s14 =	simm.s32 $0x4600  }
0x14f: {  	[tilespmem:s14], [sflag:$0x1] =	stream.indirect.gather [hbm4b:s1+s13], $0x1, s12, s13, $0xb8;
	[tilespmem:$0x18000] =	vst v63  }
0x150: {  	s3 =	simm.s32 $0x680;
	s6 =	simm.s32 $0x4680  }
0x151: {  	[tilespmem:s6], [sflag:$0x1] =	stream.indirect.gather [hbm4b:s1+s13], $0x1, s3, s13, $0xb8;
	[tilespmem:$0x18000] =	vst v63  }
0x152: {  	s10 =	simm.s32 $0x700;
	s11 =	simm.s32 $0x4700  }
0x153: {  	[tilespmem:s11], [sflag:$0x1] =	stream.indirect.gather [hbm4b:s1+s13], $0x1, s10, s13, $0xb8;
	[tilespmem:$0x18000] =	vst v63  }
0x154: {  	s12 =	simm.s32 $0x780;
	s14 =	simm.s32 $0x4780  }
0x155: {  	[tilespmem:s14], [sflag:$0x1] =	stream.indirect.gather [hbm4b:s1+s13], $0x1, s12, s13, $0xb8;
	[tilespmem:$0x18000] =	vst v63  }
0x156: {  	s3 =	simm.s32 $0x800;
	s6 =	simm.s32 $0x4800  }
0x157: {  	[tilespmem:s6], [sflag:$0x2] =	stream.indirect.gather [hbm4b:s1+s13], $0x1, s3, s13, $0xb8;
	[tilespmem:$0x18000] =	vst v63  }
0x158: {  	s10 =	simm.s32 $0x880;
	s11 =	simm.s32 $0x4880  }
0x159: {  	[tilespmem:s11], [sflag:$0x2] =	stream.indirect.gather [hbm4b:s1+s13], $0x1, s10, s13, $0xb8;
	[tilespmem:$0x18000] =	vst v63  }
0x15a: {  	s12 =	simm.s32 $0x900;
	s14 =	simm.s32 $0x4900  }
0x15b: {  	[tilespmem:s14], [sflag:$0x2] =	stream.indirect.gather [hbm4b:s1+s13], $0x1, s12, s13, $0xb8;
	[tilespmem:$0x18000] =	vst v63  }
0x15c: {  	s3 =	simm.s32 $0x980;
	s6 =	simm.s32 $0x4980  }
0x15d: {  	[tilespmem:s6], [sflag:$0x2] =	stream.indirect.gather [hbm4b:s1+s13], $0x1, s3, s13, $0xb8;
	[tilespmem:$0x18000] =	vst v63  }
0x15e: {  	s10 =	simm.s32 $0xA00;
	s11 =	simm.s32 $0x4A00  }
0x15f: {  	[tilespmem:s11], [sflag:$0x2] =	stream.indirect.gather [hbm4b:s1+s13], $0x1, s10, s13, $0xb8;
	[tilespmem:$0x18000] =	vst v63  }
0x160: {  	s12 =	simm.s32 $0xA80;
	s14 =	simm.s32 $0x4A80  }
0x161: {  	[tilespmem:s14], [sflag:$0x2] =	stream.indirect.gather [hbm4b:s1+s13], $0x1, s12, s13, $0xb8;
	[tilespmem:$0x18000] =	vst v63  }
0x162: {  	s3 =	simm.s32 $0xB00;
	s6 =	simm.s32 $0x4B00  }
0x163: {  	[tilespmem:s6], [sflag:$0x2] =	stream.indirect.gather [hbm4b:s1+s13], $0x1, s3, s13, $0xb8;
	[tilespmem:$0x18000] =	vst v63  }
0x164: {  	s10 =	simm.s32 $0xB80;
	s11 =	simm.s32 $0x4B80  }
0x165: {  	[tilespmem:s11], [sflag:$0x2] =	stream.indirect.gather [hbm4b:s1+s13], $0x1, s10, s13, $0xb8;
	[tilespmem:$0x18000] =	vst v63  }
0x166: {  	s12 =	simm.s32 $0xC00;
	s14 =	simm.s32 $0x4C00  }
0x167: {  	[tilespmem:s14], [sflag:$0x2] =	stream.indirect.gather [hbm4b:s1+s13], $0x1, s12, s13, $0xb8;
	[tilespmem:$0x18000] =	vst v63  }
0x168: {  	s3 =	simm.s32 $0xC80;
	s6 =	simm.s32 $0x4C80  }
0x169: {  	[tilespmem:s6], [sflag:$0x2] =	stream.indirect.gather [hbm4b:s1+s13], $0x1, s3, s13, $0xb8;
	[tilespmem:$0x18000] =	vst v63  }
0x16a: {  	s10 =	simm.s32 $0xD00;
	s11 =	simm.s32 $0x4D00  }
0x16b: {  	[tilespmem:s11], [sflag:$0x2] =	stream.indirect.gather [hbm4b:s1+s13], $0x1, s10, s13, $0xb8;
	[tilespmem:$0x18000] =	vst v63  }
0x16c: {  	s12 =	simm.s32 $0xD80;
	s14 =	simm.s32 $0x4D80  }
0x16d: {  	[tilespmem:s14], [sflag:$0x2] =	stream.indirect.gather [hbm4b:s1+s13], $0x1, s12, s13, $0xb8;
	[tilespmem:$0x18000] =	vst v63  }
0x16e: {  	s3 =	simm.s32 $0xE00;
	s6 =	simm.s32 $0x4E00  }
0x16f: {  	[tilespmem:s6], [sflag:$0x2] =	stream.indirect.gather [hbm4b:s1+s13], $0x1, s3, s13, $0xb8;
	[tilespmem:$0x18000] =	vst v63  }
0x170: {  	s10 =	simm.s32 $0xE80;
	s11 =	simm.s32 $0x4E80  }
0x171: {  	[tilespmem:s11], [sflag:$0x2] =	stream.indirect.gather [hbm4b:s1+s13], $0x1, s10, s13, $0xb8;
	[tilespmem:$0x18000] =	vst v63  }
0x172: {  	s12 =	simm.s32 $0xF00;
	s14 =	simm.s32 $0x4F00  }
0x173: {  	[tilespmem:s14], [sflag:$0x2] =	stream.indirect.gather [hbm4b:s1+s13], $0x1, s12, s13, $0xb8;
	[tilespmem:$0x18000] =	vst v63  }
0x174: {  	s3 =	simm.s32 $0xF80;
	s6 =	simm.s32 $0x4F80  }
0x175: {  	[tilespmem:s6], [sflag:$0x2] =	stream.indirect.gather [hbm4b:s1+s13], $0x1, s3, s13, $0xb8;
	[tilespmem:$0x18000] =	vst v63  }
0x176: {  	s10 =	simm.s32 $0x1000;
	s11 =	simm.s32 $0x5000  }
0x177: {  	[tilespmem:s11], [sflag:$0x3] =	stream.indirect.gather [hbm4b:s1+s13], $0x1, s10, s13, $0xb8;
	[tilespmem:$0x18000] =	vst v63  }
0x178: {  	s12 =	simm.s32 $0x1080;
	s14 =	simm.s32 $0x5080  }
0x179: {  	[tilespmem:s14], [sflag:$0x3] =	stream.indirect.gather [hbm4b:s1+s13], $0x1, s12, s13, $0xb8;
	[tilespmem:$0x18000] =	vst v63  }
0x17a: {  	s3 =	simm.s32 $0x1100;
	s6 =	simm.s32 $0x5100  }
0x17b: {  	[tilespmem:s6], [sflag:$0x3] =	stream.indirect.gather [hbm4b:s1+s13], $0x1, s3, s13, $0xb8;
	[tilespmem:$0x18000] =	vst v63  }
0x17c: {  	s10 =	simm.s32 $0x1180;
	s11 =	simm.s32 $0x5180  }
0x17d: {  	[tilespmem:s11], [sflag:$0x3] =	stream.indirect.gather [hbm4b:s1+s13], $0x1, s10, s13, $0xb8;
	[tilespmem:$0x18000] =	vst v63  }
0x17e: {  	s12 =	simm.s32 $0x1200;
	s14 =	simm.s32 $0x5200  }
0x17f: {  	[tilespmem:s14], [sflag:$0x3] =	stream.indirect.gather [hbm4b:s1+s13], $0x1, s12, s13, $0xb8;
	[tilespmem:$0x18000] =	vst v63  }
0x180: {  	s3 =	simm.s32 $0x1280;
	s6 =	simm.s32 $0x5280  }
0x181: {  	[tilespmem:s6], [sflag:$0x3] =	stream.indirect.gather [hbm4b:s1+s13], $0x1, s3, s13, $0xb8;
	[tilespmem:$0x18000] =	vst v63  }
0x182: {  	s10 =	simm.s32 $0x1300;
	s11 =	simm.s32 $0x5300  }
0x183: {  	[tilespmem:s11], [sflag:$0x3] =	stream.indirect.gather [hbm4b:s1+s13], $0x1, s10, s13, $0xb8;
	[tilespmem:$0x18000] =	vst v63  }
0x184: {  	s12 =	simm.s32 $0x1380;
	s14 =	simm.s32 $0x5380  }
0x185: {  	[tilespmem:s14], [sflag:$0x3] =	stream.indirect.gather [hbm4b:s1+s13], $0x1, s12, s13, $0xb8;
	[tilespmem:$0x18000] =	vst v63  }
0x186: {  	s3 =	simm.s32 $0x1400;
	s6 =	simm.s32 $0x5400  }
0x187: {  	[tilespmem:s6], [sflag:$0x3] =	stream.indirect.gather [hbm4b:s1+s13], $0x1, s3, s13, $0xb8;
	[tilespmem:$0x18000] =	vst v63  }
0x188: {  	s10 =	simm.s32 $0x1480;
	s11 =	simm.s32 $0x5480  }
0x189: {  	[tilespmem:s11], [sflag:$0x3] =	stream.indirect.gather [hbm4b:s1+s13], $0x1, s10, s13, $0xb8;
	[tilespmem:$0x18000] =	vst v63  }
0x18a: {  	s12 =	simm.s32 $0x1500;
	s14 =	simm.s32 $0x5500  }
0x18b: {  	[tilespmem:s14], [sflag:$0x3] =	stream.indirect.gather [hbm4b:s1+s13], $0x1, s12, s13, $0xb8;
	[tilespmem:$0x18000] =	vst v63  }
0x18c: {  	s3 =	simm.s32 $0x1580;
	s6 =	simm.s32 $0x5580  }
0x18d: {  	[tilespmem:s6], [sflag:$0x3] =	stream.indirect.gather [hbm4b:s1+s13], $0x1, s3, s13, $0xb8;
	[tilespmem:$0x18000] =	vst v63  }
0x18e: {  	s10 =	simm.s32 $0x1600;
	s11 =	simm.s32 $0x5600  }
0x18f: {  	[tilespmem:s11], [sflag:$0x3] =	stream.indirect.gather [hbm4b:s1+s13], $0x1, s10, s13, $0xb8;
	[tilespmem:$0x18000] =	vst v63  }
0x190: {  	s12 =	simm.s32 $0x1680;
	s14 =	simm.s32 $0x5680  }
0x191: {  	[tilespmem:s14], [sflag:$0x3] =	stream.indirect.gather [hbm4b:s1+s13], $0x1, s12, s13, $0xb8;
	[tilespmem:$0x18000] =	vst v63  }
0x192: {  	s3 =	simm.s32 $0x1700;
	s6 =	simm.s32 $0x5700  }
0x193: {  	[tilespmem:s6], [sflag:$0x3] =	stream.indirect.gather [hbm4b:s1+s13], $0x1, s3, s13, $0xb8;
	[tilespmem:$0x18000] =	vst v63  }
0x194: {  	s10 =	simm.s32 $0x1780;
	s11 =	simm.s32 $0x5780  }
0x195: {  	[tilespmem:s11], [sflag:$0x3] =	stream.indirect.gather [hbm4b:s1+s13], $0x1, s10, s13, $0xb8;
	[tilespmem:$0x18000] =	vst v63  }
0x196: {  	s12 =	simm.s32 $0x1800;
	s14 =	simm.s32 $0x5800  }
0x197: {  	[tilespmem:s14], [sflag:$0x4] =	stream.indirect.gather [hbm4b:s1+s13], $0x1, s12, s13, $0xb8;
	[tilespmem:$0x18000] =	vst v63  }
0x198: {  	s3 =	simm.s32 $0x1880;
	s6 =	simm.s32 $0x5880  }
0x199: {  	[tilespmem:s6], [sflag:$0x4] =	stream.indirect.gather [hbm4b:s1+s13], $0x1, s3, s13, $0xb8;
	[tilespmem:$0x18000] =	vst v63  }
0x19a: {  	s10 =	simm.s32 $0x1900;
	s11 =	simm.s32 $0x5900  }
0x19b: {  	[tilespmem:s11], [sflag:$0x4] =	stream.indirect.gather [hbm4b:s1+s13], $0x1, s10, s13, $0xb8;
	[tilespmem:$0x18000] =	vst v63  }
0x19c: {  	s12 =	simm.s32 $0x1980;
	s14 =	simm.s32 $0x5980  }
0x19d: {  	[tilespmem:s14], [sflag:$0x4] =	stream.indirect.gather [hbm4b:s1+s13], $0x1, s12, s13, $0xb8;
	[tilespmem:$0x18000] =	vst v63  }
0x19e: {  	s3 =	simm.s32 $0x1A00;
	s6 =	simm.s32 $0x5A00  }
0x19f: {  	[tilespmem:s6], [sflag:$0x4] =	stream.indirect.gather [hbm4b:s1+s13], $0x1, s3, s13, $0xb8;
	[tilespmem:$0x18000] =	vst v63  }
0x1a0: {  	s10 =	simm.s32 $0x1A80;
	s11 =	simm.s32 $0x5A80  }
0x1a1: {  	[tilespmem:s11], [sflag:$0x4] =	stream.indirect.gather [hbm4b:s1+s13], $0x1, s10, s13, $0xb8;
	[tilespmem:$0x18000] =	vst v63  }
0x1a2: {  	s12 =	simm.s32 $0x1B00;
	s14 =	simm.s32 $0x5B00  }
0x1a3: {  	[tilespmem:s14], [sflag:$0x4] =	stream.indirect.gather [hbm4b:s1+s13], $0x1, s12, s13, $0xb8;
	[tilespmem:$0x18000] =	vst v63  }
0x1a4: {  	s3 =	simm.s32 $0x1B80;
	s6 =	simm.s32 $0x5B80  }
0x1a5: {  	[tilespmem:s6], [sflag:$0x4] =	stream.indirect.gather [hbm4b:s1+s13], $0x1, s3, s13, $0xb8;
	[tilespmem:$0x18000] =	vst v63  }
0x1a6: {  	s10 =	simm.s32 $0x1C00;
	s11 =	simm.s32 $0x5C00  }
0x1a7: {  	[tilespmem:s11], [sflag:$0x4] =	stream.indirect.gather [hbm4b:s1+s13], $0x1, s10, s13, $0xb8;
	[tilespmem:$0x18000] =	vst v63  }
0x1a8: {  	s12 =	simm.s32 $0x1C80;
	s14 =	simm.s32 $0x5C80  }
0x1a9: {  	[tilespmem:s14], [sflag:$0x4] =	stream.indirect.gather [hbm4b:s1+s13], $0x1, s12, s13, $0xb8;
	[tilespmem:$0x18000] =	vst v63  }
0x1aa: {  	s3 =	simm.s32 $0x1D00;
	s6 =	simm.s32 $0x5D00  }
0x1ab: {  	[tilespmem:s6], [sflag:$0x4] =	stream.indirect.gather [hbm4b:s1+s13], $0x1, s3, s13, $0xb8;
	[tilespmem:$0x18000] =	vst v63  }
0x1ac: {  	s10 =	simm.s32 $0x1D80;
	s11 =	simm.s32 $0x5D80  }
0x1ad: {  	[tilespmem:s11], [sflag:$0x4] =	stream.indirect.gather [hbm4b:s1+s13], $0x1, s10, s13, $0xb8;
	[tilespmem:$0x18000] =	vst v63  }
0x1ae: {  	s12 =	simm.s32 $0x1E00;
	s14 =	simm.s32 $0x5E00  }
0x1af: {  	[tilespmem:s14], [sflag:$0x4] =	stream.indirect.gather [hbm4b:s1+s13], $0x1, s12, s13, $0xb8;
	[tilespmem:$0x18000] =	vst v63  }
0x1b0: {  	s3 =	simm.s32 $0x1E80;
	s6 =	simm.s32 $0x5E80  }
0x1b1: {  	[tilespmem:s6], [sflag:$0x4] =	stream.indirect.gather [hbm4b:s1+s13], $0x1, s3, s13, $0xb8;
	[tilespmem:$0x18000] =	vst v63  }
0x1b2: {  	s10 =	simm.s32 $0x1F00;
	s11 =	simm.s32 $0x5F00  }
0x1b3: {  	[tilespmem:s11], [sflag:$0x4] =	stream.indirect.gather [hbm4b:s1+s13], $0x1, s10, s13, $0xb8;
	[tilespmem:$0x18000] =	vst v63  }
0x1b4: {  	s12 =	simm.s32 $0x1F80;
	s14 =	simm.s32 $0x5F80  }
0x1b5: {  	[tilespmem:s14], [sflag:$0x4] =	stream.indirect.gather [hbm4b:s1+s13], $0x1, s12, s13, $0xb8;
	[tilespmem:$0x18000] =	vst v63  }
0x1b6: {  	s3 =	simm.s32 $0xC000  }
0x1b7: {  	[tilespmem:s3], [sflag:$0x5] =	stream.indirect.gather [hbm4b:s1+s13], $0x1, s9, s13, $0xb8;
	[tilespmem:$0x18000] =	vst v63  }
0x1b8: {  	s6 =	simm.s32 $0x8080;
	s9 =	simm.s32 $0xC080  }
0x1b9: {  	[tilespmem:s9], [sflag:$0x5] =	stream.indirect.gather [hbm4b:s1+s13], $0x1, s6, s13, $0xb8;
	[tilespmem:$0x18000] =	vst v63  }
0x1ba: {  	s10 =	simm.s32 $0x8100;
	s11 =	simm.s32 $0xC100  }
0x1bb: {  	[tilespmem:s11], [sflag:$0x5] =	stream.indirect.gather [hbm4b:s1+s13], $0x1, s10, s13, $0xb8;
	[tilespmem:$0x18000] =	vst v63  }
0x1bc: {  	s12 =	simm.s32 $0x8180;
	s14 =	simm.s32 $0xC180  }
0x1bd: {  	[tilespmem:s14], [sflag:$0x5] =	stream.indirect.gather [hbm4b:s1+s13], $0x1, s12, s13, $0xb8;
	[tilespmem:$0x18000] =	vst v63  }
0x1be: {  	s6 =	simm.s32 $0x8200;
	s9 =	simm.s32 $0xC200  }
0x1bf: {  	[tilespmem:s9], [sflag:$0x5] =	stream.indirect.gather [hbm4b:s1+s13], $0x1, s6, s13, $0xb8;
	[tilespmem:$0x18000] =	vst v63  }
0x1c0: {  	s10 =	simm.s32 $0x8280;
	s11 =	simm.s32 $0xC280  }
0x1c1: {  	[tilespmem:s11], [sflag:$0x5] =	stream.indirect.gather [hbm4b:s1+s13], $0x1, s10, s13, $0xb8;
	[tilespmem:$0x18000] =	vst v63  }
0x1c2: {  	s12 =	simm.s32 $0x8300;
	s14 =	simm.s32 $0xC300  }
0x1c3: {  	[tilespmem:s14], [sflag:$0x5] =	stream.indirect.gather [hbm4b:s1+s13], $0x1, s12, s13, $0xb8;
	[tilespmem:$0x18000] =	vst v63  }
0x1c4: {  	s6 =	simm.s32 $0x8380;
	s9 =	simm.s32 $0xC380  }
0x1c5: {  	[tilespmem:s9], [sflag:$0x5] =	stream.indirect.gather [hbm4b:s1+s13], $0x1, s6, s13, $0xb8;
	[tilespmem:$0x18000] =	vst v63  }
0x1c6: {  	s10 =	simm.s32 $0x8400;
	s11 =	simm.s32 $0xC400  }
0x1c7: {  	[tilespmem:s11], [sflag:$0x5] =	stream.indirect.gather [hbm4b:s1+s13], $0x1, s10, s13, $0xb8;
	[tilespmem:$0x18000] =	vst v63  }
0x1c8: {  	s12 =	simm.s32 $0x8480;
	s14 =	simm.s32 $0xC480  }
0x1c9: {  	[tilespmem:s14], [sflag:$0x5] =	stream.indirect.gather [hbm4b:s1+s13], $0x1, s12, s13, $0xb8;
	[tilespmem:$0x18000] =	vst v63  }
0x1ca: {  	s6 =	simm.s32 $0x8500;
	s9 =	simm.s32 $0xC500  }
0x1cb: {  	[tilespmem:s9], [sflag:$0x5] =	stream.indirect.gather [hbm4b:s1+s13], $0x1, s6, s13, $0xb8;
	[tilespmem:$0x18000] =	vst v63  }
0x1cc: {  	s10 =	simm.s32 $0x8580;
	s11 =	simm.s32 $0xC580  }
0x1cd: {  	[tilespmem:s11], [sflag:$0x5] =	stream.indirect.gather [hbm4b:s1+s13], $0x1, s10, s13, $0xb8;
	[tilespmem:$0x18000] =	vst v63  }
0x1ce: {  	s12 =	simm.s32 $0x8600;
	s14 =	simm.s32 $0xC600  }
0x1cf: {  	[tilespmem:s14], [sflag:$0x5] =	stream.indirect.gather [hbm4b:s1+s13], $0x1, s12, s13, $0xb8;
	[tilespmem:$0x18000] =	vst v63  }
0x1d0: {  	s6 =	simm.s32 $0x8680;
	s9 =	simm.s32 $0xC680  }
0x1d1: {  	[tilespmem:s9], [sflag:$0x5] =	stream.indirect.gather [hbm4b:s1+s13], $0x1, s6, s13, $0xb8;
	[tilespmem:$0x18000] =	vst v63  }
0x1d2: {  	s10 =	simm.s32 $0x8700;
	s11 =	simm.s32 $0xC700  }
0x1d3: {  	[tilespmem:s11], [sflag:$0x5] =	stream.indirect.gather [hbm4b:s1+s13], $0x1, s10, s13, $0xb8;
	[tilespmem:$0x18000] =	vst v63  }
0x1d4: {  	s12 =	simm.s32 $0x8780;
	s14 =	simm.s32 $0xC780  }
0x1d5: {  	[tilespmem:s14], [sflag:$0x5] =	stream.indirect.gather [hbm4b:s1+s13], $0x1, s12, s13, $0xb8;
	[tilespmem:$0x18000] =	vst v63  }
0x1d6: {  	s6 =	simm.s32 $0x8800;
	s9 =	simm.s32 $0xC800  }
0x1d7: {  	[tilespmem:s9], [sflag:$0x6] =	stream.indirect.gather [hbm4b:s1+s13], $0x1, s6, s13, $0xb8;
	[tilespmem:$0x18000] =	vst v63  }
0x1d8: {  	s10 =	simm.s32 $0x8880;
	s11 =	simm.s32 $0xC880  }
0x1d9: {  	[tilespmem:s11], [sflag:$0x6] =	stream.indirect.gather [hbm4b:s1+s13], $0x1, s10, s13, $0xb8;
	[tilespmem:$0x18000] =	vst v63  }
0x1da: {  	s12 =	simm.s32 $0x8900;
	s14 =	simm.s32 $0xC900  }
0x1db: {  	[tilespmem:s14], [sflag:$0x6] =	stream.indirect.gather [hbm4b:s1+s13], $0x1, s12, s13, $0xb8;
	[tilespmem:$0x18000] =	vst v63  }
0x1dc: {  	s6 =	simm.s32 $0x8980;
	s9 =	simm.s32 $0xC980  }
0x1dd: {  	[tilespmem:s9], [sflag:$0x6] =	stream.indirect.gather [hbm4b:s1+s13], $0x1, s6, s13, $0xb8;
	[tilespmem:$0x18000] =	vst v63  }
0x1de: {  	s10 =	simm.s32 $0x8A00;
	s11 =	simm.s32 $0xCA00  }
0x1df: {  	[tilespmem:s11], [sflag:$0x6] =	stream.indirect.gather [hbm4b:s1+s13], $0x1, s10, s13, $0xb8;
	[tilespmem:$0x18000] =	vst v63  }
0x1e0: {  	s12 =	simm.s32 $0x8A80;
	s14 =	simm.s32 $0xCA80  }
0x1e1: {  	[tilespmem:s14], [sflag:$0x6] =	stream.indirect.gather [hbm4b:s1+s13], $0x1, s12, s13, $0xb8;
	[tilespmem:$0x18000] =	vst v63  }
0x1e2: {  	s6 =	simm.s32 $0x8B00;
	s9 =	simm.s32 $0xCB00  }
0x1e3: {  	[tilespmem:s9], [sflag:$0x6] =	stream.indirect.gather [hbm4b:s1+s13], $0x1, s6, s13, $0xb8;
	[tilespmem:$0x18000] =	vst v63  }
0x1e4: {  	s10 =	simm.s32 $0x8B80;
	s11 =	simm.s32 $0xCB80  }
0x1e5: {  	[tilespmem:s11], [sflag:$0x6] =	stream.indirect.gather [hbm4b:s1+s13], $0x1, s10, s13, $0xb8;
	[tilespmem:$0x18000] =	vst v63  }
0x1e6: {  	s12 =	simm.s32 $0x8C00;
	s14 =	simm.s32 $0xCC00  }
0x1e7: {  	[tilespmem:s14], [sflag:$0x6] =	stream.indirect.gather [hbm4b:s1+s13], $0x1, s12, s13, $0xb8;
	[tilespmem:$0x18000] =	vst v63  }
0x1e8: {  	s6 =	simm.s32 $0x8C80;
	s9 =	simm.s32 $0xCC80  }
0x1e9: {  	[tilespmem:s9], [sflag:$0x6] =	stream.indirect.gather [hbm4b:s1+s13], $0x1, s6, s13, $0xb8;
	[tilespmem:$0x18000] =	vst v63  }
0x1ea: {  	s10 =	simm.s32 $0x8D00;
	s11 =	simm.s32 $0xCD00  }
0x1eb: {  	[tilespmem:s11], [sflag:$0x6] =	stream.indirect.gather [hbm4b:s1+s13], $0x1, s10, s13, $0xb8;
	[tilespmem:$0x18000] =	vst v63  }
0x1ec: {  	s12 =	simm.s32 $0x8D80;
	s14 =	simm.s32 $0xCD80  }
0x1ed: {  	[tilespmem:s14], [sflag:$0x6] =	stream.indirect.gather [hbm4b:s1+s13], $0x1, s12, s13, $0xb8;
	[tilespmem:$0x18000] =	vst v63  }
0x1ee: {  	s6 =	simm.s32 $0x8E00;
	s9 =	simm.s32 $0xCE00  }
0x1ef: {  	[tilespmem:s9], [sflag:$0x6] =	stream.indirect.gather [hbm4b:s1+s13], $0x1, s6, s13, $0xb8;
	[tilespmem:$0x18000] =	vst v63  }
0x1f0: {  	s10 =	simm.s32 $0x8E80;
	s11 =	simm.s32 $0xCE80  }
0x1f1: {  	[tilespmem:s11], [sflag:$0x6] =	stream.indirect.gather [hbm4b:s1+s13], $0x1, s10, s13, $0xb8;
	[tilespmem:$0x18000] =	vst v63  }
0x1f2: {  	s12 =	simm.s32 $0x8F00;
	s14 =	simm.s32 $0xCF00  }
0x1f3: {  	[tilespmem:s14], [sflag:$0x6] =	stream.indirect.gather [hbm4b:s1+s13], $0x1, s12, s13, $0xb8;
	[tilespmem:$0x18000] =	vst v63  }
0x1f4: {  	s6 =	simm.s32 $0x8F80;
	s9 =	simm.s32 $0xCF80  }
0x1f5: {  	[tilespmem:s9], [sflag:$0x6] =	stream.indirect.gather [hbm4b:s1+s13], $0x1, s6, s13, $0xb8;
	[tilespmem:$0x18000] =	vst v63  }
0x1f6: {  	s10 =	simm.s32 $0x9000;
	s11 =	simm.s32 $0xD000  }
0x1f7: {  	[tilespmem:s11], [sflag:$0x7] =	stream.indirect.gather [hbm4b:s1+s13], $0x1, s10, s13, $0xb8;
	[tilespmem:$0x18000] =	vst v63  }
0x1f8: {  	s12 =	simm.s32 $0x9080;
	s14 =	simm.s32 $0xD080  }
0x1f9: {  	[tilespmem:s14], [sflag:$0x7] =	stream.indirect.gather [hbm4b:s1+s13], $0x1, s12, s13, $0xb8;
	[tilespmem:$0x18000] =	vst v63  }
0x1fa: {  	s6 =	simm.s32 $0x9100;
	s9 =	simm.s32 $0xD100  }
0x1fb: {  	[tilespmem:s9], [sflag:$0x7] =	stream.indirect.gather [hbm4b:s1+s13], $0x1, s6, s13, $0xb8;
	[tilespmem:$0x18000] =	vst v63  }
0x1fc: {  	s10 =	simm.s32 $0x9180;
	s11 =	simm.s32 $0xD180  }
0x1fd: {  	[tilespmem:s11], [sflag:$0x7] =	stream.indirect.gather [hbm4b:s1+s13], $0x1, s10, s13, $0xb8;
	[tilespmem:$0x18000] =	vst v63  }
0x1fe: {  	s12 =	simm.s32 $0x9200;
	s14 =	simm.s32 $0xD200  }
0x1ff: {  	[tilespmem:s14], [sflag:$0x7] =	stream.indirect.gather [hbm4b:s1+s13], $0x1, s12, s13, $0xb8;
	[tilespmem:$0x18000] =	vst v63  }
0x200: {  	s6 =	simm.s32 $0x9280;
	s9 =	simm.s32 $0xD280  }
0x201: {  	[tilespmem:s9], [sflag:$0x7] =	stream.indirect.gather [hbm4b:s1+s13], $0x1, s6, s13, $0xb8;
	[tilespmem:$0x18000] =	vst v63  }
0x202: {  	s10 =	simm.s32 $0x9300;
	s11 =	simm.s32 $0xD300  }
0x203: {  	[tilespmem:s11], [sflag:$0x7] =	stream.indirect.gather [hbm4b:s1+s13], $0x1, s10, s13, $0xb8;
	[tilespmem:$0x18000] =	vst v63  }
0x204: {  	s12 =	simm.s32 $0x9380;
	s14 =	simm.s32 $0xD380  }
0x205: {  	[tilespmem:s14], [sflag:$0x7] =	stream.indirect.gather [hbm4b:s1+s13], $0x1, s12, s13, $0xb8;
	[tilespmem:$0x18000] =	vst v63  }
0x206: {  	s6 =	simm.s32 $0x9400;
	s9 =	simm.s32 $0xD400  }
0x207: {  	[tilespmem:s9], [sflag:$0x7] =	stream.indirect.gather [hbm4b:s1+s13], $0x1, s6, s13, $0xb8;
	[tilespmem:$0x18000] =	vst v63  }
0x208: {  	s10 =	simm.s32 $0x9480;
	s11 =	simm.s32 $0xD480  }
0x209: {  	[tilespmem:s11], [sflag:$0x7] =	stream.indirect.gather [hbm4b:s1+s13], $0x1, s10, s13, $0xb8;
	[tilespmem:$0x18000] =	vst v63  }
0x20a: {  	s12 =	simm.s32 $0x9500;
	s14 =	simm.s32 $0xD500  }
0x20b: {  	[tilespmem:s14], [sflag:$0x7] =	stream.indirect.gather [hbm4b:s1+s13], $0x1, s12, s13, $0xb8;
	[tilespmem:$0x18000] =	vst v63  }
0x20c: {  	s6 =	simm.s32 $0x9580;
	s9 =	simm.s32 $0xD580  }
0x20d: {  	[tilespmem:s9], [sflag:$0x7] =	stream.indirect.gather [hbm4b:s1+s13], $0x1, s6, s13, $0xb8;
	[tilespmem:$0x18000] =	vst v63  }
0x20e: {  	s10 =	simm.s32 $0x9600;
	s11 =	simm.s32 $0xD600  }
0x20f: {  	[tilespmem:s11], [sflag:$0x7] =	stream.indirect.gather [hbm4b:s1+s13], $0x1, s10, s13, $0xb8;
	[tilespmem:$0x18000] =	vst v63  }
0x210: {  	s12 =	simm.s32 $0x9680;
	s14 =	simm.s32 $0xD680  }
0x211: {  	[tilespmem:s14], [sflag:$0x7] =	stream.indirect.gather [hbm4b:s1+s13], $0x1, s12, s13, $0xb8;
	[tilespmem:$0x18000] =	vst v63  }
0x212: {  	s6 =	simm.s32 $0x9700;
	s9 =	simm.s32 $0xD700  }
0x213: {  	[tilespmem:s9], [sflag:$0x7] =	stream.indirect.gather [hbm4b:s1+s13], $0x1, s6, s13, $0xb8;
	[tilespmem:$0x18000] =	vst v63  }
0x214: {  	s10 =	simm.s32 $0x9780;
	s11 =	simm.s32 $0xD780  }
0x215: {  	[tilespmem:s11], [sflag:$0x7] =	stream.indirect.gather [hbm4b:s1+s13], $0x1, s10, s13, $0xb8;
	[tilespmem:$0x18000] =	vst v63  }
0x216: {  	s12 =	simm.s32 $0x9800;
	s14 =	simm.s32 $0xD800  }
0x217: {  	[tilespmem:s14], [sflag:$0x8] =	stream.indirect.gather [hbm4b:s1+s13], $0x1, s12, s13, $0xb8;
	[tilespmem:$0x18000] =	vst v63  }
0x218: {  	s6 =	simm.s32 $0x9880;
	s9 =	simm.s32 $0xD880  }
0x219: {  	[tilespmem:s9], [sflag:$0x8] =	stream.indirect.gather [hbm4b:s1+s13], $0x1, s6, s13, $0xb8;
	[tilespmem:$0x18000] =	vst v63  }
0x21a: {  	s10 =	simm.s32 $0x9900;
	s11 =	simm.s32 $0xD900  }
0x21b: {  	[tilespmem:s11], [sflag:$0x8] =	stream.indirect.gather [hbm4b:s1+s13], $0x1, s10, s13, $0xb8;
	[tilespmem:$0x18000] =	vst v63  }
0x21c: {  	s12 =	simm.s32 $0x9980;
	s14 =	simm.s32 $0xD980  }
0x21d: {  	[tilespmem:s14], [sflag:$0x8] =	stream.indirect.gather [hbm4b:s1+s13], $0x1, s12, s13, $0xb8;
	[tilespmem:$0x18000] =	vst v63  }
0x21e: {  	s6 =	simm.s32 $0x9A00;
	s9 =	simm.s32 $0xDA00  }
0x21f: {  	[tilespmem:s9], [sflag:$0x8] =	stream.indirect.gather [hbm4b:s1+s13], $0x1, s6, s13, $0xb8;
	[tilespmem:$0x18000] =	vst v63  }
0x220: {  	s10 =	simm.s32 $0x9A80;
	s11 =	simm.s32 $0xDA80  }
0x221: {  	[tilespmem:s11], [sflag:$0x8] =	stream.indirect.gather [hbm4b:s1+s13], $0x1, s10, s13, $0xb8;
	[tilespmem:$0x18000] =	vst v63  }
0x222: {  	s12 =	simm.s32 $0x9B00;
	s14 =	simm.s32 $0xDB00  }
0x223: {  	[tilespmem:s14], [sflag:$0x8] =	stream.indirect.gather [hbm4b:s1+s13], $0x1, s12, s13, $0xb8;
	[tilespmem:$0x18000] =	vst v63  }
0x224: {  	s6 =	simm.s32 $0x9B80;
	s9 =	simm.s32 $0xDB80  }
0x225: {  	[tilespmem:s9], [sflag:$0x8] =	stream.indirect.gather [hbm4b:s1+s13], $0x1, s6, s13, $0xb8;
	[tilespmem:$0x18000] =	vst v63  }
0x226: {  	s10 =	simm.s32 $0x9C00;
	s11 =	simm.s32 $0xDC00  }
0x227: {  	[tilespmem:s11], [sflag:$0x8] =	stream.indirect.gather [hbm4b:s1+s13], $0x1, s10, s13, $0xb8;
	[tilespmem:$0x18000] =	vst v63  }
0x228: {  	s12 =	simm.s32 $0x9C80;
	s14 =	simm.s32 $0xDC80  }
0x229: {  	[tilespmem:s14], [sflag:$0x8] =	stream.indirect.gather [hbm4b:s1+s13], $0x1, s12, s13, $0xb8;
	[tilespmem:$0x18000] =	vst v63  }
0x22a: {  	s6 =	simm.s32 $0x9D00;
	s9 =	simm.s32 $0xDD00  }
0x22b: {  	[tilespmem:s9], [sflag:$0x8] =	stream.indirect.gather [hbm4b:s1+s13], $0x1, s6, s13, $0xb8;
	[tilespmem:$0x18000] =	vst v63  }
0x22c: {  	s10 =	simm.s32 $0x9D80;
	s11 =	simm.s32 $0xDD80  }
0x22d: {  	[tilespmem:s11], [sflag:$0x8] =	stream.indirect.gather [hbm4b:s1+s13], $0x1, s10, s13, $0xb8;
	[tilespmem:$0x18000] =	vst v63  }
0x22e: {  	s12 =	simm.s32 $0x9E00;
	s14 =	simm.s32 $0xDE00  }
0x22f: {  	[tilespmem:s14], [sflag:$0x8] =	stream.indirect.gather [hbm4b:s1+s13], $0x1, s12, s13, $0xb8;
	[tilespmem:$0x18000] =	vst v63  }
0x230: {  	s6 =	simm.s32 $0x9E80;
	s9 =	simm.s32 $0xDE80  }
0x231: {  	[tilespmem:s9], [sflag:$0x8] =	stream.indirect.gather [hbm4b:s1+s13], $0x1, s6, s13, $0xb8;
	[tilespmem:$0x18000] =	vst v63  }
0x232: {  	s10 =	simm.s32 $0x9F00;
	s11 =	simm.s32 $0xDF00  }
0x233: {  	[tilespmem:s11], [sflag:$0x8] =	stream.indirect.gather [hbm4b:s1+s13], $0x1, s10, s13, $0xb8;
	[tilespmem:$0x18000] =	vst v63  }
0x234: {  	s12 =	simm.s32 $0x9F80;
	s14 =	simm.s32 $0xDF80  }
0x235: {  	[tilespmem:s14], [sflag:$0x8] =	stream.indirect.gather [hbm4b:s1+s13], $0x1, s12, s13, $0xb8;
	[tilespmem:$0x18000] =	vst v63  }
0x236: {  	_ =	swait.ge [sflag:s0], $0x80  }
0x237: {  	[sflag:s0] =	ssyncset.done $0x0  }
0x238: {  	[sflag:s0] =	ssyncadd.s32 $0xFFFFFF80  }
0x239: {  	_ =	swait.ge [sflag:s0], $0x80  }
0x23a: {  	[sflag:s0] =	ssyncset.done $0x0  }
0x23b: {  	[sflag:s0] =	ssyncadd.s32 $0xFFFFFF80  }
0x23c: {  	_ =	swait.ge [sflag:s0], $0x80  }
0x23d: {  	[sflag:s0] =	ssyncset.done $0x0  }
0x23e: {  	[sflag:s0] =	ssyncadd.s32 $0xFFFFFF80  }
0x23f: {  	_ =	swait.ge [sflag:s0], $0x80  }
0x240: {  	[sflag:s0] =	ssyncset.done $0x0  }
0x241: {  	[sflag:s0] =	ssyncadd.s32 $0xFFFFFF80  }
0x242: {  	_ =	swait.ge [sflag:s0], $0x80  }
0x243: {  	[sflag:s0] =	ssyncset.done $0x0  }
0x244: {  	[sflag:s0] =	ssyncadd.s32 $0xFFFFFF80  }
0x245: {  	_ =	swait.ge [sflag:s0], $0x80  }
0x246: {  	[sflag:s0] =	ssyncset.done $0x0  }
0x247: {  	[sflag:s0] =	ssyncadd.s32 $0xFFFFFF80  }
0x248: {  	_ =	swait.ge [sflag:s0], $0x80  }
0x249: {  	[sflag:s0] =	ssyncset.done $0x0  }
0x24a: {  	[sflag:s0] =	ssyncadd.s32 $0xFFFFFF80  }
0x24b: {  	_ =	swait.ge [sflag:s0], $0x80  }
0x24c: {  	[sflag:s0] =	ssyncset.done $0x0  }
0x24d: {  	[sflag:s0] =	ssyncadd.s32 $0xFFFFFF80  }
0x24e: {  	_ =	swait.ge [sflag:s0], $0x80  }
0x24f: {  	[sflag:s0] =	ssyncset.done $0x0  }
0x250: {  	[sflag:s0] =	ssyncadd.s32 $0xFFFFFF80  }
0x251: {  	_ =	swait.ge [sflag:s0], $0x80  }
0x252: {  	[sflag:s0] =	ssyncset.done $0x0  }
0x253: {  	[sflag:s0] =	ssyncadd.s32 $0xFFFFFF80  }
0x254: {  	_ =	swait.ge [sflag:s0], $0x80  }
0x255: {  	[sflag:s0] =	ssyncset.done $0x0  }
0x256: {  	[sflag:s0] =	ssyncadd.s32 $0xFFFFFF80  }
0x257: {  	_ =	swait.ge [sflag:s0], $0x80  }
0x258: {  	[sflag:s0] =	ssyncset.done $0x0  }
0x259: {  	[sflag:s0] =	ssyncadd.s32 $0xFFFFFF80  }
0x25a: {  	_ =	swait.ge [sflag:s0], $0x80  }
0x25b: {  	[sflag:s0] =	ssyncset.done $0x0  }
0x25c: {  	[sflag:s0] =	ssyncadd.s32 $0xFFFFFF80  }
0x25d: {  	_ =	swait.ge [sflag:s0], $0x80  }
0x25e: {  	[sflag:s0] =	ssyncset.done $0x0  }
0x25f: {  	[sflag:s0] =	ssyncadd.s32 $0xFFFFFF80  }
0x260: {  	_ =	swait.ge [sflag:s0], $0x80  }
0x261: {  	[sflag:s0] =	ssyncset.done $0x0  }
0x262: {  	[sflag:s0] =	ssyncadd.s32 $0xFFFFFF80  }
0x263: {  	_ =	swait.ge [sflag:s0], $0x80  }
0x264: {  	[sflag:s0] =	ssyncset.done $0x0  }
0x265: {  	[sflag:s0] =	ssyncadd.s32 $0xFFFFFF80  }
0x266: {  	v1 =	vld [tilespmem:s7+$0x0]  }
0x267: {  	v2 =	vld [tilespmem:s8+$0x0];
	_ =	sdelay $0x4  }
0x268: {  	vm0 =	vne.s32 v1, v2  }
0x269: {  	v3 =	vmpcnt.ones.xlane vm0;
	_ =	sdelay $0x1  }
0x26a: {  	(v2sf) =	vpush v3, $0x0;
	_ =	sdelay $0x3  }
0x26b: {  	[tilespmem:s25+$0x0] =	vst v1  }
0x26c: {  	v2 =	vor.u32 s8, v0;
	[tilespmem:s8+$0x0] =	vst.msk vm0, v1  }
0x26d: {  	s9 =	simm.s32 $0x4010;
	[tilespmem:s8+$0x2000] =	vst.msk vm0, v2  }
0x26e: {  	s2 =	simm.s32 $0x6000;
	s7 =	simm.s32 $0x10;
	v1 =	vld [tilespmem:s9+$0x0]  }
0x26f: {  	s3 =	simm.s32 $0x10;
	s10 =	simm.s32 $0x20;
	s8 =	simm.s32 $0x0;
	v2 =	vld [tilespmem:s7+$0x0]  }
.LBB2_2:
0x270: {  	p0 =	seq.s32 s10, $0x7F0;
	_ =	sdelay $0x1  }
0x271: {  	s2 =	sadd.s32 $0x10, s2  }
0x272: {  	[tilespmem:s2+$0x0] =	vst v1  }
0x273: {  	vm0 =	vne.s32 v1, v2  }
0x274: {  	v2 =	vmpcnt.ones.xlane vm0  }
0x275: {  	s11 =	spop (v2sf)  }
0x276: {  	(v2sf) =	vpush v2, $0x0;
	s8 =	sadd.s32 s8, s11  }
0x277: {  	v2 =	vor.u32 s7, v0;
	s7 =	smov.u32 s10;
	[tilespmem:s8+$0x0] =	vst.msk vm0, v1  }
0x278: {  	[tilespmem:s8+$0x2000] =	vst.msk vm0, v2;
	_ =	sdelay $0x1  }
.Ltmp2:
0x279: {  	(pc) =	sbr.rel @!p0 .LBB2_2-.Ltmp2, $4  }
0x27a: {  	_ = 	snop  }
0x27b: {  	s9 =	sadd.s32 $0x10, s9  }
0x27c: {  	s3 =	sadd.s32 $0x10, s3;
	v1 =	vld [tilespmem:s9+$0x0]  }
0x27d: {  	s10 =	sadd.s32 $0x10, s10;
	v2 =	vld [tilespmem:s3+$0x0]  }
0x27e: {  	_ =	sdelay $0x3  }
0x27f: {  	vm0 =	vne.s32 v1, v2  }
0x280: {  	v2 =	vmpcnt.ones.xlane vm0;
	_ =	sdelay $0x1  }
0x281: {  	(v2sf) =	vpush v2, $0x0;
	_ =	sdelay $0xb  }
0x282: {  	s2 =	sadd.s32 $0x10, s2;
	s3 =	spop (v2sf)  }
0x283: {  	[tilespmem:s2+$0x0] =	vst v1;
	s10 =	sadd.s32 s8, s3  }
0x284: {  	v2 =	vor.u32 s7, v0;
	[tilespmem:s10+$0x0] =	vst.msk vm0, v1  }
0x285: {  	[tilespmem:s10+$0x2000] =	vst.msk vm0, v2;
	s11 =	spop (v2sf)  }
0x286: {  	_ =	swait.ge [sflag:s18], $0x80  }
0x287: {  	[sflag:s18] =	ssyncset.done $0x0  }
0x288: {  	[sflag:s18] =	ssyncadd.s32 $0xFFFFFF80  }
0x289: {  	_ =	swait.ge [sflag:s18], $0x80  }
0x28a: {  	[sflag:s18] =	ssyncset.done $0x0  }
0x28b: {  	[sflag:s18] =	ssyncadd.s32 $0xFFFFFF80  }
0x28c: {  	_ =	swait.ge [sflag:s18], $0x80  }
0x28d: {  	[sflag:s18] =	ssyncset.done $0x0  }
0x28e: {  	[sflag:s18] =	ssyncadd.s32 $0xFFFFFF80  }
0x28f: {  	_ =	swait.ge [sflag:s18], $0x80  }
0x290: {  	[sflag:s18] =	ssyncset.done $0x0  }
0x291: {  	[sflag:s18] =	ssyncadd.s32 $0xFFFFFF80  }
0x292: {  	_ =	swait.ge [sflag:s18], $0x80  }
0x293: {  	[sflag:s18] =	ssyncset.done $0x0  }
0x294: {  	[sflag:s18] =	ssyncadd.s32 $0xFFFFFF80  }
0x295: {  	_ =	swait.ge [sflag:s18], $0x80  }
0x296: {  	[sflag:s18] =	ssyncset.done $0x0  }
0x297: {  	[sflag:s18] =	ssyncadd.s32 $0xFFFFFF80  }
0x298: {  	_ =	swait.ge [sflag:s18], $0x80  }
0x299: {  	[sflag:s18] =	ssyncset.done $0x0  }
0x29a: {  	[sflag:s18] =	ssyncadd.s32 $0xFFFFFF80  }
0x29b: {  	_ =	swait.ge [sflag:s18], $0x80  }
0x29c: {  	[sflag:s18] =	ssyncset.done $0x0  }
0x29d: {  	[sflag:s18] =	ssyncadd.s32 $0xFFFFFF80  }
0x29e: {  	_ =	swait.ge [sflag:s18], $0x80  }
0x29f: {  	[sflag:s18] =	ssyncset.done $0x0  }
0x2a0: {  	[sflag:s18] =	ssyncadd.s32 $0xFFFFFF80  }
0x2a1: {  	_ =	swait.ge [sflag:s18], $0x80  }
0x2a2: {  	[sflag:s18] =	ssyncset.done $0x0  }
0x2a3: {  	[sflag:s18] =	ssyncadd.s32 $0xFFFFFF80  }
0x2a4: {  	_ =	swait.ge [sflag:s18], $0x80  }
0x2a5: {  	[sflag:s18] =	ssyncset.done $0x0  }
0x2a6: {  	[sflag:s18] =	ssyncadd.s32 $0xFFFFFF80  }
0x2a7: {  	_ =	swait.ge [sflag:s18], $0x80  }
0x2a8: {  	[sflag:s18] =	ssyncset.done $0x0  }
0x2a9: {  	[sflag:s18] =	ssyncadd.s32 $0xFFFFFF80  }
0x2aa: {  	_ =	swait.ge [sflag:s18], $0x80  }
0x2ab: {  	[sflag:s18] =	ssyncset.done $0x0  }
0x2ac: {  	[sflag:s18] =	ssyncadd.s32 $0xFFFFFF80  }
0x2ad: {  	_ =	swait.ge [sflag:s18], $0x80  }
0x2ae: {  	[sflag:s18] =	ssyncset.done $0x0  }
0x2af: {  	[sflag:s18] =	ssyncadd.s32 $0xFFFFFF80  }
0x2b0: {  	_ =	swait.ge [sflag:s18], $0x80  }
0x2b1: {  	[sflag:s18] =	ssyncset.done $0x0  }
0x2b2: {  	[sflag:s18] =	ssyncadd.s32 $0xFFFFFF80  }
0x2b3: {  	_ =	swait.ge [sflag:s18], $0x80  }
0x2b4: {  	[sflag:s18] =	ssyncset.done $0x0  }
0x2b5: {  	s14 =	simm.s32 $0x4800;
	[sflag:s18] =	ssyncadd.s32 $0xFFFFFF80  }
0x2b6: {  	s12 =	simm.s32 $0x800;
	v1 =	vld [tilespmem:s14+$0x0]  }
0x2b7: {  	v2 =	vld [tilespmem:s12+$0x0];
	_ =	sdelay $0x4  }
0x2b8: {  	vm15 =	vne.s32 v1, v2  }
0x2b9: {  	v3 =	vmpcnt.ones.xlane vm15;
	_ =	sdelay $0x1  }
0x2ba: {  	(v2sf) =	vpush v3, $0x0;
	_ =	sdelay $0x2  }
0x2bb: {  	s8 =	simm.s32 $0x6800  }
0x2bc: {  	s7 =	sadd.s32 s10, s11;
	[tilespmem:s8+$0x0] =	vst v1  }
0x2bd: {  	v2 =	vor.u32 s12, v0;
	[tilespmem:s7+$0x0] =	vst.msk vm15, v1  }
0x2be: {  	s2 =	simm.s32 $0x4810;
	[tilespmem:s7+$0x2000] =	vst.msk vm15, v2  }
0x2bf: {  	s9 =	simm.s32 $0x810;
	v1 =	vld [tilespmem:s2+$0x0]  }
0x2c0: {  	s3 =	simm.s32 $0x820;
	s10 =	simm.s32 $0x810;
	v2 =	vld [tilespmem:s9+$0x0]  }
.LBB2_4:
0x2c1: {  	p0 =	seq.s32 s3, $0xFF0;
	_ =	sdelay $0x1  }
0x2c2: {  	s8 =	sadd.s32 $0x10, s8  }
0x2c3: {  	[tilespmem:s8+$0x0] =	vst v1  }
0x2c4: {  	vm0 =	vne.s32 v1, v2  }
0x2c5: {  	v2 =	vmpcnt.ones.xlane vm0  }
0x2c6: {  	s11 =	spop (v2sf)  }
0x2c7: {  	(v2sf) =	vpush v2, $0x0;
	s7 =	sadd.s32 s7, s11  }
0x2c8: {  	v2 =	vor.u32 s9, v0;
	s9 =	smov.u32 s3;
	[tilespmem:s7+$0x0] =	vst.msk vm0, v1  }
0x2c9: {  	[tilespmem:s7+$0x2000] =	vst.msk vm0, v2;
	_ =	sdelay $0x1  }
.Ltmp3:
0x2ca: {  	(pc) =	sbr.rel @!p0 .LBB2_4-.Ltmp3, $4  }
0x2cb: {  	_ = 	snop  }
0x2cc: {  	s2 =	sadd.s32 $0x10, s2  }
0x2cd: {  	s10 =	sadd.s32 $0x10, s10;
	v1 =	vld [tilespmem:s2+$0x0]  }
0x2ce: {  	s3 =	sadd.s32 $0x10, s3;
	v2 =	vld [tilespmem:s10+$0x0]  }
0x2cf: {  	_ =	sdelay $0x3  }
0x2d0: {  	vm0 =	vne.s32 v1, v2  }
0x2d1: {  	v2 =	vmpcnt.ones.xlane vm0;
	_ =	sdelay $0x1  }
0x2d2: {  	(v2sf) =	vpush v2, $0x0;
	_ =	sdelay $0xb  }
0x2d3: {  	s2 =	sadd.s32 $0x10, s8;
	s3 =	spop (v2sf)  }
0x2d4: {  	[tilespmem:s2+$0x0] =	vst v1;
	s10 =	sadd.s32 s7, s3  }
0x2d5: {  	v2 =	vor.u32 s9, v0;
	[tilespmem:s10+$0x0] =	vst.msk vm0, v1  }
0x2d6: {  	[tilespmem:s10+$0x2000] =	vst.msk vm0, v2;
	s11 =	spop (v2sf)  }
0x2d7: {  	_ =	swait.ge [sflag:s19], $0x80  }
0x2d8: {  	[sflag:s19] =	ssyncset.done $0x0  }
0x2d9: {  	[sflag:s19] =	ssyncadd.s32 $0xFFFFFF80  }
0x2da: {  	_ =	swait.ge [sflag:s19], $0x80  }
0x2db: {  	[sflag:s19] =	ssyncset.done $0x0  }
0x2dc: {  	[sflag:s19] =	ssyncadd.s32 $0xFFFFFF80  }
0x2dd: {  	_ =	swait.ge [sflag:s19], $0x80  }
0x2de: {  	[sflag:s19] =	ssyncset.done $0x0  }
0x2df: {  	[sflag:s19] =	ssyncadd.s32 $0xFFFFFF80  }
0x2e0: {  	_ =	swait.ge [sflag:s19], $0x80  }
0x2e1: {  	[sflag:s19] =	ssyncset.done $0x0  }
0x2e2: {  	[sflag:s19] =	ssyncadd.s32 $0xFFFFFF80  }
0x2e3: {  	_ =	swait.ge [sflag:s19], $0x80  }
0x2e4: {  	[sflag:s19] =	ssyncset.done $0x0  }
0x2e5: {  	[sflag:s19] =	ssyncadd.s32 $0xFFFFFF80  }
0x2e6: {  	_ =	swait.ge [sflag:s19], $0x80  }
0x2e7: {  	[sflag:s19] =	ssyncset.done $0x0  }
0x2e8: {  	[sflag:s19] =	ssyncadd.s32 $0xFFFFFF80  }
0x2e9: {  	_ =	swait.ge [sflag:s19], $0x80  }
0x2ea: {  	[sflag:s19] =	ssyncset.done $0x0  }
0x2eb: {  	[sflag:s19] =	ssyncadd.s32 $0xFFFFFF80  }
0x2ec: {  	_ =	swait.ge [sflag:s19], $0x80  }
0x2ed: {  	[sflag:s19] =	ssyncset.done $0x0  }
0x2ee: {  	[sflag:s19] =	ssyncadd.s32 $0xFFFFFF80  }
0x2ef: {  	_ =	swait.ge [sflag:s19], $0x80  }
0x2f0: {  	[sflag:s19] =	ssyncset.done $0x0  }
0x2f1: {  	[sflag:s19] =	ssyncadd.s32 $0xFFFFFF80  }
0x2f2: {  	_ =	swait.ge [sflag:s19], $0x80  }
0x2f3: {  	[sflag:s19] =	ssyncset.done $0x0  }
0x2f4: {  	[sflag:s19] =	ssyncadd.s32 $0xFFFFFF80  }
0x2f5: {  	_ =	swait.ge [sflag:s19], $0x80  }
0x2f6: {  	[sflag:s19] =	ssyncset.done $0x0  }
0x2f7: {  	[sflag:s19] =	ssyncadd.s32 $0xFFFFFF80  }
0x2f8: {  	_ =	swait.ge [sflag:s19], $0x80  }
0x2f9: {  	[sflag:s19] =	ssyncset.done $0x0  }
0x2fa: {  	[sflag:s19] =	ssyncadd.s32 $0xFFFFFF80  }
0x2fb: {  	_ =	swait.ge [sflag:s19], $0x80  }
0x2fc: {  	[sflag:s19] =	ssyncset.done $0x0  }
0x2fd: {  	[sflag:s19] =	ssyncadd.s32 $0xFFFFFF80  }
0x2fe: {  	_ =	swait.ge [sflag:s19], $0x80  }
0x2ff: {  	[sflag:s19] =	ssyncset.done $0x0  }
0x300: {  	[sflag:s19] =	ssyncadd.s32 $0xFFFFFF80  }
0x301: {  	_ =	swait.ge [sflag:s19], $0x80  }
0x302: {  	[sflag:s19] =	ssyncset.done $0x0  }
0x303: {  	[sflag:s19] =	ssyncadd.s32 $0xFFFFFF80  }
0x304: {  	_ =	swait.ge [sflag:s19], $0x80  }
0x305: {  	[sflag:s19] =	ssyncset.done $0x0  }
0x306: {  	s14 =	simm.s32 $0x5000;
	[sflag:s19] =	ssyncadd.s32 $0xFFFFFF80  }
0x307: {  	s12 =	simm.s32 $0x1000;
	v1 =	vld [tilespmem:s14+$0x0]  }
0x308: {  	v2 =	vld [tilespmem:s12+$0x0];
	_ =	sdelay $0x4  }
0x309: {  	vm15 =	vne.s32 v1, v2  }
0x30a: {  	v3 =	vmpcnt.ones.xlane vm15;
	_ =	sdelay $0x1  }
0x30b: {  	(v2sf) =	vpush v3, $0x0;
	_ =	sdelay $0x2  }
0x30c: {  	s8 =	simm.s32 $0x7000  }
0x30d: {  	s7 =	sadd.s32 s10, s11;
	[tilespmem:s8+$0x0] =	vst v1  }
0x30e: {  	v2 =	vor.u32 s12, v0;
	[tilespmem:s7+$0x0] =	vst.msk vm15, v1  }
0x30f: {  	s2 =	simm.s32 $0x5010;
	[tilespmem:s7+$0x2000] =	vst.msk vm15, v2  }
0x310: {  	s9 =	simm.s32 $0x1010;
	v1 =	vld [tilespmem:s2+$0x0]  }
0x311: {  	s3 =	simm.s32 $0x1020;
	s10 =	simm.s32 $0x1010;
	v2 =	vld [tilespmem:s9+$0x0]  }
.LBB2_6:
0x312: {  	p0 =	seq.s32 s3, $0x17F0;
	_ =	sdelay $0x1  }
0x313: {  	s8 =	sadd.s32 $0x10, s8  }
0x314: {  	[tilespmem:s8+$0x0] =	vst v1  }
0x315: {  	vm0 =	vne.s32 v1, v2  }
0x316: {  	v2 =	vmpcnt.ones.xlane vm0  }
0x317: {  	s11 =	spop (v2sf)  }
0x318: {  	(v2sf) =	vpush v2, $0x0;
	s7 =	sadd.s32 s7, s11  }
0x319: {  	v2 =	vor.u32 s9, v0;
	s9 =	smov.u32 s3;
	[tilespmem:s7+$0x0] =	vst.msk vm0, v1  }
0x31a: {  	[tilespmem:s7+$0x2000] =	vst.msk vm0, v2;
	_ =	sdelay $0x1  }
.Ltmp4:
0x31b: {  	(pc) =	sbr.rel @!p0 .LBB2_6-.Ltmp4, $4  }
0x31c: {  	_ = 	snop  }
0x31d: {  	s2 =	sadd.s32 $0x10, s2  }
0x31e: {  	s10 =	sadd.s32 $0x10, s10;
	v1 =	vld [tilespmem:s2+$0x0]  }
0x31f: {  	s3 =	sadd.s32 $0x10, s3;
	v2 =	vld [tilespmem:s10+$0x0]  }
0x320: {  	_ =	sdelay $0x3  }
0x321: {  	vm0 =	vne.s32 v1, v2  }
0x322: {  	v2 =	vmpcnt.ones.xlane vm0;
	_ =	sdelay $0x1  }
0x323: {  	(v2sf) =	vpush v2, $0x0;
	_ =	sdelay $0xb  }
0x324: {  	s2 =	sadd.s32 $0x10, s8;
	s3 =	spop (v2sf)  }
0x325: {  	[tilespmem:s2+$0x0] =	vst v1;
	s10 =	sadd.s32 s7, s3  }
0x326: {  	v2 =	vor.u32 s9, v0;
	[tilespmem:s10+$0x0] =	vst.msk vm0, v1  }
0x327: {  	[tilespmem:s10+$0x2000] =	vst.msk vm0, v2;
	s11 =	spop (v2sf)  }
0x328: {  	_ =	swait.ge [sflag:s20], $0x80  }
0x329: {  	[sflag:s20] =	ssyncset.done $0x0  }
0x32a: {  	[sflag:s20] =	ssyncadd.s32 $0xFFFFFF80  }
0x32b: {  	_ =	swait.ge [sflag:s20], $0x80  }
0x32c: {  	[sflag:s20] =	ssyncset.done $0x0  }
0x32d: {  	[sflag:s20] =	ssyncadd.s32 $0xFFFFFF80  }
0x32e: {  	_ =	swait.ge [sflag:s20], $0x80  }
0x32f: {  	[sflag:s20] =	ssyncset.done $0x0  }
0x330: {  	[sflag:s20] =	ssyncadd.s32 $0xFFFFFF80  }
0x331: {  	_ =	swait.ge [sflag:s20], $0x80  }
0x332: {  	[sflag:s20] =	ssyncset.done $0x0  }
0x333: {  	[sflag:s20] =	ssyncadd.s32 $0xFFFFFF80  }
0x334: {  	_ =	swait.ge [sflag:s20], $0x80  }
0x335: {  	[sflag:s20] =	ssyncset.done $0x0  }
0x336: {  	[sflag:s20] =	ssyncadd.s32 $0xFFFFFF80  }
0x337: {  	_ =	swait.ge [sflag:s20], $0x80  }
0x338: {  	[sflag:s20] =	ssyncset.done $0x0  }
0x339: {  	[sflag:s20] =	ssyncadd.s32 $0xFFFFFF80  }
0x33a: {  	_ =	swait.ge [sflag:s20], $0x80  }
0x33b: {  	[sflag:s20] =	ssyncset.done $0x0  }
0x33c: {  	[sflag:s20] =	ssyncadd.s32 $0xFFFFFF80  }
0x33d: {  	_ =	swait.ge [sflag:s20], $0x80  }
0x33e: {  	[sflag:s20] =	ssyncset.done $0x0  }
0x33f: {  	[sflag:s20] =	ssyncadd.s32 $0xFFFFFF80  }
0x340: {  	_ =	swait.ge [sflag:s20], $0x80  }
0x341: {  	[sflag:s20] =	ssyncset.done $0x0  }
0x342: {  	[sflag:s20] =	ssyncadd.s32 $0xFFFFFF80  }
0x343: {  	_ =	swait.ge [sflag:s20], $0x80  }
0x344: {  	[sflag:s20] =	ssyncset.done $0x0  }
0x345: {  	[sflag:s20] =	ssyncadd.s32 $0xFFFFFF80  }
0x346: {  	_ =	swait.ge [sflag:s20], $0x80  }
0x347: {  	[sflag:s20] =	ssyncset.done $0x0  }
0x348: {  	[sflag:s20] =	ssyncadd.s32 $0xFFFFFF80  }
0x349: {  	_ =	swait.ge [sflag:s20], $0x80  }
0x34a: {  	[sflag:s20] =	ssyncset.done $0x0  }
0x34b: {  	[sflag:s20] =	ssyncadd.s32 $0xFFFFFF80  }
0x34c: {  	_ =	swait.ge [sflag:s20], $0x80  }
0x34d: {  	[sflag:s20] =	ssyncset.done $0x0  }
0x34e: {  	[sflag:s20] =	ssyncadd.s32 $0xFFFFFF80  }
0x34f: {  	_ =	swait.ge [sflag:s20], $0x80  }
0x350: {  	[sflag:s20] =	ssyncset.done $0x0  }
0x351: {  	[sflag:s20] =	ssyncadd.s32 $0xFFFFFF80  }
0x352: {  	_ =	swait.ge [sflag:s20], $0x80  }
0x353: {  	[sflag:s20] =	ssyncset.done $0x0  }
0x354: {  	[sflag:s20] =	ssyncadd.s32 $0xFFFFFF80  }
0x355: {  	_ =	swait.ge [sflag:s20], $0x80  }
0x356: {  	[sflag:s20] =	ssyncset.done $0x0  }
0x357: {  	s14 =	simm.s32 $0x5800;
	[sflag:s20] =	ssyncadd.s32 $0xFFFFFF80  }
0x358: {  	s12 =	simm.s32 $0x1800;
	v1 =	vld [tilespmem:s14+$0x0]  }
0x359: {  	v2 =	vld [tilespmem:s12+$0x0];
	_ =	sdelay $0x4  }
0x35a: {  	vm15 =	vne.s32 v1, v2  }
0x35b: {  	v3 =	vmpcnt.ones.xlane vm15;
	_ =	sdelay $0x1  }
0x35c: {  	(v2sf) =	vpush v3, $0x0;
	_ =	sdelay $0x2  }
0x35d: {  	s8 =	simm.s32 $0x7800  }
0x35e: {  	s7 =	sadd.s32 s10, s11;
	[tilespmem:s8+$0x0] =	vst v1  }
0x35f: {  	v2 =	vor.u32 s12, v0;
	[tilespmem:s7+$0x0] =	vst.msk vm15, v1  }
0x360: {  	s2 =	simm.s32 $0x5810;
	[tilespmem:s7+$0x2000] =	vst.msk vm15, v2  }
0x361: {  	s9 =	simm.s32 $0x1810;
	v1 =	vld [tilespmem:s2+$0x0]  }
0x362: {  	s3 =	simm.s32 $0x1820;
	s10 =	simm.s32 $0x1810;
	v2 =	vld [tilespmem:s9+$0x0]  }
.LBB2_8:
0x363: {  	p0 =	sne.s32 s3, $0x1FF0;
	_ =	sdelay $0x1  }
0x364: {  	s8 =	sadd.s32 $0x10, s8  }
0x365: {  	[tilespmem:s8+$0x0] =	vst v1  }
0x366: {  	vm0 =	vne.s32 v1, v2  }
0x367: {  	v2 =	vmpcnt.ones.xlane vm0  }
0x368: {  	s11 =	spop (v2sf)  }
0x369: {  	(v2sf) =	vpush v2, $0x0;
	s7 =	sadd.s32 s7, s11  }
0x36a: {  	v2 =	vor.u32 s9, v0;
	s9 =	smov.u32 s3;
	[tilespmem:s7+$0x0] =	vst.msk vm0, v1  }
0x36b: {  	[tilespmem:s7+$0x2000] =	vst.msk vm0, v2;
	_ =	sdelay $0x1  }
.Ltmp5:
0x36c: {  	(pc) =	sbr.rel @p0 .LBB2_8-.Ltmp5, $4  }
0x36d: {  	_ = 	snop  }
0x36e: {  	s2 =	sadd.s32 $0x10, s2  }
0x36f: {  	s10 =	sadd.s32 $0x10, s10;
	v1 =	vld [tilespmem:s2+$0x0]  }
0x370: {  	s3 =	sadd.s32 $0x10, s3;
	v2 =	vld [tilespmem:s10+$0x0]  }
0x371: {  	_ =	sdelay $0x3  }
0x372: {  	vm0 =	vne.s32 v1, v2  }
0x373: {  	v2 =	vmpcnt.ones.xlane vm0;
	_ =	sdelay $0x1  }
0x374: {  	(v2sf) =	vpush v2, $0x0;
	_ =	sdelay $0xd  }
0x375: {  	s2 =	spop (v2sf)  }
0x376: {  	s2 =	sadd.s32 s7, s2;
	s3 =	spop (v2sf)  }
0x377: {  	s7 =	sadd.s32 s2, s3  }
0x378: {  	s3 =	sadd.s32 $0x7F, s7  }
0x379: {  	s10 =	sand.u32 $0x7F, s3  }
0x37a: {  	s14 =	sshra.s32 s3, $0x1F;
	p1 =	slt.s32 s3, $0x1;
	p0 =	sne.s32 s10, $0x0  }
0x37b: {  	s10 =	sshrl.u32 s14, $0x19;
	p0 =	por !p1, !p0  }
0x37c: {  	s3 =	sadd.s32 s10, s3;
	s10 =	simm.s32 $0x1;
	p0 =	por !p0, !p0  }
0x37d: {  	s8 =	sadd.s32 $0x10, s8;
	s3 =	sshra.s32 s3, $0x7;
	s10 =	simm.s32 @!p0 $0x0  }
0x37e: {  	[tilespmem:s8+$0x0] =	vst v1;
	s8 =	ssub.s32 s3, s10  }
0x37f: {  	p0 =	sgt.s32 s8, $0x0  }
.Ltmp6:
0x380: {  	_ = 	snop;
	(pc) =	sbr.rel @!p0 .LBB2_12-.Ltmp6, $3  }
0x381: {  	_ =	sdelay $0x1  }
0x382: {  	v2 =	vor.u32 s9, v0;
	[tilespmem:s2+$0x0] =	vst.msk vm0, v1  }
0x383: {  	[tilespmem:s2+$0x2000] =	vst.msk vm0, v2  }
0x384: {  	p0 =	seq.s32 s8, $0x1  }
.Ltmp7:
0x385: {  	_ = 	snop;
	(pc) =	sbr.rel @p0 .LBB2_12-.Ltmp7, $3  }
0x386: {  	_ =	sdelay $0x1  }
0x387: {  	s2 =	simm.s32 $0x4000;
	s3 =	simm.s32 $0x0;
	s8 =	sadd.s32 $0xFFFFFFFF, s8  }
0x388: {  	[tilespmem:s2], [sflag:$0x1] =	stream.indirect.gather [hbm4b:s1+s13], $0x1, s3, s13, $0xb8;
	[tilespmem:$0x18000] =	vst v63  }
.LBB2_11:
0x389: {  	p0 =	seq.s32 s8, $0x1  }
.Ltmp8:
0x38a: {  	_ = 	snop;
	(pc) =	sbr.rel @!p0 .LBB2_11-.Ltmp8, $4  }
0x38b: {  	_ = 	snop  }
0x38c: {  	s2 =	sadd.s32 $0x80, s2;
	s3 =	sadd.s32 $0x80, s3  }
0x38d: {  	s8 =	sadd.s32 $0xFFFFFFFF, s8  }
0x38e: {  	[tilespmem:s2], [sflag:$0x1] =	stream.indirect.gather [hbm4b:s1+s13], $0x1, s3, s13, $0xb8;
	[tilespmem:$0x18000] =	vst v63  }
.LBB2_12:
0x38f: {  	_ =	swait.ge [sflag:s21], $0x80  }
0x390: {  	[sflag:s21] =	ssyncset.done $0x0  }
0x391: {  	[sflag:s21] =	ssyncadd.s32 $0xFFFFFF80  }
0x392: {  	_ =	swait.ge [sflag:s21], $0x80  }
0x393: {  	[sflag:s21] =	ssyncset.done $0x0  }
0x394: {  	[sflag:s21] =	ssyncadd.s32 $0xFFFFFF80  }
0x395: {  	_ =	swait.ge [sflag:s21], $0x80  }
0x396: {  	[sflag:s21] =	ssyncset.done $0x0  }
0x397: {  	[sflag:s21] =	ssyncadd.s32 $0xFFFFFF80  }
0x398: {  	_ =	swait.ge [sflag:s21], $0x80  }
0x399: {  	[sflag:s21] =	ssyncset.done $0x0  }
0x39a: {  	[sflag:s21] =	ssyncadd.s32 $0xFFFFFF80  }
0x39b: {  	_ =	swait.ge [sflag:s21], $0x80  }
0x39c: {  	[sflag:s21] =	ssyncset.done $0x0  }
0x39d: {  	[sflag:s21] =	ssyncadd.s32 $0xFFFFFF80  }
0x39e: {  	_ =	swait.ge [sflag:s21], $0x80  }
0x39f: {  	[sflag:s21] =	ssyncset.done $0x0  }
0x3a0: {  	[sflag:s21] =	ssyncadd.s32 $0xFFFFFF80  }
0x3a1: {  	_ =	swait.ge [sflag:s21], $0x80  }
0x3a2: {  	[sflag:s21] =	ssyncset.done $0x0  }
0x3a3: {  	[sflag:s21] =	ssyncadd.s32 $0xFFFFFF80  }
0x3a4: {  	_ =	swait.ge [sflag:s21], $0x80  }
0x3a5: {  	[sflag:s21] =	ssyncset.done $0x0  }
0x3a6: {  	[sflag:s21] =	ssyncadd.s32 $0xFFFFFF80  }
0x3a7: {  	_ =	swait.ge [sflag:s21], $0x80  }
0x3a8: {  	[sflag:s21] =	ssyncset.done $0x0  }
0x3a9: {  	[sflag:s21] =	ssyncadd.s32 $0xFFFFFF80  }
0x3aa: {  	_ =	swait.ge [sflag:s21], $0x80  }
0x3ab: {  	[sflag:s21] =	ssyncset.done $0x0  }
0x3ac: {  	[sflag:s21] =	ssyncadd.s32 $0xFFFFFF80  }
0x3ad: {  	_ =	swait.ge [sflag:s21], $0x80  }
0x3ae: {  	[sflag:s21] =	ssyncset.done $0x0  }
0x3af: {  	[sflag:s21] =	ssyncadd.s32 $0xFFFFFF80  }
0x3b0: {  	_ =	swait.ge [sflag:s21], $0x80  }
0x3b1: {  	[sflag:s21] =	ssyncset.done $0x0  }
0x3b2: {  	[sflag:s21] =	ssyncadd.s32 $0xFFFFFF80  }
0x3b3: {  	_ =	swait.ge [sflag:s21], $0x80  }
0x3b4: {  	[sflag:s21] =	ssyncset.done $0x0  }
0x3b5: {  	[sflag:s21] =	ssyncadd.s32 $0xFFFFFF80  }
0x3b6: {  	_ =	swait.ge [sflag:s21], $0x80  }
0x3b7: {  	[sflag:s21] =	ssyncset.done $0x0  }
0x3b8: {  	[sflag:s21] =	ssyncadd.s32 $0xFFFFFF80  }
0x3b9: {  	_ =	swait.ge [sflag:s21], $0x80  }
0x3ba: {  	[sflag:s21] =	ssyncset.done $0x0  }
0x3bb: {  	[sflag:s21] =	ssyncadd.s32 $0xFFFFFF80  }
0x3bc: {  	_ =	swait.ge [sflag:s21], $0x80  }
0x3bd: {  	[sflag:s21] =	ssyncset.done $0x0  }
0x3be: {  	s3 =	simm.s32 $0xC000;
	[sflag:s21] =	ssyncadd.s32 $0xFFFFFF80  }
0x3bf: {  	s2 =	simm.s32 $0x8000;
	v1 =	vld [tilespmem:s3+$0x0]  }
0x3c0: {  	v2 =	vld [tilespmem:s2+$0x0];
	_ =	sdelay $0x4  }
0x3c1: {  	vm0 =	vne.s32 v1, v2  }
0x3c2: {  	v3 =	vmpcnt.ones.xlane vm0;
	_ =	sdelay $0x1  }
0x3c3: {  	(v2sf) =	vpush v3, $0x0;
	_ =	sdelay $0x2  }
0x3c4: {  	s9 =	simm.s32 $0xE000  }
0x3c5: {  	s8 =	simm.s32 $0x0;
	[tilespmem:s9+$0x0] =	vst v1  }
0x3c6: {  	v2 =	vor.u32 s8, v0;
	[tilespmem:s8+$0x8000] =	vst.msk vm0, v1  }
0x3c7: {  	s2 =	simm.s32 $0xC010;
	[tilespmem:s8+$0xA000] =	vst.msk vm0, v2  }
0x3c8: {  	s3 =	simm.s32 $0x8010;
	v1 =	vld [tilespmem:s2+$0x0]  }
0x3c9: {  	s10 =	simm.s32 $0x10;
	s11 =	simm.s32 $0x20;
	v2 =	vld [tilespmem:s3+$0x0]  }
.LBB2_13:
0x3ca: {  	p0 =	seq.s32 s11, $0x7F0;
	_ =	sdelay $0x1  }
0x3cb: {  	s9 =	sadd.s32 $0x10, s9  }
0x3cc: {  	[tilespmem:s9+$0x0] =	vst v1  }
0x3cd: {  	vm0 =	vne.s32 v1, v2  }
0x3ce: {  	v2 =	vmpcnt.ones.xlane vm0  }
0x3cf: {  	s12 =	spop (v2sf)  }
0x3d0: {  	(v2sf) =	vpush v2, $0x0;
	s8 =	sadd.s32 s8, s12  }
0x3d1: {  	v2 =	vor.u32 s10, v0;
	s10 =	smov.u32 s11;
	[tilespmem:s8+$0x8000] =	vst.msk vm0, v1  }
0x3d2: {  	[tilespmem:s8+$0xA000] =	vst.msk vm0, v2;
	_ =	sdelay $0x1  }
.Ltmp9:
0x3d3: {  	(pc) =	sbr.rel @!p0 .LBB2_13-.Ltmp9, $4  }
0x3d4: {  	_ = 	snop  }
0x3d5: {  	s2 =	sadd.s32 $0x10, s2  }
0x3d6: {  	s3 =	sadd.s32 $0x10, s3;
	v1 =	vld [tilespmem:s2+$0x0]  }
0x3d7: {  	s11 =	sadd.s32 $0x10, s11;
	v2 =	vld [tilespmem:s3+$0x0]  }
0x3d8: {  	_ =	sdelay $0x3  }
0x3d9: {  	vm0 =	vne.s32 v1, v2  }
0x3da: {  	v2 =	vmpcnt.ones.xlane vm0;
	_ =	sdelay $0x1  }
0x3db: {  	(v2sf) =	vpush v2, $0x0;
	_ =	sdelay $0xb  }
0x3dc: {  	s2 =	sadd.s32 $0x10, s9;
	s3 =	spop (v2sf)  }
0x3dd: {  	[tilespmem:s2+$0x0] =	vst v1;
	s9 =	sadd.s32 s8, s3  }
0x3de: {  	v2 =	vor.u32 s10, v0;
	[tilespmem:s9+$0x8000] =	vst.msk vm0, v1  }
0x3df: {  	[tilespmem:s9+$0xA000] =	vst.msk vm0, v2;
	s10 =	spop (v2sf)  }
0x3e0: {  	_ =	swait.ge [sflag:s22], $0x80  }
0x3e1: {  	[sflag:s22] =	ssyncset.done $0x0  }
0x3e2: {  	[sflag:s22] =	ssyncadd.s32 $0xFFFFFF80  }
0x3e3: {  	_ =	swait.ge [sflag:s22], $0x80  }
0x3e4: {  	[sflag:s22] =	ssyncset.done $0x0  }
0x3e5: {  	[sflag:s22] =	ssyncadd.s32 $0xFFFFFF80  }
0x3e6: {  	_ =	swait.ge [sflag:s22], $0x80  }
0x3e7: {  	[sflag:s22] =	ssyncset.done $0x0  }
0x3e8: {  	[sflag:s22] =	ssyncadd.s32 $0xFFFFFF80  }
0x3e9: {  	_ =	swait.ge [sflag:s22], $0x80  }
0x3ea: {  	[sflag:s22] =	ssyncset.done $0x0  }
0x3eb: {  	[sflag:s22] =	ssyncadd.s32 $0xFFFFFF80  }
0x3ec: {  	_ =	swait.ge [sflag:s22], $0x80  }
0x3ed: {  	[sflag:s22] =	ssyncset.done $0x0  }
0x3ee: {  	[sflag:s22] =	ssyncadd.s32 $0xFFFFFF80  }
0x3ef: {  	_ =	swait.ge [sflag:s22], $0x80  }
0x3f0: {  	[sflag:s22] =	ssyncset.done $0x0  }
0x3f1: {  	[sflag:s22] =	ssyncadd.s32 $0xFFFFFF80  }
0x3f2: {  	_ =	swait.ge [sflag:s22], $0x80  }
0x3f3: {  	[sflag:s22] =	ssyncset.done $0x0  }
0x3f4: {  	[sflag:s22] =	ssyncadd.s32 $0xFFFFFF80  }
0x3f5: {  	_ =	swait.ge [sflag:s22], $0x80  }
0x3f6: {  	[sflag:s22] =	ssyncset.done $0x0  }
0x3f7: {  	[sflag:s22] =	ssyncadd.s32 $0xFFFFFF80  }
0x3f8: {  	_ =	swait.ge [sflag:s22], $0x80  }
0x3f9: {  	[sflag:s22] =	ssyncset.done $0x0  }
0x3fa: {  	[sflag:s22] =	ssyncadd.s32 $0xFFFFFF80  }
0x3fb: {  	_ =	swait.ge [sflag:s22], $0x80  }
0x3fc: {  	[sflag:s22] =	ssyncset.done $0x0  }
0x3fd: {  	[sflag:s22] =	ssyncadd.s32 $0xFFFFFF80  }
0x3fe: {  	_ =	swait.ge [sflag:s22], $0x80  }
0x3ff: {  	[sflag:s22] =	ssyncset.done $0x0  }
0x400: {  	[sflag:s22] =	ssyncadd.s32 $0xFFFFFF80  }
0x401: {  	_ =	swait.ge [sflag:s22], $0x80  }
0x402: {  	[sflag:s22] =	ssyncset.done $0x0  }
0x403: {  	[sflag:s22] =	ssyncadd.s32 $0xFFFFFF80  }
0x404: {  	_ =	swait.ge [sflag:s22], $0x80  }
0x405: {  	[sflag:s22] =	ssyncset.done $0x0  }
0x406: {  	[sflag:s22] =	ssyncadd.s32 $0xFFFFFF80  }
0x407: {  	_ =	swait.ge [sflag:s22], $0x80  }
0x408: {  	[sflag:s22] =	ssyncset.done $0x0  }
0x409: {  	[sflag:s22] =	ssyncadd.s32 $0xFFFFFF80  }
0x40a: {  	_ =	swait.ge [sflag:s22], $0x80  }
0x40b: {  	[sflag:s22] =	ssyncset.done $0x0  }
0x40c: {  	[sflag:s22] =	ssyncadd.s32 $0xFFFFFF80  }
0x40d: {  	_ =	swait.ge [sflag:s22], $0x80  }
0x40e: {  	[sflag:s22] =	ssyncset.done $0x0  }
0x40f: {  	s12 =	simm.s32 $0xC800;
	[sflag:s22] =	ssyncadd.s32 $0xFFFFFF80  }
0x410: {  	s14 =	simm.s32 $0x8800;
	v1 =	vld [tilespmem:s12+$0x0]  }
0x411: {  	v2 =	vld [tilespmem:s14+$0x0];
	_ =	sdelay $0x4  }
0x412: {  	vm15 =	vne.s32 v1, v2  }
0x413: {  	v3 =	vmpcnt.ones.xlane vm15;
	_ =	sdelay $0x1  }
0x414: {  	(v2sf) =	vpush v3, $0x0;
	_ =	sdelay $0x2  }
0x415: {  	s8 =	sadd.s32 s9, s10;
	s9 =	simm.s32 $0xE800  }
0x416: {  	s11 =	simm.s32 $0x800;
	[tilespmem:s9+$0x0] =	vst v1  }
0x417: {  	v2 =	vor.u32 s11, v0;
	[tilespmem:s8+$0x8000] =	vst.msk vm15, v1  }
0x418: {  	s2 =	simm.s32 $0xC810;
	[tilespmem:s8+$0xA000] =	vst.msk vm15, v2  }
0x419: {  	s3 =	simm.s32 $0x8810;
	v1 =	vld [tilespmem:s2+$0x0]  }
0x41a: {  	s10 =	simm.s32 $0x810;
	s11 =	simm.s32 $0x820;
	v2 =	vld [tilespmem:s3+$0x0]  }
.LBB2_15:
0x41b: {  	p0 =	seq.s32 s11, $0xFF0;
	_ =	sdelay $0x1  }
0x41c: {  	s9 =	sadd.s32 $0x10, s9  }
0x41d: {  	[tilespmem:s9+$0x0] =	vst v1  }
0x41e: {  	vm0 =	vne.s32 v1, v2  }
0x41f: {  	v2 =	vmpcnt.ones.xlane vm0  }
0x420: {  	s12 =	spop (v2sf)  }
0x421: {  	(v2sf) =	vpush v2, $0x0;
	s8 =	sadd.s32 s8, s12  }
0x422: {  	v2 =	vor.u32 s10, v0;
	s10 =	smov.u32 s11;
	[tilespmem:s8+$0x8000] =	vst.msk vm0, v1  }
0x423: {  	[tilespmem:s8+$0xA000] =	vst.msk vm0, v2;
	_ =	sdelay $0x1  }
.Ltmp10:
0x424: {  	(pc) =	sbr.rel @!p0 .LBB2_15-.Ltmp10, $4  }
0x425: {  	_ = 	snop  }
0x426: {  	s2 =	sadd.s32 $0x10, s2  }
0x427: {  	s3 =	sadd.s32 $0x10, s3;
	v1 =	vld [tilespmem:s2+$0x0]  }
0x428: {  	s11 =	sadd.s32 $0x10, s11;
	v2 =	vld [tilespmem:s3+$0x0]  }
0x429: {  	_ =	sdelay $0x3  }
0x42a: {  	vm0 =	vne.s32 v1, v2  }
0x42b: {  	v2 =	vmpcnt.ones.xlane vm0;
	_ =	sdelay $0x1  }
0x42c: {  	(v2sf) =	vpush v2, $0x0;
	_ =	sdelay $0xb  }
0x42d: {  	s2 =	sadd.s32 $0x10, s9;
	s3 =	spop (v2sf)  }
0x42e: {  	[tilespmem:s2+$0x0] =	vst v1;
	s9 =	sadd.s32 s8, s3  }
0x42f: {  	v2 =	vor.u32 s10, v0;
	[tilespmem:s9+$0x8000] =	vst.msk vm0, v1  }
0x430: {  	[tilespmem:s9+$0xA000] =	vst.msk vm0, v2;
	s10 =	spop (v2sf)  }
0x431: {  	_ =	swait.ge [sflag:s23], $0x80  }
0x432: {  	[sflag:s23] =	ssyncset.done $0x0  }
0x433: {  	[sflag:s23] =	ssyncadd.s32 $0xFFFFFF80  }
0x434: {  	_ =	swait.ge [sflag:s23], $0x80  }
0x435: {  	[sflag:s23] =	ssyncset.done $0x0  }
0x436: {  	[sflag:s23] =	ssyncadd.s32 $0xFFFFFF80  }
0x437: {  	_ =	swait.ge [sflag:s23], $0x80  }
0x438: {  	[sflag:s23] =	ssyncset.done $0x0  }
0x439: {  	[sflag:s23] =	ssyncadd.s32 $0xFFFFFF80  }
0x43a: {  	_ =	swait.ge [sflag:s23], $0x80  }
0x43b: {  	[sflag:s23] =	ssyncset.done $0x0  }
0x43c: {  	[sflag:s23] =	ssyncadd.s32 $0xFFFFFF80  }
0x43d: {  	_ =	swait.ge [sflag:s23], $0x80  }
0x43e: {  	[sflag:s23] =	ssyncset.done $0x0  }
0x43f: {  	[sflag:s23] =	ssyncadd.s32 $0xFFFFFF80  }
0x440: {  	_ =	swait.ge [sflag:s23], $0x80  }
0x441: {  	[sflag:s23] =	ssyncset.done $0x0  }
0x442: {  	[sflag:s23] =	ssyncadd.s32 $0xFFFFFF80  }
0x443: {  	_ =	swait.ge [sflag:s23], $0x80  }
0x444: {  	[sflag:s23] =	ssyncset.done $0x0  }
0x445: {  	[sflag:s23] =	ssyncadd.s32 $0xFFFFFF80  }
0x446: {  	_ =	swait.ge [sflag:s23], $0x80  }
0x447: {  	[sflag:s23] =	ssyncset.done $0x0  }
0x448: {  	[sflag:s23] =	ssyncadd.s32 $0xFFFFFF80  }
0x449: {  	_ =	swait.ge [sflag:s23], $0x80  }
0x44a: {  	[sflag:s23] =	ssyncset.done $0x0  }
0x44b: {  	[sflag:s23] =	ssyncadd.s32 $0xFFFFFF80  }
0x44c: {  	_ =	swait.ge [sflag:s23], $0x80  }
0x44d: {  	[sflag:s23] =	ssyncset.done $0x0  }
0x44e: {  	[sflag:s23] =	ssyncadd.s32 $0xFFFFFF80  }
0x44f: {  	_ =	swait.ge [sflag:s23], $0x80  }
0x450: {  	[sflag:s23] =	ssyncset.done $0x0  }
0x451: {  	[sflag:s23] =	ssyncadd.s32 $0xFFFFFF80  }
0x452: {  	_ =	swait.ge [sflag:s23], $0x80  }
0x453: {  	[sflag:s23] =	ssyncset.done $0x0  }
0x454: {  	[sflag:s23] =	ssyncadd.s32 $0xFFFFFF80  }
0x455: {  	_ =	swait.ge [sflag:s23], $0x80  }
0x456: {  	[sflag:s23] =	ssyncset.done $0x0  }
0x457: {  	[sflag:s23] =	ssyncadd.s32 $0xFFFFFF80  }
0x458: {  	_ =	swait.ge [sflag:s23], $0x80  }
0x459: {  	[sflag:s23] =	ssyncset.done $0x0  }
0x45a: {  	[sflag:s23] =	ssyncadd.s32 $0xFFFFFF80  }
0x45b: {  	_ =	swait.ge [sflag:s23], $0x80  }
0x45c: {  	[sflag:s23] =	ssyncset.done $0x0  }
0x45d: {  	[sflag:s23] =	ssyncadd.s32 $0xFFFFFF80  }
0x45e: {  	_ =	swait.ge [sflag:s23], $0x80  }
0x45f: {  	[sflag:s23] =	ssyncset.done $0x0  }
0x460: {  	s12 =	simm.s32 $0xD000;
	[sflag:s23] =	ssyncadd.s32 $0xFFFFFF80  }
0x461: {  	s14 =	simm.s32 $0x9000;
	v1 =	vld [tilespmem:s12+$0x0]  }
0x462: {  	v2 =	vld [tilespmem:s14+$0x0];
	_ =	sdelay $0x4  }
0x463: {  	vm15 =	vne.s32 v1, v2  }
0x464: {  	v3 =	vmpcnt.ones.xlane vm15;
	_ =	sdelay $0x1  }
0x465: {  	(v2sf) =	vpush v3, $0x0;
	_ =	sdelay $0x2  }
0x466: {  	s8 =	sadd.s32 s9, s10;
	s9 =	simm.s32 $0xF000  }
0x467: {  	s11 =	simm.s32 $0x1000;
	[tilespmem:s9+$0x0] =	vst v1  }
0x468: {  	v2 =	vor.u32 s11, v0;
	[tilespmem:s8+$0x8000] =	vst.msk vm15, v1  }
0x469: {  	s2 =	simm.s32 $0xD010;
	[tilespmem:s8+$0xA000] =	vst.msk vm15, v2  }
0x46a: {  	s3 =	simm.s32 $0x9010;
	v1 =	vld [tilespmem:s2+$0x0]  }
0x46b: {  	s10 =	simm.s32 $0x1010;
	s11 =	simm.s32 $0x1020;
	v2 =	vld [tilespmem:s3+$0x0]  }
.LBB2_17:
0x46c: {  	p0 =	seq.s32 s11, $0x17F0;
	_ =	sdelay $0x1  }
0x46d: {  	s9 =	sadd.s32 $0x10, s9  }
0x46e: {  	[tilespmem:s9+$0x0] =	vst v1  }
0x46f: {  	vm0 =	vne.s32 v1, v2  }
0x470: {  	v2 =	vmpcnt.ones.xlane vm0  }
0x471: {  	s12 =	spop (v2sf)  }
0x472: {  	(v2sf) =	vpush v2, $0x0;
	s8 =	sadd.s32 s8, s12  }
0x473: {  	v2 =	vor.u32 s10, v0;
	s10 =	smov.u32 s11;
	[tilespmem:s8+$0x8000] =	vst.msk vm0, v1  }
0x474: {  	[tilespmem:s8+$0xA000] =	vst.msk vm0, v2;
	_ =	sdelay $0x1  }
.Ltmp11:
0x475: {  	(pc) =	sbr.rel @!p0 .LBB2_17-.Ltmp11, $4  }
0x476: {  	_ = 	snop  }
0x477: {  	s2 =	sadd.s32 $0x10, s2  }
0x478: {  	s3 =	sadd.s32 $0x10, s3;
	v1 =	vld [tilespmem:s2+$0x0]  }
0x479: {  	s11 =	sadd.s32 $0x10, s11;
	v2 =	vld [tilespmem:s3+$0x0]  }
0x47a: {  	_ =	sdelay $0x3  }
0x47b: {  	vm0 =	vne.s32 v1, v2  }
0x47c: {  	v2 =	vmpcnt.ones.xlane vm0;
	_ =	sdelay $0x1  }
0x47d: {  	(v2sf) =	vpush v2, $0x0;
	_ =	sdelay $0xb  }
0x47e: {  	s2 =	sadd.s32 $0x10, s9;
	s3 =	spop (v2sf)  }
0x47f: {  	[tilespmem:s2+$0x0] =	vst v1;
	s9 =	sadd.s32 s8, s3  }
0x480: {  	v2 =	vor.u32 s10, v0;
	[tilespmem:s9+$0x8000] =	vst.msk vm0, v1  }
0x481: {  	[tilespmem:s9+$0xA000] =	vst.msk vm0, v2;
	s10 =	spop (v2sf)  }
0x482: {  	_ =	swait.ge [sflag:s24], $0x80  }
0x483: {  	[sflag:s24] =	ssyncset.done $0x0  }
0x484: {  	[sflag:s24] =	ssyncadd.s32 $0xFFFFFF80  }
0x485: {  	_ =	swait.ge [sflag:s24], $0x80  }
0x486: {  	[sflag:s24] =	ssyncset.done $0x0  }
0x487: {  	[sflag:s24] =	ssyncadd.s32 $0xFFFFFF80  }
0x488: {  	_ =	swait.ge [sflag:s24], $0x80  }
0x489: {  	[sflag:s24] =	ssyncset.done $0x0  }
0x48a: {  	[sflag:s24] =	ssyncadd.s32 $0xFFFFFF80  }
0x48b: {  	_ =	swait.ge [sflag:s24], $0x80  }
0x48c: {  	[sflag:s24] =	ssyncset.done $0x0  }
0x48d: {  	[sflag:s24] =	ssyncadd.s32 $0xFFFFFF80  }
0x48e: {  	_ =	swait.ge [sflag:s24], $0x80  }
0x48f: {  	[sflag:s24] =	ssyncset.done $0x0  }
0x490: {  	[sflag:s24] =	ssyncadd.s32 $0xFFFFFF80  }
0x491: {  	_ =	swait.ge [sflag:s24], $0x80  }
0x492: {  	[sflag:s24] =	ssyncset.done $0x0  }
0x493: {  	[sflag:s24] =	ssyncadd.s32 $0xFFFFFF80  }
0x494: {  	_ =	swait.ge [sflag:s24], $0x80  }
0x495: {  	[sflag:s24] =	ssyncset.done $0x0  }
0x496: {  	[sflag:s24] =	ssyncadd.s32 $0xFFFFFF80  }
0x497: {  	_ =	swait.ge [sflag:s24], $0x80  }
0x498: {  	[sflag:s24] =	ssyncset.done $0x0  }
0x499: {  	[sflag:s24] =	ssyncadd.s32 $0xFFFFFF80  }
0x49a: {  	_ =	swait.ge [sflag:s24], $0x80  }
0x49b: {  	[sflag:s24] =	ssyncset.done $0x0  }
0x49c: {  	[sflag:s24] =	ssyncadd.s32 $0xFFFFFF80  }
0x49d: {  	_ =	swait.ge [sflag:s24], $0x80  }
0x49e: {  	[sflag:s24] =	ssyncset.done $0x0  }
0x49f: {  	[sflag:s24] =	ssyncadd.s32 $0xFFFFFF80  }
0x4a0: {  	_ =	swait.ge [sflag:s24], $0x80  }
0x4a1: {  	[sflag:s24] =	ssyncset.done $0x0  }
0x4a2: {  	[sflag:s24] =	ssyncadd.s32 $0xFFFFFF80  }
0x4a3: {  	_ =	swait.ge [sflag:s24], $0x80  }
0x4a4: {  	[sflag:s24] =	ssyncset.done $0x0  }
0x4a5: {  	[sflag:s24] =	ssyncadd.s32 $0xFFFFFF80  }
0x4a6: {  	_ =	swait.ge [sflag:s24], $0x80  }
0x4a7: {  	[sflag:s24] =	ssyncset.done $0x0  }
0x4a8: {  	[sflag:s24] =	ssyncadd.s32 $0xFFFFFF80  }
0x4a9: {  	_ =	swait.ge [sflag:s24], $0x80  }
0x4aa: {  	[sflag:s24] =	ssyncset.done $0x0  }
0x4ab: {  	[sflag:s24] =	ssyncadd.s32 $0xFFFFFF80  }
0x4ac: {  	_ =	swait.ge [sflag:s24], $0x80  }
0x4ad: {  	[sflag:s24] =	ssyncset.done $0x0  }
0x4ae: {  	[sflag:s24] =	ssyncadd.s32 $0xFFFFFF80  }
0x4af: {  	_ =	swait.ge [sflag:s24], $0x80  }
0x4b0: {  	[sflag:s24] =	ssyncset.done $0x0  }
0x4b1: {  	s12 =	simm.s32 $0xD800;
	[sflag:s24] =	ssyncadd.s32 $0xFFFFFF80  }
0x4b2: {  	s14 =	simm.s32 $0x9800;
	v1 =	vld [tilespmem:s12+$0x0]  }
0x4b3: {  	v2 =	vld [tilespmem:s14+$0x0];
	_ =	sdelay $0x4  }
0x4b4: {  	vm15 =	vne.s32 v1, v2  }
0x4b5: {  	v3 =	vmpcnt.ones.xlane vm15;
	_ =	sdelay $0x1  }
0x4b6: {  	(v2sf) =	vpush v3, $0x0;
	_ =	sdelay $0x2  }
0x4b7: {  	s8 =	sadd.s32 s9, s10;
	s9 =	simm.s32 $0xF800  }
0x4b8: {  	s11 =	simm.s32 $0x1800;
	[tilespmem:s9+$0x0] =	vst v1  }
0x4b9: {  	v2 =	vor.u32 s11, v0;
	[tilespmem:s8+$0x8000] =	vst.msk vm15, v1  }
0x4ba: {  	s2 =	simm.s32 $0xD810;
	[tilespmem:s8+$0xA000] =	vst.msk vm15, v2  }
0x4bb: {  	s3 =	simm.s32 $0x9810;
	v1 =	vld [tilespmem:s2+$0x0]  }
0x4bc: {  	s10 =	simm.s32 $0x1810;
	s11 =	simm.s32 $0x1820;
	v2 =	vld [tilespmem:s3+$0x0]  }
.LBB2_19:
0x4bd: {  	p0 =	sne.s32 s11, $0x1FF0;
	_ =	sdelay $0x1  }
0x4be: {  	s9 =	sadd.s32 $0x10, s9  }
0x4bf: {  	[tilespmem:s9+$0x0] =	vst v1  }
0x4c0: {  	vm0 =	vne.s32 v1, v2  }
0x4c1: {  	v2 =	vmpcnt.ones.xlane vm0  }
0x4c2: {  	s12 =	spop (v2sf)  }
0x4c3: {  	(v2sf) =	vpush v2, $0x0;
	s8 =	sadd.s32 s8, s12  }
0x4c4: {  	v2 =	vor.u32 s10, v0;
	s10 =	smov.u32 s11;
	[tilespmem:s8+$0x8000] =	vst.msk vm0, v1  }
0x4c5: {  	[tilespmem:s8+$0xA000] =	vst.msk vm0, v2;
	_ =	sdelay $0x1  }
.Ltmp12:
0x4c6: {  	(pc) =	sbr.rel @p0 .LBB2_19-.Ltmp12, $4  }
0x4c7: {  	_ = 	snop  }
0x4c8: {  	s2 =	sadd.s32 $0x10, s2  }
0x4c9: {  	s3 =	sadd.s32 $0x10, s3;
	v1 =	vld [tilespmem:s2+$0x0]  }
0x4ca: {  	s11 =	sadd.s32 $0x10, s11;
	v2 =	vld [tilespmem:s3+$0x0]  }
0x4cb: {  	_ =	sdelay $0x3  }
0x4cc: {  	vm0 =	vne.s32 v1, v2  }
0x4cd: {  	v2 =	vmpcnt.ones.xlane vm0;
	_ =	sdelay $0x1  }
0x4ce: {  	(v2sf) =	vpush v2, $0x0;
	_ =	sdelay $0xd  }
0x4cf: {  	s2 =	spop (v2sf)  }
0x4d0: {  	s2 =	sadd.s32 s8, s2;
	s3 =	spop (v2sf)  }
0x4d1: {  	s8 =	sadd.s32 s2, s3  }
0x4d2: {  	s3 =	sadd.s32 $0x7F, s8  }
0x4d3: {  	s11 =	sand.u32 $0x7F, s3  }
0x4d4: {  	s14 =	sshra.s32 s3, $0x1F;
	p1 =	slt.s32 s3, $0x1;
	p0 =	sne.s32 s11, $0x0  }
0x4d5: {  	s11 =	sshrl.u32 s14, $0x19;
	p0 =	por !p1, !p0  }
0x4d6: {  	s3 =	sadd.s32 s11, s3;
	s11 =	simm.s32 $0x1;
	p0 =	por !p0, !p0  }
0x4d7: {  	s9 =	sadd.s32 $0x10, s9;
	s3 =	sshra.s32 s3, $0x7;
	s11 =	simm.s32 @!p0 $0x0  }
0x4d8: {  	[tilespmem:s9+$0x0] =	vst v1;
	s9 =	ssub.s32 s3, s11  }
0x4d9: {  	p0 =	sgt.s32 s9, $0x0  }
.Ltmp13:
0x4da: {  	_ = 	snop;
	(pc) =	sbr.rel @!p0 .LBB2_23-.Ltmp13, $3  }
0x4db: {  	_ =	sdelay $0x1  }
0x4dc: {  	v2 =	vor.u32 s10, v0;
	[tilespmem:s2+$0x8000] =	vst.msk vm0, v1  }
0x4dd: {  	[tilespmem:s2+$0xA000] =	vst.msk vm0, v2  }
0x4de: {  	p0 =	seq.s32 s9, $0x1  }
.Ltmp14:
0x4df: {  	_ = 	snop;
	(pc) =	sbr.rel @p0 .LBB2_23-.Ltmp14, $3  }
0x4e0: {  	_ =	sdelay $0x1  }
0x4e1: {  	s2 =	simm.s32 $0xC000;
	s3 =	simm.s32 $0x8000;
	s9 =	sadd.s32 $0xFFFFFFFF, s9  }
0x4e2: {  	[tilespmem:s2], [sflag:$0x5] =	stream.indirect.gather [hbm4b:s1+s13], $0x1, s3, s13, $0xb8;
	[tilespmem:$0x18000] =	vst v63  }
.LBB2_22:
0x4e3: {  	p0 =	seq.s32 s9, $0x1  }
.Ltmp15:
0x4e4: {  	_ = 	snop;
	(pc) =	sbr.rel @!p0 .LBB2_22-.Ltmp15, $4  }
0x4e5: {  	_ = 	snop  }
0x4e6: {  	s2 =	sadd.s32 $0x80, s2;
	s3 =	sadd.s32 $0x80, s3  }
0x4e7: {  	s9 =	sadd.s32 $0xFFFFFFFF, s9  }
0x4e8: {  	[tilespmem:s2], [sflag:$0x5] =	stream.indirect.gather [hbm4b:s1+s13], $0x1, s3, s13, $0xb8;
	[tilespmem:$0x18000] =	vst v63  }
.LBB2_23:
0x4e9: {  	p2 =	sgt.s32 s7, $0x0  }
0x4ea: {  	p0 =	sgt.s32 @!p2 s8, $0x0  }
0x4eb: {  	p0 =	por p2, p0  }
.Ltmp16:
0x4ec: {  	_ = 	snop;
	(pc) =	sbr.rel @p0 .LBB2_24-.Ltmp16, $1  }
0x4ed: {  	_ =	sdelay $0x3  }
.LBB2_54:
0x4ee: {  	s7 =	simm.s32 $0x6000;
	s2 =	rddreg [dreg:$0x8];
	s3 =	simm.s32 $0x400  }
0x4ef: {  	[hbm4b:s2+s13] =	stream.strided.scatter [tilespmem:s7], [sflag:$0x11], $0x2000, s3, s13, $0x38;
	[tilespmem:$0x18000] =	vst v63  }
0x4f0: {  	_ =	swait.ge [sflag:s16], $0x2000  }
0x4f1: {  	[sflag:s16] =	ssyncset.done $0x0  }
0x4f2: {  	s11 =	rddreg [dreg:$0x9];
	[sflag:s16] =	ssyncadd.s32 $0xFFFFE000  }
0x4f3: {  	[hbm4b:s11+s13] =	stream.strided.scatter [tilespmem:s26], [sflag:$0x11], $0x2000, s3, s13, $0x38;
	[tilespmem:$0x18000] =	vst v63  }
0x4f4: {  	_ =	swait.ge [sflag:s16], $0x2000  }
0x4f5: {  	[sflag:s16] =	ssyncset.done $0x0  }
0x4f6: {  	[sflag:s16] =	ssyncadd.s32 $0xFFFFE000  }
0x4f7: {  	_ =	swait.ge [sflag:s28], $0x80  }
0x4f8: {  	[sflag:s28] =	ssyncset.done $0x0  }
0x4f9: {  	[sflag:s28] =	ssyncadd.s32 $0xFFFFFF80  }
0x4fa: {  	_ =	swait.ge [sflag:s28], $0x80  }
0x4fb: {  	[sflag:s28] =	ssyncset.done $0x0  }
0x4fc: {  	[sflag:s28] =	ssyncadd.s32 $0xFFFFFF80  }
0x4fd: {  	_ =	swait.ge [sflag:s28], $0x80  }
0x4fe: {  	[sflag:s28] =	ssyncset.done $0x0  }
0x4ff: {  	[sflag:s28] =	ssyncadd.s32 $0xFFFFFF80  }
0x500: {  	_ =	swait.ge [sflag:s28], $0x80  }
0x501: {  	[sflag:s28] =	ssyncset.done $0x0  }
0x502: {  	[sflag:s28] =	ssyncadd.s32 $0xFFFFFF80  }
0x503: {  	_ =	swait.ge [sflag:s28], $0x80  }
0x504: {  	[sflag:s28] =	ssyncset.done $0x0  }
0x505: {  	[sflag:s28] =	ssyncadd.s32 $0xFFFFFF80  }
0x506: {  	_ =	swait.ge [sflag:s28], $0x80  }
0x507: {  	[sflag:s28] =	ssyncset.done $0x0  }
0x508: {  	[sflag:s28] =	ssyncadd.s32 $0xFFFFFF80  }
0x509: {  	_ =	swait.ge [sflag:s28], $0x80  }
0x50a: {  	[sflag:s28] =	ssyncset.done $0x0  }
0x50b: {  	[sflag:s28] =	ssyncadd.s32 $0xFFFFFF80  }
0x50c: {  	_ =	swait.ge [sflag:s28], $0x80  }
0x50d: {  	[sflag:s28] =	ssyncset.done $0x0  }
0x50e: {  	[sflag:s28] =	ssyncadd.s32 $0xFFFFFF80  }
0x50f: {  	_ =	swait.ge [sflag:s28], $0x80  }
0x510: {  	[sflag:s28] =	ssyncset.done $0x0  }
0x511: {  	[sflag:s28] =	ssyncadd.s32 $0xFFFFFF80  }
0x512: {  	_ =	swait.ge [sflag:s28], $0x80  }
0x513: {  	[sflag:s28] =	ssyncset.done $0x0  }
0x514: {  	[sflag:s28] =	ssyncadd.s32 $0xFFFFFF80  }
0x515: {  	_ =	swait.ge [sflag:s28], $0x80  }
0x516: {  	[sflag:s28] =	ssyncset.done $0x0  }
0x517: {  	[sflag:s28] =	ssyncadd.s32 $0xFFFFFF80  }
0x518: {  	_ =	swait.ge [sflag:s28], $0x80  }
0x519: {  	[sflag:s28] =	ssyncset.done $0x0  }
0x51a: {  	[sflag:s28] =	ssyncadd.s32 $0xFFFFFF80  }
0x51b: {  	_ =	swait.ge [sflag:s28], $0x80  }
0x51c: {  	[sflag:s28] =	ssyncset.done $0x0  }
0x51d: {  	[sflag:s28] =	ssyncadd.s32 $0xFFFFFF80  }
0x51e: {  	_ =	swait.ge [sflag:s28], $0x80  }
0x51f: {  	[sflag:s28] =	ssyncset.done $0x0  }
0x520: {  	[sflag:s28] =	ssyncadd.s32 $0xFFFFFF80  }
0x521: {  	_ =	swait.ge [sflag:s28], $0x80  }
0x522: {  	[sflag:s28] =	ssyncset.done $0x0  }
0x523: {  	[sflag:s28] =	ssyncadd.s32 $0xFFFFFF80  }
0x524: {  	_ =	swait.ge [sflag:s28], $0x80  }
0x525: {  	[sflag:s28] =	ssyncset.done $0x0  }
0x526: {  	s12 =	simm.s32 $0x12000;
	[sflag:s28] =	ssyncadd.s32 $0xFFFFFF80  }
0x527: {  	s14 =	simm.s32 $0x10000;
	v1 =	vld [tilespmem:s12+$0x0]  }
0x528: {  	v2 =	vld [tilespmem:s14+$0x0];
	_ =	sdelay $0x4  }
0x529: {  	vm0 =	vne.s32 v1, v2  }
0x52a: {  	v3 =	vmpcnt.ones.xlane vm0;
	_ =	sdelay $0x1  }
0x52b: {  	(v2sf) =	vpush v3, $0x0;
	_ =	sdelay $0x3  }
0x52c: {  	s8 =	simm.s32 $0x0;
	[tilespmem:s7+$0x0] =	vst v1  }
0x52d: {  	v2 =	vor.u32 s8, v0;
	[tilespmem:s8+$0x10000] =	vst.msk vm0, v1  }
0x52e: {  	s2 =	simm.s32 $0x12010;
	[tilespmem:s8+$0x2000] =	vst.msk vm0, v2  }
0x52f: {  	s3 =	simm.s32 $0x10010;
	v1 =	vld [tilespmem:s2+$0x0]  }
0x530: {  	s9 =	simm.s32 $0x10;
	s10 =	simm.s32 $0x20;
	v2 =	vld [tilespmem:s3+$0x0]  }
.LBB2_55:
0x531: {  	p0 =	seq.s32 s10, $0x7F0;
	_ =	sdelay $0x1  }
0x532: {  	s7 =	sadd.s32 $0x10, s7  }
0x533: {  	[tilespmem:s7+$0x0] =	vst v1  }
0x534: {  	vm0 =	vne.s32 v1, v2  }
0x535: {  	v2 =	vmpcnt.ones.xlane vm0  }
0x536: {  	s6 =	spop (v2sf)  }
0x537: {  	(v2sf) =	vpush v2, $0x0;
	s8 =	sadd.s32 s8, s6  }
0x538: {  	v2 =	vor.u32 s9, v0;
	s9 =	smov.u32 s10;
	[tilespmem:s8+$0x10000] =	vst.msk vm0, v1  }
0x539: {  	[tilespmem:s8+$0x2000] =	vst.msk vm0, v2;
	_ =	sdelay $0x1  }
.Ltmp17:
0x53a: {  	(pc) =	sbr.rel @!p0 .LBB2_55-.Ltmp17, $4  }
0x53b: {  	_ = 	snop  }
0x53c: {  	s2 =	sadd.s32 $0x10, s2  }
0x53d: {  	s3 =	sadd.s32 $0x10, s3;
	v1 =	vld [tilespmem:s2+$0x0]  }
0x53e: {  	s10 =	sadd.s32 $0x10, s10;
	v2 =	vld [tilespmem:s3+$0x0]  }
0x53f: {  	_ =	sdelay $0x3  }
0x540: {  	vm0 =	vne.s32 v1, v2  }
0x541: {  	v2 =	vmpcnt.ones.xlane vm0;
	_ =	sdelay $0x1  }
0x542: {  	(v2sf) =	vpush v2, $0x0;
	_ =	sdelay $0xb  }
0x543: {  	s2 =	sadd.s32 $0x10, s7;
	s3 =	spop (v2sf)  }
0x544: {  	[tilespmem:s2+$0x0] =	vst v1;
	s8 =	sadd.s32 s8, s3  }
0x545: {  	v2 =	vor.u32 s9, v0;
	[tilespmem:s8+$0x10000] =	vst.msk vm0, v1  }
0x546: {  	[tilespmem:s8+$0x2000] =	vst.msk vm0, v2;
	s10 =	spop (v2sf)  }
0x547: {  	_ =	swait.ge [sflag:s29], $0x80  }
0x548: {  	[sflag:s29] =	ssyncset.done $0x0  }
0x549: {  	[sflag:s29] =	ssyncadd.s32 $0xFFFFFF80  }
0x54a: {  	_ =	swait.ge [sflag:s29], $0x80  }
0x54b: {  	[sflag:s29] =	ssyncset.done $0x0  }
0x54c: {  	[sflag:s29] =	ssyncadd.s32 $0xFFFFFF80  }
0x54d: {  	_ =	swait.ge [sflag:s29], $0x80  }
0x54e: {  	[sflag:s29] =	ssyncset.done $0x0  }
0x54f: {  	[sflag:s29] =	ssyncadd.s32 $0xFFFFFF80  }
0x550: {  	_ =	swait.ge [sflag:s29], $0x80  }
0x551: {  	[sflag:s29] =	ssyncset.done $0x0  }
0x552: {  	[sflag:s29] =	ssyncadd.s32 $0xFFFFFF80  }
0x553: {  	_ =	swait.ge [sflag:s29], $0x80  }
0x554: {  	[sflag:s29] =	ssyncset.done $0x0  }
0x555: {  	[sflag:s29] =	ssyncadd.s32 $0xFFFFFF80  }
0x556: {  	_ =	swait.ge [sflag:s29], $0x80  }
0x557: {  	[sflag:s29] =	ssyncset.done $0x0  }
0x558: {  	[sflag:s29] =	ssyncadd.s32 $0xFFFFFF80  }
0x559: {  	_ =	swait.ge [sflag:s29], $0x80  }
0x55a: {  	[sflag:s29] =	ssyncset.done $0x0  }
0x55b: {  	[sflag:s29] =	ssyncadd.s32 $0xFFFFFF80  }
0x55c: {  	_ =	swait.ge [sflag:s29], $0x80  }
0x55d: {  	[sflag:s29] =	ssyncset.done $0x0  }
0x55e: {  	[sflag:s29] =	ssyncadd.s32 $0xFFFFFF80  }
0x55f: {  	_ =	swait.ge [sflag:s29], $0x80  }
0x560: {  	[sflag:s29] =	ssyncset.done $0x0  }
0x561: {  	[sflag:s29] =	ssyncadd.s32 $0xFFFFFF80  }
0x562: {  	_ =	swait.ge [sflag:s29], $0x80  }
0x563: {  	[sflag:s29] =	ssyncset.done $0x0  }
0x564: {  	[sflag:s29] =	ssyncadd.s32 $0xFFFFFF80  }
0x565: {  	_ =	swait.ge [sflag:s29], $0x80  }
0x566: {  	[sflag:s29] =	ssyncset.done $0x0  }
0x567: {  	[sflag:s29] =	ssyncadd.s32 $0xFFFFFF80  }
0x568: {  	_ =	swait.ge [sflag:s29], $0x80  }
0x569: {  	[sflag:s29] =	ssyncset.done $0x0  }
0x56a: {  	[sflag:s29] =	ssyncadd.s32 $0xFFFFFF80  }
0x56b: {  	_ =	swait.ge [sflag:s29], $0x80  }
0x56c: {  	[sflag:s29] =	ssyncset.done $0x0  }
0x56d: {  	[sflag:s29] =	ssyncadd.s32 $0xFFFFFF80  }
0x56e: {  	_ =	swait.ge [sflag:s29], $0x80  }
0x56f: {  	[sflag:s29] =	ssyncset.done $0x0  }
0x570: {  	[sflag:s29] =	ssyncadd.s32 $0xFFFFFF80  }
0x571: {  	_ =	swait.ge [sflag:s29], $0x80  }
0x572: {  	[sflag:s29] =	ssyncset.done $0x0  }
0x573: {  	[sflag:s29] =	ssyncadd.s32 $0xFFFFFF80  }
0x574: {  	_ =	swait.ge [sflag:s29], $0x80  }
0x575: {  	[sflag:s29] =	ssyncset.done $0x0  }
0x576: {  	s12 =	simm.s32 $0x12800;
	[sflag:s29] =	ssyncadd.s32 $0xFFFFFF80  }
0x577: {  	s14 =	simm.s32 $0x10800;
	v1 =	vld [tilespmem:s12+$0x0]  }
0x578: {  	v2 =	vld [tilespmem:s14+$0x0];
	_ =	sdelay $0x4  }
0x579: {  	vm15 =	vne.s32 v1, v2  }
0x57a: {  	v3 =	vmpcnt.ones.xlane vm15;
	_ =	sdelay $0x1  }
0x57b: {  	(v2sf) =	vpush v3, $0x0;
	_ =	sdelay $0x2  }
0x57c: {  	s7 =	sadd.s32 s8, s10;
	s8 =	simm.s32 $0x6800  }
0x57d: {  	s11 =	simm.s32 $0x800;
	[tilespmem:s8+$0x0] =	vst v1  }
0x57e: {  	v2 =	vor.u32 s11, v0;
	[tilespmem:s7+$0x10000] =	vst.msk vm15, v1  }
0x57f: {  	s2 =	simm.s32 $0x12810;
	[tilespmem:s7+$0x2000] =	vst.msk vm15, v2  }
0x580: {  	s3 =	simm.s32 $0x10810;
	v1 =	vld [tilespmem:s2+$0x0]  }
0x581: {  	s9 =	simm.s32 $0x810;
	s10 =	simm.s32 $0x820;
	v2 =	vld [tilespmem:s3+$0x0]  }
.LBB2_57:
0x582: {  	p0 =	seq.s32 s10, $0xFF0;
	_ =	sdelay $0x1  }
0x583: {  	s8 =	sadd.s32 $0x10, s8  }
0x584: {  	[tilespmem:s8+$0x0] =	vst v1  }
0x585: {  	vm0 =	vne.s32 v1, v2  }
0x586: {  	v2 =	vmpcnt.ones.xlane vm0  }
0x587: {  	s6 =	spop (v2sf)  }
0x588: {  	(v2sf) =	vpush v2, $0x0;
	s7 =	sadd.s32 s7, s6  }
0x589: {  	v2 =	vor.u32 s9, v0;
	s9 =	smov.u32 s10;
	[tilespmem:s7+$0x10000] =	vst.msk vm0, v1  }
0x58a: {  	[tilespmem:s7+$0x2000] =	vst.msk vm0, v2;
	_ =	sdelay $0x1  }
.Ltmp18:
0x58b: {  	(pc) =	sbr.rel @!p0 .LBB2_57-.Ltmp18, $4  }
0x58c: {  	_ = 	snop  }
0x58d: {  	s2 =	sadd.s32 $0x10, s2  }
0x58e: {  	s3 =	sadd.s32 $0x10, s3;
	v1 =	vld [tilespmem:s2+$0x0]  }
0x58f: {  	s10 =	sadd.s32 $0x10, s10;
	v2 =	vld [tilespmem:s3+$0x0]  }
0x590: {  	_ =	sdelay $0x3  }
0x591: {  	vm0 =	vne.s32 v1, v2  }
0x592: {  	v2 =	vmpcnt.ones.xlane vm0;
	_ =	sdelay $0x1  }
0x593: {  	(v2sf) =	vpush v2, $0x0;
	_ =	sdelay $0xb  }
0x594: {  	s2 =	sadd.s32 $0x10, s8;
	s3 =	spop (v2sf)  }
0x595: {  	[tilespmem:s2+$0x0] =	vst v1;
	s8 =	sadd.s32 s7, s3  }
0x596: {  	v2 =	vor.u32 s9, v0;
	[tilespmem:s8+$0x10000] =	vst.msk vm0, v1  }
0x597: {  	[tilespmem:s8+$0x2000] =	vst.msk vm0, v2;
	s10 =	spop (v2sf)  }
0x598: {  	_ =	swait.ge [sflag:s30], $0x80  }
0x599: {  	[sflag:s30] =	ssyncset.done $0x0  }
0x59a: {  	[sflag:s30] =	ssyncadd.s32 $0xFFFFFF80  }
0x59b: {  	_ =	swait.ge [sflag:s30], $0x80  }
0x59c: {  	[sflag:s30] =	ssyncset.done $0x0  }
0x59d: {  	[sflag:s30] =	ssyncadd.s32 $0xFFFFFF80  }
0x59e: {  	_ =	swait.ge [sflag:s30], $0x80  }
0x59f: {  	[sflag:s30] =	ssyncset.done $0x0  }
0x5a0: {  	[sflag:s30] =	ssyncadd.s32 $0xFFFFFF80  }
0x5a1: {  	_ =	swait.ge [sflag:s30], $0x80  }
0x5a2: {  	[sflag:s30] =	ssyncset.done $0x0  }
0x5a3: {  	[sflag:s30] =	ssyncadd.s32 $0xFFFFFF80  }
0x5a4: {  	_ =	swait.ge [sflag:s30], $0x80  }
0x5a5: {  	[sflag:s30] =	ssyncset.done $0x0  }
0x5a6: {  	[sflag:s30] =	ssyncadd.s32 $0xFFFFFF80  }
0x5a7: {  	_ =	swait.ge [sflag:s30], $0x80  }
0x5a8: {  	[sflag:s30] =	ssyncset.done $0x0  }
0x5a9: {  	[sflag:s30] =	ssyncadd.s32 $0xFFFFFF80  }
0x5aa: {  	_ =	swait.ge [sflag:s30], $0x80  }
0x5ab: {  	[sflag:s30] =	ssyncset.done $0x0  }
0x5ac: {  	[sflag:s30] =	ssyncadd.s32 $0xFFFFFF80  }
0x5ad: {  	_ =	swait.ge [sflag:s30], $0x80  }
0x5ae: {  	[sflag:s30] =	ssyncset.done $0x0  }
0x5af: {  	[sflag:s30] =	ssyncadd.s32 $0xFFFFFF80  }
0x5b0: {  	_ =	swait.ge [sflag:s30], $0x80  }
0x5b1: {  	[sflag:s30] =	ssyncset.done $0x0  }
0x5b2: {  	[sflag:s30] =	ssyncadd.s32 $0xFFFFFF80  }
0x5b3: {  	_ =	swait.ge [sflag:s30], $0x80  }
0x5b4: {  	[sflag:s30] =	ssyncset.done $0x0  }
0x5b5: {  	[sflag:s30] =	ssyncadd.s32 $0xFFFFFF80  }
0x5b6: {  	_ =	swait.ge [sflag:s30], $0x80  }
0x5b7: {  	[sflag:s30] =	ssyncset.done $0x0  }
0x5b8: {  	[sflag:s30] =	ssyncadd.s32 $0xFFFFFF80  }
0x5b9: {  	_ =	swait.ge [sflag:s30], $0x80  }
0x5ba: {  	[sflag:s30] =	ssyncset.done $0x0  }
0x5bb: {  	[sflag:s30] =	ssyncadd.s32 $0xFFFFFF80  }
0x5bc: {  	_ =	swait.ge [sflag:s30], $0x80  }
0x5bd: {  	[sflag:s30] =	ssyncset.done $0x0  }
0x5be: {  	[sflag:s30] =	ssyncadd.s32 $0xFFFFFF80  }
0x5bf: {  	_ =	swait.ge [sflag:s30], $0x80  }
0x5c0: {  	[sflag:s30] =	ssyncset.done $0x0  }
0x5c1: {  	[sflag:s30] =	ssyncadd.s32 $0xFFFFFF80  }
0x5c2: {  	_ =	swait.ge [sflag:s30], $0x80  }
0x5c3: {  	[sflag:s30] =	ssyncset.done $0x0  }
0x5c4: {  	[sflag:s30] =	ssyncadd.s32 $0xFFFFFF80  }
0x5c5: {  	_ =	swait.ge [sflag:s30], $0x80  }
0x5c6: {  	[sflag:s30] =	ssyncset.done $0x0  }
0x5c7: {  	s12 =	simm.s32 $0x13000;
	[sflag:s30] =	ssyncadd.s32 $0xFFFFFF80  }
0x5c8: {  	s14 =	simm.s32 $0x11000;
	v1 =	vld [tilespmem:s12+$0x0]  }
0x5c9: {  	v2 =	vld [tilespmem:s14+$0x0];
	_ =	sdelay $0x4  }
0x5ca: {  	vm15 =	vne.s32 v1, v2  }
0x5cb: {  	v3 =	vmpcnt.ones.xlane vm15;
	_ =	sdelay $0x1  }
0x5cc: {  	(v2sf) =	vpush v3, $0x0;
	_ =	sdelay $0x2  }
0x5cd: {  	s7 =	sadd.s32 s8, s10;
	s8 =	simm.s32 $0x7000  }
0x5ce: {  	s11 =	simm.s32 $0x1000;
	[tilespmem:s8+$0x0] =	vst v1  }
0x5cf: {  	v2 =	vor.u32 s11, v0;
	[tilespmem:s7+$0x10000] =	vst.msk vm15, v1  }
0x5d0: {  	s2 =	simm.s32 $0x13010;
	[tilespmem:s7+$0x2000] =	vst.msk vm15, v2  }
0x5d1: {  	s3 =	simm.s32 $0x11010;
	v1 =	vld [tilespmem:s2+$0x0]  }
0x5d2: {  	s9 =	simm.s32 $0x1010;
	s10 =	simm.s32 $0x1020;
	v2 =	vld [tilespmem:s3+$0x0]  }
.LBB2_59:
0x5d3: {  	p0 =	seq.s32 s10, $0x17F0;
	_ =	sdelay $0x1  }
0x5d4: {  	s8 =	sadd.s32 $0x10, s8  }
0x5d5: {  	[tilespmem:s8+$0x0] =	vst v1  }
0x5d6: {  	vm0 =	vne.s32 v1, v2  }
0x5d7: {  	v2 =	vmpcnt.ones.xlane vm0  }
0x5d8: {  	s6 =	spop (v2sf)  }
0x5d9: {  	(v2sf) =	vpush v2, $0x0;
	s7 =	sadd.s32 s7, s6  }
0x5da: {  	v2 =	vor.u32 s9, v0;
	s9 =	smov.u32 s10;
	[tilespmem:s7+$0x10000] =	vst.msk vm0, v1  }
0x5db: {  	[tilespmem:s7+$0x2000] =	vst.msk vm0, v2;
	_ =	sdelay $0x1  }
.Ltmp19:
0x5dc: {  	(pc) =	sbr.rel @!p0 .LBB2_59-.Ltmp19, $4  }
0x5dd: {  	_ = 	snop  }
0x5de: {  	s2 =	sadd.s32 $0x10, s2  }
0x5df: {  	s3 =	sadd.s32 $0x10, s3;
	v1 =	vld [tilespmem:s2+$0x0]  }
0x5e0: {  	s10 =	sadd.s32 $0x10, s10;
	v2 =	vld [tilespmem:s3+$0x0]  }
0x5e1: {  	_ =	sdelay $0x3  }
0x5e2: {  	vm0 =	vne.s32 v1, v2  }
0x5e3: {  	v2 =	vmpcnt.ones.xlane vm0;
	_ =	sdelay $0x1  }
0x5e4: {  	(v2sf) =	vpush v2, $0x0;
	_ =	sdelay $0xb  }
0x5e5: {  	s2 =	sadd.s32 $0x10, s8;
	s3 =	spop (v2sf)  }
0x5e6: {  	[tilespmem:s2+$0x0] =	vst v1;
	s8 =	sadd.s32 s7, s3  }
0x5e7: {  	v2 =	vor.u32 s9, v0;
	[tilespmem:s8+$0x10000] =	vst.msk vm0, v1  }
0x5e8: {  	[tilespmem:s8+$0x2000] =	vst.msk vm0, v2;
	s10 =	spop (v2sf)  }
0x5e9: {  	_ =	swait.ge [sflag:s31], $0x80  }
0x5ea: {  	[sflag:s31] =	ssyncset.done $0x0  }
0x5eb: {  	[sflag:s31] =	ssyncadd.s32 $0xFFFFFF80  }
0x5ec: {  	_ =	swait.ge [sflag:s31], $0x80  }
0x5ed: {  	[sflag:s31] =	ssyncset.done $0x0  }
0x5ee: {  	[sflag:s31] =	ssyncadd.s32 $0xFFFFFF80  }
0x5ef: {  	_ =	swait.ge [sflag:s31], $0x80  }
0x5f0: {  	[sflag:s31] =	ssyncset.done $0x0  }
0x5f1: {  	[sflag:s31] =	ssyncadd.s32 $0xFFFFFF80  }
0x5f2: {  	_ =	swait.ge [sflag:s31], $0x80  }
0x5f3: {  	[sflag:s31] =	ssyncset.done $0x0  }
0x5f4: {  	[sflag:s31] =	ssyncadd.s32 $0xFFFFFF80  }
0x5f5: {  	_ =	swait.ge [sflag:s31], $0x80  }
0x5f6: {  	[sflag:s31] =	ssyncset.done $0x0  }
0x5f7: {  	[sflag:s31] =	ssyncadd.s32 $0xFFFFFF80  }
0x5f8: {  	_ =	swait.ge [sflag:s31], $0x80  }
0x5f9: {  	[sflag:s31] =	ssyncset.done $0x0  }
0x5fa: {  	[sflag:s31] =	ssyncadd.s32 $0xFFFFFF80  }
0x5fb: {  	_ =	swait.ge [sflag:s31], $0x80  }
0x5fc: {  	[sflag:s31] =	ssyncset.done $0x0  }
0x5fd: {  	[sflag:s31] =	ssyncadd.s32 $0xFFFFFF80  }
0x5fe: {  	_ =	swait.ge [sflag:s31], $0x80  }
0x5ff: {  	[sflag:s31] =	ssyncset.done $0x0  }
0x600: {  	[sflag:s31] =	ssyncadd.s32 $0xFFFFFF80  }
0x601: {  	_ =	swait.ge [sflag:s31], $0x80  }
0x602: {  	[sflag:s31] =	ssyncset.done $0x0  }
0x603: {  	[sflag:s31] =	ssyncadd.s32 $0xFFFFFF80  }
0x604: {  	_ =	swait.ge [sflag:s31], $0x80  }
0x605: {  	[sflag:s31] =	ssyncset.done $0x0  }
0x606: {  	[sflag:s31] =	ssyncadd.s32 $0xFFFFFF80  }
0x607: {  	_ =	swait.ge [sflag:s31], $0x80  }
0x608: {  	[sflag:s31] =	ssyncset.done $0x0  }
0x609: {  	[sflag:s31] =	ssyncadd.s32 $0xFFFFFF80  }
0x60a: {  	_ =	swait.ge [sflag:s31], $0x80  }
0x60b: {  	[sflag:s31] =	ssyncset.done $0x0  }
0x60c: {  	[sflag:s31] =	ssyncadd.s32 $0xFFFFFF80  }
0x60d: {  	_ =	swait.ge [sflag:s31], $0x80  }
0x60e: {  	[sflag:s31] =	ssyncset.done $0x0  }
0x60f: {  	[sflag:s31] =	ssyncadd.s32 $0xFFFFFF80  }
0x610: {  	_ =	swait.ge [sflag:s31], $0x80  }
0x611: {  	[sflag:s31] =	ssyncset.done $0x0  }
0x612: {  	[sflag:s31] =	ssyncadd.s32 $0xFFFFFF80  }
0x613: {  	_ =	swait.ge [sflag:s31], $0x80  }
0x614: {  	[sflag:s31] =	ssyncset.done $0x0  }
0x615: {  	[sflag:s31] =	ssyncadd.s32 $0xFFFFFF80  }
0x616: {  	_ =	swait.ge [sflag:s31], $0x80  }
0x617: {  	[sflag:s31] =	ssyncset.done $0x0  }
0x618: {  	s12 =	simm.s32 $0x13800;
	[sflag:s31] =	ssyncadd.s32 $0xFFFFFF80  }
0x619: {  	s14 =	simm.s32 $0x11800;
	v1 =	vld [tilespmem:s12+$0x0]  }
0x61a: {  	v2 =	vld [tilespmem:s14+$0x0];
	_ =	sdelay $0x4  }
0x61b: {  	vm15 =	vne.s32 v1, v2  }
0x61c: {  	v3 =	vmpcnt.ones.xlane vm15;
	_ =	sdelay $0x1  }
0x61d: {  	(v2sf) =	vpush v3, $0x0;
	_ =	sdelay $0x2  }
0x61e: {  	s7 =	sadd.s32 s8, s10;
	s8 =	simm.s32 $0x7800  }
0x61f: {  	s11 =	simm.s32 $0x1800;
	[tilespmem:s8+$0x0] =	vst v1  }
0x620: {  	v2 =	vor.u32 s11, v0;
	[tilespmem:s7+$0x10000] =	vst.msk vm15, v1  }
0x621: {  	s2 =	simm.s32 $0x13810;
	[tilespmem:s7+$0x2000] =	vst.msk vm15, v2  }
0x622: {  	s3 =	simm.s32 $0x11810;
	v1 =	vld [tilespmem:s2+$0x0]  }
0x623: {  	s9 =	simm.s32 $0x1810;
	s10 =	simm.s32 $0x1820;
	v2 =	vld [tilespmem:s3+$0x0]  }
.LBB2_61:
0x624: {  	p0 =	sne.s32 s10, $0x1FF0;
	_ =	sdelay $0x1  }
0x625: {  	s8 =	sadd.s32 $0x10, s8  }
0x626: {  	[tilespmem:s8+$0x0] =	vst v1  }
0x627: {  	vm0 =	vne.s32 v1, v2  }
0x628: {  	v2 =	vmpcnt.ones.xlane vm0  }
0x629: {  	s6 =	spop (v2sf)  }
0x62a: {  	(v2sf) =	vpush v2, $0x0;
	s7 =	sadd.s32 s7, s6  }
0x62b: {  	v2 =	vor.u32 s9, v0;
	s9 =	smov.u32 s10;
	[tilespmem:s7+$0x10000] =	vst.msk vm0, v1  }
0x62c: {  	[tilespmem:s7+$0x2000] =	vst.msk vm0, v2;
	_ =	sdelay $0x1  }
.Ltmp20:
0x62d: {  	(pc) =	sbr.rel @p0 .LBB2_61-.Ltmp20, $4  }
0x62e: {  	_ = 	snop  }
0x62f: {  	s2 =	sadd.s32 $0x10, s2  }
0x630: {  	s3 =	sadd.s32 $0x10, s3;
	v1 =	vld [tilespmem:s2+$0x0]  }
0x631: {  	s10 =	sadd.s32 $0x10, s10;
	v2 =	vld [tilespmem:s3+$0x0]  }
0x632: {  	_ =	sdelay $0x3  }
0x633: {  	vm0 =	vne.s32 v1, v2  }
0x634: {  	v2 =	vmpcnt.ones.xlane vm0;
	_ =	sdelay $0x1  }
0x635: {  	(v2sf) =	vpush v2, $0x0;
	_ =	sdelay $0xd  }
0x636: {  	s2 =	spop (v2sf)  }
0x637: {  	s2 =	sadd.s32 s7, s2;
	s3 =	spop (v2sf)  }
0x638: {  	s7 =	sadd.s32 s2, s3  }
0x639: {  	s3 =	sadd.s32 $0x7F, s7  }
0x63a: {  	s6 =	sand.u32 $0x7F, s3  }
0x63b: {  	s14 =	sshra.s32 s3, $0x1F;
	p1 =	slt.s32 s3, $0x1;
	p0 =	sne.s32 s6, $0x0  }
0x63c: {  	s6 =	sshrl.u32 s14, $0x19;
	p0 =	por !p1, !p0  }
0x63d: {  	s3 =	sadd.s32 s6, s3;
	s6 =	simm.s32 $0x1;
	p0 =	por !p0, !p0  }
0x63e: {  	s8 =	sadd.s32 $0x10, s8;
	s3 =	sshra.s32 s3, $0x7;
	s6 =	simm.s32 @!p0 $0x0  }
0x63f: {  	[tilespmem:s8+$0x0] =	vst v1;
	s8 =	ssub.s32 s3, s6  }
0x640: {  	p0 =	sgt.s32 s8, $0x0  }
.Ltmp21:
0x641: {  	_ = 	snop;
	(pc) =	sbr.rel @!p0 .LBB2_65-.Ltmp21, $3  }
0x642: {  	_ =	sdelay $0x1  }
0x643: {  	v2 =	vor.u32 s9, v0;
	[tilespmem:s2+$0x10000] =	vst.msk vm0, v1  }
0x644: {  	[tilespmem:s2+$0x2000] =	vst.msk vm0, v2  }
0x645: {  	p0 =	seq.s32 s8, $0x1  }
.Ltmp22:
0x646: {  	_ = 	snop;
	(pc) =	sbr.rel @p0 .LBB2_65-.Ltmp22, $3  }
0x647: {  	_ =	sdelay $0x1  }
0x648: {  	s2 =	simm.s32 $0x12000;
	s3 =	simm.s32 $0x10000;
	s8 =	sadd.s32 $0xFFFFFFFF, s8  }
0x649: {  	[tilespmem:s2], [sflag:$0x9] =	stream.indirect.gather [hbm4b:s1+s13], $0x1, s3, s13, $0xb8;
	[tilespmem:$0x18000] =	vst v63  }
.LBB2_64:
0x64a: {  	p0 =	seq.s32 s8, $0x1  }
.Ltmp23:
0x64b: {  	_ = 	snop;
	(pc) =	sbr.rel @!p0 .LBB2_64-.Ltmp23, $4  }
0x64c: {  	_ = 	snop  }
0x64d: {  	s2 =	sadd.s32 $0x80, s2;
	s3 =	sadd.s32 $0x80, s3  }
0x64e: {  	s8 =	sadd.s32 $0xFFFFFFFF, s8  }
0x64f: {  	[tilespmem:s2], [sflag:$0x9] =	stream.indirect.gather [hbm4b:s1+s13], $0x1, s3, s13, $0xb8;
	[tilespmem:$0x18000] =	vst v63  }
.LBB2_65:
0x650: {  	_ =	swait.ge [sflag:s15], $0x80  }
0x651: {  	[sflag:s15] =	ssyncset.done $0x0  }
0x652: {  	[sflag:s15] =	ssyncadd.s32 $0xFFFFFF80  }
0x653: {  	_ =	swait.ge [sflag:s15], $0x80  }
0x654: {  	[sflag:s15] =	ssyncset.done $0x0  }
0x655: {  	[sflag:s15] =	ssyncadd.s32 $0xFFFFFF80  }
0x656: {  	_ =	swait.ge [sflag:s15], $0x80  }
0x657: {  	[sflag:s15] =	ssyncset.done $0x0  }
0x658: {  	[sflag:s15] =	ssyncadd.s32 $0xFFFFFF80  }
0x659: {  	_ =	swait.ge [sflag:s15], $0x80  }
0x65a: {  	[sflag:s15] =	ssyncset.done $0x0  }
0x65b: {  	[sflag:s15] =	ssyncadd.s32 $0xFFFFFF80  }
0x65c: {  	_ =	swait.ge [sflag:s15], $0x80  }
0x65d: {  	[sflag:s15] =	ssyncset.done $0x0  }
0x65e: {  	[sflag:s15] =	ssyncadd.s32 $0xFFFFFF80  }
0x65f: {  	_ =	swait.ge [sflag:s15], $0x80  }
0x660: {  	[sflag:s15] =	ssyncset.done $0x0  }
0x661: {  	[sflag:s15] =	ssyncadd.s32 $0xFFFFFF80  }
0x662: {  	_ =	swait.ge [sflag:s15], $0x80  }
0x663: {  	[sflag:s15] =	ssyncset.done $0x0  }
0x664: {  	[sflag:s15] =	ssyncadd.s32 $0xFFFFFF80  }
0x665: {  	_ =	swait.ge [sflag:s15], $0x80  }
0x666: {  	[sflag:s15] =	ssyncset.done $0x0  }
0x667: {  	[sflag:s15] =	ssyncadd.s32 $0xFFFFFF80  }
0x668: {  	_ =	swait.ge [sflag:s15], $0x80  }
0x669: {  	[sflag:s15] =	ssyncset.done $0x0  }
0x66a: {  	[sflag:s15] =	ssyncadd.s32 $0xFFFFFF80  }
0x66b: {  	_ =	swait.ge [sflag:s15], $0x80  }
0x66c: {  	[sflag:s15] =	ssyncset.done $0x0  }
0x66d: {  	[sflag:s15] =	ssyncadd.s32 $0xFFFFFF80  }
0x66e: {  	_ =	swait.ge [sflag:s15], $0x80  }
0x66f: {  	[sflag:s15] =	ssyncset.done $0x0  }
0x670: {  	[sflag:s15] =	ssyncadd.s32 $0xFFFFFF80  }
0x671: {  	_ =	swait.ge [sflag:s15], $0x80  }
0x672: {  	[sflag:s15] =	ssyncset.done $0x0  }
0x673: {  	[sflag:s15] =	ssyncadd.s32 $0xFFFFFF80  }
0x674: {  	_ =	swait.ge [sflag:s15], $0x80  }
0x675: {  	[sflag:s15] =	ssyncset.done $0x0  }
0x676: {  	[sflag:s15] =	ssyncadd.s32 $0xFFFFFF80  }
0x677: {  	_ =	swait.ge [sflag:s15], $0x80  }
0x678: {  	[sflag:s15] =	ssyncset.done $0x0  }
0x679: {  	[sflag:s15] =	ssyncadd.s32 $0xFFFFFF80  }
0x67a: {  	_ =	swait.ge [sflag:s15], $0x80  }
0x67b: {  	[sflag:s15] =	ssyncset.done $0x0  }
0x67c: {  	[sflag:s15] =	ssyncadd.s32 $0xFFFFFF80  }
0x67d: {  	_ =	swait.ge [sflag:s15], $0x80  }
0x67e: {  	[sflag:s15] =	ssyncset.done $0x0  }
0x67f: {  	s3 =	simm.s32 $0x16000;
	[sflag:s15] =	ssyncadd.s32 $0xFFFFFF80  }
0x680: {  	s2 =	simm.s32 $0x14000;
	v1 =	vld [tilespmem:s3+$0x0]  }
0x681: {  	v2 =	vld [tilespmem:s2+$0x0];
	_ =	sdelay $0x4  }
0x682: {  	vm0 =	vne.s32 v1, v2  }
0x683: {  	v3 =	vmpcnt.ones.xlane vm0;
	_ =	sdelay $0x1  }
0x684: {  	(v2sf) =	vpush v3, $0x0;
	_ =	sdelay $0x2  }
0x685: {  	s9 =	simm.s32 $0xE000  }
0x686: {  	s8 =	simm.s32 $0x0;
	[tilespmem:s9+$0x0] =	vst v1  }
0x687: {  	v2 =	vor.u32 s8, v0;
	[tilespmem:s8+$0x14000] =	vst.msk vm0, v1  }
0x688: {  	s2 =	simm.s32 $0x16010;
	[tilespmem:s8+$0xA000] =	vst.msk vm0, v2  }
0x689: {  	s3 =	simm.s32 $0x14010;
	v1 =	vld [tilespmem:s2+$0x0]  }
0x68a: {  	s10 =	simm.s32 $0x10;
	s11 =	simm.s32 $0x20;
	v2 =	vld [tilespmem:s3+$0x0]  }
.LBB2_66:
0x68b: {  	p0 =	seq.s32 s11, $0x7F0;
	_ =	sdelay $0x1  }
0x68c: {  	s9 =	sadd.s32 $0x10, s9  }
0x68d: {  	[tilespmem:s9+$0x0] =	vst v1  }
0x68e: {  	vm0 =	vne.s32 v1, v2  }
0x68f: {  	v2 =	vmpcnt.ones.xlane vm0  }
0x690: {  	s6 =	spop (v2sf)  }
0x691: {  	(v2sf) =	vpush v2, $0x0;
	s8 =	sadd.s32 s8, s6  }
0x692: {  	v2 =	vor.u32 s10, v0;
	s10 =	smov.u32 s11;
	[tilespmem:s8+$0x14000] =	vst.msk vm0, v1  }
0x693: {  	[tilespmem:s8+$0xA000] =	vst.msk vm0, v2;
	_ =	sdelay $0x1  }
.Ltmp24:
0x694: {  	(pc) =	sbr.rel @!p0 .LBB2_66-.Ltmp24, $4  }
0x695: {  	_ = 	snop  }
0x696: {  	s2 =	sadd.s32 $0x10, s2  }
0x697: {  	s3 =	sadd.s32 $0x10, s3;
	v1 =	vld [tilespmem:s2+$0x0]  }
0x698: {  	s11 =	sadd.s32 $0x10, s11;
	v2 =	vld [tilespmem:s3+$0x0]  }
0x699: {  	_ =	sdelay $0x3  }
0x69a: {  	vm0 =	vne.s32 v1, v2  }
0x69b: {  	v2 =	vmpcnt.ones.xlane vm0;
	_ =	sdelay $0x1  }
0x69c: {  	(v2sf) =	vpush v2, $0x0;
	_ =	sdelay $0xb  }
0x69d: {  	s2 =	sadd.s32 $0x10, s9;
	s3 =	spop (v2sf)  }
0x69e: {  	[tilespmem:s2+$0x0] =	vst v1;
	s9 =	sadd.s32 s8, s3  }
0x69f: {  	v2 =	vor.u32 s10, v0;
	[tilespmem:s9+$0x14000] =	vst.msk vm0, v1  }
0x6a0: {  	[tilespmem:s9+$0xA000] =	vst.msk vm0, v2;
	s10 =	spop (v2sf)  }
0x6a1: {  	_ =	swait.ge [sflag:s17], $0x80  }
0x6a2: {  	[sflag:s17] =	ssyncset.done $0x0  }
0x6a3: {  	[sflag:s17] =	ssyncadd.s32 $0xFFFFFF80  }
0x6a4: {  	_ =	swait.ge [sflag:s17], $0x80  }
0x6a5: {  	[sflag:s17] =	ssyncset.done $0x0  }
0x6a6: {  	[sflag:s17] =	ssyncadd.s32 $0xFFFFFF80  }
0x6a7: {  	_ =	swait.ge [sflag:s17], $0x80  }
0x6a8: {  	[sflag:s17] =	ssyncset.done $0x0  }
0x6a9: {  	[sflag:s17] =	ssyncadd.s32 $0xFFFFFF80  }
0x6aa: {  	_ =	swait.ge [sflag:s17], $0x80  }
0x6ab: {  	[sflag:s17] =	ssyncset.done $0x0  }
0x6ac: {  	[sflag:s17] =	ssyncadd.s32 $0xFFFFFF80  }
0x6ad: {  	_ =	swait.ge [sflag:s17], $0x80  }
0x6ae: {  	[sflag:s17] =	ssyncset.done $0x0  }
0x6af: {  	[sflag:s17] =	ssyncadd.s32 $0xFFFFFF80  }
0x6b0: {  	_ =	swait.ge [sflag:s17], $0x80  }
0x6b1: {  	[sflag:s17] =	ssyncset.done $0x0  }
0x6b2: {  	[sflag:s17] =	ssyncadd.s32 $0xFFFFFF80  }
0x6b3: {  	_ =	swait.ge [sflag:s17], $0x80  }
0x6b4: {  	[sflag:s17] =	ssyncset.done $0x0  }
0x6b5: {  	[sflag:s17] =	ssyncadd.s32 $0xFFFFFF80  }
0x6b6: {  	_ =	swait.ge [sflag:s17], $0x80  }
0x6b7: {  	[sflag:s17] =	ssyncset.done $0x0  }
0x6b8: {  	[sflag:s17] =	ssyncadd.s32 $0xFFFFFF80  }
0x6b9: {  	_ =	swait.ge [sflag:s17], $0x80  }
0x6ba: {  	[sflag:s17] =	ssyncset.done $0x0  }
0x6bb: {  	[sflag:s17] =	ssyncadd.s32 $0xFFFFFF80  }
0x6bc: {  	_ =	swait.ge [sflag:s17], $0x80  }
0x6bd: {  	[sflag:s17] =	ssyncset.done $0x0  }
0x6be: {  	[sflag:s17] =	ssyncadd.s32 $0xFFFFFF80  }
0x6bf: {  	_ =	swait.ge [sflag:s17], $0x80  }
0x6c0: {  	[sflag:s17] =	ssyncset.done $0x0  }
0x6c1: {  	[sflag:s17] =	ssyncadd.s32 $0xFFFFFF80  }
0x6c2: {  	_ =	swait.ge [sflag:s17], $0x80  }
0x6c3: {  	[sflag:s17] =	ssyncset.done $0x0  }
0x6c4: {  	[sflag:s17] =	ssyncadd.s32 $0xFFFFFF80  }
0x6c5: {  	_ =	swait.ge [sflag:s17], $0x80  }
0x6c6: {  	[sflag:s17] =	ssyncset.done $0x0  }
0x6c7: {  	[sflag:s17] =	ssyncadd.s32 $0xFFFFFF80  }
0x6c8: {  	_ =	swait.ge [sflag:s17], $0x80  }
0x6c9: {  	[sflag:s17] =	ssyncset.done $0x0  }
0x6ca: {  	[sflag:s17] =	ssyncadd.s32 $0xFFFFFF80  }
0x6cb: {  	_ =	swait.ge [sflag:s17], $0x80  }
0x6cc: {  	[sflag:s17] =	ssyncset.done $0x0  }
0x6cd: {  	[sflag:s17] =	ssyncadd.s32 $0xFFFFFF80  }
0x6ce: {  	_ =	swait.ge [sflag:s17], $0x80  }
0x6cf: {  	[sflag:s17] =	ssyncset.done $0x0  }
0x6d0: {  	s12 =	simm.s32 $0x16800;
	[sflag:s17] =	ssyncadd.s32 $0xFFFFFF80  }
0x6d1: {  	s14 =	simm.s32 $0x14800;
	v1 =	vld [tilespmem:s12+$0x0]  }
0x6d2: {  	v2 =	vld [tilespmem:s14+$0x0];
	_ =	sdelay $0x4  }
0x6d3: {  	vm15 =	vne.s32 v1, v2  }
0x6d4: {  	v3 =	vmpcnt.ones.xlane vm15;
	_ =	sdelay $0x1  }
0x6d5: {  	(v2sf) =	vpush v3, $0x0;
	_ =	sdelay $0x2  }
0x6d6: {  	s8 =	sadd.s32 s9, s10;
	s9 =	simm.s32 $0xE800  }
0x6d7: {  	s11 =	simm.s32 $0x800;
	[tilespmem:s9+$0x0] =	vst v1  }
0x6d8: {  	v2 =	vor.u32 s11, v0;
	[tilespmem:s8+$0x14000] =	vst.msk vm15, v1  }
0x6d9: {  	s2 =	simm.s32 $0x16810;
	[tilespmem:s8+$0xA000] =	vst.msk vm15, v2  }
0x6da: {  	s3 =	simm.s32 $0x14810;
	v1 =	vld [tilespmem:s2+$0x0]  }
0x6db: {  	s10 =	simm.s32 $0x810;
	s11 =	simm.s32 $0x820;
	v2 =	vld [tilespmem:s3+$0x0]  }
.LBB2_68:
0x6dc: {  	p0 =	seq.s32 s11, $0xFF0;
	_ =	sdelay $0x1  }
0x6dd: {  	s9 =	sadd.s32 $0x10, s9  }
0x6de: {  	[tilespmem:s9+$0x0] =	vst v1  }
0x6df: {  	vm0 =	vne.s32 v1, v2  }
0x6e0: {  	v2 =	vmpcnt.ones.xlane vm0  }
0x6e1: {  	s6 =	spop (v2sf)  }
0x6e2: {  	(v2sf) =	vpush v2, $0x0;
	s8 =	sadd.s32 s8, s6  }
0x6e3: {  	v2 =	vor.u32 s10, v0;
	s10 =	smov.u32 s11;
	[tilespmem:s8+$0x14000] =	vst.msk vm0, v1  }
0x6e4: {  	[tilespmem:s8+$0xA000] =	vst.msk vm0, v2;
	_ =	sdelay $0x1  }
.Ltmp25:
0x6e5: {  	(pc) =	sbr.rel @!p0 .LBB2_68-.Ltmp25, $4  }
0x6e6: {  	_ = 	snop  }
0x6e7: {  	s2 =	sadd.s32 $0x10, s2  }
0x6e8: {  	s3 =	sadd.s32 $0x10, s3;
	v1 =	vld [tilespmem:s2+$0x0]  }
0x6e9: {  	s11 =	sadd.s32 $0x10, s11;
	v2 =	vld [tilespmem:s3+$0x0]  }
0x6ea: {  	_ =	sdelay $0x3  }
0x6eb: {  	vm0 =	vne.s32 v1, v2  }
0x6ec: {  	v2 =	vmpcnt.ones.xlane vm0;
	_ =	sdelay $0x1  }
0x6ed: {  	(v2sf) =	vpush v2, $0x0;
	_ =	sdelay $0xb  }
0x6ee: {  	s2 =	sadd.s32 $0x10, s9;
	s3 =	spop (v2sf)  }
0x6ef: {  	[tilespmem:s2+$0x0] =	vst v1;
	s9 =	sadd.s32 s8, s3  }
0x6f0: {  	v2 =	vor.u32 s10, v0;
	[tilespmem:s9+$0x14000] =	vst.msk vm0, v1  }
0x6f1: {  	[tilespmem:s9+$0xA000] =	vst.msk vm0, v2;
	s10 =	spop (v2sf)  }
0x6f2: {  	_ =	swait.ge [sflag:s4], $0x80  }
0x6f3: {  	[sflag:s4] =	ssyncset.done $0x0  }
0x6f4: {  	[sflag:s4] =	ssyncadd.s32 $0xFFFFFF80  }
0x6f5: {  	_ =	swait.ge [sflag:s4], $0x80  }
0x6f6: {  	[sflag:s4] =	ssyncset.done $0x0  }
0x6f7: {  	[sflag:s4] =	ssyncadd.s32 $0xFFFFFF80  }
0x6f8: {  	_ =	swait.ge [sflag:s4], $0x80  }
0x6f9: {  	[sflag:s4] =	ssyncset.done $0x0  }
0x6fa: {  	[sflag:s4] =	ssyncadd.s32 $0xFFFFFF80  }
0x6fb: {  	_ =	swait.ge [sflag:s4], $0x80  }
0x6fc: {  	[sflag:s4] =	ssyncset.done $0x0  }
0x6fd: {  	[sflag:s4] =	ssyncadd.s32 $0xFFFFFF80  }
0x6fe: {  	_ =	swait.ge [sflag:s4], $0x80  }
0x6ff: {  	[sflag:s4] =	ssyncset.done $0x0  }
0x700: {  	[sflag:s4] =	ssyncadd.s32 $0xFFFFFF80  }
0x701: {  	_ =	swait.ge [sflag:s4], $0x80  }
0x702: {  	[sflag:s4] =	ssyncset.done $0x0  }
0x703: {  	[sflag:s4] =	ssyncadd.s32 $0xFFFFFF80  }
0x704: {  	_ =	swait.ge [sflag:s4], $0x80  }
0x705: {  	[sflag:s4] =	ssyncset.done $0x0  }
0x706: {  	[sflag:s4] =	ssyncadd.s32 $0xFFFFFF80  }
0x707: {  	_ =	swait.ge [sflag:s4], $0x80  }
0x708: {  	[sflag:s4] =	ssyncset.done $0x0  }
0x709: {  	[sflag:s4] =	ssyncadd.s32 $0xFFFFFF80  }
0x70a: {  	_ =	swait.ge [sflag:s4], $0x80  }
0x70b: {  	[sflag:s4] =	ssyncset.done $0x0  }
0x70c: {  	[sflag:s4] =	ssyncadd.s32 $0xFFFFFF80  }
0x70d: {  	_ =	swait.ge [sflag:s4], $0x80  }
0x70e: {  	[sflag:s4] =	ssyncset.done $0x0  }
0x70f: {  	[sflag:s4] =	ssyncadd.s32 $0xFFFFFF80  }
0x710: {  	_ =	swait.ge [sflag:s4], $0x80  }
0x711: {  	[sflag:s4] =	ssyncset.done $0x0  }
0x712: {  	[sflag:s4] =	ssyncadd.s32 $0xFFFFFF80  }
0x713: {  	_ =	swait.ge [sflag:s4], $0x80  }
0x714: {  	[sflag:s4] =	ssyncset.done $0x0  }
0x715: {  	[sflag:s4] =	ssyncadd.s32 $0xFFFFFF80  }
0x716: {  	_ =	swait.ge [sflag:s4], $0x80  }
0x717: {  	[sflag:s4] =	ssyncset.done $0x0  }
0x718: {  	[sflag:s4] =	ssyncadd.s32 $0xFFFFFF80  }
0x719: {  	_ =	swait.ge [sflag:s4], $0x80  }
0x71a: {  	[sflag:s4] =	ssyncset.done $0x0  }
0x71b: {  	[sflag:s4] =	ssyncadd.s32 $0xFFFFFF80  }
0x71c: {  	_ =	swait.ge [sflag:s4], $0x80  }
0x71d: {  	[sflag:s4] =	ssyncset.done $0x0  }
0x71e: {  	[sflag:s4] =	ssyncadd.s32 $0xFFFFFF80  }
0x71f: {  	_ =	swait.ge [sflag:s4], $0x80  }
0x720: {  	[sflag:s4] =	ssyncset.done $0x0  }
0x721: {  	s12 =	simm.s32 $0x17000;
	[sflag:s4] =	ssyncadd.s32 $0xFFFFFF80  }
0x722: {  	s14 =	simm.s32 $0x15000;
	v1 =	vld [tilespmem:s12+$0x0]  }
0x723: {  	v2 =	vld [tilespmem:s14+$0x0];
	_ =	sdelay $0x4  }
0x724: {  	vm15 =	vne.s32 v1, v2  }
0x725: {  	v3 =	vmpcnt.ones.xlane vm15;
	_ =	sdelay $0x1  }
0x726: {  	(v2sf) =	vpush v3, $0x0;
	_ =	sdelay $0x2  }
0x727: {  	s8 =	sadd.s32 s9, s10;
	s9 =	simm.s32 $0xF000  }
0x728: {  	s11 =	simm.s32 $0x1000;
	[tilespmem:s9+$0x0] =	vst v1  }
0x729: {  	v2 =	vor.u32 s11, v0;
	[tilespmem:s8+$0x14000] =	vst.msk vm15, v1  }
0x72a: {  	s2 =	simm.s32 $0x17010;
	[tilespmem:s8+$0xA000] =	vst.msk vm15, v2  }
0x72b: {  	s3 =	simm.s32 $0x15010;
	v1 =	vld [tilespmem:s2+$0x0]  }
0x72c: {  	s10 =	simm.s32 $0x1010;
	s11 =	simm.s32 $0x1020;
	v2 =	vld [tilespmem:s3+$0x0]  }
.LBB2_70:
0x72d: {  	p0 =	seq.s32 s11, $0x17F0;
	_ =	sdelay $0x1  }
0x72e: {  	s9 =	sadd.s32 $0x10, s9  }
0x72f: {  	[tilespmem:s9+$0x0] =	vst v1  }
0x730: {  	vm0 =	vne.s32 v1, v2  }
0x731: {  	v2 =	vmpcnt.ones.xlane vm0  }
0x732: {  	s6 =	spop (v2sf)  }
0x733: {  	(v2sf) =	vpush v2, $0x0;
	s8 =	sadd.s32 s8, s6  }
0x734: {  	v2 =	vor.u32 s10, v0;
	s10 =	smov.u32 s11;
	[tilespmem:s8+$0x14000] =	vst.msk vm0, v1  }
0x735: {  	[tilespmem:s8+$0xA000] =	vst.msk vm0, v2;
	_ =	sdelay $0x1  }
.Ltmp26:
0x736: {  	(pc) =	sbr.rel @!p0 .LBB2_70-.Ltmp26, $4  }
0x737: {  	_ = 	snop  }
0x738: {  	s2 =	sadd.s32 $0x10, s2  }
0x739: {  	s3 =	sadd.s32 $0x10, s3;
	v1 =	vld [tilespmem:s2+$0x0]  }
0x73a: {  	s11 =	sadd.s32 $0x10, s11;
	v2 =	vld [tilespmem:s3+$0x0]  }
0x73b: {  	_ =	sdelay $0x3  }
0x73c: {  	vm0 =	vne.s32 v1, v2  }
0x73d: {  	v2 =	vmpcnt.ones.xlane vm0;
	_ =	sdelay $0x1  }
0x73e: {  	(v2sf) =	vpush v2, $0x0;
	_ =	sdelay $0xb  }
0x73f: {  	s2 =	sadd.s32 $0x10, s9;
	s3 =	spop (v2sf)  }
0x740: {  	[tilespmem:s2+$0x0] =	vst v1;
	s9 =	sadd.s32 s8, s3  }
0x741: {  	v2 =	vor.u32 s10, v0;
	[tilespmem:s9+$0x14000] =	vst.msk vm0, v1  }
0x742: {  	[tilespmem:s9+$0xA000] =	vst.msk vm0, v2;
	s10 =	spop (v2sf)  }
0x743: {  	_ =	swait.ge [sflag:s5], $0x80  }
0x744: {  	[sflag:s5] =	ssyncset.done $0x0  }
0x745: {  	[sflag:s5] =	ssyncadd.s32 $0xFFFFFF80  }
0x746: {  	_ =	swait.ge [sflag:s5], $0x80  }
0x747: {  	[sflag:s5] =	ssyncset.done $0x0  }
0x748: {  	[sflag:s5] =	ssyncadd.s32 $0xFFFFFF80  }
0x749: {  	_ =	swait.ge [sflag:s5], $0x80  }
0x74a: {  	[sflag:s5] =	ssyncset.done $0x0  }
0x74b: {  	[sflag:s5] =	ssyncadd.s32 $0xFFFFFF80  }
0x74c: {  	_ =	swait.ge [sflag:s5], $0x80  }
0x74d: {  	[sflag:s5] =	ssyncset.done $0x0  }
0x74e: {  	[sflag:s5] =	ssyncadd.s32 $0xFFFFFF80  }
0x74f: {  	_ =	swait.ge [sflag:s5], $0x80  }
0x750: {  	[sflag:s5] =	ssyncset.done $0x0  }
0x751: {  	[sflag:s5] =	ssyncadd.s32 $0xFFFFFF80  }
0x752: {  	_ =	swait.ge [sflag:s5], $0x80  }
0x753: {  	[sflag:s5] =	ssyncset.done $0x0  }
0x754: {  	[sflag:s5] =	ssyncadd.s32 $0xFFFFFF80  }
0x755: {  	_ =	swait.ge [sflag:s5], $0x80  }
0x756: {  	[sflag:s5] =	ssyncset.done $0x0  }
0x757: {  	[sflag:s5] =	ssyncadd.s32 $0xFFFFFF80  }
0x758: {  	_ =	swait.ge [sflag:s5], $0x80  }
0x759: {  	[sflag:s5] =	ssyncset.done $0x0  }
0x75a: {  	[sflag:s5] =	ssyncadd.s32 $0xFFFFFF80  }
0x75b: {  	_ =	swait.ge [sflag:s5], $0x80  }
0x75c: {  	[sflag:s5] =	ssyncset.done $0x0  }
0x75d: {  	[sflag:s5] =	ssyncadd.s32 $0xFFFFFF80  }
0x75e: {  	_ =	swait.ge [sflag:s5], $0x80  }
0x75f: {  	[sflag:s5] =	ssyncset.done $0x0  }
0x760: {  	[sflag:s5] =	ssyncadd.s32 $0xFFFFFF80  }
0x761: {  	_ =	swait.ge [sflag:s5], $0x80  }
0x762: {  	[sflag:s5] =	ssyncset.done $0x0  }
0x763: {  	[sflag:s5] =	ssyncadd.s32 $0xFFFFFF80  }
0x764: {  	_ =	swait.ge [sflag:s5], $0x80  }
0x765: {  	[sflag:s5] =	ssyncset.done $0x0  }
0x766: {  	[sflag:s5] =	ssyncadd.s32 $0xFFFFFF80  }
0x767: {  	_ =	swait.ge [sflag:s5], $0x80  }
0x768: {  	[sflag:s5] =	ssyncset.done $0x0  }
0x769: {  	[sflag:s5] =	ssyncadd.s32 $0xFFFFFF80  }
0x76a: {  	_ =	swait.ge [sflag:s5], $0x80  }
0x76b: {  	[sflag:s5] =	ssyncset.done $0x0  }
0x76c: {  	[sflag:s5] =	ssyncadd.s32 $0xFFFFFF80  }
0x76d: {  	_ =	swait.ge [sflag:s5], $0x80  }
0x76e: {  	[sflag:s5] =	ssyncset.done $0x0  }
0x76f: {  	[sflag:s5] =	ssyncadd.s32 $0xFFFFFF80  }
0x770: {  	_ =	swait.ge [sflag:s5], $0x80  }
0x771: {  	[sflag:s5] =	ssyncset.done $0x0  }
0x772: {  	s12 =	simm.s32 $0x17800;
	[sflag:s5] =	ssyncadd.s32 $0xFFFFFF80  }
0x773: {  	s14 =	simm.s32 $0x15800;
	v1 =	vld [tilespmem:s12+$0x0]  }
0x774: {  	v2 =	vld [tilespmem:s14+$0x0];
	_ =	sdelay $0x4  }
0x775: {  	vm15 =	vne.s32 v1, v2  }
0x776: {  	v3 =	vmpcnt.ones.xlane vm15;
	_ =	sdelay $0x1  }
0x777: {  	(v2sf) =	vpush v3, $0x0;
	_ =	sdelay $0x2  }
0x778: {  	s8 =	sadd.s32 s9, s10;
	s9 =	simm.s32 $0xF800  }
0x779: {  	s11 =	simm.s32 $0x1800;
	[tilespmem:s9+$0x0] =	vst v1  }
0x77a: {  	v2 =	vor.u32 s11, v0;
	[tilespmem:s8+$0x14000] =	vst.msk vm15, v1  }
0x77b: {  	s2 =	simm.s32 $0x17810;
	[tilespmem:s8+$0xA000] =	vst.msk vm15, v2  }
0x77c: {  	s3 =	simm.s32 $0x15810;
	v1 =	vld [tilespmem:s2+$0x0]  }
0x77d: {  	s10 =	simm.s32 $0x1810;
	s11 =	simm.s32 $0x1820;
	v2 =	vld [tilespmem:s3+$0x0]  }
.LBB2_72:
0x77e: {  	p0 =	sne.s32 s11, $0x1FF0;
	_ =	sdelay $0x1  }
0x77f: {  	s9 =	sadd.s32 $0x10, s9  }
0x780: {  	[tilespmem:s9+$0x0] =	vst v1  }
0x781: {  	vm0 =	vne.s32 v1, v2  }
0x782: {  	v2 =	vmpcnt.ones.xlane vm0  }
0x783: {  	s6 =	spop (v2sf)  }
0x784: {  	(v2sf) =	vpush v2, $0x0;
	s8 =	sadd.s32 s8, s6  }
0x785: {  	v2 =	vor.u32 s10, v0;
	s10 =	smov.u32 s11;
	[tilespmem:s8+$0x14000] =	vst.msk vm0, v1  }
0x786: {  	[tilespmem:s8+$0xA000] =	vst.msk vm0, v2;
	_ =	sdelay $0x1  }
.Ltmp27:
0x787: {  	(pc) =	sbr.rel @p0 .LBB2_72-.Ltmp27, $4  }
0x788: {  	_ = 	snop  }
0x789: {  	s2 =	sadd.s32 $0x10, s2  }
0x78a: {  	s3 =	sadd.s32 $0x10, s3;
	v1 =	vld [tilespmem:s2+$0x0]  }
0x78b: {  	s11 =	sadd.s32 $0x10, s11;
	v2 =	vld [tilespmem:s3+$0x0]  }
0x78c: {  	_ =	sdelay $0x3  }
0x78d: {  	vm0 =	vne.s32 v1, v2  }
0x78e: {  	v2 =	vmpcnt.ones.xlane vm0;
	_ =	sdelay $0x1  }
0x78f: {  	(v2sf) =	vpush v2, $0x0;
	_ =	sdelay $0xd  }
0x790: {  	s2 =	spop (v2sf)  }
0x791: {  	s2 =	sadd.s32 s8, s2;
	s3 =	spop (v2sf)  }
0x792: {  	s8 =	sadd.s32 s2, s3  }
0x793: {  	s3 =	sadd.s32 $0x7F, s8  }
0x794: {  	s6 =	sand.u32 $0x7F, s3  }
0x795: {  	s14 =	sshra.s32 s3, $0x1F;
	p1 =	slt.s32 s3, $0x1;
	p0 =	sne.s32 s6, $0x0  }
0x796: {  	s6 =	sshrl.u32 s14, $0x19;
	p0 =	por !p1, !p0  }
0x797: {  	s3 =	sadd.s32 s6, s3;
	s6 =	simm.s32 $0x1;
	p0 =	por !p0, !p0  }
0x798: {  	s9 =	sadd.s32 $0x10, s9;
	s3 =	sshra.s32 s3, $0x7;
	s6 =	simm.s32 @!p0 $0x0  }
0x799: {  	[tilespmem:s9+$0x0] =	vst v1;
	s9 =	ssub.s32 s3, s6  }
0x79a: {  	p0 =	sgt.s32 s9, $0x0  }
.Ltmp28:
0x79b: {  	_ = 	snop;
	(pc) =	sbr.rel @!p0 .LBB2_76-.Ltmp28, $3  }
0x79c: {  	_ =	sdelay $0x1  }
0x79d: {  	v2 =	vor.u32 s10, v0;
	[tilespmem:s2+$0x14000] =	vst.msk vm0, v1  }
0x79e: {  	[tilespmem:s2+$0xA000] =	vst.msk vm0, v2  }
0x79f: {  	p0 =	seq.s32 s9, $0x1  }
.Ltmp29:
0x7a0: {  	_ = 	snop;
	(pc) =	sbr.rel @p0 .LBB2_76-.Ltmp29, $3  }
0x7a1: {  	_ =	sdelay $0x1  }
0x7a2: {  	s2 =	simm.s32 $0x16000;
	s3 =	simm.s32 $0x14000;
	s9 =	sadd.s32 $0xFFFFFFFF, s9  }
0x7a3: {  	[tilespmem:s2], [sflag:$0xD] =	stream.indirect.gather [hbm4b:s1+s13], $0x1, s3, s13, $0xb8;
	[tilespmem:$0x18000] =	vst v63  }
.LBB2_75:
0x7a4: {  	p0 =	seq.s32 s9, $0x1  }
.Ltmp30:
0x7a5: {  	_ = 	snop;
	(pc) =	sbr.rel @!p0 .LBB2_75-.Ltmp30, $4  }
0x7a6: {  	_ = 	snop  }
0x7a7: {  	s2 =	sadd.s32 $0x80, s2;
	s3 =	sadd.s32 $0x80, s3  }
0x7a8: {  	s9 =	sadd.s32 $0xFFFFFFFF, s9  }
0x7a9: {  	[tilespmem:s2], [sflag:$0xD] =	stream.indirect.gather [hbm4b:s1+s13], $0x1, s3, s13, $0xb8;
	[tilespmem:$0x18000] =	vst v63  }
.LBB2_76:
0x7aa: {  	p2 =	sgt.s32 s7, $0x0  }
0x7ab: {  	p0 =	sgt.s32 @!p2 s8, $0x0  }
0x7ac: {  	p0 =	por p2, p0  }
.Ltmp31:
0x7ad: {  	_ = 	snop;
	(pc) =	sbr.rel @!p0 .LBB2_107-.Ltmp31, $1  }
0x7ae: {  	_ =	sdelay $0x3  }
.Ltmp32:
0x7af: {  	(pc) =	sbr.rel .LBB2_79-.Ltmp32, $3  }
0x7b0: {  	_ =	sdelay $0x1  }
0x7b1: {  	p0 =	sgt.s32 s8, $0x0;
	p1 =	por p2, p2;
	s8 =	smov.u32 @p2 s8  }
0x7b2: {  	s7 =	smov.u32 @p2 s7;
	p0 =	por @!p2 p0, p0;
	p1 =	por @!p2 p2, p2  }
.LBB2_78:
0x7b3: {  	p2 =	sgt.s32 s7, $0x0  }
0x7b4: {  	p3 =	slt.s32 @!p2 s8, $0x1  }
0x7b5: {  	p3 =	por p2, !p3  }
.Ltmp33:
0x7b6: {  	_ = 	snop;
	(pc) =	sbr.rel @!p3 .LBB2_107-.Ltmp33, $4  }
0x7b7: {  	_ = 	snop  }
0x7b8: {  	p0 =	sgt.s32 s8, $0x0  }
0x7b9: {  	p1 =	por p2, p2;
	p0 =	por @!p2 p0, p0  }
0x7ba: {  	s8 =	smov.u32 @p2 s8;
	s7 =	smov.u32 @p2 s7;
	p1 =	por @!p2 p2, p2  }
.LBB2_79:
0x7bb: {  	s2 =	sadd.s32 $0x7F, s7  }
0x7bc: {  	s3 =	sand.u32 $0x7F, s2  }
0x7bd: {  	s6 =	sshra.s32 s2, $0x1F;
	p2 =	slt.s32 s2, $0x1;
	p3 =	sne.s32 s3, $0x0  }
0x7be: {  	s14 =	sshrl.u32 s6, $0x19;
	p2 =	por !p2, !p3  }
0x7bf: {  	s3 =	simm.s32 $0x1;
	s2 =	sadd.s32 s14, s2;
	p2 =	por !p2, !p2  }
0x7c0: {  	s2 =	sshra.s32 s2, $0x7;
	s3 =	simm.s32 @!p2 $0x0  }
0x7c1: {  	s2 =	ssub.s32 s2, s3  }
0x7c2: {  	p2 =	sgt.s32 s2, $0x0  }
.Ltmp34:
0x7c3: {  	_ = 	snop;
	(pc) =	sbr.rel @!p2 .LBB2_80-.Ltmp34, $1  }
0x7c4: {  	_ =	sdelay $0x3  }
0x7c5: {  	p2 =	seq.s32 s2, $0x1  }
.Ltmp35:
0x7c6: {  	_ = 	snop;
	(pc) =	sbr.rel @p2 .LBB2_85-.Ltmp35, $3  }
0x7c7: {  	_ =	sdelay $0x1  }
0x7c8: {  	_ =	swait.ge [sflag:s28], $0x80  }
0x7c9: {  	s2 =	sadd.s32 $0xFFFFFFFF, s2;
	[sflag:s28] =	ssyncset.done $0x0  }
.LBB2_84:
0x7ca: {  	p2 =	seq.s32 s2, $0x1;
	s2 =	sadd.s32 $0xFFFFFFFF, s2;
	[sflag:s28] =	ssyncadd.s32 $0xFFFFFF80  }
.Ltmp36:
0x7cb: {  	(pc) =	sbr.rel @!p2 .LBB2_84-.Ltmp36, $3  }
0x7cc: {  	_ =	sdelay $0x1  }
0x7cd: {  	_ =	swait.ge [sflag:s28], $0x80  }
0x7ce: {  	[sflag:s28] =	ssyncset.done $0x0  }
.LBB2_85:
0x7cf: {  	[sflag:s28] =	ssyncadd.s32 $0xFFFFFF80  }
.LBB2_80:
0x7d0: {  	s2 =	sshra.s32 s7, $0x1F  }
0x7d1: {  	s6 =	simm.s32 $0x1;
	s3 =	sshrl.u32 s2, $0x1C  }
0x7d2: {  	s6 =	simm.s32 @!p1 $0x0;
	s3 =	sadd.s32 s3, s7  }
0x7d3: {  	s2 =	sadd.s32 s6, s2;
	s14 =	sand.u32 $0xFFFFFFF0, s3  }
0x7d4: {  	p6 =	sne.s32 s2, $0x1;
	p2 =	sne.s32 s7, s14  }
0x7d5: {  	p1 =	por !p2, !p6  }
0x7d6: {  	s2 =	simm.s32 $0x1;
	p1 =	por !p1, !p1  }
0x7d7: {  	s3 =	sshra.s32 s3, $0x4;
	s2 =	simm.s32 @!p1 $0x0  }
0x7d8: {  	s10 =	ssub.s32 s3, s2  }
0x7d9: {  	p1 =	sgt.s32 s10, $0x0  }
.Ltmp37:
0x7da: {  	_ = 	snop;
	(pc) =	sbr.rel @!p1 .LBB2_90-.Ltmp37, $2  }
0x7db: {  	_ =	sdelay $0x2  }
0x7dc: {  	s9 =	simm.s32 $0x0  }
0x7dd: {  	p2 =	seq.s32 s10, $0x1  }
.Ltmp38:
0x7de: {  	_ = 	snop;
	(pc) =	sbr.rel @p2 .LBB2_82-.Ltmp38, $4  }
0x7df: {  	s11 =	simm.s32 $0x2000  }
0x7e0: {  	s3 =	simm.s32 $0x12000;
	v1 =	vld [tilespmem:s11+$0x0]  }
0x7e1: {  	s2 =	simm.s32 $0x10000;
	v2 =	vld [tilespmem:s3+$0x0]  }
0x7e2: {  	s12 =	sadd.s32 $0xFFFFFFFF, s10;
	p1 =	por $0x0, $0x0;
	v3 =	vld [tilespmem:s2+$0x0]  }
0x7e3: {  	_ =	sdelay $0x3  }
0x7e4: {  	vm0 =	veq.s32 v2, v3;
	vm1 =	vne.s32 v2, v3  }
0x7e5: {  	v3 =	vmpcnt.ones.xlane vm1;
	_ =	sdelay $0x1  }
0x7e6: {  	(v2sf) =	vpush v3, $0x0;
	_ =	sdelay $0x2  }
0x7e7: {  	p2 =	seq.s32 s12, $0x1;
	[tilespmem:v1+s25+$0x0] =	vst.idx.msk vm0, v2  }
.Ltmp39:
0x7e8: {  	[tilespmem:s9+$0x10000] =	vst.msk vm1, v2;
	(pc) =	sbr.rel @p2 .LBB2_87-.Ltmp39, $4  }
0x7e9: {  	s11 =	simm.s32 $0x2010;
	[tilespmem:s9+$0x2000] =	vst.msk vm1, v1  }
0x7ea: {  	s2 =	simm.s32 $0x12010;
	v1 =	vld [tilespmem:s11+$0x0]  }
0x7eb: {  	s3 =	simm.s32 $0x10010;
	v2 =	vld [tilespmem:s2+$0x0]  }
0x7ec: {  	s14 =	sadd.s32 $0xFFFFFFFF, s12;
	p1 =	por $0x1, $0x1;
	s12 =	simm.s32 $0x0;
	v3 =	vld [tilespmem:s3+$0x0]  }
.LBB2_88:
0x7ed: {  	p2 =	seq.s32 s14, $0x1;
	_ =	sdelay $0x3  }
0x7ee: {  	vm0 =	vne.s32 v2, v3;
	vm1 =	veq.s32 v2, v3  }
0x7ef: {  	v3 =	vmpcnt.ones.xlane vm0  }
0x7f0: {  	s6 =	spop (v2sf)  }
0x7f1: {  	(v2sf) =	vpush v3, $0x0;
	s12 =	sadd.s32 s12, s6;
	_ =	sdelay $0x2  }
0x7f2: {  	[tilespmem:v1+s25+$0x0] =	vst.idx.msk vm1, v2  }
.Ltmp40:
0x7f3: {  	[tilespmem:s12+$0x10000] =	vst.msk vm0, v2;
	(pc) =	sbr.rel @!p2 .LBB2_88-.Ltmp40, $4  }
0x7f4: {  	s11 =	sadd.s32 $0x10, s11;
	[tilespmem:s12+$0x2000] =	vst.msk vm0, v1  }
0x7f5: {  	s2 =	sadd.s32 $0x10, s2;
	v1 =	vld [tilespmem:s11+$0x0]  }
0x7f6: {  	s3 =	sadd.s32 $0x10, s3;
	v2 =	vld [tilespmem:s2+$0x0]  }
0x7f7: {  	s14 =	sadd.s32 $0xFFFFFFFF, s14;
	v3 =	vld [tilespmem:s3+$0x0]  }
.LBB2_89:
0x7f8: {  	_ =	sdelay $0x3  }
0x7f9: {  	vm0 =	vne.s32 v2, v3  }
0x7fa: {  	v4 =	vmpcnt.ones.xlane vm0;
	_ =	sdelay $0x1  }
0x7fb: {  	(v2sf) =	vpush v4, $0x0;
	_ =	sdelay $0x7  }
0x7fc: {  	vm1 =	veq.s32 v2, v3;
	_ =	sdelay $0x3  }
0x7fd: {  	s2 =	spop @p1 (v2sf)  }
0x7fe: {  	s2 =	sadd.s32 @p1 s12, s2  }
0x7ff: {  	s9 =	smov.u32 @p1 s2;
	[tilespmem:v1+s25+$0x0] =	vst.idx.msk vm1, v2  }
0x800: {  	[tilespmem:s9+$0x10000] =	vst.msk vm0, v2;
	s14 =	spop (v2sf)  }
0x801: {  	[tilespmem:s9+$0x2000] =	vst.msk vm0, v1;
	s9 =	sadd.s32 s9, s14  }
.LBB2_90:
0x802: {  	s2 =	sand.u32 $0xF, s7  }
0x803: {  	p1 =	seq.s32 s2, $0x0  }
0x804: {  	s2 =	sshll.u32 @!p1 s10, $0x4  }
0x805: {  	v1 =	vld @!p1 [tilespmem:s2+$0x12000]  }
0x806: {  	v2 =	vld @!p1 [tilespmem:s2+$0x10000];
	_ =	sdelay $0x2  }
0x807: {  	v3 =	vlaneseq.u32 @!p1  }
0x808: {  	v3 =	vor.u32 @!p1 s2, v3  }
0x809: {  	vm0 =	vlt.s32 @!p1 v3, s7;
	vm1 =	vne.s32 @!p1 v1, v2  }
0x80a: {  	vm1 =	vmand @!p1 vm0, vm1  }
0x80b: {  	v3 =	vmpcnt.ones.xlane @!p1 vm1;
	_ =	sdelay $0x1  }
0x80c: {  	(v2sf) =	vpush @!p1 v3, $0x0;
	_ =	sdelay $0x6  }
0x80d: {  	v3 =	vld @!p1 [tilespmem:s2+$0x2000]  }
0x80e: {  	vm2 =	veq.s32 @!p1 v1, v2  }
0x80f: {  	vm0 =	vmand @!p1 vm0, vm2;
	_ =	sdelay $0x4  }
0x810: {  	s2 =	simm.s32 @!p1 $0x6000  }
0x811: {  	[tilespmem:v3+s2+$0x0] =	vst.idx.msk @!p1 vm0, v1;
	s2 =	spop @!p1 (v2sf)  }
0x812: {  	s7 =	sadd.s32 @!p1 s9, s2  }
0x813: {  	s7 =	smov.u32 @p1 s9  }
0x814: {  	s12 =	sadd.s32 $0x7F, s7  }
0x815: {  	s3 =	sand.u32 $0x7F, s12  }
0x816: {  	[tilespmem:s9+$0x10000] =	vst.msk @!p1 vm1, v1;
	s6 =	sshra.s32 s12, $0x1F;
	p6 =	slt.s32 s12, $0x1;
	p2 =	sne.s32 s3, $0x0  }
0x817: {  	[tilespmem:s9+$0x2000] =	vst.msk @!p1 vm1, v3;
	s14 =	sshrl.u32 s6, $0x19;
	p1 =	por !p6, !p2  }
0x818: {  	s3 =	simm.s32 $0x1;
	s2 =	sadd.s32 s14, s12;
	p1 =	por !p1, !p1  }
0x819: {  	s2 =	sshra.s32 s2, $0x7;
	s3 =	simm.s32 @!p1 $0x0  }
0x81a: {  	s9 =	ssub.s32 s2, s3  }
0x81b: {  	p1 =	slt.s32 s9, $0x1  }
.Ltmp41:
0x81c: {  	_ = 	snop;
	(pc) =	sbr.rel @p1 .LBB2_93-.Ltmp41, $1  }
0x81d: {  	_ =	sdelay $0x3  }
0x81e: {  	p1 =	sne.s32 s9, $0x1  }
.Ltmp42:
0x81f: {  	_ = 	snop;
	(pc) =	sbr.rel @!p1 .LBB2_93-.Ltmp42, $3  }
0x820: {  	_ =	sdelay $0x1  }
0x821: {  	s2 =	simm.s32 $0x12000;
	s3 =	simm.s32 $0x10000;
	s9 =	sadd.s32 $0xFFFFFFFF, s9  }
0x822: {  	[tilespmem:s2], [sflag:$0x9] =	stream.indirect.gather [hbm4b:s1+s13], $0x1, s3, s13, $0xb8;
	[tilespmem:$0x18000] =	vst v63  }
.LBB2_92:
0x823: {  	p1 =	sne.s32 s9, $0x1  }
.Ltmp43:
0x824: {  	_ = 	snop;
	(pc) =	sbr.rel @p1 .LBB2_92-.Ltmp43, $4  }
0x825: {  	_ = 	snop  }
0x826: {  	s2 =	sadd.s32 $0x80, s2;
	s3 =	sadd.s32 $0x80, s3  }
0x827: {  	s9 =	sadd.s32 $0xFFFFFFFF, s9  }
0x828: {  	[tilespmem:s2], [sflag:$0x9] =	stream.indirect.gather [hbm4b:s1+s13], $0x1, s3, s13, $0xb8;
	[tilespmem:$0x18000] =	vst v63  }
.LBB2_93:
0x829: {  	s2 =	sadd.s32 $0x7F, s8  }
0x82a: {  	s3 =	sand.u32 $0x7F, s2  }
0x82b: {  	s6 =	sshra.s32 s2, $0x1F;
	p1 =	slt.s32 s2, $0x1;
	p2 =	sne.s32 s3, $0x0  }
0x82c: {  	s14 =	sshrl.u32 s6, $0x19;
	p1 =	por !p1, !p2  }
0x82d: {  	s3 =	simm.s32 $0x1;
	s2 =	sadd.s32 s14, s2;
	p1 =	por !p1, !p1  }
0x82e: {  	s2 =	sshra.s32 s2, $0x7;
	s3 =	simm.s32 @!p1 $0x0  }
0x82f: {  	s2 =	ssub.s32 s2, s3  }
0x830: {  	p1 =	sgt.s32 s2, $0x0  }
.Ltmp44:
0x831: {  	_ = 	snop;
	(pc) =	sbr.rel @!p1 .LBB2_94-.Ltmp44, $1  }
0x832: {  	_ =	sdelay $0x3  }
0x833: {  	p1 =	seq.s32 s2, $0x1  }
.Ltmp45:
0x834: {  	_ = 	snop;
	(pc) =	sbr.rel @p1 .LBB2_99-.Ltmp45, $3  }
0x835: {  	_ =	sdelay $0x1  }
0x836: {  	_ =	swait.ge [sflag:s15], $0x80  }
0x837: {  	s2 =	sadd.s32 $0xFFFFFFFF, s2;
	[sflag:s15] =	ssyncset.done $0x0  }
.LBB2_98:
0x838: {  	p1 =	seq.s32 s2, $0x1;
	s2 =	sadd.s32 $0xFFFFFFFF, s2;
	[sflag:s15] =	ssyncadd.s32 $0xFFFFFF80  }
.Ltmp46:
0x839: {  	(pc) =	sbr.rel @!p1 .LBB2_98-.Ltmp46, $3  }
0x83a: {  	_ =	sdelay $0x1  }
0x83b: {  	_ =	swait.ge [sflag:s15], $0x80  }
0x83c: {  	[sflag:s15] =	ssyncset.done $0x0  }
.LBB2_99:
0x83d: {  	[sflag:s15] =	ssyncadd.s32 $0xFFFFFF80  }
.LBB2_94:
0x83e: {  	s2 =	sshra.s32 s8, $0x1F  }
0x83f: {  	s6 =	simm.s32 $0x1;
	s3 =	sshrl.u32 s2, $0x1C  }
0x840: {  	s6 =	simm.s32 @!p0 $0x0;
	s3 =	sadd.s32 s3, s8  }
0x841: {  	s2 =	sadd.s32 s6, s2;
	s14 =	sand.u32 $0xFFFFFFF0, s3  }
0x842: {  	p6 =	sne.s32 s2, $0x1;
	p1 =	sne.s32 s8, s14  }
0x843: {  	p0 =	por !p1, !p6  }
0x844: {  	s2 =	simm.s32 $0x1;
	p0 =	por !p0, !p0  }
0x845: {  	s3 =	sshra.s32 s3, $0x4;
	s2 =	simm.s32 @!p0 $0x0  }
0x846: {  	s10 =	ssub.s32 s3, s2  }
0x847: {  	p0 =	sgt.s32 s10, $0x0  }
.Ltmp47:
0x848: {  	_ = 	snop;
	(pc) =	sbr.rel @!p0 .LBB2_104-.Ltmp47, $2  }
0x849: {  	_ =	sdelay $0x2  }
0x84a: {  	s9 =	simm.s32 $0x0  }
0x84b: {  	p1 =	seq.s32 s10, $0x1  }
.Ltmp48:
0x84c: {  	_ = 	snop;
	(pc) =	sbr.rel @p1 .LBB2_96-.Ltmp48, $4  }
0x84d: {  	s11 =	simm.s32 $0xA000  }
0x84e: {  	s3 =	simm.s32 $0x16000;
	v1 =	vld [tilespmem:s11+$0x0]  }
0x84f: {  	s2 =	simm.s32 $0x14000;
	v2 =	vld [tilespmem:s3+$0x0]  }
0x850: {  	s12 =	sadd.s32 $0xFFFFFFFF, s10;
	p0 =	por $0x0, $0x0;
	v3 =	vld [tilespmem:s2+$0x0]  }
0x851: {  	_ =	sdelay $0x3  }
0x852: {  	vm0 =	veq.s32 v2, v3;
	vm1 =	vne.s32 v2, v3  }
0x853: {  	v3 =	vmpcnt.ones.xlane vm1;
	_ =	sdelay $0x1  }
0x854: {  	(v2sf) =	vpush v3, $0x0;
	_ =	sdelay $0x2  }
0x855: {  	p1 =	seq.s32 s12, $0x1;
	[tilespmem:v1+s26+$0x0] =	vst.idx.msk vm0, v2  }
.Ltmp49:
0x856: {  	[tilespmem:s9+$0x14000] =	vst.msk vm1, v2;
	(pc) =	sbr.rel @p1 .LBB2_101-.Ltmp49, $4  }
0x857: {  	s11 =	simm.s32 $0xA010;
	[tilespmem:s9+$0xA000] =	vst.msk vm1, v1  }
0x858: {  	s2 =	simm.s32 $0x16010;
	v1 =	vld [tilespmem:s11+$0x0]  }
0x859: {  	s3 =	simm.s32 $0x14010;
	v2 =	vld [tilespmem:s2+$0x0]  }
0x85a: {  	s14 =	sadd.s32 $0xFFFFFFFF, s12;
	p0 =	por $0x1, $0x1;
	s12 =	simm.s32 $0x0;
	v3 =	vld [tilespmem:s3+$0x0]  }
.LBB2_102:
0x85b: {  	p1 =	seq.s32 s14, $0x1;
	_ =	sdelay $0x3  }
0x85c: {  	vm0 =	vne.s32 v2, v3;
	vm1 =	veq.s32 v2, v3  }
0x85d: {  	v3 =	vmpcnt.ones.xlane vm0  }
0x85e: {  	s6 =	spop (v2sf)  }
0x85f: {  	(v2sf) =	vpush v3, $0x0;
	s12 =	sadd.s32 s12, s6;
	_ =	sdelay $0x2  }
0x860: {  	[tilespmem:v1+s26+$0x0] =	vst.idx.msk vm1, v2  }
.Ltmp50:
0x861: {  	[tilespmem:s12+$0x14000] =	vst.msk vm0, v2;
	(pc) =	sbr.rel @!p1 .LBB2_102-.Ltmp50, $4  }
0x862: {  	s11 =	sadd.s32 $0x10, s11;
	[tilespmem:s12+$0xA000] =	vst.msk vm0, v1  }
0x863: {  	s2 =	sadd.s32 $0x10, s2;
	v1 =	vld [tilespmem:s11+$0x0]  }
0x864: {  	s3 =	sadd.s32 $0x10, s3;
	v2 =	vld [tilespmem:s2+$0x0]  }
0x865: {  	s14 =	sadd.s32 $0xFFFFFFFF, s14;
	v3 =	vld [tilespmem:s3+$0x0]  }
.LBB2_103:
0x866: {  	_ =	sdelay $0x3  }
0x867: {  	vm0 =	vne.s32 v2, v3  }
0x868: {  	v4 =	vmpcnt.ones.xlane vm0;
	_ =	sdelay $0x1  }
0x869: {  	(v2sf) =	vpush v4, $0x0;
	_ =	sdelay $0x7  }
0x86a: {  	vm1 =	veq.s32 v2, v3;
	_ =	sdelay $0x3  }
0x86b: {  	s2 =	spop @p0 (v2sf)  }
0x86c: {  	s2 =	sadd.s32 @p0 s12, s2  }
0x86d: {  	s9 =	smov.u32 @p0 s2;
	[tilespmem:v1+s26+$0x0] =	vst.idx.msk vm1, v2  }
0x86e: {  	[tilespmem:s9+$0x14000] =	vst.msk vm0, v2;
	s14 =	spop (v2sf)  }
0x86f: {  	[tilespmem:s9+$0xA000] =	vst.msk vm0, v1;
	s9 =	sadd.s32 s9, s14  }
.LBB2_104:
0x870: {  	s2 =	sand.u32 $0xF, s8  }
0x871: {  	p0 =	seq.s32 s2, $0x0  }
0x872: {  	s2 =	sshll.u32 @!p0 s10, $0x4  }
0x873: {  	v1 =	vld @!p0 [tilespmem:s2+$0x16000]  }
0x874: {  	v2 =	vld @!p0 [tilespmem:s2+$0x14000];
	_ =	sdelay $0x2  }
0x875: {  	v3 =	vlaneseq.u32 @!p0  }
0x876: {  	v3 =	vor.u32 @!p0 s2, v3  }
0x877: {  	vm0 =	vlt.s32 @!p0 v3, s8;
	vm1 =	vne.s32 @!p0 v1, v2  }
0x878: {  	vm1 =	vmand @!p0 vm0, vm1  }
0x879: {  	v3 =	vmpcnt.ones.xlane @!p0 vm1;
	_ =	sdelay $0x1  }
0x87a: {  	(v2sf) =	vpush @!p0 v3, $0x0;
	_ =	sdelay $0x6  }
0x87b: {  	v3 =	vld @!p0 [tilespmem:s2+$0xA000]  }
0x87c: {  	vm2 =	veq.s32 @!p0 v1, v2  }
0x87d: {  	vm0 =	vmand @!p0 vm0, vm2;
	_ =	sdelay $0x4  }
0x87e: {  	s2 =	simm.s32 @!p0 $0xE000  }
0x87f: {  	[tilespmem:v3+s2+$0x0] =	vst.idx.msk @!p0 vm0, v1;
	s2 =	spop @!p0 (v2sf)  }
0x880: {  	s8 =	sadd.s32 @!p0 s9, s2  }
0x881: {  	s8 =	smov.u32 @p0 s9  }
0x882: {  	s12 =	sadd.s32 $0x7F, s8  }
0x883: {  	s3 =	sand.u32 $0x7F, s12  }
0x884: {  	[tilespmem:s9+$0x14000] =	vst.msk @!p0 vm1, v1;
	s6 =	sshra.s32 s12, $0x1F;
	p6 =	slt.s32 s12, $0x1;
	p1 =	sne.s32 s3, $0x0  }
0x885: {  	[tilespmem:s9+$0xA000] =	vst.msk @!p0 vm1, v3;
	s14 =	sshrl.u32 s6, $0x19;
	p0 =	por !p6, !p1  }
0x886: {  	s3 =	simm.s32 $0x1;
	s2 =	sadd.s32 s14, s12;
	p0 =	por !p0, !p0  }
0x887: {  	s2 =	sshra.s32 s2, $0x7;
	s3 =	simm.s32 @!p0 $0x0  }
0x888: {  	s9 =	ssub.s32 s2, s3  }
0x889: {  	p0 =	slt.s32 s9, $0x1  }
.Ltmp51:
0x88a: {  	_ = 	snop;
	(pc) =	sbr.rel @p0 .LBB2_78-.Ltmp51, $1  }
0x88b: {  	_ =	sdelay $0x3  }
0x88c: {  	p0 =	seq.s32 s9, $0x1  }
.Ltmp52:
0x88d: {  	_ = 	snop;
	(pc) =	sbr.rel @p0 .LBB2_78-.Ltmp52, $3  }
0x88e: {  	_ =	sdelay $0x1  }
0x88f: {  	s2 =	simm.s32 $0x16000;
	s3 =	simm.s32 $0x14000;
	s9 =	sadd.s32 $0xFFFFFFFF, s9  }
0x890: {  	[tilespmem:s2], [sflag:$0xD] =	stream.indirect.gather [hbm4b:s1+s13], $0x1, s3, s13, $0xb8;
	[tilespmem:$0x18000] =	vst v63  }
.LBB2_106:
0x891: {  	p0 =	seq.s32 s9, $0x1  }
.Ltmp53:
0x892: {  	_ = 	snop;
	(pc) =	sbr.rel @!p0 .LBB2_106-.Ltmp53, $4  }
0x893: {  	_ = 	snop  }
0x894: {  	s2 =	sadd.s32 $0x80, s2;
	s3 =	sadd.s32 $0x80, s3  }
0x895: {  	s9 =	sadd.s32 $0xFFFFFFFF, s9  }
0x896: {  	[tilespmem:s2], [sflag:$0xD] =	stream.indirect.gather [hbm4b:s1+s13], $0x1, s3, s13, $0xb8;
	[tilespmem:$0x18000] =	vst v63  }
.Ltmp54:
0x897: {  	_ = 	snop;
	(pc) =	sbr.rel .LBB2_78-.Ltmp54, $1  }
0x898: {  	_ =	sdelay $0x3  }
.LBB2_82:
.Ltmp55:
0x899: {  	(pc) =	sbr.rel .LBB2_89-.Ltmp55, $2  }
0x89a: {  	_ =	sdelay $0x2  }
0x89b: {  	s12 =	simm.s32 $0x0  }
.LBB2_96:
.Ltmp56:
0x89c: {  	(pc) =	sbr.rel .LBB2_103-.Ltmp56, $2  }
0x89d: {  	_ =	sdelay $0x2  }
0x89e: {  	s12 =	simm.s32 $0x0  }
.LBB2_87:
.Ltmp57:
0x89f: {  	(pc) =	sbr.rel .LBB2_89-.Ltmp57, $2  }
0x8a0: {  	_ =	sdelay $0x2  }
0x8a1: {  	s12 =	simm.s32 $0x0  }
.LBB2_101:
.Ltmp58:
0x8a2: {  	(pc) =	sbr.rel .LBB2_103-.Ltmp58, $2  }
0x8a3: {  	_ =	sdelay $0x2  }
0x8a4: {  	s12 =	simm.s32 $0x0  }
.LBB2_24:
.Ltmp59:
0x8a5: {  	(pc) =	sbr.rel .LBB2_26-.Ltmp59, $3  }
0x8a6: {  	_ =	sdelay $0x1  }
0x8a7: {  	p0 =	sgt.s32 s8, $0x0;
	p1 =	por p2, p2;
	s8 =	smov.u32 @p2 s8  }
0x8a8: {  	s7 =	smov.u32 @p2 s7;
	p0 =	por @!p2 p0, p0;
	p1 =	por @!p2 p2, p2  }
.LBB2_25:
0x8a9: {  	p2 =	sgt.s32 s7, $0x0  }
0x8aa: {  	p3 =	slt.s32 @!p2 s8, $0x1  }
0x8ab: {  	p3 =	por p2, !p3  }
.Ltmp60:
0x8ac: {  	_ = 	snop;
	(pc) =	sbr.rel @!p3 .LBB2_54-.Ltmp60, $4  }
0x8ad: {  	_ = 	snop  }
0x8ae: {  	p0 =	sgt.s32 s8, $0x0  }
0x8af: {  	p1 =	por p2, p2;
	p0 =	por @!p2 p0, p0  }
0x8b0: {  	s8 =	smov.u32 @p2 s8;
	s7 =	smov.u32 @p2 s7;
	p1 =	por @!p2 p2, p2  }
.LBB2_26:
0x8b1: {  	s2 =	sadd.s32 $0x7F, s7  }
0x8b2: {  	s3 =	sand.u32 $0x7F, s2  }
0x8b3: {  	s9 =	sshra.s32 s2, $0x1F;
	p2 =	slt.s32 s2, $0x1;
	p3 =	sne.s32 s3, $0x0  }
0x8b4: {  	s14 =	sshrl.u32 s9, $0x19;
	p2 =	por !p2, !p3  }
0x8b5: {  	s3 =	simm.s32 $0x1;
	s2 =	sadd.s32 s14, s2;
	p2 =	por !p2, !p2  }
0x8b6: {  	s2 =	sshra.s32 s2, $0x7;
	s3 =	simm.s32 @!p2 $0x0  }
0x8b7: {  	s2 =	ssub.s32 s2, s3  }
0x8b8: {  	p2 =	sgt.s32 s2, $0x0  }
.Ltmp61:
0x8b9: {  	_ = 	snop;
	(pc) =	sbr.rel @!p2 .LBB2_27-.Ltmp61, $1  }
0x8ba: {  	_ =	sdelay $0x3  }
0x8bb: {  	p2 =	seq.s32 s2, $0x1  }
.Ltmp62:
0x8bc: {  	_ = 	snop;
	(pc) =	sbr.rel @p2 .LBB2_32-.Ltmp62, $3  }
0x8bd: {  	_ =	sdelay $0x1  }
0x8be: {  	_ =	swait.ge [sflag:s0], $0x80  }
0x8bf: {  	s2 =	sadd.s32 $0xFFFFFFFF, s2;
	[sflag:s0] =	ssyncset.done $0x0  }
.LBB2_31:
0x8c0: {  	p2 =	seq.s32 s2, $0x1;
	s2 =	sadd.s32 $0xFFFFFFFF, s2;
	[sflag:s0] =	ssyncadd.s32 $0xFFFFFF80  }
.Ltmp63:
0x8c1: {  	(pc) =	sbr.rel @!p2 .LBB2_31-.Ltmp63, $3  }
0x8c2: {  	_ =	sdelay $0x1  }
0x8c3: {  	_ =	swait.ge [sflag:s0], $0x80  }
0x8c4: {  	[sflag:s0] =	ssyncset.done $0x0  }
.LBB2_32:
0x8c5: {  	[sflag:s0] =	ssyncadd.s32 $0xFFFFFF80  }
.LBB2_27:
0x8c6: {  	s2 =	sshra.s32 s7, $0x1F  }
0x8c7: {  	s9 =	simm.s32 $0x1;
	s3 =	sshrl.u32 s2, $0x1C  }
0x8c8: {  	s9 =	simm.s32 @!p1 $0x0;
	s3 =	sadd.s32 s3, s7  }
0x8c9: {  	s2 =	sadd.s32 s9, s2;
	s14 =	sand.u32 $0xFFFFFFF0, s3  }
0x8ca: {  	p6 =	sne.s32 s2, $0x1;
	p2 =	sne.s32 s7, s14  }
0x8cb: {  	p1 =	por !p2, !p6  }
0x8cc: {  	s2 =	simm.s32 $0x1;
	p1 =	por !p1, !p1  }
0x8cd: {  	s3 =	sshra.s32 s3, $0x4;
	s2 =	simm.s32 @!p1 $0x0  }
0x8ce: {  	s10 =	ssub.s32 s3, s2  }
0x8cf: {  	p1 =	sgt.s32 s10, $0x0  }
.Ltmp64:
0x8d0: {  	_ = 	snop;
	(pc) =	sbr.rel @!p1 .LBB2_37-.Ltmp64, $2  }
0x8d1: {  	_ =	sdelay $0x2  }
0x8d2: {  	s9 =	simm.s32 $0x0  }
0x8d3: {  	p2 =	seq.s32 s10, $0x1  }
.Ltmp65:
0x8d4: {  	_ = 	snop;
	(pc) =	sbr.rel @p2 .LBB2_29-.Ltmp65, $4  }
0x8d5: {  	_ = 	snop  }
0x8d6: {  	s3 =	simm.s32 $0x2000;
	v3 =	vld [tilespmem:s9+$0x0]  }
0x8d7: {  	s2 =	simm.s32 $0x4000;
	v1 =	vld [tilespmem:s3+$0x0]  }
0x8d8: {  	s12 =	sadd.s32 $0xFFFFFFFF, s10;
	p1 =	por $0x0, $0x0;
	v2 =	vld [tilespmem:s2+$0x0]  }
0x8d9: {  	_ =	sdelay $0x3  }
0x8da: {  	vm0 =	veq.s32 v2, v3;
	vm1 =	vne.s32 v2, v3  }
0x8db: {  	v3 =	vmpcnt.ones.xlane vm1;
	_ =	sdelay $0x1  }
0x8dc: {  	(v2sf) =	vpush v3, $0x0;
	_ =	sdelay $0x2  }
0x8dd: {  	p2 =	seq.s32 s12, $0x1;
	[tilespmem:v1+s25+$0x0] =	vst.idx.msk vm0, v2  }
.Ltmp66:
0x8de: {  	[tilespmem:s9+$0x0] =	vst.msk vm1, v2;
	(pc) =	sbr.rel @p2 .LBB2_34-.Ltmp66, $4  }
0x8df: {  	s11 =	simm.s32 $0x2010;
	[tilespmem:s9+$0x2000] =	vst.msk vm1, v1  }
0x8e0: {  	s2 =	simm.s32 $0x4010;
	v1 =	vld [tilespmem:s11+$0x0]  }
0x8e1: {  	s3 =	simm.s32 $0x10;
	v2 =	vld [tilespmem:s2+$0x0]  }
0x8e2: {  	s14 =	sadd.s32 $0xFFFFFFFF, s12;
	p1 =	por $0x1, $0x1;
	s12 =	simm.s32 $0x0;
	v3 =	vld [tilespmem:s3+$0x0]  }
.LBB2_35:
0x8e3: {  	p2 =	seq.s32 s14, $0x1;
	_ =	sdelay $0x3  }
0x8e4: {  	vm0 =	vne.s32 v2, v3;
	vm1 =	veq.s32 v2, v3  }
0x8e5: {  	v3 =	vmpcnt.ones.xlane vm0  }
0x8e6: {  	s6 =	spop (v2sf)  }
0x8e7: {  	(v2sf) =	vpush v3, $0x0;
	s12 =	sadd.s32 s12, s6;
	_ =	sdelay $0x2  }
0x8e8: {  	[tilespmem:v1+s25+$0x0] =	vst.idx.msk vm1, v2  }
.Ltmp67:
0x8e9: {  	[tilespmem:s12+$0x0] =	vst.msk vm0, v2;
	(pc) =	sbr.rel @!p2 .LBB2_35-.Ltmp67, $4  }
0x8ea: {  	s11 =	sadd.s32 $0x10, s11;
	[tilespmem:s12+$0x2000] =	vst.msk vm0, v1  }
0x8eb: {  	s2 =	sadd.s32 $0x10, s2;
	v1 =	vld [tilespmem:s11+$0x0]  }
0x8ec: {  	s3 =	sadd.s32 $0x10, s3;
	v2 =	vld [tilespmem:s2+$0x0]  }
0x8ed: {  	s14 =	sadd.s32 $0xFFFFFFFF, s14;
	v3 =	vld [tilespmem:s3+$0x0]  }
.LBB2_36:
0x8ee: {  	_ =	sdelay $0x3  }
0x8ef: {  	vm0 =	vne.s32 v2, v3  }
0x8f0: {  	v4 =	vmpcnt.ones.xlane vm0;
	_ =	sdelay $0x1  }
0x8f1: {  	(v2sf) =	vpush v4, $0x0;
	_ =	sdelay $0x7  }
0x8f2: {  	vm1 =	veq.s32 v2, v3;
	_ =	sdelay $0x3  }
0x8f3: {  	s2 =	spop @p1 (v2sf)  }
0x8f4: {  	s2 =	sadd.s32 @p1 s12, s2  }
0x8f5: {  	s9 =	smov.u32 @p1 s2;
	[tilespmem:v1+s25+$0x0] =	vst.idx.msk vm1, v2  }
0x8f6: {  	[tilespmem:s9+$0x0] =	vst.msk vm0, v2;
	s14 =	spop (v2sf)  }
0x8f7: {  	[tilespmem:s9+$0x2000] =	vst.msk vm0, v1;
	s9 =	sadd.s32 s9, s14  }
.LBB2_37:
0x8f8: {  	s2 =	sand.u32 $0xF, s7  }
0x8f9: {  	p1 =	seq.s32 s2, $0x0  }
0x8fa: {  	s2 =	sshll.u32 @!p1 s10, $0x4  }
0x8fb: {  	v1 =	vld @!p1 [tilespmem:s2+$0x4000]  }
0x8fc: {  	v2 =	vld @!p1 [tilespmem:s2+$0x0];
	_ =	sdelay $0x2  }
0x8fd: {  	v3 =	vlaneseq.u32 @!p1  }
0x8fe: {  	v3 =	vor.u32 @!p1 s2, v3  }
0x8ff: {  	vm0 =	vlt.s32 @!p1 v3, s7;
	vm1 =	vne.s32 @!p1 v1, v2  }
0x900: {  	vm1 =	vmand @!p1 vm0, vm1  }
0x901: {  	v3 =	vmpcnt.ones.xlane @!p1 vm1;
	_ =	sdelay $0x1  }
0x902: {  	(v2sf) =	vpush @!p1 v3, $0x0;
	_ =	sdelay $0x6  }
0x903: {  	v3 =	vld @!p1 [tilespmem:s2+$0x2000]  }
0x904: {  	vm2 =	veq.s32 @!p1 v1, v2  }
0x905: {  	vm0 =	vmand @!p1 vm0, vm2;
	_ =	sdelay $0x4  }
0x906: {  	s2 =	simm.s32 @!p1 $0x6000  }
0x907: {  	[tilespmem:v3+s2+$0x0] =	vst.idx.msk @!p1 vm0, v1;
	s2 =	spop @!p1 (v2sf)  }
0x908: {  	s7 =	sadd.s32 @!p1 s9, s2  }
0x909: {  	s7 =	smov.u32 @p1 s9  }
0x90a: {  	s12 =	sadd.s32 $0x7F, s7  }
0x90b: {  	s3 =	sand.u32 $0x7F, s12  }
0x90c: {  	[tilespmem:s9+$0x0] =	vst.msk @!p1 vm1, v1;
	s6 =	sshra.s32 s12, $0x1F;
	p6 =	slt.s32 s12, $0x1;
	p2 =	sne.s32 s3, $0x0  }
0x90d: {  	[tilespmem:s9+$0x2000] =	vst.msk @!p1 vm1, v3;
	s14 =	sshrl.u32 s6, $0x19;
	p1 =	por !p6, !p2  }
0x90e: {  	s3 =	simm.s32 $0x1;
	s2 =	sadd.s32 s14, s12;
	p1 =	por !p1, !p1  }
0x90f: {  	s2 =	sshra.s32 s2, $0x7;
	s3 =	simm.s32 @!p1 $0x0  }
0x910: {  	s9 =	ssub.s32 s2, s3  }
0x911: {  	p1 =	slt.s32 s9, $0x1  }
.Ltmp68:
0x912: {  	_ = 	snop;
	(pc) =	sbr.rel @p1 .LBB2_40-.Ltmp68, $1  }
0x913: {  	_ =	sdelay $0x3  }
0x914: {  	p1 =	sne.s32 s9, $0x1  }
.Ltmp69:
0x915: {  	_ = 	snop;
	(pc) =	sbr.rel @!p1 .LBB2_40-.Ltmp69, $3  }
0x916: {  	_ =	sdelay $0x1  }
0x917: {  	s2 =	simm.s32 $0x4000;
	s3 =	simm.s32 $0x0;
	s9 =	sadd.s32 $0xFFFFFFFF, s9  }
0x918: {  	[tilespmem:s2], [sflag:$0x1] =	stream.indirect.gather [hbm4b:s1+s13], $0x1, s3, s13, $0xb8;
	[tilespmem:$0x18000] =	vst v63  }
.LBB2_39:
0x919: {  	p1 =	sne.s32 s9, $0x1  }
.Ltmp70:
0x91a: {  	_ = 	snop;
	(pc) =	sbr.rel @p1 .LBB2_39-.Ltmp70, $4  }
0x91b: {  	_ = 	snop  }
0x91c: {  	s2 =	sadd.s32 $0x80, s2;
	s3 =	sadd.s32 $0x80, s3  }
0x91d: {  	s9 =	sadd.s32 $0xFFFFFFFF, s9  }
0x91e: {  	[tilespmem:s2], [sflag:$0x1] =	stream.indirect.gather [hbm4b:s1+s13], $0x1, s3, s13, $0xb8;
	[tilespmem:$0x18000] =	vst v63  }
.LBB2_40:
0x91f: {  	s2 =	sadd.s32 $0x7F, s8  }
0x920: {  	s3 =	sand.u32 $0x7F, s2  }
0x921: {  	s6 =	sshra.s32 s2, $0x1F;
	p1 =	slt.s32 s2, $0x1;
	p2 =	sne.s32 s3, $0x0  }
0x922: {  	s14 =	sshrl.u32 s6, $0x19;
	p1 =	por !p1, !p2  }
0x923: {  	s3 =	simm.s32 $0x1;
	s2 =	sadd.s32 s14, s2;
	p1 =	por !p1, !p1  }
0x924: {  	s2 =	sshra.s32 s2, $0x7;
	s3 =	simm.s32 @!p1 $0x0  }
0x925: {  	s2 =	ssub.s32 s2, s3  }
0x926: {  	p1 =	sgt.s32 s2, $0x0  }
.Ltmp71:
0x927: {  	_ = 	snop;
	(pc) =	sbr.rel @!p1 .LBB2_41-.Ltmp71, $1  }
0x928: {  	_ =	sdelay $0x3  }
0x929: {  	p1 =	seq.s32 s2, $0x1  }
.Ltmp72:
0x92a: {  	_ = 	snop;
	(pc) =	sbr.rel @p1 .LBB2_46-.Ltmp72, $3  }
0x92b: {  	_ =	sdelay $0x1  }
0x92c: {  	_ =	swait.ge [sflag:s21], $0x80  }
0x92d: {  	s2 =	sadd.s32 $0xFFFFFFFF, s2;
	[sflag:s21] =	ssyncset.done $0x0  }
.LBB2_45:
0x92e: {  	p1 =	seq.s32 s2, $0x1;
	s2 =	sadd.s32 $0xFFFFFFFF, s2;
	[sflag:s21] =	ssyncadd.s32 $0xFFFFFF80  }
.Ltmp73:
0x92f: {  	(pc) =	sbr.rel @!p1 .LBB2_45-.Ltmp73, $3  }
0x930: {  	_ =	sdelay $0x1  }
0x931: {  	_ =	swait.ge [sflag:s21], $0x80  }
0x932: {  	[sflag:s21] =	ssyncset.done $0x0  }
.LBB2_46:
0x933: {  	[sflag:s21] =	ssyncadd.s32 $0xFFFFFF80  }
.LBB2_41:
0x934: {  	s2 =	sshra.s32 s8, $0x1F  }
0x935: {  	s6 =	simm.s32 $0x1;
	s3 =	sshrl.u32 s2, $0x1C  }
0x936: {  	s6 =	simm.s32 @!p0 $0x0;
	s3 =	sadd.s32 s3, s8  }
0x937: {  	s2 =	sadd.s32 s6, s2;
	s14 =	sand.u32 $0xFFFFFFF0, s3  }
0x938: {  	p6 =	sne.s32 s2, $0x1;
	p1 =	sne.s32 s8, s14  }
0x939: {  	p0 =	por !p1, !p6  }
0x93a: {  	s2 =	simm.s32 $0x1;
	p0 =	por !p0, !p0  }
0x93b: {  	s3 =	sshra.s32 s3, $0x4;
	s2 =	simm.s32 @!p0 $0x0  }
0x93c: {  	s10 =	ssub.s32 s3, s2  }
0x93d: {  	p0 =	sgt.s32 s10, $0x0  }
.Ltmp74:
0x93e: {  	_ = 	snop;
	(pc) =	sbr.rel @!p0 .LBB2_51-.Ltmp74, $2  }
0x93f: {  	_ =	sdelay $0x2  }
0x940: {  	s9 =	simm.s32 $0x0  }
0x941: {  	p1 =	seq.s32 s10, $0x1  }
.Ltmp75:
0x942: {  	_ = 	snop;
	(pc) =	sbr.rel @p1 .LBB2_43-.Ltmp75, $4  }
0x943: {  	s11 =	simm.s32 $0xA000  }
0x944: {  	s3 =	simm.s32 $0xC000;
	v1 =	vld [tilespmem:s11+$0x0]  }
0x945: {  	s2 =	simm.s32 $0x8000;
	v2 =	vld [tilespmem:s3+$0x0]  }
0x946: {  	s12 =	sadd.s32 $0xFFFFFFFF, s10;
	p0 =	por $0x0, $0x0;
	v3 =	vld [tilespmem:s2+$0x0]  }
0x947: {  	_ =	sdelay $0x3  }
0x948: {  	vm0 =	veq.s32 v2, v3;
	vm1 =	vne.s32 v2, v3  }
0x949: {  	v3 =	vmpcnt.ones.xlane vm1;
	_ =	sdelay $0x1  }
0x94a: {  	(v2sf) =	vpush v3, $0x0;
	_ =	sdelay $0x2  }
0x94b: {  	p1 =	seq.s32 s12, $0x1;
	[tilespmem:v1+s26+$0x0] =	vst.idx.msk vm0, v2  }
.Ltmp76:
0x94c: {  	[tilespmem:s9+$0x8000] =	vst.msk vm1, v2;
	(pc) =	sbr.rel @p1 .LBB2_48-.Ltmp76, $4  }
0x94d: {  	s11 =	simm.s32 $0xA010;
	[tilespmem:s9+$0xA000] =	vst.msk vm1, v1  }
0x94e: {  	s2 =	simm.s32 $0xC010;
	v1 =	vld [tilespmem:s11+$0x0]  }
0x94f: {  	s3 =	simm.s32 $0x8010;
	v2 =	vld [tilespmem:s2+$0x0]  }
0x950: {  	s14 =	sadd.s32 $0xFFFFFFFF, s12;
	p0 =	por $0x1, $0x1;
	s12 =	simm.s32 $0x0;
	v3 =	vld [tilespmem:s3+$0x0]  }
.LBB2_49:
0x951: {  	p1 =	seq.s32 s14, $0x1;
	_ =	sdelay $0x3  }
0x952: {  	vm0 =	vne.s32 v2, v3;
	vm1 =	veq.s32 v2, v3  }
0x953: {  	v3 =	vmpcnt.ones.xlane vm0  }
0x954: {  	s6 =	spop (v2sf)  }
0x955: {  	(v2sf) =	vpush v3, $0x0;
	s12 =	sadd.s32 s12, s6;
	_ =	sdelay $0x2  }
0x956: {  	[tilespmem:v1+s26+$0x0] =	vst.idx.msk vm1, v2  }
.Ltmp77:
0x957: {  	[tilespmem:s12+$0x8000] =	vst.msk vm0, v2;
	(pc) =	sbr.rel @!p1 .LBB2_49-.Ltmp77, $4  }
0x958: {  	s11 =	sadd.s32 $0x10, s11;
	[tilespmem:s12+$0xA000] =	vst.msk vm0, v1  }
0x959: {  	s2 =	sadd.s32 $0x10, s2;
	v1 =	vld [tilespmem:s11+$0x0]  }
0x95a: {  	s3 =	sadd.s32 $0x10, s3;
	v2 =	vld [tilespmem:s2+$0x0]  }
0x95b: {  	s14 =	sadd.s32 $0xFFFFFFFF, s14;
	v3 =	vld [tilespmem:s3+$0x0]  }
.LBB2_50:
0x95c: {  	_ =	sdelay $0x3  }
0x95d: {  	vm0 =	vne.s32 v2, v3  }
0x95e: {  	v4 =	vmpcnt.ones.xlane vm0;
	_ =	sdelay $0x1  }
0x95f: {  	(v2sf) =	vpush v4, $0x0;
	_ =	sdelay $0x7  }
0x960: {  	vm1 =	veq.s32 v2, v3;
	_ =	sdelay $0x3  }
0x961: {  	s2 =	spop @p0 (v2sf)  }
0x962: {  	s2 =	sadd.s32 @p0 s12, s2  }
0x963: {  	s9 =	smov.u32 @p0 s2;
	[tilespmem:v1+s26+$0x0] =	vst.idx.msk vm1, v2  }
0x964: {  	[tilespmem:s9+$0x8000] =	vst.msk vm0, v2;
	s14 =	spop (v2sf)  }
0x965: {  	[tilespmem:s9+$0xA000] =	vst.msk vm0, v1;
	s9 =	sadd.s32 s9, s14  }
.LBB2_51:
0x966: {  	s2 =	sand.u32 $0xF, s8  }
0x967: {  	p0 =	seq.s32 s2, $0x0  }
0x968: {  	s2 =	sshll.u32 @!p0 s10, $0x4  }
0x969: {  	v1 =	vld @!p0 [tilespmem:s2+$0xC000]  }
0x96a: {  	v2 =	vld @!p0 [tilespmem:s2+$0x8000];
	_ =	sdelay $0x2  }
0x96b: {  	v3 =	vlaneseq.u32 @!p0  }
0x96c: {  	v3 =	vor.u32 @!p0 s2, v3  }
0x96d: {  	vm0 =	vlt.s32 @!p0 v3, s8;
	vm1 =	vne.s32 @!p0 v1, v2  }
0x96e: {  	vm1 =	vmand @!p0 vm0, vm1  }
0x96f: {  	v3 =	vmpcnt.ones.xlane @!p0 vm1;
	_ =	sdelay $0x1  }
0x970: {  	(v2sf) =	vpush @!p0 v3, $0x0;
	_ =	sdelay $0x6  }
0x971: {  	v3 =	vld @!p0 [tilespmem:s2+$0xA000]  }
0x972: {  	vm2 =	veq.s32 @!p0 v1, v2  }
0x973: {  	vm0 =	vmand @!p0 vm0, vm2;
	_ =	sdelay $0x4  }
0x974: {  	s2 =	simm.s32 @!p0 $0xE000  }
0x975: {  	[tilespmem:v3+s2+$0x0] =	vst.idx.msk @!p0 vm0, v1;
	s2 =	spop @!p0 (v2sf)  }
0x976: {  	s8 =	sadd.s32 @!p0 s9, s2  }
0x977: {  	s8 =	smov.u32 @p0 s9  }
0x978: {  	s12 =	sadd.s32 $0x7F, s8  }
0x979: {  	s3 =	sand.u32 $0x7F, s12  }
0x97a: {  	[tilespmem:s9+$0x8000] =	vst.msk @!p0 vm1, v1;
	s6 =	sshra.s32 s12, $0x1F;
	p6 =	slt.s32 s12, $0x1;
	p1 =	sne.s32 s3, $0x0  }
0x97b: {  	[tilespmem:s9+$0xA000] =	vst.msk @!p0 vm1, v3;
	s14 =	sshrl.u32 s6, $0x19;
	p0 =	por !p6, !p1  }
0x97c: {  	s3 =	simm.s32 $0x1;
	s2 =	sadd.s32 s14, s12;
	p0 =	por !p0, !p0  }
0x97d: {  	s2 =	sshra.s32 s2, $0x7;
	s3 =	simm.s32 @!p0 $0x0  }
0x97e: {  	s9 =	ssub.s32 s2, s3  }
0x97f: {  	p0 =	slt.s32 s9, $0x1  }
.Ltmp78:
0x980: {  	_ = 	snop;
	(pc) =	sbr.rel @p0 .LBB2_25-.Ltmp78, $1  }
0x981: {  	_ =	sdelay $0x3  }
0x982: {  	p0 =	seq.s32 s9, $0x1  }
.Ltmp79:
0x983: {  	_ = 	snop;
	(pc) =	sbr.rel @p0 .LBB2_25-.Ltmp79, $3  }
0x984: {  	_ =	sdelay $0x1  }
0x985: {  	s2 =	simm.s32 $0xC000;
	s3 =	simm.s32 $0x8000;
	s9 =	sadd.s32 $0xFFFFFFFF, s9  }
0x986: {  	[tilespmem:s2], [sflag:$0x5] =	stream.indirect.gather [hbm4b:s1+s13], $0x1, s3, s13, $0xb8;
	[tilespmem:$0x18000] =	vst v63  }
.LBB2_53:
0x987: {  	p0 =	seq.s32 s9, $0x1  }
.Ltmp80:
0x988: {  	_ = 	snop;
	(pc) =	sbr.rel @!p0 .LBB2_53-.Ltmp80, $4  }
0x989: {  	_ = 	snop  }
0x98a: {  	s2 =	sadd.s32 $0x80, s2;
	s3 =	sadd.s32 $0x80, s3  }
0x98b: {  	s9 =	sadd.s32 $0xFFFFFFFF, s9  }
0x98c: {  	[tilespmem:s2], [sflag:$0x5] =	stream.indirect.gather [hbm4b:s1+s13], $0x1, s3, s13, $0xb8;
	[tilespmem:$0x18000] =	vst v63  }
.Ltmp81:
0x98d: {  	_ = 	snop;
	(pc) =	sbr.rel .LBB2_25-.Ltmp81, $1  }
0x98e: {  	_ =	sdelay $0x3  }
.LBB2_29:
.Ltmp82:
0x98f: {  	(pc) =	sbr.rel .LBB2_36-.Ltmp82, $2  }
0x990: {  	_ =	sdelay $0x2  }
0x991: {  	s12 =	simm.s32 $0x0  }
.LBB2_43:
.Ltmp83:
0x992: {  	(pc) =	sbr.rel .LBB2_50-.Ltmp83, $2  }
0x993: {  	_ =	sdelay $0x2  }
0x994: {  	s12 =	simm.s32 $0x0  }
.LBB2_34:
.Ltmp84:
0x995: {  	(pc) =	sbr.rel .LBB2_36-.Ltmp84, $2  }
0x996: {  	_ =	sdelay $0x2  }
0x997: {  	s12 =	simm.s32 $0x0  }
.LBB2_48:
.Ltmp85:
0x998: {  	(pc) =	sbr.rel .LBB2_50-.Ltmp85, $2  }
0x999: {  	_ =	sdelay $0x2  }
0x99a: {  	s12 =	simm.s32 $0x0  }
.LBB2_108:
0x99b: {  	_ =	sfence.sel $0x180000  }
0x99c: {  	[bflag:$0x0] =	sbarrier.arrive $0xFFFF  }
0x99d: {  	_ =	strace $0x90000047  }
0x99e: {  	s0 =	stileid.u32;
	[bflag:$0x2] =	sbarrier.arrive $0xFFFF  }
0x99f: {  	p0 =	sne.s32 s0, $0x0;
	s0 =	rddreg [dreg:$0x3]  }
0x9a0: {  	s0 =	sadd.s32 @!p0 $0x100000, s0  }
0x9a1: {  	[sflag:s0] =	ssyncadd.tile.s32 @!p0 $0x1;
	_ =	shalt  }
.Lfunc_end2:
_tile_overlayer_lowered:
.L_overlay_start_2:
0x9a2: {  	(tag) =	ssettag $0x2  }
0x9a3: {  	s0 =	rddreg [dreg:$0x0];
	s2 =	stileid.u32  }
0x9a4: {  	s1 =	rddreg [dreg:$0x1];
	p0 =	sne.s32 s2, $0x0  }
0x9a5: {  	s3 =	rddreg [dreg:$0x2];
	[bflag:$0x3] =	sbarrier.arrive $0xFFFF;
	s2 =	simm.s32 @!p0 $0x1C11  }
0x9a6: {  	[timem:s3], [sflag:s2] =	dma.local @!p0 [hbm:s0], s1  }
0x9a7: {  	s0 =	simm.s32 @!p0 $0x11  }
0x9a8: {  	_ =	swait.ge @!p0 [sflag:s0], s1  }
0x9a9: {  	s1 =	ssub.s32 @!p0 $0x0, s1;
	[sflag:s0] =	ssyncset.done @!p0 $0x0  }
0x9aa: {  	[sflag:s0] =	ssyncadd.s32 @!p0 s1  }
0x9ab: {  	[bflag:$0x3] =	sbarrier.arrive $0xFFFF  }
0x9ac: {  	_ =	shalt  }

</sc_bundles>
